<compile_context>
chip_gen: v7x
topology: tpu7x:2x2x1
jax: 0.10.2.dev20260603
libtpu: 0.0.44.dev20260713+nightly
codegen_flags: <defaults>
</compile_context>

<pallas_src>
import functools
import math

import jax
import jax.numpy as jnp
from jax import lax
from jax.experimental import pallas as pl
from jax.experimental.pallas import tpu as pltpu
from jax.experimental.pallas import tpu_sc as plsc

NUM_CORES = 2
NUM_SUBCORES = 16
NW = NUM_CORES * NUM_SUBCORES
CHUNK = 800
LANES = 16
NBUF = 2


@functools.cache
def _build(B, D):
    b_per_w = B // NW
    n_chunks = b_per_w // CHUNK
    n_outer = n_chunks // NBUF
    scale = math.sqrt(D)
    mesh = plsc.VectorSubcoreMesh(core_axis_name="c", subcore_axis_name="s")

    @functools.partial(
        pl.kernel,
        mesh=mesh,
        out_type=jax.ShapeDtypeStruct((B // 50, 50, D), jnp.float32),
        scratch_types=[
            pltpu.VMEM((b_per_w,), jnp.int32),
            pltpu.VMEM((NBUF, CHUNK, D), jnp.float32),
            pltpu.SemaphoreType.DMA((NBUF,)),
            pltpu.SemaphoreType.DMA((NBUF,)),
        ],
        compiler_params=pltpu.CompilerParams(use_tc_tiling_on_sc=False),
    )
    def k(x_hbm, lut_hbm, out_hbm, idx_v, rows_v, gsem, ssem):
        wid = lax.axis_index("s") * NUM_CORES + lax.axis_index("c")
        base = wid * b_per_w
        pltpu.sync_copy(x_hbm.at[wid], idx_v)

        def start_gather(ci, b):
            for kk in range(CHUNK // LANES):
                iv = idx_v[pl.ds(ci * CHUNK + kk * LANES, LANES)]
                pltpu.async_copy(
                    lut_hbm.at[iv],
                    rows_v.at[b, pl.ds(kk * LANES, LANES), :],
                    gsem.at[b],
                )

        def wait_gather(ci, b):
            pltpu.make_async_copy(
                lut_hbm.at[pl.ds(0, CHUNK)], rows_v.at[b], gsem.at[b]
            ).wait()

        def start_scatter(ci, b):
            s0 = (base + ci * CHUNK) // 50
            for q in range(CHUNK // 50):
                pltpu.async_copy(
                    rows_v.at[b, pl.ds(q * 50, 50), :],
                    out_hbm.at[s0 + q],
                    ssem.at[b],
                )

        def wait_scatter(ci, b):
            pltpu.make_async_copy(
                rows_v.at[b], out_hbm.at[pl.ds((base + ci * CHUNK) // 50, CHUNK // 50)],
                ssem.at[b],
            ).wait()

        def scale_buf(b):
            @plsc.parallel_loop(0, CHUNK, unroll=8)
            def _(ri):
                for j in range(D // LANES):
                    sl = (b, ri, pl.ds(j * LANES, LANES))
                    rows_v[sl] = rows_v[sl] * scale

        start_gather(0, 0)

        @pl.loop(0, n_outer)
        def _(g):
            for b in range(NBUF):
                ci = g * NBUF + b
                bo = (b + 1) % NBUF
                if b == 0:
                    @pl.when(g > 0)
                    def _():
                        wait_scatter(ci - 1, bo)
                else:
                    wait_scatter(ci - 1, bo)

                @pl.when(ci + 1 < n_chunks)
                def _():
                    start_gather(ci + 1, bo)

                wait_gather(ci, b)
                scale_buf(b)
                start_scatter(ci, b)

        wait_scatter(n_chunks - 1, (n_chunks - 1) % NBUF)

    return k


def kernel(x, lut):
    D = lut.shape[1]
    xf = x.reshape(-1).astype(jnp.int32)
    B = xf.shape[0]
    xf = xf.reshape(NW, B // NW)
    out = _build(B, D)(xf, lut)
    return out

# --- scband reference (transcript-rebuilt; emitter-appended) ---
"""Pipeline reference for scband-embeddings-87359634801437 (READ-ONLY COPY).

The authoritative reference and input builder live on the scoring server;
editing this copy changes nothing except your own understanding.
"""

import jax, jax.numpy as jnp
import numpy as np
import math

VOCAB = 1000000
D_MODEL = 64

def setup_inputs(seed: int = 0) -> dict:
    key = jax.random.key(seed)
    k1, k2 = jax.random.split(key)
    x = jax.random.randint(k1, (4096, 50), 0, VOCAB, dtype=jnp.int64)
    lut = jax.random.normal(k2, (VOCAB, D_MODEL), dtype=jnp.float32)
    return {"x": x, "lut": lut}

def reference(x, lut):
    # Embedding lookup followed by scaling by sqrt(d_model)
    out = jnp.take(lut, x, axis=0)
    return out * math.sqrt(D_MODEL)

if __name__ == "__main__":
    import jax
    _d = setup_inputs()
    print(jax.jit(kernel)(*tuple(_d.values())))

</pallas_src>

<mosaic_0001>
#map = affine_map<(d0, d1) -> (0, 0)>
#map1 = affine_map<(d0, d1) -> (0, 0, 0)>
module attributes {stable_mosaic.version = 14 : i64} {
  func.func @k(%arg0: i32, %arg1: i32, %arg2: memref<32x6400xi32, #tpu.memory_space<hbm>>, %arg3: memref<1000000x64xf32, #tpu.memory_space<hbm>>, %arg4: memref<4096x50x64xf32, #tpu.memory_space<hbm>>, %arg5: memref<6400xi32, #tpu.memory_space<vmem>>, %arg6: memref<2x800x64xf32, #tpu.memory_space<vmem>>, %arg7: memref<2x!tpu.dma_semaphore, #tpu.memory_space<semaphore_mem>>, %arg8: memref<2x!tpu.dma_semaphore, #tpu.memory_space<semaphore_mem>>) attributes {dimension_semantics = [#tpu.dimension_semantics<core_parallel>, #tpu.dimension_semantics<subcore_parallel>], iteration_bounds = array<i64: 2, 16>, scalar_prefetch = 0 : i64, scratch_operands = 4 : i64, tpu.core_type = #tpu.core_type<sc_vector_subcore>, window_params = [{transform_indices = #map}, {transform_indices = #map}, {transform_indices = #map1}]} {
    %mul3A = arith.constant 2 : i32
    %mul3A_0 = arith.muli %arg1, %mul3A : i32
    %add3A = arith.addi %mul3A_0, %arg0 : i32
    %mul3A_1 = arith.constant 6400 : i32
    %mul3A_2 = arith.muli %add3A, %mul3A_1 : i32
    "tpu.region"() ({
      %run_scoped3A = tpu.sem_alloc : memref<!tpu.dma_semaphore, #tpu.memory_space<semaphore_mem>>
      %dma_start3A_740 = arith.constant 0 : i32
      %dma_start3A_741 = tpu.memref_slice %arg2[%add3A, %dma_start3A_740] : memref<32x6400xi32, #tpu.memory_space<hbm>> -> memref<1x6400xi32, #tpu.memory_space<hbm>>
      %dma_start3A_742 = tpu.memref_squeeze %dma_start3A_741 : memref<1x6400xi32, #tpu.memory_space<hbm>> -> memref<6400xi32, #tpu.memory_space<hbm>>
      %dma_start3A_743 = arith.constant 0 : i32
      %dma_start3A_744 = tpu.memref_slice %arg2[%add3A, %dma_start3A_743] : memref<32x6400xi32, #tpu.memory_space<hbm>> -> memref<1x6400xi32, #tpu.memory_space<hbm>>
      %dma_start3A_745 = tpu.memref_squeeze %dma_start3A_744 : memref<1x6400xi32, #tpu.memory_space<hbm>> -> memref<6400xi32, #tpu.memory_space<hbm>>
      tpu.enqueue_dma source(%dma_start3A_745 : memref<6400xi32, #tpu.memory_space<hbm>>) target(%arg5 : memref<6400xi32, #tpu.memory_space<vmem>>) target_semaphore(%run_scoped3A : memref<!tpu.dma_semaphore, #tpu.memory_space<semaphore_mem>>)
      %dma_wait3A_746 = arith.constant 0 : i32
      %dma_wait3A_747 = tpu.memref_slice %arg2[%add3A, %dma_wait3A_746] : memref<32x6400xi32, #tpu.memory_space<hbm>> -> memref<1x6400xi32, #tpu.memory_space<hbm>>
      %dma_wait3A_748 = tpu.memref_squeeze %dma_wait3A_747 : memref<1x6400xi32, #tpu.memory_space<hbm>> -> memref<6400xi32, #tpu.memory_space<hbm>>
      %dma_wait3A_749 = arith.constant 0 : i32
      %dma_wait3A_750 = tpu.memref_slice %arg2[%add3A, %dma_wait3A_749] : memref<32x6400xi32, #tpu.memory_space<hbm>> -> memref<1x6400xi32, #tpu.memory_space<hbm>>
      %dma_wait3A_751 = tpu.memref_squeeze %dma_wait3A_750 : memref<1x6400xi32, #tpu.memory_space<hbm>> -> memref<6400xi32, #tpu.memory_space<hbm>>
      tpu.wait_dma2 semaphore(%run_scoped3A : memref<!tpu.dma_semaphore, #tpu.memory_space<semaphore_mem>>) src(%dma_wait3A_751 : memref<6400xi32, #tpu.memory_space<hbm>>) dst(%arg5 : memref<6400xi32, #tpu.memory_space<vmem>>)
      tpu.yield
    }) : () -> ()
    %get3A = arith.constant 0 : index
    %get3A_3 = tpu.vector_load %arg5[%get3A] {strides = array<i32>} : memref<6400xi32, #tpu.memory_space<vmem>>, vector<16xi32>,
    %get3A_4 = vector.shape_cast %get3A_3 : vector<16xi32> to vector<16xi32>
    %dma_start3A = arith.constant 0 : i32
    %dma_start3A_5 = arith.constant 0 : i32
    %dma_start3A_6 = arith.constant 0 : i32
    %dma_start3A_7 = arith.constant 0 : i32
    %dma_start3A_8 = tpu.memref_slice %arg6[%dma_start3A, %dma_start3A_6, %dma_start3A_7] : memref<2x800x64xf32, #tpu.memory_space<vmem>> -> memref<1x16x64xf32, #tpu.memory_space<vmem>>
    %dma_start3A_9 = tpu.memref_squeeze %dma_start3A_8 : memref<1x16x64xf32, #tpu.memory_space<vmem>> -> memref<16x64xf32, #tpu.memory_space<vmem>>
    %dma_start3A_10 = arith.constant 0 : i32
    %dma_start3A_11 = arith.constant 0 : i32
    %dma_start3A_12 = tpu.memref_slice %arg3[%dma_start3A_10, %dma_start3A_11] : memref<1000000x64xf32, #tpu.memory_space<hbm>> -> memref<1000000x64xf32, #tpu.memory_space<hbm>>
    %dma_start3A_13 = tpu.memref_slice %arg7[%dma_start3A_5] : memref<2x!tpu.dma_semaphore, #tpu.memory_space<semaphore_mem>> -> memref<1x!tpu.dma_semaphore, #tpu.memory_space<semaphore_mem>>
    %dma_start3A_14 = tpu.memref_squeeze %dma_start3A_13 : memref<1x!tpu.dma_semaphore, #tpu.memory_space<semaphore_mem>> -> memref<!tpu.dma_semaphore, #tpu.memory_space<semaphore_mem>>
    tpu.enqueue_indirect_dma source(%dma_start3A_12 : memref<1000000x64xf32, #tpu.memory_space<hbm>>) target(%dma_start3A_9 : memref<16x64xf32, #tpu.memory_space<vmem>>) offsets(%get3A_4 : vector<16xi32>) semaphore(%dma_start3A_14 : memref<!tpu.dma_semaphore, #tpu.memory_space<semaphore_mem>>)
    %get3A_15 = arith.constant 16 : index
    %get3A_16 = tpu.vector_load %arg5[%get3A_15] {strides = array<i32>} : memref<6400xi32, #tpu.memory_space<vmem>>, vector<16xi32>,
    %get3A_17 = vector.shape_cast %get3A_16 : vector<16xi32> to vector<16xi32>
    %dma_start3A_18 = arith.constant 0 : i32
    %dma_start3A_19 = arith.constant 0 : i32
    %dma_start3A_20 = arith.constant 16 : i32
    %dma_start3A_21 = arith.constant 0 : i32
    %dma_start3A_22 = tpu.memref_slice %arg6[%dma_start3A_18, %dma_start3A_20, %dma_start3A_21] : memref<2x800x64xf32, #tpu.memory_space<vmem>> -> memref<1x16x64xf32, #tpu.memory_space<vmem>>
    %dma_start3A_23 = tpu.memref_squeeze %dma_start3A_22 : memref<1x16x64xf32, #tpu.memory_space<vmem>> -> memref<16x64xf32, #tpu.memory_space<vmem>>
    %dma_start3A_24 = arith.constant 0 : i32
    %dma_start3A_25 = arith.constant 0 : i32
    %dma_start3A_26 = tpu.memref_slice %arg3[%dma_start3A_24, %dma_start3A_25] : memref<1000000x64xf32, #tpu.memory_space<hbm>> -> memref<1000000x64xf32, #tpu.memory_space<hbm>>
    %dma_start3A_27 = tpu.memref_slice %arg7[%dma_start3A_19] : memref<2x!tpu.dma_semaphore, #tpu.memory_space<semaphore_mem>> -> memref<1x!tpu.dma_semaphore, #tpu.memory_space<semaphore_mem>>
    %dma_start3A_28 = tpu.memref_squeeze %dma_start3A_27 : memref<1x!tpu.dma_semaphore, #tpu.memory_space<semaphore_mem>> -> memref<!tpu.dma_semaphore, #tpu.memory_space<semaphore_mem>>
    tpu.enqueue_indirect_dma source(%dma_start3A_26 : memref<1000000x64xf32, #tpu.memory_space<hbm>>) target(%dma_start3A_23 : memref<16x64xf32, #tpu.memory_space<vmem>>) offsets(%get3A_17 : vector<16xi32>) semaphore(%dma_start3A_28 : memref<!tpu.dma_semaphore, #tpu.memory_space<semaphore_mem>>)
    %get3A_29 = arith.constant 32 : index
    %get3A_30 = tpu.vector_load %arg5[%get3A_29] {strides = array<i32>} : memref<6400xi32, #tpu.memory_space<vmem>>, vector<16xi32>,
    %get3A_31 = vector.shape_cast %get3A_30 : vector<16xi32> to vector<16xi32>
    %dma_start3A_32 = arith.constant 0 : i32
    %dma_start3A_33 = arith.constant 0 : i32
    %dma_start3A_34 = arith.constant 32 : i32
    %dma_start3A_35 = arith.constant 0 : i32
    %dma_start3A_36 = tpu.memref_slice %arg6[%dma_start3A_32, %dma_start3A_34, %dma_start3A_35] : memref<2x800x64xf32, #tpu.memory_space<vmem>> -> memref<1x16x64xf32, #tpu.memory_space<vmem>>
    %dma_start3A_37 = tpu.memref_squeeze %dma_start3A_36 : memref<1x16x64xf32, #tpu.memory_space<vmem>> -> memref<16x64xf32, #tpu.memory_space<vmem>>
    %dma_start3A_38 = arith.constant 0 : i32
    %dma_start3A_39 = arith.constant 0 : i32
    %dma_start3A_40 = tpu.memref_slice %arg3[%dma_start3A_38, %dma_start3A_39] : memref<1000000x64xf32, #tpu.memory_space<hbm>> -> memref<1000000x64xf32, #tpu.memory_space<hbm>>
    %dma_start3A_41 = tpu.memref_slice %arg7[%dma_start3A_33] : memref<2x!tpu.dma_semaphore, #tpu.memory_space<semaphore_mem>> -> memref<1x!tpu.dma_semaphore, #tpu.memory_space<semaphore_mem>>
    %dma_start3A_42 = tpu.memref_squeeze %dma_start3A_41 : memref<1x!tpu.dma_semaphore, #tpu.memory_space<semaphore_mem>> -> memref<!tpu.dma_semaphore, #tpu.memory_space<semaphore_mem>>
    tpu.enqueue_indirect_dma source(%dma_start3A_40 : memref<1000000x64xf32, #tpu.memory_space<hbm>>) target(%dma_start3A_37 : memref<16x64xf32, #tpu.memory_space<vmem>>) offsets(%get3A_31 : vector<16xi32>) semaphore(%dma_start3A_42 : memref<!tpu.dma_semaphore, #tpu.memory_space<semaphore_mem>>)
    %get3A_43 = arith.constant 48 : index
    %get3A_44 = tpu.vector_load %arg5[%get3A_43] {strides = array<i32>} : memref<6400xi32, #tpu.memory_space<vmem>>, vector<16xi32>,
    %get3A_45 = vector.shape_cast %get3A_44 : vector<16xi32> to vector<16xi32>
    %dma_start3A_46 = arith.constant 0 : i32
    %dma_start3A_47 = arith.constant 0 : i32
    %dma_start3A_48 = arith.constant 48 : i32
    %dma_start3A_49 = arith.constant 0 : i32
    %dma_start3A_50 = tpu.memref_slice %arg6[%dma_start3A_46, %dma_start3A_48, %dma_start3A_49] : memref<2x800x64xf32, #tpu.memory_space<vmem>> -> memref<1x16x64xf32, #tpu.memory_space<vmem>>
    %dma_start3A_51 = tpu.memref_squeeze %dma_start3A_50 : memref<1x16x64xf32, #tpu.memory_space<vmem>> -> memref<16x64xf32, #tpu.memory_space<vmem>>
    %dma_start3A_52 = arith.constant 0 : i32
    %dma_start3A_53 = arith.constant 0 : i32
    %dma_start3A_54 = tpu.memref_slice %arg3[%dma_start3A_52, %dma_start3A_53] : memref<1000000x64xf32, #tpu.memory_space<hbm>> -> memref<1000000x64xf32, #tpu.memory_space<hbm>>
    %dma_start3A_55 = tpu.memref_slice %arg7[%dma_start3A_47] : memref<2x!tpu.dma_semaphore, #tpu.memory_space<semaphore_mem>> -> memref<1x!tpu.dma_semaphore, #tpu.memory_space<semaphore_mem>>
    %dma_start3A_56 = tpu.memref_squeeze %dma_start3A_55 : memref<1x!tpu.dma_semaphore, #tpu.memory_space<semaphore_mem>> -> memref<!tpu.dma_semaphore, #tpu.memory_space<semaphore_mem>>
    tpu.enqueue_indirect_dma source(%dma_start3A_54 : memref<1000000x64xf32, #tpu.memory_space<hbm>>) target(%dma_start3A_51 : memref<16x64xf32, #tpu.memory_space<vmem>>) offsets(%get3A_45 : vector<16xi32>) semaphore(%dma_start3A_56 : memref<!tpu.dma_semaphore, #tpu.memory_space<semaphore_mem>>)
    %get3A_57 = arith.constant 64 : index
    %get3A_58 = tpu.vector_load %arg5[%get3A_57] {strides = array<i32>} : memref<6400xi32, #tpu.memory_space<vmem>>, vector<16xi32>,
    %get3A_59 = vector.shape_cast %get3A_58 : vector<16xi32> to vector<16xi32>
    %dma_start3A_60 = arith.constant 0 : i32
    %dma_start3A_61 = arith.constant 0 : i32
    %dma_start3A_62 = arith.constant 64 : i32
    %dma_start3A_63 = arith.constant 0 : i32
    %dma_start3A_64 = tpu.memref_slice %arg6[%dma_start3A_60, %dma_start3A_62, %dma_start3A_63] : memref<2x800x64xf32, #tpu.memory_space<vmem>> -> memref<1x16x64xf32, #tpu.memory_space<vmem>>
    %dma_start3A_65 = tpu.memref_squeeze %dma_start3A_64 : memref<1x16x64xf32, #tpu.memory_space<vmem>> -> memref<16x64xf32, #tpu.memory_space<vmem>>
    %dma_start3A_66 = arith.constant 0 : i32
    %dma_start3A_67 = arith.constant 0 : i32
    %dma_start3A_68 = tpu.memref_slice %arg3[%dma_start3A_66, %dma_start3A_67] : memref<1000000x64xf32, #tpu.memory_space<hbm>> -> memref<1000000x64xf32, #tpu.memory_space<hbm>>
    %dma_start3A_69 = tpu.memref_slice %arg7[%dma_start3A_61] : memref<2x!tpu.dma_semaphore, #tpu.memory_space<semaphore_mem>> -> memref<1x!tpu.dma_semaphore, #tpu.memory_space<semaphore_mem>>
    %dma_start3A_70 = tpu.memref_squeeze %dma_start3A_69 : memref<1x!tpu.dma_semaphore, #tpu.memory_space<semaphore_mem>> -> memref<!tpu.dma_semaphore, #tpu.memory_space<semaphore_mem>>
    tpu.enqueue_indirect_dma source(%dma_start3A_68 : memref<1000000x64xf32, #tpu.memory_space<hbm>>) target(%dma_start3A_65 : memref<16x64xf32, #tpu.memory_space<vmem>>) offsets(%get3A_59 : vector<16xi32>) semaphore(%dma_start3A_70 : memref<!tpu.dma_semaphore, #tpu.memory_space<semaphore_mem>>)
    %get3A_71 = arith.constant 80 : index
    %get3A_72 = tpu.vector_load %arg5[%get3A_71] {strides = array<i32>} : memref<6400xi32, #tpu.memory_space<vmem>>, vector<16xi32>,
    %get3A_73 = vector.shape_cast %get3A_72 : vector<16xi32> to vector<16xi32>
    %dma_start3A_74 = arith.constant 0 : i32
    %dma_start3A_75 = arith.constant 0 : i32
    %dma_start3A_76 = arith.constant 80 : i32
    %dma_start3A_77 = arith.constant 0 : i32
    %dma_start3A_78 = tpu.memref_slice %arg6[%dma_start3A_74, %dma_start3A_76, %dma_start3A_77] : memref<2x800x64xf32, #tpu.memory_space<vmem>> -> memref<1x16x64xf32, #tpu.memory_space<vmem>>
    %dma_start3A_79 = tpu.memref_squeeze %dma_start3A_78 : memref<1x16x64xf32, #tpu.memory_space<vmem>> -> memref<16x64xf32, #tpu.memory_space<vmem>>
    %dma_start3A_80 = arith.constant 0 : i32
    %dma_start3A_81 = arith.constant 0 : i32
    %dma_start3A_82 = tpu.memref_slice %arg3[%dma_start3A_80, %dma_start3A_81] : memref<1000000x64xf32, #tpu.memory_space<hbm>> -> memref<1000000x64xf32, #tpu.memory_space<hbm>>
    %dma_start3A_83 = tpu.memref_slice %arg7[%dma_start3A_75] : memref<2x!tpu.dma_semaphore, #tpu.memory_space<semaphore_mem>> -> memref<1x!tpu.dma_semaphore, #tpu.memory_space<semaphore_mem>>
    %dma_start3A_84 = tpu.memref_squeeze %dma_start3A_83 : memref<1x!tpu.dma_semaphore, #tpu.memory_space<semaphore_mem>> -> memref<!tpu.dma_semaphore, #tpu.memory_space<semaphore_mem>>
    tpu.enqueue_indirect_dma source(%dma_start3A_82 : memref<1000000x64xf32, #tpu.memory_space<hbm>>) target(%dma_start3A_79 : memref<16x64xf32, #tpu.memory_space<vmem>>) offsets(%get3A_73 : vector<16xi32>) semaphore(%dma_start3A_84 : memref<!tpu.dma_semaphore, #tpu.memory_space<semaphore_mem>>)
    %get3A_85 = arith.constant 96 : index
    %get3A_86 = tpu.vector_load %arg5[%get3A_85] {strides = array<i32>} : memref<6400xi32, #tpu.memory_space<vmem>>, vector<16xi32>,
    %get3A_87 = vector.shape_cast %get3A_86 : vector<16xi32> to vector<16xi32>
    %dma_start3A_88 = arith.constant 0 : i32
    %dma_start3A_89 = arith.constant 0 : i32
    %dma_start3A_90 = arith.constant 96 : i32
    %dma_start3A_91 = arith.constant 0 : i32
    %dma_start3A_92 = tpu.memref_slice %arg6[%dma_start3A_88, %dma_start3A_90, %dma_start3A_91] : memref<2x800x64xf32, #tpu.memory_space<vmem>> -> memref<1x16x64xf32, #tpu.memory_space<vmem>>
    %dma_start3A_93 = tpu.memref_squeeze %dma_start3A_92 : memref<1x16x64xf32, #tpu.memory_space<vmem>> -> memref<16x64xf32, #tpu.memory_space<vmem>>
    %dma_start3A_94 = arith.constant 0 : i32
    %dma_start3A_95 = arith.constant 0 : i32
    %dma_start3A_96 = tpu.memref_slice %arg3[%dma_start3A_94, %dma_start3A_95] : memref<1000000x64xf32, #tpu.memory_space<hbm>> -> memref<1000000x64xf32, #tpu.memory_space<hbm>>
    %dma_start3A_97 = tpu.memref_slice %arg7[%dma_start3A_89] : memref<2x!tpu.dma_semaphore, #tpu.memory_space<semaphore_mem>> -> memref<1x!tpu.dma_semaphore, #tpu.memory_space<semaphore_mem>>
    %dma_start3A_98 = tpu.memref_squeeze %dma_start3A_97 : memref<1x!tpu.dma_semaphore, #tpu.memory_space<semaphore_mem>> -> memref<!tpu.dma_semaphore, #tpu.memory_space<semaphore_mem>>
    tpu.enqueue_indirect_dma source(%dma_start3A_96 : memref<1000000x64xf32, #tpu.memory_space<hbm>>) target(%dma_start3A_93 : memref<16x64xf32, #tpu.memory_space<vmem>>) offsets(%get3A_87 : vector<16xi32>) semaphore(%dma_start3A_98 : memref<!tpu.dma_semaphore, #tpu.memory_space<semaphore_mem>>)
    %get3A_99 = arith.constant 112 : index
    %get3A_100 = tpu.vector_load %arg5[%get3A_99] {strides = array<i32>} : memref<6400xi32, #tpu.memory_space<vmem>>, vector<16xi32>,
    %get3A_101 = vector.shape_cast %get3A_100 : vector<16xi32> to vector<16xi32>
    %dma_start3A_102 = arith.constant 0 : i32
    %dma_start3A_103 = arith.constant 0 : i32
    %dma_start3A_104 = arith.constant 112 : i32
    %dma_start3A_105 = arith.constant 0 : i32
    %dma_start3A_106 = tpu.memref_slice %arg6[%dma_start3A_102, %dma_start3A_104, %dma_start3A_105] : memref<2x800x64xf32, #tpu.memory_space<vmem>> -> memref<1x16x64xf32, #tpu.memory_space<vmem>>
    %dma_start3A_107 = tpu.memref_squeeze %dma_start3A_106 : memref<1x16x64xf32, #tpu.memory_space<vmem>> -> memref<16x64xf32, #tpu.memory_space<vmem>>
    %dma_start3A_108 = arith.constant 0 : i32
    %dma_start3A_109 = arith.constant 0 : i32
    %dma_start3A_110 = tpu.memref_slice %arg3[%dma_start3A_108, %dma_start3A_109] : memref<1000000x64xf32, #tpu.memory_space<hbm>> -> memref<1000000x64xf32, #tpu.memory_space<hbm>>
    %dma_start3A_111 = tpu.memref_slice %arg7[%dma_start3A_103] : memref<2x!tpu.dma_semaphore, #tpu.memory_space<semaphore_mem>> -> memref<1x!tpu.dma_semaphore, #tpu.memory_space<semaphore_mem>>
    %dma_start3A_112 = tpu.memref_squeeze %dma_start3A_111 : memref<1x!tpu.dma_semaphore, #tpu.memory_space<semaphore_mem>> -> memref<!tpu.dma_semaphore, #tpu.memory_space<semaphore_mem>>
    tpu.enqueue_indirect_dma source(%dma_start3A_110 : memref<1000000x64xf32, #tpu.memory_space<hbm>>) target(%dma_start3A_107 : memref<16x64xf32, #tpu.memory_space<vmem>>) offsets(%get3A_101 : vector<16xi32>) semaphore(%dma_start3A_112 : memref<!tpu.dma_semaphore, #tpu.memory_space<semaphore_mem>>)
    %get3A_113 = arith.constant 128 : index
    %get3A_114 = tpu.vector_load %arg5[%get3A_113] {strides = array<i32>} : memref<6400xi32, #tpu.memory_space<vmem>>, vector<16xi32>,
    %get3A_115 = vector.shape_cast %get3A_114 : vector<16xi32> to vector<16xi32>
    %dma_start3A_116 = arith.constant 0 : i32
    %dma_start3A_117 = arith.constant 0 : i32
    %dma_start3A_118 = arith.constant 128 : i32
    %dma_start3A_119 = arith.constant 0 : i32
    %dma_start3A_120 = tpu.memref_slice %arg6[%dma_start3A_116, %dma_start3A_118, %dma_start3A_119] : memref<2x800x64xf32, #tpu.memory_space<vmem>> -> memref<1x16x64xf32, #tpu.memory_space<vmem>>
    %dma_start3A_121 = tpu.memref_squeeze %dma_start3A_120 : memref<1x16x64xf32, #tpu.memory_space<vmem>> -> memref<16x64xf32, #tpu.memory_space<vmem>>
    %dma_start3A_122 = arith.constant 0 : i32
    %dma_start3A_123 = arith.constant 0 : i32
    %dma_start3A_124 = tpu.memref_slice %arg3[%dma_start3A_122, %dma_start3A_123] : memref<1000000x64xf32, #tpu.memory_space<hbm>> -> memref<1000000x64xf32, #tpu.memory_space<hbm>>
    %dma_start3A_125 = tpu.memref_slice %arg7[%dma_start3A_117] : memref<2x!tpu.dma_semaphore, #tpu.memory_space<semaphore_mem>> -> memref<1x!tpu.dma_semaphore, #tpu.memory_space<semaphore_mem>>
    %dma_start3A_126 = tpu.memref_squeeze %dma_start3A_125 : memref<1x!tpu.dma_semaphore, #tpu.memory_space<semaphore_mem>> -> memref<!tpu.dma_semaphore, #tpu.memory_space<semaphore_mem>>
    tpu.enqueue_indirect_dma source(%dma_start3A_124 : memref<1000000x64xf32, #tpu.memory_space<hbm>>) target(%dma_start3A_121 : memref<16x64xf32, #tpu.memory_space<vmem>>) offsets(%get3A_115 : vector<16xi32>) semaphore(%dma_start3A_126 : memref<!tpu.dma_semaphore, #tpu.memory_space<semaphore_mem>>)
    %get3A_127 = arith.constant 144 : index
    %get3A_128 = tpu.vector_load %arg5[%get3A_127] {strides = array<i32>} : memref<6400xi32, #tpu.memory_space<vmem>>, vector<16xi32>,
    %get3A_129 = vector.shape_cast %get3A_128 : vector<16xi32> to vector<16xi32>
    %dma_start3A_130 = arith.constant 0 : i32
    %dma_start3A_131 = arith.constant 0 : i32
    %dma_start3A_132 = arith.constant 144 : i32
    %dma_start3A_133 = arith.constant 0 : i32
    %dma_start3A_134 = tpu.memref_slice %arg6[%dma_start3A_130, %dma_start3A_132, %dma_start3A_133] : memref<2x800x64xf32, #tpu.memory_space<vmem>> -> memref<1x16x64xf32, #tpu.memory_space<vmem>>
    %dma_start3A_135 = tpu.memref_squeeze %dma_start3A_134 : memref<1x16x64xf32, #tpu.memory_space<vmem>> -> memref<16x64xf32, #tpu.memory_space<vmem>>
    %dma_start3A_136 = arith.constant 0 : i32
    %dma_start3A_137 = arith.constant 0 : i32
    %dma_start3A_138 = tpu.memref_slice %arg3[%dma_start3A_136, %dma_start3A_137] : memref<1000000x64xf32, #tpu.memory_space<hbm>> -> memref<1000000x64xf32, #tpu.memory_space<hbm>>
    %dma_start3A_139 = tpu.memref_slice %arg7[%dma_start3A_131] : memref<2x!tpu.dma_semaphore, #tpu.memory_space<semaphore_mem>> -> memref<1x!tpu.dma_semaphore, #tpu.memory_space<semaphore_mem>>
    %dma_start3A_140 = tpu.memref_squeeze %dma_start3A_139 : memref<1x!tpu.dma_semaphore, #tpu.memory_space<semaphore_mem>> -> memref<!tpu.dma_semaphore, #tpu.memory_space<semaphore_mem>>
    tpu.enqueue_indirect_dma source(%dma_start3A_138 : memref<1000000x64xf32, #tpu.memory_space<hbm>>) target(%dma_start3A_135 : memref<16x64xf32, #tpu.memory_space<vmem>>) offsets(%get3A_129 : vector<16xi32>) semaphore(%dma_start3A_140 : memref<!tpu.dma_semaphore, #tpu.memory_space<semaphore_mem>>)
    %get3A_141 = arith.constant 160 : index
    %get3A_142 = tpu.vector_load %arg5[%get3A_141] {strides = array<i32>} : memref<6400xi32, #tpu.memory_space<vmem>>, vector<16xi32>,
    %get3A_143 = vector.shape_cast %get3A_142 : vector<16xi32> to vector<16xi32>
    %dma_start3A_144 = arith.constant 0 : i32
    %dma_start3A_145 = arith.constant 0 : i32
    %dma_start3A_146 = arith.constant 160 : i32
    %dma_start3A_147 = arith.constant 0 : i32
    %dma_start3A_148 = tpu.memref_slice %arg6[%dma_start3A_144, %dma_start3A_146, %dma_start3A_147] : memref<2x800x64xf32, #tpu.memory_space<vmem>> -> memref<1x16x64xf32, #tpu.memory_space<vmem>>
    %dma_start3A_149 = tpu.memref_squeeze %dma_start3A_148 : memref<1x16x64xf32, #tpu.memory_space<vmem>> -> memref<16x64xf32, #tpu.memory_space<vmem>>
    %dma_start3A_150 = arith.constant 0 : i32
    %dma_start3A_151 = arith.constant 0 : i32
    %dma_start3A_152 = tpu.memref_slice %arg3[%dma_start3A_150, %dma_start3A_151] : memref<1000000x64xf32, #tpu.memory_space<hbm>> -> memref<1000000x64xf32, #tpu.memory_space<hbm>>
    %dma_start3A_153 = tpu.memref_slice %arg7[%dma_start3A_145] : memref<2x!tpu.dma_semaphore, #tpu.memory_space<semaphore_mem>> -> memref<1x!tpu.dma_semaphore, #tpu.memory_space<semaphore_mem>>
    %dma_start3A_154 = tpu.memref_squeeze %dma_start3A_153 : memref<1x!tpu.dma_semaphore, #tpu.memory_space<semaphore_mem>> -> memref<!tpu.dma_semaphore, #tpu.memory_space<semaphore_mem>>
    tpu.enqueue_indirect_dma source(%dma_start3A_152 : memref<1000000x64xf32, #tpu.memory_space<hbm>>) target(%dma_start3A_149 : memref<16x64xf32, #tpu.memory_space<vmem>>) offsets(%get3A_143 : vector<16xi32>) semaphore(%dma_start3A_154 : memref<!tpu.dma_semaphore, #tpu.memory_space<semaphore_mem>>)
    %get3A_155 = arith.constant 176 : index
    %get3A_156 = tpu.vector_load %arg5[%get3A_155] {strides = array<i32>} : memref<6400xi32, #tpu.memory_space<vmem>>, vector<16xi32>,
    %get3A_157 = vector.shape_cast %get3A_156 : vector<16xi32> to vector<16xi32>
    %dma_start3A_158 = arith.constant 0 : i32
    %dma_start3A_159 = arith.constant 0 : i32
    %dma_start3A_160 = arith.constant 176 : i32
    %dma_start3A_161 = arith.constant 0 : i32
    %dma_start3A_162 = tpu.memref_slice %arg6[%dma_start3A_158, %dma_start3A_160, %dma_start3A_161] : memref<2x800x64xf32, #tpu.memory_space<vmem>> -> memref<1x16x64xf32, #tpu.memory_space<vmem>>
    %dma_start3A_163 = tpu.memref_squeeze %dma_start3A_162 : memref<1x16x64xf32, #tpu.memory_space<vmem>> -> memref<16x64xf32, #tpu.memory_space<vmem>>
    %dma_start3A_164 = arith.constant 0 : i32
    %dma_start3A_165 = arith.constant 0 : i32
    %dma_start3A_166 = tpu.memref_slice %arg3[%dma_start3A_164, %dma_start3A_165] : memref<1000000x64xf32, #tpu.memory_space<hbm>> -> memref<1000000x64xf32, #tpu.memory_space<hbm>>
    %dma_start3A_167 = tpu.memref_slice %arg7[%dma_start3A_159] : memref<2x!tpu.dma_semaphore, #tpu.memory_space<semaphore_mem>> -> memref<1x!tpu.dma_semaphore, #tpu.memory_space<semaphore_mem>>
    %dma_start3A_168 = tpu.memref_squeeze %dma_start3A_167 : memref<1x!tpu.dma_semaphore, #tpu.memory_space<semaphore_mem>> -> memref<!tpu.dma_semaphore, #tpu.memory_space<semaphore_mem>>
    tpu.enqueue_indirect_dma source(%dma_start3A_166 : memref<1000000x64xf32, #tpu.memory_space<hbm>>) target(%dma_start3A_163 : memref<16x64xf32, #tpu.memory_space<vmem>>) offsets(%get3A_157 : vector<16xi32>) semaphore(%dma_start3A_168 : memref<!tpu.dma_semaphore, #tpu.memory_space<semaphore_mem>>)
    %get3A_169 = arith.constant 192 : index
    %get3A_170 = tpu.vector_load %arg5[%get3A_169] {strides = array<i32>} : memref<6400xi32, #tpu.memory_space<vmem>>, vector<16xi32>,
    %get3A_171 = vector.shape_cast %get3A_170 : vector<16xi32> to vector<16xi32>
    %dma_start3A_172 = arith.constant 0 : i32
    %dma_start3A_173 = arith.constant 0 : i32
    %dma_start3A_174 = arith.constant 192 : i32
    %dma_start3A_175 = arith.constant 0 : i32
    %dma_start3A_176 = tpu.memref_slice %arg6[%dma_start3A_172, %dma_start3A_174, %dma_start3A_175] : memref<2x800x64xf32, #tpu.memory_space<vmem>> -> memref<1x16x64xf32, #tpu.memory_space<vmem>>
    %dma_start3A_177 = tpu.memref_squeeze %dma_start3A_176 : memref<1x16x64xf32, #tpu.memory_space<vmem>> -> memref<16x64xf32, #tpu.memory_space<vmem>>
    %dma_start3A_178 = arith.constant 0 : i32
    %dma_start3A_179 = arith.constant 0 : i32
    %dma_start3A_180 = tpu.memref_slice %arg3[%dma_start3A_178, %dma_start3A_179] : memref<1000000x64xf32, #tpu.memory_space<hbm>> -> memref<1000000x64xf32, #tpu.memory_space<hbm>>
    %dma_start3A_181 = tpu.memref_slice %arg7[%dma_start3A_173] : memref<2x!tpu.dma_semaphore, #tpu.memory_space<semaphore_mem>> -> memref<1x!tpu.dma_semaphore, #tpu.memory_space<semaphore_mem>>
    %dma_start3A_182 = tpu.memref_squeeze %dma_start3A_181 : memref<1x!tpu.dma_semaphore, #tpu.memory_space<semaphore_mem>> -> memref<!tpu.dma_semaphore, #tpu.memory_space<semaphore_mem>>
    tpu.enqueue_indirect_dma source(%dma_start3A_180 : memref<1000000x64xf32, #tpu.memory_space<hbm>>) target(%dma_start3A_177 : memref<16x64xf32, #tpu.memory_space<vmem>>) offsets(%get3A_171 : vector<16xi32>) semaphore(%dma_start3A_182 : memref<!tpu.dma_semaphore, #tpu.memory_space<semaphore_mem>>)
    %get3A_183 = arith.constant 208 : index
    %get3A_184 = tpu.vector_load %arg5[%get3A_183] {strides = array<i32>} : memref<6400xi32, #tpu.memory_space<vmem>>, vector<16xi32>,
    %get3A_185 = vector.shape_cast %get3A_184 : vector<16xi32> to vector<16xi32>
    %dma_start3A_186 = arith.constant 0 : i32
    %dma_start3A_187 = arith.constant 0 : i32
    %dma_start3A_188 = arith.constant 208 : i32
    %dma_start3A_189 = arith.constant 0 : i32
    %dma_start3A_190 = tpu.memref_slice %arg6[%dma_start3A_186, %dma_start3A_188, %dma_start3A_189] : memref<2x800x64xf32, #tpu.memory_space<vmem>> -> memref<1x16x64xf32, #tpu.memory_space<vmem>>
    %dma_start3A_191 = tpu.memref_squeeze %dma_start3A_190 : memref<1x16x64xf32, #tpu.memory_space<vmem>> -> memref<16x64xf32, #tpu.memory_space<vmem>>
    %dma_start3A_192 = arith.constant 0 : i32
    %dma_start3A_193 = arith.constant 0 : i32
    %dma_start3A_194 = tpu.memref_slice %arg3[%dma_start3A_192, %dma_start3A_193] : memref<1000000x64xf32, #tpu.memory_space<hbm>> -> memref<1000000x64xf32, #tpu.memory_space<hbm>>
    %dma_start3A_195 = tpu.memref_slice %arg7[%dma_start3A_187] : memref<2x!tpu.dma_semaphore, #tpu.memory_space<semaphore_mem>> -> memref<1x!tpu.dma_semaphore, #tpu.memory_space<semaphore_mem>>
    %dma_start3A_196 = tpu.memref_squeeze %dma_start3A_195 : memref<1x!tpu.dma_semaphore, #tpu.memory_space<semaphore_mem>> -> memref<!tpu.dma_semaphore, #tpu.memory_space<semaphore_mem>>
    tpu.enqueue_indirect_dma source(%dma_start3A_194 : memref<1000000x64xf32, #tpu.memory_space<hbm>>) target(%dma_start3A_191 : memref<16x64xf32, #tpu.memory_space<vmem>>) offsets(%get3A_185 : vector<16xi32>) semaphore(%dma_start3A_196 : memref<!tpu.dma_semaphore, #tpu.memory_space<semaphore_mem>>)
    %get3A_197 = arith.constant 224 : index
    %get3A_198 = tpu.vector_load %arg5[%get3A_197] {strides = array<i32>} : memref<6400xi32, #tpu.memory_space<vmem>>, vector<16xi32>,
    %get3A_199 = vector.shape_cast %get3A_198 : vector<16xi32> to vector<16xi32>
    %dma_start3A_200 = arith.constant 0 : i32
    %dma_start3A_201 = arith.constant 0 : i32
    %dma_start3A_202 = arith.constant 224 : i32
    %dma_start3A_203 = arith.constant 0 : i32
    %dma_start3A_204 = tpu.memref_slice %arg6[%dma_start3A_200, %dma_start3A_202, %dma_start3A_203] : memref<2x800x64xf32, #tpu.memory_space<vmem>> -> memref<1x16x64xf32, #tpu.memory_space<vmem>>
    %dma_start3A_205 = tpu.memref_squeeze %dma_start3A_204 : memref<1x16x64xf32, #tpu.memory_space<vmem>> -> memref<16x64xf32, #tpu.memory_space<vmem>>
    %dma_start3A_206 = arith.constant 0 : i32
    %dma_start3A_207 = arith.constant 0 : i32
    %dma_start3A_208 = tpu.memref_slice %arg3[%dma_start3A_206, %dma_start3A_207] : memref<1000000x64xf32, #tpu.memory_space<hbm>> -> memref<1000000x64xf32, #tpu.memory_space<hbm>>
    %dma_start3A_209 = tpu.memref_slice %arg7[%dma_start3A_201] : memref<2x!tpu.dma_semaphore, #tpu.memory_space<semaphore_mem>> -> memref<1x!tpu.dma_semaphore, #tpu.memory_space<semaphore_mem>>
    %dma_start3A_210 = tpu.memref_squeeze %dma_start3A_209 : memref<1x!tpu.dma_semaphore, #tpu.memory_space<semaphore_mem>> -> memref<!tpu.dma_semaphore, #tpu.memory_space<semaphore_mem>>
    tpu.enqueue_indirect_dma source(%dma_start3A_208 : memref<1000000x64xf32, #tpu.memory_space<hbm>>) target(%dma_start3A_205 : memref<16x64xf32, #tpu.memory_space<vmem>>) offsets(%get3A_199 : vector<16xi32>) semaphore(%dma_start3A_210 : memref<!tpu.dma_semaphore, #tpu.memory_space<semaphore_mem>>)
    %get3A_211 = arith.constant 240 : index
    %get3A_212 = tpu.vector_load %arg5[%get3A_211] {strides = array<i32>} : memref<6400xi32, #tpu.memory_space<vmem>>, vector<16xi32>,
    %get3A_213 = vector.shape_cast %get3A_212 : vector<16xi32> to vector<16xi32>
    %dma_start3A_214 = arith.constant 0 : i32
    %dma_start3A_215 = arith.constant 0 : i32
    %dma_start3A_216 = arith.constant 240 : i32
    %dma_start3A_217 = arith.constant 0 : i32
    %dma_start3A_218 = tpu.memref_slice %arg6[%dma_start3A_214, %dma_start3A_216, %dma_start3A_217] : memref<2x800x64xf32, #tpu.memory_space<vmem>> -> memref<1x16x64xf32, #tpu.memory_space<vmem>>
    %dma_start3A_219 = tpu.memref_squeeze %dma_start3A_218 : memref<1x16x64xf32, #tpu.memory_space<vmem>> -> memref<16x64xf32, #tpu.memory_space<vmem>>
    %dma_start3A_220 = arith.constant 0 : i32
    %dma_start3A_221 = arith.constant 0 : i32
    %dma_start3A_222 = tpu.memref_slice %arg3[%dma_start3A_220, %dma_start3A_221] : memref<1000000x64xf32, #tpu.memory_space<hbm>> -> memref<1000000x64xf32, #tpu.memory_space<hbm>>
    %dma_start3A_223 = tpu.memref_slice %arg7[%dma_start3A_215] : memref<2x!tpu.dma_semaphore, #tpu.memory_space<semaphore_mem>> -> memref<1x!tpu.dma_semaphore, #tpu.memory_space<semaphore_mem>>
    %dma_start3A_224 = tpu.memref_squeeze %dma_start3A_223 : memref<1x!tpu.dma_semaphore, #tpu.memory_space<semaphore_mem>> -> memref<!tpu.dma_semaphore, #tpu.memory_space<semaphore_mem>>
    tpu.enqueue_indirect_dma source(%dma_start3A_222 : memref<1000000x64xf32, #tpu.memory_space<hbm>>) target(%dma_start3A_219 : memref<16x64xf32, #tpu.memory_space<vmem>>) offsets(%get3A_213 : vector<16xi32>) semaphore(%dma_start3A_224 : memref<!tpu.dma_semaphore, #tpu.memory_space<semaphore_mem>>)
    %get3A_225 = arith.constant 256 : index
    %get3A_226 = tpu.vector_load %arg5[%get3A_225] {strides = array<i32>} : memref<6400xi32, #tpu.memory_space<vmem>>, vector<16xi32>,
    %get3A_227 = vector.shape_cast %get3A_226 : vector<16xi32> to vector<16xi32>
    %dma_start3A_228 = arith.constant 0 : i32
    %dma_start3A_229 = arith.constant 0 : i32
    %dma_start3A_230 = arith.constant 256 : i32
    %dma_start3A_231 = arith.constant 0 : i32
    %dma_start3A_232 = tpu.memref_slice %arg6[%dma_start3A_228, %dma_start3A_230, %dma_start3A_231] : memref<2x800x64xf32, #tpu.memory_space<vmem>> -> memref<1x16x64xf32, #tpu.memory_space<vmem>>
    %dma_start3A_233 = tpu.memref_squeeze %dma_start3A_232 : memref<1x16x64xf32, #tpu.memory_space<vmem>> -> memref<16x64xf32, #tpu.memory_space<vmem>>
    %dma_start3A_234 = arith.constant 0 : i32
    %dma_start3A_235 = arith.constant 0 : i32
    %dma_start3A_236 = tpu.memref_slice %arg3[%dma_start3A_234, %dma_start3A_235] : memref<1000000x64xf32, #tpu.memory_space<hbm>> -> memref<1000000x64xf32, #tpu.memory_space<hbm>>
    %dma_start3A_237 = tpu.memref_slice %arg7[%dma_start3A_229] : memref<2x!tpu.dma_semaphore, #tpu.memory_space<semaphore_mem>> -> memref<1x!tpu.dma_semaphore, #tpu.memory_space<semaphore_mem>>
    %dma_start3A_238 = tpu.memref_squeeze %dma_start3A_237 : memref<1x!tpu.dma_semaphore, #tpu.memory_space<semaphore_mem>> -> memref<!tpu.dma_semaphore, #tpu.memory_space<semaphore_mem>>
    tpu.enqueue_indirect_dma source(%dma_start3A_236 : memref<1000000x64xf32, #tpu.memory_space<hbm>>) target(%dma_start3A_233 : memref<16x64xf32, #tpu.memory_space<vmem>>) offsets(%get3A_227 : vector<16xi32>) semaphore(%dma_start3A_238 : memref<!tpu.dma_semaphore, #tpu.memory_space<semaphore_mem>>)
    %get3A_239 = arith.constant 272 : index
    %get3A_240 = tpu.vector_load %arg5[%get3A_239] {strides = array<i32>} : memref<6400xi32, #tpu.memory_space<vmem>>, vector<16xi32>,
    %get3A_241 = vector.shape_cast %get3A_240 : vector<16xi32> to vector<16xi32>
    %dma_start3A_242 = arith.constant 0 : i32
    %dma_start3A_243 = arith.constant 0 : i32
    %dma_start3A_244 = arith.constant 272 : i32
    %dma_start3A_245 = arith.constant 0 : i32
    %dma_start3A_246 = tpu.memref_slice %arg6[%dma_start3A_242, %dma_start3A_244, %dma_start3A_245] : memref<2x800x64xf32, #tpu.memory_space<vmem>> -> memref<1x16x64xf32, #tpu.memory_space<vmem>>
    %dma_start3A_247 = tpu.memref_squeeze %dma_start3A_246 : memref<1x16x64xf32, #tpu.memory_space<vmem>> -> memref<16x64xf32, #tpu.memory_space<vmem>>
    %dma_start3A_248 = arith.constant 0 : i32
    %dma_start3A_249 = arith.constant 0 : i32
    %dma_start3A_250 = tpu.memref_slice %arg3[%dma_start3A_248, %dma_start3A_249] : memref<1000000x64xf32, #tpu.memory_space<hbm>> -> memref<1000000x64xf32, #tpu.memory_space<hbm>>
    %dma_start3A_251 = tpu.memref_slice %arg7[%dma_start3A_243] : memref<2x!tpu.dma_semaphore, #tpu.memory_space<semaphore_mem>> -> memref<1x!tpu.dma_semaphore, #tpu.memory_space<semaphore_mem>>
    %dma_start3A_252 = tpu.memref_squeeze %dma_start3A_251 : memref<1x!tpu.dma_semaphore, #tpu.memory_space<semaphore_mem>> -> memref<!tpu.dma_semaphore, #tpu.memory_space<semaphore_mem>>
    tpu.enqueue_indirect_dma source(%dma_start3A_250 : memref<1000000x64xf32, #tpu.memory_space<hbm>>) target(%dma_start3A_247 : memref<16x64xf32, #tpu.memory_space<vmem>>) offsets(%get3A_241 : vector<16xi32>) semaphore(%dma_start3A_252 : memref<!tpu.dma_semaphore, #tpu.memory_space<semaphore_mem>>)
    %get3A_253 = arith.constant 288 : index
    %get3A_254 = tpu.vector_load %arg5[%get3A_253] {strides = array<i32>} : memref<6400xi32, #tpu.memory_space<vmem>>, vector<16xi32>,
    %get3A_255 = vector.shape_cast %get3A_254 : vector<16xi32> to vector<16xi32>
    %dma_start3A_256 = arith.constant 0 : i32
    %dma_start3A_257 = arith.constant 0 : i32
    %dma_start3A_258 = arith.constant 288 : i32
    %dma_start3A_259 = arith.constant 0 : i32
    %dma_start3A_260 = tpu.memref_slice %arg6[%dma_start3A_256, %dma_start3A_258, %dma_start3A_259] : memref<2x800x64xf32, #tpu.memory_space<vmem>> -> memref<1x16x64xf32, #tpu.memory_space<vmem>>
    %dma_start3A_261 = tpu.memref_squeeze %dma_start3A_260 : memref<1x16x64xf32, #tpu.memory_space<vmem>> -> memref<16x64xf32, #tpu.memory_space<vmem>>
    %dma_start3A_262 = arith.constant 0 : i32
    %dma_start3A_263 = arith.constant 0 : i32
    %dma_start3A_264 = tpu.memref_slice %arg3[%dma_start3A_262, %dma_start3A_263] : memref<1000000x64xf32, #tpu.memory_space<hbm>> -> memref<1000000x64xf32, #tpu.memory_space<hbm>>
    %dma_start3A_265 = tpu.memref_slice %arg7[%dma_start3A_257] : memref<2x!tpu.dma_semaphore, #tpu.memory_space<semaphore_mem>> -> memref<1x!tpu.dma_semaphore, #tpu.memory_space<semaphore_mem>>
    %dma_start3A_266 = tpu.memref_squeeze %dma_start3A_265 : memref<1x!tpu.dma_semaphore, #tpu.memory_space<semaphore_mem>> -> memref<!tpu.dma_semaphore, #tpu.memory_space<semaphore_mem>>
    tpu.enqueue_indirect_dma source(%dma_start3A_264 : memref<1000000x64xf32, #tpu.memory_space<hbm>>) target(%dma_start3A_261 : memref<16x64xf32, #tpu.memory_space<vmem>>) offsets(%get3A_255 : vector<16xi32>) semaphore(%dma_start3A_266 : memref<!tpu.dma_semaphore, #tpu.memory_space<semaphore_mem>>)
    %get3A_267 = arith.constant 304 : index
    %get3A_268 = tpu.vector_load %arg5[%get3A_267] {strides = array<i32>} : memref<6400xi32, #tpu.memory_space<vmem>>, vector<16xi32>,
    %get3A_269 = vector.shape_cast %get3A_268 : vector<16xi32> to vector<16xi32>
    %dma_start3A_270 = arith.constant 0 : i32
    %dma_start3A_271 = arith.constant 0 : i32
    %dma_start3A_272 = arith.constant 304 : i32
    %dma_start3A_273 = arith.constant 0 : i32
    %dma_start3A_274 = tpu.memref_slice %arg6[%dma_start3A_270, %dma_start3A_272, %dma_start3A_273] : memref<2x800x64xf32, #tpu.memory_space<vmem>> -> memref<1x16x64xf32, #tpu.memory_space<vmem>>
    %dma_start3A_275 = tpu.memref_squeeze %dma_start3A_274 : memref<1x16x64xf32, #tpu.memory_space<vmem>> -> memref<16x64xf32, #tpu.memory_space<vmem>>
    %dma_start3A_276 = arith.constant 0 : i32
    %dma_start3A_277 = arith.constant 0 : i32
    %dma_start3A_278 = tpu.memref_slice %arg3[%dma_start3A_276, %dma_start3A_277] : memref<1000000x64xf32, #tpu.memory_space<hbm>> -> memref<1000000x64xf32, #tpu.memory_space<hbm>>
    %dma_start3A_279 = tpu.memref_slice %arg7[%dma_start3A_271] : memref<2x!tpu.dma_semaphore, #tpu.memory_space<semaphore_mem>> -> memref<1x!tpu.dma_semaphore, #tpu.memory_space<semaphore_mem>>
    %dma_start3A_280 = tpu.memref_squeeze %dma_start3A_279 : memref<1x!tpu.dma_semaphore, #tpu.memory_space<semaphore_mem>> -> memref<!tpu.dma_semaphore, #tpu.memory_space<semaphore_mem>>
    tpu.enqueue_indirect_dma source(%dma_start3A_278 : memref<1000000x64xf32, #tpu.memory_space<hbm>>) target(%dma_start3A_275 : memref<16x64xf32, #tpu.memory_space<vmem>>) offsets(%get3A_269 : vector<16xi32>) semaphore(%dma_start3A_280 : memref<!tpu.dma_semaphore, #tpu.memory_space<semaphore_mem>>)
    %get3A_281 = arith.constant 320 : index
    %get3A_282 = tpu.vector_load %arg5[%get3A_281] {strides = array<i32>} : memref<6400xi32, #tpu.memory_space<vmem>>, vector<16xi32>,
    %get3A_283 = vector.shape_cast %get3A_282 : vector<16xi32> to vector<16xi32>
    %dma_start3A_284 = arith.constant 0 : i32
    %dma_start3A_285 = arith.constant 0 : i32
    %dma_start3A_286 = arith.constant 320 : i32
    %dma_start3A_287 = arith.constant 0 : i32
    %dma_start3A_288 = tpu.memref_slice %arg6[%dma_start3A_284, %dma_start3A_286, %dma_start3A_287] : memref<2x800x64xf32, #tpu.memory_space<vmem>> -> memref<1x16x64xf32, #tpu.memory_space<vmem>>
    %dma_start3A_289 = tpu.memref_squeeze %dma_start3A_288 : memref<1x16x64xf32, #tpu.memory_space<vmem>> -> memref<16x64xf32, #tpu.memory_space<vmem>>
    %dma_start3A_290 = arith.constant 0 : i32
    %dma_start3A_291 = arith.constant 0 : i32
    %dma_start3A_292 = tpu.memref_slice %arg3[%dma_start3A_290, %dma_start3A_291] : memref<1000000x64xf32, #tpu.memory_space<hbm>> -> memref<1000000x64xf32, #tpu.memory_space<hbm>>
    %dma_start3A_293 = tpu.memref_slice %arg7[%dma_start3A_285] : memref<2x!tpu.dma_semaphore, #tpu.memory_space<semaphore_mem>> -> memref<1x!tpu.dma_semaphore, #tpu.memory_space<semaphore_mem>>
    %dma_start3A_294 = tpu.memref_squeeze %dma_start3A_293 : memref<1x!tpu.dma_semaphore, #tpu.memory_space<semaphore_mem>> -> memref<!tpu.dma_semaphore, #tpu.memory_space<semaphore_mem>>
    tpu.enqueue_indirect_dma source(%dma_start3A_292 : memref<1000000x64xf32, #tpu.memory_space<hbm>>) target(%dma_start3A_289 : memref<16x64xf32, #tpu.memory_space<vmem>>) offsets(%get3A_283 : vector<16xi32>) semaphore(%dma_start3A_294 : memref<!tpu.dma_semaphore, #tpu.memory_space<semaphore_mem>>)
    %get3A_295 = arith.constant 336 : index
    %get3A_296 = tpu.vector_load %arg5[%get3A_295] {strides = array<i32>} : memref<6400xi32, #tpu.memory_space<vmem>>, vector<16xi32>,
    %get3A_297 = vector.shape_cast %get3A_296 : vector<16xi32> to vector<16xi32>
    %dma_start3A_298 = arith.constant 0 : i32
    %dma_start3A_299 = arith.constant 0 : i32
    %dma_start3A_300 = arith.constant 336 : i32
    %dma_start3A_301 = arith.constant 0 : i32
    %dma_start3A_302 = tpu.memref_slice %arg6[%dma_start3A_298, %dma_start3A_300, %dma_start3A_301] : memref<2x800x64xf32, #tpu.memory_space<vmem>> -> memref<1x16x64xf32, #tpu.memory_space<vmem>>
    %dma_start3A_303 = tpu.memref_squeeze %dma_start3A_302 : memref<1x16x64xf32, #tpu.memory_space<vmem>> -> memref<16x64xf32, #tpu.memory_space<vmem>>
    %dma_start3A_304 = arith.constant 0 : i32
    %dma_start3A_305 = arith.constant 0 : i32
    %dma_start3A_306 = tpu.memref_slice %arg3[%dma_start3A_304, %dma_start3A_305] : memref<1000000x64xf32, #tpu.memory_space<hbm>> -> memref<1000000x64xf32, #tpu.memory_space<hbm>>
    %dma_start3A_307 = tpu.memref_slice %arg7[%dma_start3A_299] : memref<2x!tpu.dma_semaphore, #tpu.memory_space<semaphore_mem>> -> memref<1x!tpu.dma_semaphore, #tpu.memory_space<semaphore_mem>>
    %dma_start3A_308 = tpu.memref_squeeze %dma_start3A_307 : memref<1x!tpu.dma_semaphore, #tpu.memory_space<semaphore_mem>> -> memref<!tpu.dma_semaphore, #tpu.memory_space<semaphore_mem>>
    tpu.enqueue_indirect_dma source(%dma_start3A_306 : memref<1000000x64xf32, #tpu.memory_space<hbm>>) target(%dma_start3A_303 : memref<16x64xf32, #tpu.memory_space<vmem>>) offsets(%get3A_297 : vector<16xi32>) semaphore(%dma_start3A_308 : memref<!tpu.dma_semaphore, #tpu.memory_space<semaphore_mem>>)
    %get3A_309 = arith.constant 352 : index
    %get3A_310 = tpu.vector_load %arg5[%get3A_309] {strides = array<i32>} : memref<6400xi32, #tpu.memory_space<vmem>>, vector<16xi32>,
    %get3A_311 = vector.shape_cast %get3A_310 : vector<16xi32> to vector<16xi32>
    %dma_start3A_312 = arith.constant 0 : i32
    %dma_start3A_313 = arith.constant 0 : i32
    %dma_start3A_314 = arith.constant 352 : i32
    %dma_start3A_315 = arith.constant 0 : i32
    %dma_start3A_316 = tpu.memref_slice %arg6[%dma_start3A_312, %dma_start3A_314, %dma_start3A_315] : memref<2x800x64xf32, #tpu.memory_space<vmem>> -> memref<1x16x64xf32, #tpu.memory_space<vmem>>
    %dma_start3A_317 = tpu.memref_squeeze %dma_start3A_316 : memref<1x16x64xf32, #tpu.memory_space<vmem>> -> memref<16x64xf32, #tpu.memory_space<vmem>>
    %dma_start3A_318 = arith.constant 0 : i32
    %dma_start3A_319 = arith.constant 0 : i32
    %dma_start3A_320 = tpu.memref_slice %arg3[%dma_start3A_318, %dma_start3A_319] : memref<1000000x64xf32, #tpu.memory_space<hbm>> -> memref<1000000x64xf32, #tpu.memory_space<hbm>>
    %dma_start3A_321 = tpu.memref_slice %arg7[%dma_start3A_313] : memref<2x!tpu.dma_semaphore, #tpu.memory_space<semaphore_mem>> -> memref<1x!tpu.dma_semaphore, #tpu.memory_space<semaphore_mem>>
    %dma_start3A_322 = tpu.memref_squeeze %dma_start3A_321 : memref<1x!tpu.dma_semaphore, #tpu.memory_space<semaphore_mem>> -> memref<!tpu.dma_semaphore, #tpu.memory_space<semaphore_mem>>
    tpu.enqueue_indirect_dma source(%dma_start3A_320 : memref<1000000x64xf32, #tpu.memory_space<hbm>>) target(%dma_start3A_317 : memref<16x64xf32, #tpu.memory_space<vmem>>) offsets(%get3A_311 : vector<16xi32>) semaphore(%dma_start3A_322 : memref<!tpu.dma_semaphore, #tpu.memory_space<semaphore_mem>>)
    %get3A_323 = arith.constant 368 : index
    %get3A_324 = tpu.vector_load %arg5[%get3A_323] {strides = array<i32>} : memref<6400xi32, #tpu.memory_space<vmem>>, vector<16xi32>,
    %get3A_325 = vector.shape_cast %get3A_324 : vector<16xi32> to vector<16xi32>
    %dma_start3A_326 = arith.constant 0 : i32
    %dma_start3A_327 = arith.constant 0 : i32
    %dma_start3A_328 = arith.constant 368 : i32
    %dma_start3A_329 = arith.constant 0 : i32
    %dma_start3A_330 = tpu.memref_slice %arg6[%dma_start3A_326, %dma_start3A_328, %dma_start3A_329] : memref<2x800x64xf32, #tpu.memory_space<vmem>> -> memref<1x16x64xf32, #tpu.memory_space<vmem>>
    %dma_start3A_331 = tpu.memref_squeeze %dma_start3A_330 : memref<1x16x64xf32, #tpu.memory_space<vmem>> -> memref<16x64xf32, #tpu.memory_space<vmem>>
    %dma_start3A_332 = arith.constant 0 : i32
    %dma_start3A_333 = arith.constant 0 : i32
    %dma_start3A_334 = tpu.memref_slice %arg3[%dma_start3A_332, %dma_start3A_333] : memref<1000000x64xf32, #tpu.memory_space<hbm>> -> memref<1000000x64xf32, #tpu.memory_space<hbm>>
    %dma_start3A_335 = tpu.memref_slice %arg7[%dma_start3A_327] : memref<2x!tpu.dma_semaphore, #tpu.memory_space<semaphore_mem>> -> memref<1x!tpu.dma_semaphore, #tpu.memory_space<semaphore_mem>>
    %dma_start3A_336 = tpu.memref_squeeze %dma_start3A_335 : memref<1x!tpu.dma_semaphore, #tpu.memory_space<semaphore_mem>> -> memref<!tpu.dma_semaphore, #tpu.memory_space<semaphore_mem>>
    tpu.enqueue_indirect_dma source(%dma_start3A_334 : memref<1000000x64xf32, #tpu.memory_space<hbm>>) target(%dma_start3A_331 : memref<16x64xf32, #tpu.memory_space<vmem>>) offsets(%get3A_325 : vector<16xi32>) semaphore(%dma_start3A_336 : memref<!tpu.dma_semaphore, #tpu.memory_space<semaphore_mem>>)
    %get3A_337 = arith.constant 384 : index
    %get3A_338 = tpu.vector_load %arg5[%get3A_337] {strides = array<i32>} : memref<6400xi32, #tpu.memory_space<vmem>>, vector<16xi32>,
    %get3A_339 = vector.shape_cast %get3A_338 : vector<16xi32> to vector<16xi32>
    %dma_start3A_340 = arith.constant 0 : i32
    %dma_start3A_341 = arith.constant 0 : i32
    %dma_start3A_342 = arith.constant 384 : i32
    %dma_start3A_343 = arith.constant 0 : i32
    %dma_start3A_344 = tpu.memref_slice %arg6[%dma_start3A_340, %dma_start3A_342, %dma_start3A_343] : memref<2x800x64xf32, #tpu.memory_space<vmem>> -> memref<1x16x64xf32, #tpu.memory_space<vmem>>
    %dma_start3A_345 = tpu.memref_squeeze %dma_start3A_344 : memref<1x16x64xf32, #tpu.memory_space<vmem>> -> memref<16x64xf32, #tpu.memory_space<vmem>>
    %dma_start3A_346 = arith.constant 0 : i32
    %dma_start3A_347 = arith.constant 0 : i32
    %dma_start3A_348 = tpu.memref_slice %arg3[%dma_start3A_346, %dma_start3A_347] : memref<1000000x64xf32, #tpu.memory_space<hbm>> -> memref<1000000x64xf32, #tpu.memory_space<hbm>>
    %dma_start3A_349 = tpu.memref_slice %arg7[%dma_start3A_341] : memref<2x!tpu.dma_semaphore, #tpu.memory_space<semaphore_mem>> -> memref<1x!tpu.dma_semaphore, #tpu.memory_space<semaphore_mem>>
    %dma_start3A_350 = tpu.memref_squeeze %dma_start3A_349 : memref<1x!tpu.dma_semaphore, #tpu.memory_space<semaphore_mem>> -> memref<!tpu.dma_semaphore, #tpu.memory_space<semaphore_mem>>
    tpu.enqueue_indirect_dma source(%dma_start3A_348 : memref<1000000x64xf32, #tpu.memory_space<hbm>>) target(%dma_start3A_345 : memref<16x64xf32, #tpu.memory_space<vmem>>) offsets(%get3A_339 : vector<16xi32>) semaphore(%dma_start3A_350 : memref<!tpu.dma_semaphore, #tpu.memory_space<semaphore_mem>>)
    %get3A_351 = arith.constant 400 : index
    %get3A_352 = tpu.vector_load %arg5[%get3A_351] {strides = array<i32>} : memref<6400xi32, #tpu.memory_space<vmem>>, vector<16xi32>,
    %get3A_353 = vector.shape_cast %get3A_352 : vector<16xi32> to vector<16xi32>
    %dma_start3A_354 = arith.constant 0 : i32
    %dma_start3A_355 = arith.constant 0 : i32
    %dma_start3A_356 = arith.constant 400 : i32
    %dma_start3A_357 = arith.constant 0 : i32
    %dma_start3A_358 = tpu.memref_slice %arg6[%dma_start3A_354, %dma_start3A_356, %dma_start3A_357] : memref<2x800x64xf32, #tpu.memory_space<vmem>> -> memref<1x16x64xf32, #tpu.memory_space<vmem>>
    %dma_start3A_359 = tpu.memref_squeeze %dma_start3A_358 : memref<1x16x64xf32, #tpu.memory_space<vmem>> -> memref<16x64xf32, #tpu.memory_space<vmem>>
    %dma_start3A_360 = arith.constant 0 : i32
    %dma_start3A_361 = arith.constant 0 : i32
    %dma_start3A_362 = tpu.memref_slice %arg3[%dma_start3A_360, %dma_start3A_361] : memref<1000000x64xf32, #tpu.memory_space<hbm>> -> memref<1000000x64xf32, #tpu.memory_space<hbm>>
    %dma_start3A_363 = tpu.memref_slice %arg7[%dma_start3A_355] : memref<2x!tpu.dma_semaphore, #tpu.memory_space<semaphore_mem>> -> memref<1x!tpu.dma_semaphore, #tpu.memory_space<semaphore_mem>>
    %dma_start3A_364 = tpu.memref_squeeze %dma_start3A_363 : memref<1x!tpu.dma_semaphore, #tpu.memory_space<semaphore_mem>> -> memref<!tpu.dma_semaphore, #tpu.memory_space<semaphore_mem>>
    tpu.enqueue_indirect_dma source(%dma_start3A_362 : memref<1000000x64xf32, #tpu.memory_space<hbm>>) target(%dma_start3A_359 : memref<16x64xf32, #tpu.memory_space<vmem>>) offsets(%get3A_353 : vector<16xi32>) semaphore(%dma_start3A_364 : memref<!tpu.dma_semaphore, #tpu.memory_space<semaphore_mem>>)
    %get3A_365 = arith.constant 416 : index
    %get3A_366 = tpu.vector_load %arg5[%get3A_365] {strides = array<i32>} : memref<6400xi32, #tpu.memory_space<vmem>>, vector<16xi32>,
    %get3A_367 = vector.shape_cast %get3A_366 : vector<16xi32> to vector<16xi32>
    %dma_start3A_368 = arith.constant 0 : i32
    %dma_start3A_369 = arith.constant 0 : i32
    %dma_start3A_370 = arith.constant 416 : i32
    %dma_start3A_371 = arith.constant 0 : i32
    %dma_start3A_372 = tpu.memref_slice %arg6[%dma_start3A_368, %dma_start3A_370, %dma_start3A_371] : memref<2x800x64xf32, #tpu.memory_space<vmem>> -> memref<1x16x64xf32, #tpu.memory_space<vmem>>
    %dma_start3A_373 = tpu.memref_squeeze %dma_start3A_372 : memref<1x16x64xf32, #tpu.memory_space<vmem>> -> memref<16x64xf32, #tpu.memory_space<vmem>>
    %dma_start3A_374 = arith.constant 0 : i32
    %dma_start3A_375 = arith.constant 0 : i32
    %dma_start3A_376 = tpu.memref_slice %arg3[%dma_start3A_374, %dma_start3A_375] : memref<1000000x64xf32, #tpu.memory_space<hbm>> -> memref<1000000x64xf32, #tpu.memory_space<hbm>>
    %dma_start3A_377 = tpu.memref_slice %arg7[%dma_start3A_369] : memref<2x!tpu.dma_semaphore, #tpu.memory_space<semaphore_mem>> -> memref<1x!tpu.dma_semaphore, #tpu.memory_space<semaphore_mem>>
    %dma_start3A_378 = tpu.memref_squeeze %dma_start3A_377 : memref<1x!tpu.dma_semaphore, #tpu.memory_space<semaphore_mem>> -> memref<!tpu.dma_semaphore, #tpu.memory_space<semaphore_mem>>
    tpu.enqueue_indirect_dma source(%dma_start3A_376 : memref<1000000x64xf32, #tpu.memory_space<hbm>>) target(%dma_start3A_373 : memref<16x64xf32, #tpu.memory_space<vmem>>) offsets(%get3A_367 : vector<16xi32>) semaphore(%dma_start3A_378 : memref<!tpu.dma_semaphore, #tpu.memory_space<semaphore_mem>>)
    %get3A_379 = arith.constant 432 : index
    %get3A_380 = tpu.vector_load %arg5[%get3A_379] {strides = array<i32>} : memref<6400xi32, #tpu.memory_space<vmem>>, vector<16xi32>,
    %get3A_381 = vector.shape_cast %get3A_380 : vector<16xi32> to vector<16xi32>
    %dma_start3A_382 = arith.constant 0 : i32
    %dma_start3A_383 = arith.constant 0 : i32
    %dma_start3A_384 = arith.constant 432 : i32
    %dma_start3A_385 = arith.constant 0 : i32
    %dma_start3A_386 = tpu.memref_slice %arg6[%dma_start3A_382, %dma_start3A_384, %dma_start3A_385] : memref<2x800x64xf32, #tpu.memory_space<vmem>> -> memref<1x16x64xf32, #tpu.memory_space<vmem>>
    %dma_start3A_387 = tpu.memref_squeeze %dma_start3A_386 : memref<1x16x64xf32, #tpu.memory_space<vmem>> -> memref<16x64xf32, #tpu.memory_space<vmem>>
    %dma_start3A_388 = arith.constant 0 : i32
    %dma_start3A_389 = arith.constant 0 : i32
    %dma_start3A_390 = tpu.memref_slice %arg3[%dma_start3A_388, %dma_start3A_389] : memref<1000000x64xf32, #tpu.memory_space<hbm>> -> memref<1000000x64xf32, #tpu.memory_space<hbm>>
    %dma_start3A_391 = tpu.memref_slice %arg7[%dma_start3A_383] : memref<2x!tpu.dma_semaphore, #tpu.memory_space<semaphore_mem>> -> memref<1x!tpu.dma_semaphore, #tpu.memory_space<semaphore_mem>>
    %dma_start3A_392 = tpu.memref_squeeze %dma_start3A_391 : memref<1x!tpu.dma_semaphore, #tpu.memory_space<semaphore_mem>> -> memref<!tpu.dma_semaphore, #tpu.memory_space<semaphore_mem>>
    tpu.enqueue_indirect_dma source(%dma_start3A_390 : memref<1000000x64xf32, #tpu.memory_space<hbm>>) target(%dma_start3A_387 : memref<16x64xf32, #tpu.memory_space<vmem>>) offsets(%get3A_381 : vector<16xi32>) semaphore(%dma_start3A_392 : memref<!tpu.dma_semaphore, #tpu.memory_space<semaphore_mem>>)
    %get3A_393 = arith.constant 448 : index
    %get3A_394 = tpu.vector_load %arg5[%get3A_393] {strides = array<i32>} : memref<6400xi32, #tpu.memory_space<vmem>>, vector<16xi32>,
    %get3A_395 = vector.shape_cast %get3A_394 : vector<16xi32> to vector<16xi32>
    %dma_start3A_396 = arith.constant 0 : i32
    %dma_start3A_397 = arith.constant 0 : i32
    %dma_start3A_398 = arith.constant 448 : i32
    %dma_start3A_399 = arith.constant 0 : i32
    %dma_start3A_400 = tpu.memref_slice %arg6[%dma_start3A_396, %dma_start3A_398, %dma_start3A_399] : memref<2x800x64xf32, #tpu.memory_space<vmem>> -> memref<1x16x64xf32, #tpu.memory_space<vmem>>
    %dma_start3A_401 = tpu.memref_squeeze %dma_start3A_400 : memref<1x16x64xf32, #tpu.memory_space<vmem>> -> memref<16x64xf32, #tpu.memory_space<vmem>>
    %dma_start3A_402 = arith.constant 0 : i32
    %dma_start3A_403 = arith.constant 0 : i32
    %dma_start3A_404 = tpu.memref_slice %arg3[%dma_start3A_402, %dma_start3A_403] : memref<1000000x64xf32, #tpu.memory_space<hbm>> -> memref<1000000x64xf32, #tpu.memory_space<hbm>>
    %dma_start3A_405 = tpu.memref_slice %arg7[%dma_start3A_397] : memref<2x!tpu.dma_semaphore, #tpu.memory_space<semaphore_mem>> -> memref<1x!tpu.dma_semaphore, #tpu.memory_space<semaphore_mem>>
    %dma_start3A_406 = tpu.memref_squeeze %dma_start3A_405 : memref<1x!tpu.dma_semaphore, #tpu.memory_space<semaphore_mem>> -> memref<!tpu.dma_semaphore, #tpu.memory_space<semaphore_mem>>
    tpu.enqueue_indirect_dma source(%dma_start3A_404 : memref<1000000x64xf32, #tpu.memory_space<hbm>>) target(%dma_start3A_401 : memref<16x64xf32, #tpu.memory_space<vmem>>) offsets(%get3A_395 : vector<16xi32>) semaphore(%dma_start3A_406 : memref<!tpu.dma_semaphore, #tpu.memory_space<semaphore_mem>>)
    %get3A_407 = arith.constant 464 : index
    %get3A_408 = tpu.vector_load %arg5[%get3A_407] {strides = array<i32>} : memref<6400xi32, #tpu.memory_space<vmem>>, vector<16xi32>,
    %get3A_409 = vector.shape_cast %get3A_408 : vector<16xi32> to vector<16xi32>
    %dma_start3A_410 = arith.constant 0 : i32
    %dma_start3A_411 = arith.constant 0 : i32
    %dma_start3A_412 = arith.constant 464 : i32
    %dma_start3A_413 = arith.constant 0 : i32
    %dma_start3A_414 = tpu.memref_slice %arg6[%dma_start3A_410, %dma_start3A_412, %dma_start3A_413] : memref<2x800x64xf32, #tpu.memory_space<vmem>> -> memref<1x16x64xf32, #tpu.memory_space<vmem>>
    %dma_start3A_415 = tpu.memref_squeeze %dma_start3A_414 : memref<1x16x64xf32, #tpu.memory_space<vmem>> -> memref<16x64xf32, #tpu.memory_space<vmem>>
    %dma_start3A_416 = arith.constant 0 : i32
    %dma_start3A_417 = arith.constant 0 : i32
    %dma_start3A_418 = tpu.memref_slice %arg3[%dma_start3A_416, %dma_start3A_417] : memref<1000000x64xf32, #tpu.memory_space<hbm>> -> memref<1000000x64xf32, #tpu.memory_space<hbm>>
    %dma_start3A_419 = tpu.memref_slice %arg7[%dma_start3A_411] : memref<2x!tpu.dma_semaphore, #tpu.memory_space<semaphore_mem>> -> memref<1x!tpu.dma_semaphore, #tpu.memory_space<semaphore_mem>>
    %dma_start3A_420 = tpu.memref_squeeze %dma_start3A_419 : memref<1x!tpu.dma_semaphore, #tpu.memory_space<semaphore_mem>> -> memref<!tpu.dma_semaphore, #tpu.memory_space<semaphore_mem>>
    tpu.enqueue_indirect_dma source(%dma_start3A_418 : memref<1000000x64xf32, #tpu.memory_space<hbm>>) target(%dma_start3A_415 : memref<16x64xf32, #tpu.memory_space<vmem>>) offsets(%get3A_409 : vector<16xi32>) semaphore(%dma_start3A_420 : memref<!tpu.dma_semaphore, #tpu.memory_space<semaphore_mem>>)
    %get3A_421 = arith.constant 480 : index
    %get3A_422 = tpu.vector_load %arg5[%get3A_421] {strides = array<i32>} : memref<6400xi32, #tpu.memory_space<vmem>>, vector<16xi32>,
    %get3A_423 = vector.shape_cast %get3A_422 : vector<16xi32> to vector<16xi32>
    %dma_start3A_424 = arith.constant 0 : i32
    %dma_start3A_425 = arith.constant 0 : i32
    %dma_start3A_426 = arith.constant 480 : i32
    %dma_start3A_427 = arith.constant 0 : i32
    %dma_start3A_428 = tpu.memref_slice %arg6[%dma_start3A_424, %dma_start3A_426, %dma_start3A_427] : memref<2x800x64xf32, #tpu.memory_space<vmem>> -> memref<1x16x64xf32, #tpu.memory_space<vmem>>
    %dma_start3A_429 = tpu.memref_squeeze %dma_start3A_428 : memref<1x16x64xf32, #tpu.memory_space<vmem>> -> memref<16x64xf32, #tpu.memory_space<vmem>>
    %dma_start3A_430 = arith.constant 0 : i32
    %dma_start3A_431 = arith.constant 0 : i32
    %dma_start3A_432 = tpu.memref_slice %arg3[%dma_start3A_430, %dma_start3A_431] : memref<1000000x64xf32, #tpu.memory_space<hbm>> -> memref<1000000x64xf32, #tpu.memory_space<hbm>>
    %dma_start3A_433 = tpu.memref_slice %arg7[%dma_start3A_425] : memref<2x!tpu.dma_semaphore, #tpu.memory_space<semaphore_mem>> -> memref<1x!tpu.dma_semaphore, #tpu.memory_space<semaphore_mem>>
    %dma_start3A_434 = tpu.memref_squeeze %dma_start3A_433 : memref<1x!tpu.dma_semaphore, #tpu.memory_space<semaphore_mem>> -> memref<!tpu.dma_semaphore, #tpu.memory_space<semaphore_mem>>
    tpu.enqueue_indirect_dma source(%dma_start3A_432 : memref<1000000x64xf32, #tpu.memory_space<hbm>>) target(%dma_start3A_429 : memref<16x64xf32, #tpu.memory_space<vmem>>) offsets(%get3A_423 : vector<16xi32>) semaphore(%dma_start3A_434 : memref<!tpu.dma_semaphore, #tpu.memory_space<semaphore_mem>>)
    %get3A_435 = arith.constant 496 : index
    %get3A_436 = tpu.vector_load %arg5[%get3A_435] {strides = array<i32>} : memref<6400xi32, #tpu.memory_space<vmem>>, vector<16xi32>,
    %get3A_437 = vector.shape_cast %get3A_436 : vector<16xi32> to vector<16xi32>
    %dma_start3A_438 = arith.constant 0 : i32
    %dma_start3A_439 = arith.constant 0 : i32
    %dma_start3A_440 = arith.constant 496 : i32
    %dma_start3A_441 = arith.constant 0 : i32
    %dma_start3A_442 = tpu.memref_slice %arg6[%dma_start3A_438, %dma_start3A_440, %dma_start3A_441] : memref<2x800x64xf32, #tpu.memory_space<vmem>> -> memref<1x16x64xf32, #tpu.memory_space<vmem>>
    %dma_start3A_443 = tpu.memref_squeeze %dma_start3A_442 : memref<1x16x64xf32, #tpu.memory_space<vmem>> -> memref<16x64xf32, #tpu.memory_space<vmem>>
    %dma_start3A_444 = arith.constant 0 : i32
    %dma_start3A_445 = arith.constant 0 : i32
    %dma_start3A_446 = tpu.memref_slice %arg3[%dma_start3A_444, %dma_start3A_445] : memref<1000000x64xf32, #tpu.memory_space<hbm>> -> memref<1000000x64xf32, #tpu.memory_space<hbm>>
    %dma_start3A_447 = tpu.memref_slice %arg7[%dma_start3A_439] : memref<2x!tpu.dma_semaphore, #tpu.memory_space<semaphore_mem>> -> memref<1x!tpu.dma_semaphore, #tpu.memory_space<semaphore_mem>>
    %dma_start3A_448 = tpu.memref_squeeze %dma_start3A_447 : memref<1x!tpu.dma_semaphore, #tpu.memory_space<semaphore_mem>> -> memref<!tpu.dma_semaphore, #tpu.memory_space<semaphore_mem>>
    tpu.enqueue_indirect_dma source(%dma_start3A_446 : memref<1000000x64xf32, #tpu.memory_space<hbm>>) target(%dma_start3A_443 : memref<16x64xf32, #tpu.memory_space<vmem>>) offsets(%get3A_437 : vector<16xi32>) semaphore(%dma_start3A_448 : memref<!tpu.dma_semaphore, #tpu.memory_space<semaphore_mem>>)
    %get3A_449 = arith.constant 512 : index
    %get3A_450 = tpu.vector_load %arg5[%get3A_449] {strides = array<i32>} : memref<6400xi32, #tpu.memory_space<vmem>>, vector<16xi32>,
    %get3A_451 = vector.shape_cast %get3A_450 : vector<16xi32> to vector<16xi32>
    %dma_start3A_452 = arith.constant 0 : i32
    %dma_start3A_453 = arith.constant 0 : i32
    %dma_start3A_454 = arith.constant 512 : i32
    %dma_start3A_455 = arith.constant 0 : i32
    %dma_start3A_456 = tpu.memref_slice %arg6[%dma_start3A_452, %dma_start3A_454, %dma_start3A_455] : memref<2x800x64xf32, #tpu.memory_space<vmem>> -> memref<1x16x64xf32, #tpu.memory_space<vmem>>
    %dma_start3A_457 = tpu.memref_squeeze %dma_start3A_456 : memref<1x16x64xf32, #tpu.memory_space<vmem>> -> memref<16x64xf32, #tpu.memory_space<vmem>>
    %dma_start3A_458 = arith.constant 0 : i32
    %dma_start3A_459 = arith.constant 0 : i32
    %dma_start3A_460 = tpu.memref_slice %arg3[%dma_start3A_458, %dma_start3A_459] : memref<1000000x64xf32, #tpu.memory_space<hbm>> -> memref<1000000x64xf32, #tpu.memory_space<hbm>>
    %dma_start3A_461 = tpu.memref_slice %arg7[%dma_start3A_453] : memref<2x!tpu.dma_semaphore, #tpu.memory_space<semaphore_mem>> -> memref<1x!tpu.dma_semaphore, #tpu.memory_space<semaphore_mem>>
    %dma_start3A_462 = tpu.memref_squeeze %dma_start3A_461 : memref<1x!tpu.dma_semaphore, #tpu.memory_space<semaphore_mem>> -> memref<!tpu.dma_semaphore, #tpu.memory_space<semaphore_mem>>
    tpu.enqueue_indirect_dma source(%dma_start3A_460 : memref<1000000x64xf32, #tpu.memory_space<hbm>>) target(%dma_start3A_457 : memref<16x64xf32, #tpu.memory_space<vmem>>) offsets(%get3A_451 : vector<16xi32>) semaphore(%dma_start3A_462 : memref<!tpu.dma_semaphore, #tpu.memory_space<semaphore_mem>>)
    %get3A_463 = arith.constant 528 : index
    %get3A_464 = tpu.vector_load %arg5[%get3A_463] {strides = array<i32>} : memref<6400xi32, #tpu.memory_space<vmem>>, vector<16xi32>,
    %get3A_465 = vector.shape_cast %get3A_464 : vector<16xi32> to vector<16xi32>
    %dma_start3A_466 = arith.constant 0 : i32
    %dma_start3A_467 = arith.constant 0 : i32
    %dma_start3A_468 = arith.constant 528 : i32
    %dma_start3A_469 = arith.constant 0 : i32
    %dma_start3A_470 = tpu.memref_slice %arg6[%dma_start3A_466, %dma_start3A_468, %dma_start3A_469] : memref<2x800x64xf32, #tpu.memory_space<vmem>> -> memref<1x16x64xf32, #tpu.memory_space<vmem>>
    %dma_start3A_471 = tpu.memref_squeeze %dma_start3A_470 : memref<1x16x64xf32, #tpu.memory_space<vmem>> -> memref<16x64xf32, #tpu.memory_space<vmem>>
    %dma_start3A_472 = arith.constant 0 : i32
    %dma_start3A_473 = arith.constant 0 : i32
    %dma_start3A_474 = tpu.memref_slice %arg3[%dma_start3A_472, %dma_start3A_473] : memref<1000000x64xf32, #tpu.memory_space<hbm>> -> memref<1000000x64xf32, #tpu.memory_space<hbm>>
    %dma_start3A_475 = tpu.memref_slice %arg7[%dma_start3A_467] : memref<2x!tpu.dma_semaphore, #tpu.memory_space<semaphore_mem>> -> memref<1x!tpu.dma_semaphore, #tpu.memory_space<semaphore_mem>>
    %dma_start3A_476 = tpu.memref_squeeze %dma_start3A_475 : memref<1x!tpu.dma_semaphore, #tpu.memory_space<semaphore_mem>> -> memref<!tpu.dma_semaphore, #tpu.memory_space<semaphore_mem>>
    tpu.enqueue_indirect_dma source(%dma_start3A_474 : memref<1000000x64xf32, #tpu.memory_space<hbm>>) target(%dma_start3A_471 : memref<16x64xf32, #tpu.memory_space<vmem>>) offsets(%get3A_465 : vector<16xi32>) semaphore(%dma_start3A_476 : memref<!tpu.dma_semaphore, #tpu.memory_space<semaphore_mem>>)
    %get3A_477 = arith.constant 544 : index
    %get3A_478 = tpu.vector_load %arg5[%get3A_477] {strides = array<i32>} : memref<6400xi32, #tpu.memory_space<vmem>>, vector<16xi32>,
    %get3A_479 = vector.shape_cast %get3A_478 : vector<16xi32> to vector<16xi32>
    %dma_start3A_480 = arith.constant 0 : i32
    %dma_start3A_481 = arith.constant 0 : i32
    %dma_start3A_482 = arith.constant 544 : i32
    %dma_start3A_483 = arith.constant 0 : i32
    %dma_start3A_484 = tpu.memref_slice %arg6[%dma_start3A_480, %dma_start3A_482, %dma_start3A_483] : memref<2x800x64xf32, #tpu.memory_space<vmem>> -> memref<1x16x64xf32, #tpu.memory_space<vmem>>
    %dma_start3A_485 = tpu.memref_squeeze %dma_start3A_484 : memref<1x16x64xf32, #tpu.memory_space<vmem>> -> memref<16x64xf32, #tpu.memory_space<vmem>>
    %dma_start3A_486 = arith.constant 0 : i32
    %dma_start3A_487 = arith.constant 0 : i32
    %dma_start3A_488 = tpu.memref_slice %arg3[%dma_start3A_486, %dma_start3A_487] : memref<1000000x64xf32, #tpu.memory_space<hbm>> -> memref<1000000x64xf32, #tpu.memory_space<hbm>>
    %dma_start3A_489 = tpu.memref_slice %arg7[%dma_start3A_481] : memref<2x!tpu.dma_semaphore, #tpu.memory_space<semaphore_mem>> -> memref<1x!tpu.dma_semaphore, #tpu.memory_space<semaphore_mem>>
    %dma_start3A_490 = tpu.memref_squeeze %dma_start3A_489 : memref<1x!tpu.dma_semaphore, #tpu.memory_space<semaphore_mem>> -> memref<!tpu.dma_semaphore, #tpu.memory_space<semaphore_mem>>
    tpu.enqueue_indirect_dma source(%dma_start3A_488 : memref<1000000x64xf32, #tpu.memory_space<hbm>>) target(%dma_start3A_485 : memref<16x64xf32, #tpu.memory_space<vmem>>) offsets(%get3A_479 : vector<16xi32>) semaphore(%dma_start3A_490 : memref<!tpu.dma_semaphore, #tpu.memory_space<semaphore_mem>>)
    %get3A_491 = arith.constant 560 : index
    %get3A_492 = tpu.vector_load %arg5[%get3A_491] {strides = array<i32>} : memref<6400xi32, #tpu.memory_space<vmem>>, vector<16xi32>,
    %get3A_493 = vector.shape_cast %get3A_492 : vector<16xi32> to vector<16xi32>
    %dma_start3A_494 = arith.constant 0 : i32
    %dma_start3A_495 = arith.constant 0 : i32
    %dma_start3A_496 = arith.constant 560 : i32
    %dma_start3A_497 = arith.constant 0 : i32
    %dma_start3A_498 = tpu.memref_slice %arg6[%dma_start3A_494, %dma_start3A_496, %dma_start3A_497] : memref<2x800x64xf32, #tpu.memory_space<vmem>> -> memref<1x16x64xf32, #tpu.memory_space<vmem>>
    %dma_start3A_499 = tpu.memref_squeeze %dma_start3A_498 : memref<1x16x64xf32, #tpu.memory_space<vmem>> -> memref<16x64xf32, #tpu.memory_space<vmem>>
    %dma_start3A_500 = arith.constant 0 : i32
    %dma_start3A_501 = arith.constant 0 : i32
    %dma_start3A_502 = tpu.memref_slice %arg3[%dma_start3A_500, %dma_start3A_501] : memref<1000000x64xf32, #tpu.memory_space<hbm>> -> memref<1000000x64xf32, #tpu.memory_space<hbm>>
    %dma_start3A_503 = tpu.memref_slice %arg7[%dma_start3A_495] : memref<2x!tpu.dma_semaphore, #tpu.memory_space<semaphore_mem>> -> memref<1x!tpu.dma_semaphore, #tpu.memory_space<semaphore_mem>>
    %dma_start3A_504 = tpu.memref_squeeze %dma_start3A_503 : memref<1x!tpu.dma_semaphore, #tpu.memory_space<semaphore_mem>> -> memref<!tpu.dma_semaphore, #tpu.memory_space<semaphore_mem>>
    tpu.enqueue_indirect_dma source(%dma_start3A_502 : memref<1000000x64xf32, #tpu.memory_space<hbm>>) target(%dma_start3A_499 : memref<16x64xf32, #tpu.memory_space<vmem>>) offsets(%get3A_493 : vector<16xi32>) semaphore(%dma_start3A_504 : memref<!tpu.dma_semaphore, #tpu.memory_space<semaphore_mem>>)
    %get3A_505 = arith.constant 576 : index
    %get3A_506 = tpu.vector_load %arg5[%get3A_505] {strides = array<i32>} : memref<6400xi32, #tpu.memory_space<vmem>>, vector<16xi32>,
    %get3A_507 = vector.shape_cast %get3A_506 : vector<16xi32> to vector<16xi32>
    %dma_start3A_508 = arith.constant 0 : i32
    %dma_start3A_509 = arith.constant 0 : i32
    %dma_start3A_510 = arith.constant 576 : i32
    %dma_start3A_511 = arith.constant 0 : i32
    %dma_start3A_512 = tpu.memref_slice %arg6[%dma_start3A_508, %dma_start3A_510, %dma_start3A_511] : memref<2x800x64xf32, #tpu.memory_space<vmem>> -> memref<1x16x64xf32, #tpu.memory_space<vmem>>
    %dma_start3A_513 = tpu.memref_squeeze %dma_start3A_512 : memref<1x16x64xf32, #tpu.memory_space<vmem>> -> memref<16x64xf32, #tpu.memory_space<vmem>>
    %dma_start3A_514 = arith.constant 0 : i32
    %dma_start3A_515 = arith.constant 0 : i32
    %dma_start3A_516 = tpu.memref_slice %arg3[%dma_start3A_514, %dma_start3A_515] : memref<1000000x64xf32, #tpu.memory_space<hbm>> -> memref<1000000x64xf32, #tpu.memory_space<hbm>>
    %dma_start3A_517 = tpu.memref_slice %arg7[%dma_start3A_509] : memref<2x!tpu.dma_semaphore, #tpu.memory_space<semaphore_mem>> -> memref<1x!tpu.dma_semaphore, #tpu.memory_space<semaphore_mem>>
    %dma_start3A_518 = tpu.memref_squeeze %dma_start3A_517 : memref<1x!tpu.dma_semaphore, #tpu.memory_space<semaphore_mem>> -> memref<!tpu.dma_semaphore, #tpu.memory_space<semaphore_mem>>
    tpu.enqueue_indirect_dma source(%dma_start3A_516 : memref<1000000x64xf32, #tpu.memory_space<hbm>>) target(%dma_start3A_513 : memref<16x64xf32, #tpu.memory_space<vmem>>) offsets(%get3A_507 : vector<16xi32>) semaphore(%dma_start3A_518 : memref<!tpu.dma_semaphore, #tpu.memory_space<semaphore_mem>>)
    %get3A_519 = arith.constant 592 : index
    %get3A_520 = tpu.vector_load %arg5[%get3A_519] {strides = array<i32>} : memref<6400xi32, #tpu.memory_space<vmem>>, vector<16xi32>,
    %get3A_521 = vector.shape_cast %get3A_520 : vector<16xi32> to vector<16xi32>
    %dma_start3A_522 = arith.constant 0 : i32
    %dma_start3A_523 = arith.constant 0 : i32
    %dma_start3A_524 = arith.constant 592 : i32
    %dma_start3A_525 = arith.constant 0 : i32
    %dma_start3A_526 = tpu.memref_slice %arg6[%dma_start3A_522, %dma_start3A_524, %dma_start3A_525] : memref<2x800x64xf32, #tpu.memory_space<vmem>> -> memref<1x16x64xf32, #tpu.memory_space<vmem>>
    %dma_start3A_527 = tpu.memref_squeeze %dma_start3A_526 : memref<1x16x64xf32, #tpu.memory_space<vmem>> -> memref<16x64xf32, #tpu.memory_space<vmem>>
    %dma_start3A_528 = arith.constant 0 : i32
    %dma_start3A_529 = arith.constant 0 : i32
    %dma_start3A_530 = tpu.memref_slice %arg3[%dma_start3A_528, %dma_start3A_529] : memref<1000000x64xf32, #tpu.memory_space<hbm>> -> memref<1000000x64xf32, #tpu.memory_space<hbm>>
    %dma_start3A_531 = tpu.memref_slice %arg7[%dma_start3A_523] : memref<2x!tpu.dma_semaphore, #tpu.memory_space<semaphore_mem>> -> memref<1x!tpu.dma_semaphore, #tpu.memory_space<semaphore_mem>>
    %dma_start3A_532 = tpu.memref_squeeze %dma_start3A_531 : memref<1x!tpu.dma_semaphore, #tpu.memory_space<semaphore_mem>> -> memref<!tpu.dma_semaphore, #tpu.memory_space<semaphore_mem>>
    tpu.enqueue_indirect_dma source(%dma_start3A_530 : memref<1000000x64xf32, #tpu.memory_space<hbm>>) target(%dma_start3A_527 : memref<16x64xf32, #tpu.memory_space<vmem>>) offsets(%get3A_521 : vector<16xi32>) semaphore(%dma_start3A_532 : memref<!tpu.dma_semaphore, #tpu.memory_space<semaphore_mem>>)
    %get3A_533 = arith.constant 608 : index
    %get3A_534 = tpu.vector_load %arg5[%get3A_533] {strides = array<i32>} : memref<6400xi32, #tpu.memory_space<vmem>>, vector<16xi32>,
    %get3A_535 = vector.shape_cast %get3A_534 : vector<16xi32> to vector<16xi32>
    %dma_start3A_536 = arith.constant 0 : i32
    %dma_start3A_537 = arith.constant 0 : i32
    %dma_start3A_538 = arith.constant 608 : i32
    %dma_start3A_539 = arith.constant 0 : i32
    %dma_start3A_540 = tpu.memref_slice %arg6[%dma_start3A_536, %dma_start3A_538, %dma_start3A_539] : memref<2x800x64xf32, #tpu.memory_space<vmem>> -> memref<1x16x64xf32, #tpu.memory_space<vmem>>
    %dma_start3A_541 = tpu.memref_squeeze %dma_start3A_540 : memref<1x16x64xf32, #tpu.memory_space<vmem>> -> memref<16x64xf32, #tpu.memory_space<vmem>>
    %dma_start3A_542 = arith.constant 0 : i32
    %dma_start3A_543 = arith.constant 0 : i32
    %dma_start3A_544 = tpu.memref_slice %arg3[%dma_start3A_542, %dma_start3A_543] : memref<1000000x64xf32, #tpu.memory_space<hbm>> -> memref<1000000x64xf32, #tpu.memory_space<hbm>>
    %dma_start3A_545 = tpu.memref_slice %arg7[%dma_start3A_537] : memref<2x!tpu.dma_semaphore, #tpu.memory_space<semaphore_mem>> -> memref<1x!tpu.dma_semaphore, #tpu.memory_space<semaphore_mem>>
    %dma_start3A_546 = tpu.memref_squeeze %dma_start3A_545 : memref<1x!tpu.dma_semaphore, #tpu.memory_space<semaphore_mem>> -> memref<!tpu.dma_semaphore, #tpu.memory_space<semaphore_mem>>
    tpu.enqueue_indirect_dma source(%dma_start3A_544 : memref<1000000x64xf32, #tpu.memory_space<hbm>>) target(%dma_start3A_541 : memref<16x64xf32, #tpu.memory_space<vmem>>) offsets(%get3A_535 : vector<16xi32>) semaphore(%dma_start3A_546 : memref<!tpu.dma_semaphore, #tpu.memory_space<semaphore_mem>>)
    %get3A_547 = arith.constant 624 : index
    %get3A_548 = tpu.vector_load %arg5[%get3A_547] {strides = array<i32>} : memref<6400xi32, #tpu.memory_space<vmem>>, vector<16xi32>,
    %get3A_549 = vector.shape_cast %get3A_548 : vector<16xi32> to vector<16xi32>
    %dma_start3A_550 = arith.constant 0 : i32
    %dma_start3A_551 = arith.constant 0 : i32
    %dma_start3A_552 = arith.constant 624 : i32
    %dma_start3A_553 = arith.constant 0 : i32
    %dma_start3A_554 = tpu.memref_slice %arg6[%dma_start3A_550, %dma_start3A_552, %dma_start3A_553] : memref<2x800x64xf32, #tpu.memory_space<vmem>> -> memref<1x16x64xf32, #tpu.memory_space<vmem>>
    %dma_start3A_555 = tpu.memref_squeeze %dma_start3A_554 : memref<1x16x64xf32, #tpu.memory_space<vmem>> -> memref<16x64xf32, #tpu.memory_space<vmem>>
    %dma_start3A_556 = arith.constant 0 : i32
    %dma_start3A_557 = arith.constant 0 : i32
    %dma_start3A_558 = tpu.memref_slice %arg3[%dma_start3A_556, %dma_start3A_557] : memref<1000000x64xf32, #tpu.memory_space<hbm>> -> memref<1000000x64xf32, #tpu.memory_space<hbm>>
    %dma_start3A_559 = tpu.memref_slice %arg7[%dma_start3A_551] : memref<2x!tpu.dma_semaphore, #tpu.memory_space<semaphore_mem>> -> memref<1x!tpu.dma_semaphore, #tpu.memory_space<semaphore_mem>>
    %dma_start3A_560 = tpu.memref_squeeze %dma_start3A_559 : memref<1x!tpu.dma_semaphore, #tpu.memory_space<semaphore_mem>> -> memref<!tpu.dma_semaphore, #tpu.memory_space<semaphore_mem>>
    tpu.enqueue_indirect_dma source(%dma_start3A_558 : memref<1000000x64xf32, #tpu.memory_space<hbm>>) target(%dma_start3A_555 : memref<16x64xf32, #tpu.memory_space<vmem>>) offsets(%get3A_549 : vector<16xi32>) semaphore(%dma_start3A_560 : memref<!tpu.dma_semaphore, #tpu.memory_space<semaphore_mem>>)
    %get3A_561 = arith.constant 640 : index
    %get3A_562 = tpu.vector_load %arg5[%get3A_561] {strides = array<i32>} : memref<6400xi32, #tpu.memory_space<vmem>>, vector<16xi32>,
    %get3A_563 = vector.shape_cast %get3A_562 : vector<16xi32> to vector<16xi32>
    %dma_start3A_564 = arith.constant 0 : i32
    %dma_start3A_565 = arith.constant 0 : i32
    %dma_start3A_566 = arith.constant 640 : i32
    %dma_start3A_567 = arith.constant 0 : i32
    %dma_start3A_568 = tpu.memref_slice %arg6[%dma_start3A_564, %dma_start3A_566, %dma_start3A_567] : memref<2x800x64xf32, #tpu.memory_space<vmem>> -> memref<1x16x64xf32, #tpu.memory_space<vmem>>
    %dma_start3A_569 = tpu.memref_squeeze %dma_start3A_568 : memref<1x16x64xf32, #tpu.memory_space<vmem>> -> memref<16x64xf32, #tpu.memory_space<vmem>>
    %dma_start3A_570 = arith.constant 0 : i32
    %dma_start3A_571 = arith.constant 0 : i32
    %dma_start3A_572 = tpu.memref_slice %arg3[%dma_start3A_570, %dma_start3A_571] : memref<1000000x64xf32, #tpu.memory_space<hbm>> -> memref<1000000x64xf32, #tpu.memory_space<hbm>>
    %dma_start3A_573 = tpu.memref_slice %arg7[%dma_start3A_565] : memref<2x!tpu.dma_semaphore, #tpu.memory_space<semaphore_mem>> -> memref<1x!tpu.dma_semaphore, #tpu.memory_space<semaphore_mem>>
    %dma_start3A_574 = tpu.memref_squeeze %dma_start3A_573 : memref<1x!tpu.dma_semaphore, #tpu.memory_space<semaphore_mem>> -> memref<!tpu.dma_semaphore, #tpu.memory_space<semaphore_mem>>
    tpu.enqueue_indirect_dma source(%dma_start3A_572 : memref<1000000x64xf32, #tpu.memory_space<hbm>>) target(%dma_start3A_569 : memref<16x64xf32, #tpu.memory_space<vmem>>) offsets(%get3A_563 : vector<16xi32>) semaphore(%dma_start3A_574 : memref<!tpu.dma_semaphore, #tpu.memory_space<semaphore_mem>>)
    %get3A_575 = arith.constant 656 : index
    %get3A_576 = tpu.vector_load %arg5[%get3A_575] {strides = array<i32>} : memref<6400xi32, #tpu.memory_space<vmem>>, vector<16xi32>,
    %get3A_577 = vector.shape_cast %get3A_576 : vector<16xi32> to vector<16xi32>
    %dma_start3A_578 = arith.constant 0 : i32
    %dma_start3A_579 = arith.constant 0 : i32
    %dma_start3A_580 = arith.constant 656 : i32
    %dma_start3A_581 = arith.constant 0 : i32
    %dma_start3A_582 = tpu.memref_slice %arg6[%dma_start3A_578, %dma_start3A_580, %dma_start3A_581] : memref<2x800x64xf32, #tpu.memory_space<vmem>> -> memref<1x16x64xf32, #tpu.memory_space<vmem>>
    %dma_start3A_583 = tpu.memref_squeeze %dma_start3A_582 : memref<1x16x64xf32, #tpu.memory_space<vmem>> -> memref<16x64xf32, #tpu.memory_space<vmem>>
    %dma_start3A_584 = arith.constant 0 : i32
    %dma_start3A_585 = arith.constant 0 : i32
    %dma_start3A_586 = tpu.memref_slice %arg3[%dma_start3A_584, %dma_start3A_585] : memref<1000000x64xf32, #tpu.memory_space<hbm>> -> memref<1000000x64xf32, #tpu.memory_space<hbm>>
    %dma_start3A_587 = tpu.memref_slice %arg7[%dma_start3A_579] : memref<2x!tpu.dma_semaphore, #tpu.memory_space<semaphore_mem>> -> memref<1x!tpu.dma_semaphore, #tpu.memory_space<semaphore_mem>>
    %dma_start3A_588 = tpu.memref_squeeze %dma_start3A_587 : memref<1x!tpu.dma_semaphore, #tpu.memory_space<semaphore_mem>> -> memref<!tpu.dma_semaphore, #tpu.memory_space<semaphore_mem>>
    tpu.enqueue_indirect_dma source(%dma_start3A_586 : memref<1000000x64xf32, #tpu.memory_space<hbm>>) target(%dma_start3A_583 : memref<16x64xf32, #tpu.memory_space<vmem>>) offsets(%get3A_577 : vector<16xi32>) semaphore(%dma_start3A_588 : memref<!tpu.dma_semaphore, #tpu.memory_space<semaphore_mem>>)
    %get3A_589 = arith.constant 672 : index
    %get3A_590 = tpu.vector_load %arg5[%get3A_589] {strides = array<i32>} : memref<6400xi32, #tpu.memory_space<vmem>>, vector<16xi32>,
    %get3A_591 = vector.shape_cast %get3A_590 : vector<16xi32> to vector<16xi32>
    %dma_start3A_592 = arith.constant 0 : i32
    %dma_start3A_593 = arith.constant 0 : i32
    %dma_start3A_594 = arith.constant 672 : i32
    %dma_start3A_595 = arith.constant 0 : i32
    %dma_start3A_596 = tpu.memref_slice %arg6[%dma_start3A_592, %dma_start3A_594, %dma_start3A_595] : memref<2x800x64xf32, #tpu.memory_space<vmem>> -> memref<1x16x64xf32, #tpu.memory_space<vmem>>
    %dma_start3A_597 = tpu.memref_squeeze %dma_start3A_596 : memref<1x16x64xf32, #tpu.memory_space<vmem>> -> memref<16x64xf32, #tpu.memory_space<vmem>>
    %dma_start3A_598 = arith.constant 0 : i32
    %dma_start3A_599 = arith.constant 0 : i32
    %dma_start3A_600 = tpu.memref_slice %arg3[%dma_start3A_598, %dma_start3A_599] : memref<1000000x64xf32, #tpu.memory_space<hbm>> -> memref<1000000x64xf32, #tpu.memory_space<hbm>>
    %dma_start3A_601 = tpu.memref_slice %arg7[%dma_start3A_593] : memref<2x!tpu.dma_semaphore, #tpu.memory_space<semaphore_mem>> -> memref<1x!tpu.dma_semaphore, #tpu.memory_space<semaphore_mem>>
    %dma_start3A_602 = tpu.memref_squeeze %dma_start3A_601 : memref<1x!tpu.dma_semaphore, #tpu.memory_space<semaphore_mem>> -> memref<!tpu.dma_semaphore, #tpu.memory_space<semaphore_mem>>
    tpu.enqueue_indirect_dma source(%dma_start3A_600 : memref<1000000x64xf32, #tpu.memory_space<hbm>>) target(%dma_start3A_597 : memref<16x64xf32, #tpu.memory_space<vmem>>) offsets(%get3A_591 : vector<16xi32>) semaphore(%dma_start3A_602 : memref<!tpu.dma_semaphore, #tpu.memory_space<semaphore_mem>>)
    %get3A_603 = arith.constant 688 : index
    %get3A_604 = tpu.vector_load %arg5[%get3A_603] {strides = array<i32>} : memref<6400xi32, #tpu.memory_space<vmem>>, vector<16xi32>,
    %get3A_605 = vector.shape_cast %get3A_604 : vector<16xi32> to vector<16xi32>
    %dma_start3A_606 = arith.constant 0 : i32
    %dma_start3A_607 = arith.constant 0 : i32
    %dma_start3A_608 = arith.constant 688 : i32
    %dma_start3A_609 = arith.constant 0 : i32
    %dma_start3A_610 = tpu.memref_slice %arg6[%dma_start3A_606, %dma_start3A_608, %dma_start3A_609] : memref<2x800x64xf32, #tpu.memory_space<vmem>> -> memref<1x16x64xf32, #tpu.memory_space<vmem>>
    %dma_start3A_611 = tpu.memref_squeeze %dma_start3A_610 : memref<1x16x64xf32, #tpu.memory_space<vmem>> -> memref<16x64xf32, #tpu.memory_space<vmem>>
    %dma_start3A_612 = arith.constant 0 : i32
    %dma_start3A_613 = arith.constant 0 : i32
    %dma_start3A_614 = tpu.memref_slice %arg3[%dma_start3A_612, %dma_start3A_613] : memref<1000000x64xf32, #tpu.memory_space<hbm>> -> memref<1000000x64xf32, #tpu.memory_space<hbm>>
    %dma_start3A_615 = tpu.memref_slice %arg7[%dma_start3A_607] : memref<2x!tpu.dma_semaphore, #tpu.memory_space<semaphore_mem>> -> memref<1x!tpu.dma_semaphore, #tpu.memory_space<semaphore_mem>>
    %dma_start3A_616 = tpu.memref_squeeze %dma_start3A_615 : memref<1x!tpu.dma_semaphore, #tpu.memory_space<semaphore_mem>> -> memref<!tpu.dma_semaphore, #tpu.memory_space<semaphore_mem>>
    tpu.enqueue_indirect_dma source(%dma_start3A_614 : memref<1000000x64xf32, #tpu.memory_space<hbm>>) target(%dma_start3A_611 : memref<16x64xf32, #tpu.memory_space<vmem>>) offsets(%get3A_605 : vector<16xi32>) semaphore(%dma_start3A_616 : memref<!tpu.dma_semaphore, #tpu.memory_space<semaphore_mem>>)
    %get3A_617 = arith.constant 704 : index
    %get3A_618 = tpu.vector_load %arg5[%get3A_617] {strides = array<i32>} : memref<6400xi32, #tpu.memory_space<vmem>>, vector<16xi32>,
    %get3A_619 = vector.shape_cast %get3A_618 : vector<16xi32> to vector<16xi32>
    %dma_start3A_620 = arith.constant 0 : i32
    %dma_start3A_621 = arith.constant 0 : i32
    %dma_start3A_622 = arith.constant 704 : i32
    %dma_start3A_623 = arith.constant 0 : i32
    %dma_start3A_624 = tpu.memref_slice %arg6[%dma_start3A_620, %dma_start3A_622, %dma_start3A_623] : memref<2x800x64xf32, #tpu.memory_space<vmem>> -> memref<1x16x64xf32, #tpu.memory_space<vmem>>
    %dma_start3A_625 = tpu.memref_squeeze %dma_start3A_624 : memref<1x16x64xf32, #tpu.memory_space<vmem>> -> memref<16x64xf32, #tpu.memory_space<vmem>>
    %dma_start3A_626 = arith.constant 0 : i32
    %dma_start3A_627 = arith.constant 0 : i32
    %dma_start3A_628 = tpu.memref_slice %arg3[%dma_start3A_626, %dma_start3A_627] : memref<1000000x64xf32, #tpu.memory_space<hbm>> -> memref<1000000x64xf32, #tpu.memory_space<hbm>>
    %dma_start3A_629 = tpu.memref_slice %arg7[%dma_start3A_621] : memref<2x!tpu.dma_semaphore, #tpu.memory_space<semaphore_mem>> -> memref<1x!tpu.dma_semaphore, #tpu.memory_space<semaphore_mem>>
    %dma_start3A_630 = tpu.memref_squeeze %dma_start3A_629 : memref<1x!tpu.dma_semaphore, #tpu.memory_space<semaphore_mem>> -> memref<!tpu.dma_semaphore, #tpu.memory_space<semaphore_mem>>
    tpu.enqueue_indirect_dma source(%dma_start3A_628 : memref<1000000x64xf32, #tpu.memory_space<hbm>>) target(%dma_start3A_625 : memref<16x64xf32, #tpu.memory_space<vmem>>) offsets(%get3A_619 : vector<16xi32>) semaphore(%dma_start3A_630 : memref<!tpu.dma_semaphore, #tpu.memory_space<semaphore_mem>>)
    %get3A_631 = arith.constant 720 : index
    %get3A_632 = tpu.vector_load %arg5[%get3A_631] {strides = array<i32>} : memref<6400xi32, #tpu.memory_space<vmem>>, vector<16xi32>,
    %get3A_633 = vector.shape_cast %get3A_632 : vector<16xi32> to vector<16xi32>
    %dma_start3A_634 = arith.constant 0 : i32
    %dma_start3A_635 = arith.constant 0 : i32
    %dma_start3A_636 = arith.constant 720 : i32
    %dma_start3A_637 = arith.constant 0 : i32
    %dma_start3A_638 = tpu.memref_slice %arg6[%dma_start3A_634, %dma_start3A_636, %dma_start3A_637] : memref<2x800x64xf32, #tpu.memory_space<vmem>> -> memref<1x16x64xf32, #tpu.memory_space<vmem>>
    %dma_start3A_639 = tpu.memref_squeeze %dma_start3A_638 : memref<1x16x64xf32, #tpu.memory_space<vmem>> -> memref<16x64xf32, #tpu.memory_space<vmem>>
    %dma_start3A_640 = arith.constant 0 : i32
    %dma_start3A_641 = arith.constant 0 : i32
    %dma_start3A_642 = tpu.memref_slice %arg3[%dma_start3A_640, %dma_start3A_641] : memref<1000000x64xf32, #tpu.memory_space<hbm>> -> memref<1000000x64xf32, #tpu.memory_space<hbm>>
    %dma_start3A_643 = tpu.memref_slice %arg7[%dma_start3A_635] : memref<2x!tpu.dma_semaphore, #tpu.memory_space<semaphore_mem>> -> memref<1x!tpu.dma_semaphore, #tpu.memory_space<semaphore_mem>>
    %dma_start3A_644 = tpu.memref_squeeze %dma_start3A_643 : memref<1x!tpu.dma_semaphore, #tpu.memory_space<semaphore_mem>> -> memref<!tpu.dma_semaphore, #tpu.memory_space<semaphore_mem>>
    tpu.enqueue_indirect_dma source(%dma_start3A_642 : memref<1000000x64xf32, #tpu.memory_space<hbm>>) target(%dma_start3A_639 : memref<16x64xf32, #tpu.memory_space<vmem>>) offsets(%get3A_633 : vector<16xi32>) semaphore(%dma_start3A_644 : memref<!tpu.dma_semaphore, #tpu.memory_space<semaphore_mem>>)
    %get3A_645 = arith.constant 736 : index
    %get3A_646 = tpu.vector_load %arg5[%get3A_645] {strides = array<i32>} : memref<6400xi32, #tpu.memory_space<vmem>>, vector<16xi32>,
    %get3A_647 = vector.shape_cast %get3A_646 : vector<16xi32> to vector<16xi32>
    %dma_start3A_648 = arith.constant 0 : i32
    %dma_start3A_649 = arith.constant 0 : i32
    %dma_start3A_650 = arith.constant 736 : i32
    %dma_start3A_651 = arith.constant 0 : i32
    %dma_start3A_652 = tpu.memref_slice %arg6[%dma_start3A_648, %dma_start3A_650, %dma_start3A_651] : memref<2x800x64xf32, #tpu.memory_space<vmem>> -> memref<1x16x64xf32, #tpu.memory_space<vmem>>
    %dma_start3A_653 = tpu.memref_squeeze %dma_start3A_652 : memref<1x16x64xf32, #tpu.memory_space<vmem>> -> memref<16x64xf32, #tpu.memory_space<vmem>>
    %dma_start3A_654 = arith.constant 0 : i32
    %dma_start3A_655 = arith.constant 0 : i32
    %dma_start3A_656 = tpu.memref_slice %arg3[%dma_start3A_654, %dma_start3A_655] : memref<1000000x64xf32, #tpu.memory_space<hbm>> -> memref<1000000x64xf32, #tpu.memory_space<hbm>>
    %dma_start3A_657 = tpu.memref_slice %arg7[%dma_start3A_649] : memref<2x!tpu.dma_semaphore, #tpu.memory_space<semaphore_mem>> -> memref<1x!tpu.dma_semaphore, #tpu.memory_space<semaphore_mem>>
    %dma_start3A_658 = tpu.memref_squeeze %dma_start3A_657 : memref<1x!tpu.dma_semaphore, #tpu.memory_space<semaphore_mem>> -> memref<!tpu.dma_semaphore, #tpu.memory_space<semaphore_mem>>
    tpu.enqueue_indirect_dma source(%dma_start3A_656 : memref<1000000x64xf32, #tpu.memory_space<hbm>>) target(%dma_start3A_653 : memref<16x64xf32, #tpu.memory_space<vmem>>) offsets(%get3A_647 : vector<16xi32>) semaphore(%dma_start3A_658 : memref<!tpu.dma_semaphore, #tpu.memory_space<semaphore_mem>>)
    %get3A_659 = arith.constant 752 : index
    %get3A_660 = tpu.vector_load %arg5[%get3A_659] {strides = array<i32>} : memref<6400xi32, #tpu.memory_space<vmem>>, vector<16xi32>,
    %get3A_661 = vector.shape_cast %get3A_660 : vector<16xi32> to vector<16xi32>
    %dma_start3A_662 = arith.constant 0 : i32
    %dma_start3A_663 = arith.constant 0 : i32
    %dma_start3A_664 = arith.constant 752 : i32
    %dma_start3A_665 = arith.constant 0 : i32
    %dma_start3A_666 = tpu.memref_slice %arg6[%dma_start3A_662, %dma_start3A_664, %dma_start3A_665] : memref<2x800x64xf32, #tpu.memory_space<vmem>> -> memref<1x16x64xf32, #tpu.memory_space<vmem>>
    %dma_start3A_667 = tpu.memref_squeeze %dma_start3A_666 : memref<1x16x64xf32, #tpu.memory_space<vmem>> -> memref<16x64xf32, #tpu.memory_space<vmem>>
    %dma_start3A_668 = arith.constant 0 : i32
    %dma_start3A_669 = arith.constant 0 : i32
    %dma_start3A_670 = tpu.memref_slice %arg3[%dma_start3A_668, %dma_start3A_669] : memref<1000000x64xf32, #tpu.memory_space<hbm>> -> memref<1000000x64xf32, #tpu.memory_space<hbm>>
    %dma_start3A_671 = tpu.memref_slice %arg7[%dma_start3A_663] : memref<2x!tpu.dma_semaphore, #tpu.memory_space<semaphore_mem>> -> memref<1x!tpu.dma_semaphore, #tpu.memory_space<semaphore_mem>>
    %dma_start3A_672 = tpu.memref_squeeze %dma_start3A_671 : memref<1x!tpu.dma_semaphore, #tpu.memory_space<semaphore_mem>> -> memref<!tpu.dma_semaphore, #tpu.memory_space<semaphore_mem>>
    tpu.enqueue_indirect_dma source(%dma_start3A_670 : memref<1000000x64xf32, #tpu.memory_space<hbm>>) target(%dma_start3A_667 : memref<16x64xf32, #tpu.memory_space<vmem>>) offsets(%get3A_661 : vector<16xi32>) semaphore(%dma_start3A_672 : memref<!tpu.dma_semaphore, #tpu.memory_space<semaphore_mem>>)
    %get3A_673 = arith.constant 768 : index
    %get3A_674 = tpu.vector_load %arg5[%get3A_673] {strides = array<i32>} : memref<6400xi32, #tpu.memory_space<vmem>>, vector<16xi32>,
    %get3A_675 = vector.shape_cast %get3A_674 : vector<16xi32> to vector<16xi32>
    %dma_start3A_676 = arith.constant 0 : i32
    %dma_start3A_677 = arith.constant 0 : i32
    %dma_start3A_678 = arith.constant 768 : i32
    %dma_start3A_679 = arith.constant 0 : i32
    %dma_start3A_680 = tpu.memref_slice %arg6[%dma_start3A_676, %dma_start3A_678, %dma_start3A_679] : memref<2x800x64xf32, #tpu.memory_space<vmem>> -> memref<1x16x64xf32, #tpu.memory_space<vmem>>
    %dma_start3A_681 = tpu.memref_squeeze %dma_start3A_680 : memref<1x16x64xf32, #tpu.memory_space<vmem>> -> memref<16x64xf32, #tpu.memory_space<vmem>>
    %dma_start3A_682 = arith.constant 0 : i32
    %dma_start3A_683 = arith.constant 0 : i32
    %dma_start3A_684 = tpu.memref_slice %arg3[%dma_start3A_682, %dma_start3A_683] : memref<1000000x64xf32, #tpu.memory_space<hbm>> -> memref<1000000x64xf32, #tpu.memory_space<hbm>>
    %dma_start3A_685 = tpu.memref_slice %arg7[%dma_start3A_677] : memref<2x!tpu.dma_semaphore, #tpu.memory_space<semaphore_mem>> -> memref<1x!tpu.dma_semaphore, #tpu.memory_space<semaphore_mem>>
    %dma_start3A_686 = tpu.memref_squeeze %dma_start3A_685 : memref<1x!tpu.dma_semaphore, #tpu.memory_space<semaphore_mem>> -> memref<!tpu.dma_semaphore, #tpu.memory_space<semaphore_mem>>
    tpu.enqueue_indirect_dma source(%dma_start3A_684 : memref<1000000x64xf32, #tpu.memory_space<hbm>>) target(%dma_start3A_681 : memref<16x64xf32, #tpu.memory_space<vmem>>) offsets(%get3A_675 : vector<16xi32>) semaphore(%dma_start3A_686 : memref<!tpu.dma_semaphore, #tpu.memory_space<semaphore_mem>>)
    %get3A_687 = arith.constant 784 : index
    %get3A_688 = tpu.vector_load %arg5[%get3A_687] {strides = array<i32>} : memref<6400xi32, #tpu.memory_space<vmem>>, vector<16xi32>,
    %get3A_689 = vector.shape_cast %get3A_688 : vector<16xi32> to vector<16xi32>
    %dma_start3A_690 = arith.constant 0 : i32
    %dma_start3A_691 = arith.constant 0 : i32
    %dma_start3A_692 = arith.constant 784 : i32
    %dma_start3A_693 = arith.constant 0 : i32
    %dma_start3A_694 = tpu.memref_slice %arg6[%dma_start3A_690, %dma_start3A_692, %dma_start3A_693] : memref<2x800x64xf32, #tpu.memory_space<vmem>> -> memref<1x16x64xf32, #tpu.memory_space<vmem>>
    %dma_start3A_695 = tpu.memref_squeeze %dma_start3A_694 : memref<1x16x64xf32, #tpu.memory_space<vmem>> -> memref<16x64xf32, #tpu.memory_space<vmem>>
    %dma_start3A_696 = arith.constant 0 : i32
    %dma_start3A_697 = arith.constant 0 : i32
    %dma_start3A_698 = tpu.memref_slice %arg3[%dma_start3A_696, %dma_start3A_697] : memref<1000000x64xf32, #tpu.memory_space<hbm>> -> memref<1000000x64xf32, #tpu.memory_space<hbm>>
    %dma_start3A_699 = tpu.memref_slice %arg7[%dma_start3A_691] : memref<2x!tpu.dma_semaphore, #tpu.memory_space<semaphore_mem>> -> memref<1x!tpu.dma_semaphore, #tpu.memory_space<semaphore_mem>>
    %dma_start3A_700 = tpu.memref_squeeze %dma_start3A_699 : memref<1x!tpu.dma_semaphore, #tpu.memory_space<semaphore_mem>> -> memref<!tpu.dma_semaphore, #tpu.memory_space<semaphore_mem>>
    tpu.enqueue_indirect_dma source(%dma_start3A_698 : memref<1000000x64xf32, #tpu.memory_space<hbm>>) target(%dma_start3A_695 : memref<16x64xf32, #tpu.memory_space<vmem>>) offsets(%get3A_689 : vector<16xi32>) semaphore(%dma_start3A_700 : memref<!tpu.dma_semaphore, #tpu.memory_space<semaphore_mem>>)
    %scan3A = arith.constant 0 : i32
    %scan3A_701 = arith.constant 4 : i32
    %scan3A_702 = arith.addi %scan3A, %scan3A_701 : i32
    %scan3A_703 = arith.constant 1 : i32
    scf.for %scan3A_740 = %scan3A to %scan3A_702 step %scan3A_703  : i32 {
      %mul3A_741 = arith.constant 1 : i32
      %mul3A_742 = arith.muli %scan3A_740, %mul3A_741 : i32
      %add3A_743 = arith.constant 0 : i32
      %add3A_744 = arith.addi %add3A_743, %mul3A_742 : i32
      %mul3A_745 = arith.constant 2 : i32
      %mul3A_746 = arith.muli %add3A_744, %mul3A_745 : i32
      %add3A_747 = arith.constant 0 : i32
      %add3A_748 = arith.addi %mul3A_746, %add3A_747 : i32
      %gt3A = arith.constant 0 : i32
      %gt3A_749 = arith.cmpi sgt, %add3A_744, %gt3A : i32
      %convert_element_type3A = arith.extui %gt3A_749 : i1 to i32
      %cond3A = arith.constant 0 : i32
      %cond3A_750 = arith.cmpi ne, %convert_element_type3A, %cond3A : i32
      scf.if %cond3A_750 {
        %sub3A_1614 = arith.constant 1 : i32
        %sub3A_1615 = arith.subi %add3A_748, %sub3A_1614 : i32
        %mul3A_1616 = arith.constant 800 : i32
        %mul3A_1617 = arith.muli %sub3A_1615, %mul3A_1616 : i32
        %add3A_1618 = arith.addi %mul3A_2, %mul3A_1617 : i32
        %jit3A_1619 = arith.constant 50 : i32
        %div3A_1620 = arith.divsi %add3A_1618, %jit3A_1619 : i32
        %sign3A_1621 = arith.constant 0 : i32
        %sign3A_1622 = arith.cmpi sgt, %add3A_1618, %sign3A_1621 : i32
        %sign3A_1623 = arith.extui %sign3A_1622 : i1 to i32
        %sign3A_1624 = arith.constant 0 : i32
        %sign3A_1625 = arith.cmpi slt, %add3A_1618, %sign3A_1624 : i32
        %sign3A_1626 = arith.extui %sign3A_1625 : i1 to i32
        %sign3A_1627 = arith.subi %sign3A_1623, %sign3A_1626 : i32
        %sign3A_1628 = arith.constant 0 : i32
        %sign3A_1629 = arith.cmpi sgt, %jit3A_1619, %sign3A_1628 : i32
        %sign3A_1630 = arith.extui %sign3A_1629 : i1 to i32
        %sign3A_1631 = arith.constant 0 : i32
        %sign3A_1632 = arith.cmpi slt, %jit3A_1619, %sign3A_1631 : i32
        %sign3A_1633 = arith.extui %sign3A_1632 : i1 to i32
        %sign3A_1634 = arith.subi %sign3A_1630, %sign3A_1633 : i32
        %ne3A_1635 = arith.cmpi ne, %sign3A_1627, %sign3A_1634 : i32
        %rem3A_1636 = arith.remsi %add3A_1618, %jit3A_1619 : i32
        %ne3A_1637 = arith.constant 0 : i32
        %ne3A_1638 = arith.cmpi ne, %rem3A_1636, %ne3A_1637 : i32
        %and3A_1639 = arith.andi %ne3A_1635, %ne3A_1638 : i1
        %sub3A_1640 = arith.constant 1 : i32
        %sub3A_1641 = arith.subi %div3A_1620, %sub3A_1640 : i32
        %select_n3A_1642 = arith.select %and3A_1639, %sub3A_1641, %div3A_1620 : i32
        %dma_wait3A_1643 = arith.constant 1 : i32
        %dma_wait3A_1644 = arith.constant 1 : i32
        %dma_wait3A_1645 = arith.constant 0 : i32
        %dma_wait3A_1646 = arith.constant 0 : i32
        %dma_wait3A_1647 = tpu.memref_slice %arg6[%dma_wait3A_1643, %dma_wait3A_1645, %dma_wait3A_1646] : memref<2x800x64xf32, #tpu.memory_space<vmem>> -> memref<1x800x64xf32, #tpu.memory_space<vmem>>
        %dma_wait3A_1648 = tpu.memref_squeeze %dma_wait3A_1647 : memref<1x800x64xf32, #tpu.memory_space<vmem>> -> memref<800x64xf32, #tpu.memory_space<vmem>>
        %dma_wait3A_1649 = arith.constant 0 : i32
        %dma_wait3A_1650 = arith.constant 0 : i32
        %dma_wait3A_1651 = tpu.memref_slice %arg4[%select_n3A_1642, %dma_wait3A_1649, %dma_wait3A_1650] : memref<4096x50x64xf32, #tpu.memory_space<hbm>> -> memref<16x50x64xf32, #tpu.memory_space<hbm>>
        %dma_wait3A_1652 = tpu.memref_slice %arg8[%dma_wait3A_1644] : memref<2x!tpu.dma_semaphore, #tpu.memory_space<semaphore_mem>> -> memref<1x!tpu.dma_semaphore, #tpu.memory_space<semaphore_mem>>
        %dma_wait3A_1653 = tpu.memref_squeeze %dma_wait3A_1652 : memref<1x!tpu.dma_semaphore, #tpu.memory_space<semaphore_mem>> -> memref<!tpu.dma_semaphore, #tpu.memory_space<semaphore_mem>>
        %dma_wait3A_1654 = arith.constant 0 : i32
        %dma_wait3A_1655 = arith.constant 0 : i32
        %dma_wait3A_1656 = tpu.memref_slice %arg4[%select_n3A_1642, %dma_wait3A_1654, %dma_wait3A_1655] : memref<4096x50x64xf32, #tpu.memory_space<hbm>> -> memref<16x50x64xf32, #tpu.memory_space<hbm>>
        %dma_wait3A_1657 = arith.constant 0 : i32
        %dma_wait3A_1658 = arith.constant 0 : i32
        %dma_wait3A_1659 = tpu.memref_slice %arg6[%dma_wait3A_1643, %dma_wait3A_1657, %dma_wait3A_1658] : memref<2x800x64xf32, #tpu.memory_space<vmem>> -> memref<1x800x64xf32, #tpu.memory_space<vmem>>
        %dma_wait3A_1660 = tpu.memref_squeeze %dma_wait3A_1659 : memref<1x800x64xf32, #tpu.memory_space<vmem>> -> memref<800x64xf32, #tpu.memory_space<vmem>>
        tpu.wait_dma2 semaphore(%dma_wait3A_1653 : memref<!tpu.dma_semaphore, #tpu.memory_space<semaphore_mem>>) src(%dma_wait3A_1660 : memref<800x64xf32, #tpu.memory_space<vmem>>) dst(%dma_wait3A_1656 : memref<16x50x64xf32, #tpu.memory_space<hbm>>)
      } else {
      }
      %add3A_751 = arith.constant 1 : i32
      %add3A_752 = arith.addi %add3A_748, %add3A_751 : i32
      %lt3A = arith.constant 8 : i32
      %lt3A_753 = arith.cmpi slt, %add3A_752, %lt3A : i32
      %convert_element_type3A_754 = arith.extui %lt3A_753 : i1 to i32
      %cond3A_755 = arith.constant 0 : i32
      %cond3A_756 = arith.cmpi ne, %convert_element_type3A_754, %cond3A_755 : i32
      scf.if %cond3A_756 {
        %add3A_1614 = arith.constant 1 : i32
        %add3A_1615 = arith.addi %add3A_748, %add3A_1614 : i32
        %mul3A_1616 = arith.constant 800 : i32
        %mul3A_1617 = arith.muli %add3A_1615, %mul3A_1616 : i32
        %add3A_1618 = arith.constant 0 : i32
        %add3A_1619 = arith.addi %mul3A_1617, %add3A_1618 : i32
        %get3A_1620 = arith.index_cast %add3A_1619 : i32 to index
        %get3A_1621 = tpu.vector_load %arg5[%get3A_1620] {strides = array<i32>} : memref<6400xi32, #tpu.memory_space<vmem>>, vector<16xi32>,
        %get3A_1622 = vector.shape_cast %get3A_1621 : vector<16xi32> to vector<16xi32>
        %dma_start3A_1623 = arith.constant 1 : i32
        %dma_start3A_1624 = arith.constant 1 : i32
        %dma_start3A_1625 = arith.constant 0 : i32
        %dma_start3A_1626 = arith.constant 0 : i32
        %dma_start3A_1627 = tpu.memref_slice %arg6[%dma_start3A_1623, %dma_start3A_1625, %dma_start3A_1626] : memref<2x800x64xf32, #tpu.memory_space<vmem>> -> memref<1x16x64xf32, #tpu.memory_space<vmem>>
        %dma_start3A_1628 = tpu.memref_squeeze %dma_start3A_1627 : memref<1x16x64xf32, #tpu.memory_space<vmem>> -> memref<16x64xf32, #tpu.memory_space<vmem>>
        %dma_start3A_1629 = arith.constant 0 : i32
        %dma_start3A_1630 = arith.constant 0 : i32
        %dma_start3A_1631 = tpu.memref_slice %arg3[%dma_start3A_1629, %dma_start3A_1630] : memref<1000000x64xf32, #tpu.memory_space<hbm>> -> memref<1000000x64xf32, #tpu.memory_space<hbm>>
        %dma_start3A_1632 = tpu.memref_slice %arg7[%dma_start3A_1624] : memref<2x!tpu.dma_semaphore, #tpu.memory_space<semaphore_mem>> -> memref<1x!tpu.dma_semaphore, #tpu.memory_space<semaphore_mem>>
        %dma_start3A_1633 = tpu.memref_squeeze %dma_start3A_1632 : memref<1x!tpu.dma_semaphore, #tpu.memory_space<semaphore_mem>> -> memref<!tpu.dma_semaphore, #tpu.memory_space<semaphore_mem>>
        tpu.enqueue_indirect_dma source(%dma_start3A_1631 : memref<1000000x64xf32, #tpu.memory_space<hbm>>) target(%dma_start3A_1628 : memref<16x64xf32, #tpu.memory_space<vmem>>) offsets(%get3A_1622 : vector<16xi32>) semaphore(%dma_start3A_1633 : memref<!tpu.dma_semaphore, #tpu.memory_space<semaphore_mem>>)
        %mul3A_1634 = arith.constant 800 : i32
        %mul3A_1635 = arith.muli %add3A_1615, %mul3A_1634 : i32
        %add3A_1636 = arith.constant 16 : i32
        %add3A_1637 = arith.addi %mul3A_1635, %add3A_1636 : i32
        %get3A_1638 = arith.index_cast %add3A_1637 : i32 to index
        %get3A_1639 = tpu.vector_load %arg5[%get3A_1638] {strides = array<i32>} : memref<6400xi32, #tpu.memory_space<vmem>>, vector<16xi32>,
        %get3A_1640 = vector.shape_cast %get3A_1639 : vector<16xi32> to vector<16xi32>
        %dma_start3A_1641 = arith.constant 1 : i32
        %dma_start3A_1642 = arith.constant 1 : i32
        %dma_start3A_1643 = arith.constant 16 : i32
        %dma_start3A_1644 = arith.constant 0 : i32
        %dma_start3A_1645 = tpu.memref_slice %arg6[%dma_start3A_1641, %dma_start3A_1643, %dma_start3A_1644] : memref<2x800x64xf32, #tpu.memory_space<vmem>> -> memref<1x16x64xf32, #tpu.memory_space<vmem>>
        %dma_start3A_1646 = tpu.memref_squeeze %dma_start3A_1645 : memref<1x16x64xf32, #tpu.memory_space<vmem>> -> memref<16x64xf32, #tpu.memory_space<vmem>>
        %dma_start3A_1647 = arith.constant 0 : i32
        %dma_start3A_1648 = arith.constant 0 : i32
        %dma_start3A_1649 = tpu.memref_slice %arg3[%dma_start3A_1647, %dma_start3A_1648] : memref<1000000x64xf32, #tpu.memory_space<hbm>> -> memref<1000000x64xf32, #tpu.memory_space<hbm>>
        %dma_start3A_1650 = tpu.memref_slice %arg7[%dma_start3A_1642] : memref<2x!tpu.dma_semaphore, #tpu.memory_space<semaphore_mem>> -> memref<1x!tpu.dma_semaphore, #tpu.memory_space<semaphore_mem>>
        %dma_start3A_1651 = tpu.memref_squeeze %dma_start3A_1650 : memref<1x!tpu.dma_semaphore, #tpu.memory_space<semaphore_mem>> -> memref<!tpu.dma_semaphore, #tpu.memory_space<semaphore_mem>>
        tpu.enqueue_indirect_dma source(%dma_start3A_1649 : memref<1000000x64xf32, #tpu.memory_space<hbm>>) target(%dma_start3A_1646 : memref<16x64xf32, #tpu.memory_space<vmem>>) offsets(%get3A_1640 : vector<16xi32>) semaphore(%dma_start3A_1651 : memref<!tpu.dma_semaphore, #tpu.memory_space<semaphore_mem>>)
        %mul3A_1652 = arith.constant 800 : i32
        %mul3A_1653 = arith.muli %add3A_1615, %mul3A_1652 : i32
        %add3A_1654 = arith.constant 32 : i32
        %add3A_1655 = arith.addi %mul3A_1653, %add3A_1654 : i32
        %get3A_1656 = arith.index_cast %add3A_1655 : i32 to index
        %get3A_1657 = tpu.vector_load %arg5[%get3A_1656] {strides = array<i32>} : memref<6400xi32, #tpu.memory_space<vmem>>, vector<16xi32>,
        %get3A_1658 = vector.shape_cast %get3A_1657 : vector<16xi32> to vector<16xi32>
        %dma_start3A_1659 = arith.constant 1 : i32
        %dma_start3A_1660 = arith.constant 1 : i32
        %dma_start3A_1661 = arith.constant 32 : i32
        %dma_start3A_1662 = arith.constant 0 : i32
        %dma_start3A_1663 = tpu.memref_slice %arg6[%dma_start3A_1659, %dma_start3A_1661, %dma_start3A_1662] : memref<2x800x64xf32, #tpu.memory_space<vmem>> -> memref<1x16x64xf32, #tpu.memory_space<vmem>>
        %dma_start3A_1664 = tpu.memref_squeeze %dma_start3A_1663 : memref<1x16x64xf32, #tpu.memory_space<vmem>> -> memref<16x64xf32, #tpu.memory_space<vmem>>
        %dma_start3A_1665 = arith.constant 0 : i32
        %dma_start3A_1666 = arith.constant 0 : i32
        %dma_start3A_1667 = tpu.memref_slice %arg3[%dma_start3A_1665, %dma_start3A_1666] : memref<1000000x64xf32, #tpu.memory_space<hbm>> -> memref<1000000x64xf32, #tpu.memory_space<hbm>>
        %dma_start3A_1668 = tpu.memref_slice %arg7[%dma_start3A_1660] : memref<2x!tpu.dma_semaphore, #tpu.memory_space<semaphore_mem>> -> memref<1x!tpu.dma_semaphore, #tpu.memory_space<semaphore_mem>>
        %dma_start3A_1669 = tpu.memref_squeeze %dma_start3A_1668 : memref<1x!tpu.dma_semaphore, #tpu.memory_space<semaphore_mem>> -> memref<!tpu.dma_semaphore, #tpu.memory_space<semaphore_mem>>
        tpu.enqueue_indirect_dma source(%dma_start3A_1667 : memref<1000000x64xf32, #tpu.memory_space<hbm>>) target(%dma_start3A_1664 : memref<16x64xf32, #tpu.memory_space<vmem>>) offsets(%get3A_1658 : vector<16xi32>) semaphore(%dma_start3A_1669 : memref<!tpu.dma_semaphore, #tpu.memory_space<semaphore_mem>>)
        %mul3A_1670 = arith.constant 800 : i32
        %mul3A_1671 = arith.muli %add3A_1615, %mul3A_1670 : i32
        %add3A_1672 = arith.constant 48 : i32
        %add3A_1673 = arith.addi %mul3A_1671, %add3A_1672 : i32
        %get3A_1674 = arith.index_cast %add3A_1673 : i32 to index
        %get3A_1675 = tpu.vector_load %arg5[%get3A_1674] {strides = array<i32>} : memref<6400xi32, #tpu.memory_space<vmem>>, vector<16xi32>,
        %get3A_1676 = vector.shape_cast %get3A_1675 : vector<16xi32> to vector<16xi32>
        %dma_start3A_1677 = arith.constant 1 : i32
        %dma_start3A_1678 = arith.constant 1 : i32
        %dma_start3A_1679 = arith.constant 48 : i32
        %dma_start3A_1680 = arith.constant 0 : i32
        %dma_start3A_1681 = tpu.memref_slice %arg6[%dma_start3A_1677, %dma_start3A_1679, %dma_start3A_1680] : memref<2x800x64xf32, #tpu.memory_space<vmem>> -> memref<1x16x64xf32, #tpu.memory_space<vmem>>
        %dma_start3A_1682 = tpu.memref_squeeze %dma_start3A_1681 : memref<1x16x64xf32, #tpu.memory_space<vmem>> -> memref<16x64xf32, #tpu.memory_space<vmem>>
        %dma_start3A_1683 = arith.constant 0 : i32
        %dma_start3A_1684 = arith.constant 0 : i32
        %dma_start3A_1685 = tpu.memref_slice %arg3[%dma_start3A_1683, %dma_start3A_1684] : memref<1000000x64xf32, #tpu.memory_space<hbm>> -> memref<1000000x64xf32, #tpu.memory_space<hbm>>
        %dma_start3A_1686 = tpu.memref_slice %arg7[%dma_start3A_1678] : memref<2x!tpu.dma_semaphore, #tpu.memory_space<semaphore_mem>> -> memref<1x!tpu.dma_semaphore, #tpu.memory_space<semaphore_mem>>
        %dma_start3A_1687 = tpu.memref_squeeze %dma_start3A_1686 : memref<1x!tpu.dma_semaphore, #tpu.memory_space<semaphore_mem>> -> memref<!tpu.dma_semaphore, #tpu.memory_space<semaphore_mem>>
        tpu.enqueue_indirect_dma source(%dma_start3A_1685 : memref<1000000x64xf32, #tpu.memory_space<hbm>>) target(%dma_start3A_1682 : memref<16x64xf32, #tpu.memory_space<vmem>>) offsets(%get3A_1676 : vector<16xi32>) semaphore(%dma_start3A_1687 : memref<!tpu.dma_semaphore, #tpu.memory_space<semaphore_mem>>)
        %mul3A_1688 = arith.constant 800 : i32
        %mul3A_1689 = arith.muli %add3A_1615, %mul3A_1688 : i32
        %add3A_1690 = arith.constant 64 : i32
        %add3A_1691 = arith.addi %mul3A_1689, %add3A_1690 : i32
        %get3A_1692 = arith.index_cast %add3A_1691 : i32 to index
        %get3A_1693 = tpu.vector_load %arg5[%get3A_1692] {strides = array<i32>} : memref<6400xi32, #tpu.memory_space<vmem>>, vector<16xi32>,
        %get3A_1694 = vector.shape_cast %get3A_1693 : vector<16xi32> to vector<16xi32>
        %dma_start3A_1695 = arith.constant 1 : i32
        %dma_start3A_1696 = arith.constant 1 : i32
        %dma_start3A_1697 = arith.constant 64 : i32
        %dma_start3A_1698 = arith.constant 0 : i32
        %dma_start3A_1699 = tpu.memref_slice %arg6[%dma_start3A_1695, %dma_start3A_1697, %dma_start3A_1698] : memref<2x800x64xf32, #tpu.memory_space<vmem>> -> memref<1x16x64xf32, #tpu.memory_space<vmem>>
        %dma_start3A_1700 = tpu.memref_squeeze %dma_start3A_1699 : memref<1x16x64xf32, #tpu.memory_space<vmem>> -> memref<16x64xf32, #tpu.memory_space<vmem>>
        %dma_start3A_1701 = arith.constant 0 : i32
        %dma_start3A_1702 = arith.constant 0 : i32
        %dma_start3A_1703 = tpu.memref_slice %arg3[%dma_start3A_1701, %dma_start3A_1702] : memref<1000000x64xf32, #tpu.memory_space<hbm>> -> memref<1000000x64xf32, #tpu.memory_space<hbm>>
        %dma_start3A_1704 = tpu.memref_slice %arg7[%dma_start3A_1696] : memref<2x!tpu.dma_semaphore, #tpu.memory_space<semaphore_mem>> -> memref<1x!tpu.dma_semaphore, #tpu.memory_space<semaphore_mem>>
        %dma_start3A_1705 = tpu.memref_squeeze %dma_start3A_1704 : memref<1x!tpu.dma_semaphore, #tpu.memory_space<semaphore_mem>> -> memref<!tpu.dma_semaphore, #tpu.memory_space<semaphore_mem>>
        tpu.enqueue_indirect_dma source(%dma_start3A_1703 : memref<1000000x64xf32, #tpu.memory_space<hbm>>) target(%dma_start3A_1700 : memref<16x64xf32, #tpu.memory_space<vmem>>) offsets(%get3A_1694 : vector<16xi32>) semaphore(%dma_start3A_1705 : memref<!tpu.dma_semaphore, #tpu.memory_space<semaphore_mem>>)
        %mul3A_1706 = arith.constant 800 : i32
        %mul3A_1707 = arith.muli %add3A_1615, %mul3A_1706 : i32
        %add3A_1708 = arith.constant 80 : i32
        %add3A_1709 = arith.addi %mul3A_1707, %add3A_1708 : i32
        %get3A_1710 = arith.index_cast %add3A_1709 : i32 to index
        %get3A_1711 = tpu.vector_load %arg5[%get3A_1710] {strides = array<i32>} : memref<6400xi32, #tpu.memory_space<vmem>>, vector<16xi32>,
        %get3A_1712 = vector.shape_cast %get3A_1711 : vector<16xi32> to vector<16xi32>
        %dma_start3A_1713 = arith.constant 1 : i32
        %dma_start3A_1714 = arith.constant 1 : i32
        %dma_start3A_1715 = arith.constant 80 : i32
        %dma_start3A_1716 = arith.constant 0 : i32
        %dma_start3A_1717 = tpu.memref_slice %arg6[%dma_start3A_1713, %dma_start3A_1715, %dma_start3A_1716] : memref<2x800x64xf32, #tpu.memory_space<vmem>> -> memref<1x16x64xf32, #tpu.memory_space<vmem>>
        %dma_start3A_1718 = tpu.memref_squeeze %dma_start3A_1717 : memref<1x16x64xf32, #tpu.memory_space<vmem>> -> memref<16x64xf32, #tpu.memory_space<vmem>>
        %dma_start3A_1719 = arith.constant 0 : i32
        %dma_start3A_1720 = arith.constant 0 : i32
        %dma_start3A_1721 = tpu.memref_slice %arg3[%dma_start3A_1719, %dma_start3A_1720] : memref<1000000x64xf32, #tpu.memory_space<hbm>> -> memref<1000000x64xf32, #tpu.memory_space<hbm>>
        %dma_start3A_1722 = tpu.memref_slice %arg7[%dma_start3A_1714] : memref<2x!tpu.dma_semaphore, #tpu.memory_space<semaphore_mem>> -> memref<1x!tpu.dma_semaphore, #tpu.memory_space<semaphore_mem>>
        %dma_start3A_1723 = tpu.memref_squeeze %dma_start3A_1722 : memref<1x!tpu.dma_semaphore, #tpu.memory_space<semaphore_mem>> -> memref<!tpu.dma_semaphore, #tpu.memory_space<semaphore_mem>>
        tpu.enqueue_indirect_dma source(%dma_start3A_1721 : memref<1000000x64xf32, #tpu.memory_space<hbm>>) target(%dma_start3A_1718 : memref<16x64xf32, #tpu.memory_space<vmem>>) offsets(%get3A_1712 : vector<16xi32>) semaphore(%dma_start3A_1723 : memref<!tpu.dma_semaphore, #tpu.memory_space<semaphore_mem>>)
        %mul3A_1724 = arith.constant 800 : i32
        %mul3A_1725 = arith.muli %add3A_1615, %mul3A_1724 : i32
        %add3A_1726 = arith.constant 96 : i32
        %add3A_1727 = arith.addi %mul3A_1725, %add3A_1726 : i32
        %get3A_1728 = arith.index_cast %add3A_1727 : i32 to index
        %get3A_1729 = tpu.vector_load %arg5[%get3A_1728] {strides = array<i32>} : memref<6400xi32, #tpu.memory_space<vmem>>, vector<16xi32>,
        %get3A_1730 = vector.shape_cast %get3A_1729 : vector<16xi32> to vector<16xi32>
        %dma_start3A_1731 = arith.constant 1 : i32
        %dma_start3A_1732 = arith.constant 1 : i32
        %dma_start3A_1733 = arith.constant 96 : i32
        %dma_start3A_1734 = arith.constant 0 : i32
        %dma_start3A_1735 = tpu.memref_slice %arg6[%dma_start3A_1731, %dma_start3A_1733, %dma_start3A_1734] : memref<2x800x64xf32, #tpu.memory_space<vmem>> -> memref<1x16x64xf32, #tpu.memory_space<vmem>>
        %dma_start3A_1736 = tpu.memref_squeeze %dma_start3A_1735 : memref<1x16x64xf32, #tpu.memory_space<vmem>> -> memref<16x64xf32, #tpu.memory_space<vmem>>
        %dma_start3A_1737 = arith.constant 0 : i32
        %dma_start3A_1738 = arith.constant 0 : i32
        %dma_start3A_1739 = tpu.memref_slice %arg3[%dma_start3A_1737, %dma_start3A_1738] : memref<1000000x64xf32, #tpu.memory_space<hbm>> -> memref<1000000x64xf32, #tpu.memory_space<hbm>>
        %dma_start3A_1740 = tpu.memref_slice %arg7[%dma_start3A_1732] : memref<2x!tpu.dma_semaphore, #tpu.memory_space<semaphore_mem>> -> memref<1x!tpu.dma_semaphore, #tpu.memory_space<semaphore_mem>>
        %dma_start3A_1741 = tpu.memref_squeeze %dma_start3A_1740 : memref<1x!tpu.dma_semaphore, #tpu.memory_space<semaphore_mem>> -> memref<!tpu.dma_semaphore, #tpu.memory_space<semaphore_mem>>
        tpu.enqueue_indirect_dma source(%dma_start3A_1739 : memref<1000000x64xf32, #tpu.memory_space<hbm>>) target(%dma_start3A_1736 : memref<16x64xf32, #tpu.memory_space<vmem>>) offsets(%get3A_1730 : vector<16xi32>) semaphore(%dma_start3A_1741 : memref<!tpu.dma_semaphore, #tpu.memory_space<semaphore_mem>>)
        %mul3A_1742 = arith.constant 800 : i32
        %mul3A_1743 = arith.muli %add3A_1615, %mul3A_1742 : i32
        %add3A_1744 = arith.constant 112 : i32
        %add3A_1745 = arith.addi %mul3A_1743, %add3A_1744 : i32
        %get3A_1746 = arith.index_cast %add3A_1745 : i32 to index
        %get3A_1747 = tpu.vector_load %arg5[%get3A_1746] {strides = array<i32>} : memref<6400xi32, #tpu.memory_space<vmem>>, vector<16xi32>,
        %get3A_1748 = vector.shape_cast %get3A_1747 : vector<16xi32> to vector<16xi32>
        %dma_start3A_1749 = arith.constant 1 : i32
        %dma_start3A_1750 = arith.constant 1 : i32
        %dma_start3A_1751 = arith.constant 112 : i32
        %dma_start3A_1752 = arith.constant 0 : i32
        %dma_start3A_1753 = tpu.memref_slice %arg6[%dma_start3A_1749, %dma_start3A_1751, %dma_start3A_1752] : memref<2x800x64xf32, #tpu.memory_space<vmem>> -> memref<1x16x64xf32, #tpu.memory_space<vmem>>
        %dma_start3A_1754 = tpu.memref_squeeze %dma_start3A_1753 : memref<1x16x64xf32, #tpu.memory_space<vmem>> -> memref<16x64xf32, #tpu.memory_space<vmem>>
        %dma_start3A_1755 = arith.constant 0 : i32
        %dma_start3A_1756 = arith.constant 0 : i32
        %dma_start3A_1757 = tpu.memref_slice %arg3[%dma_start3A_1755, %dma_start3A_1756] : memref<1000000x64xf32, #tpu.memory_space<hbm>> -> memref<1000000x64xf32, #tpu.memory_space<hbm>>
        %dma_start3A_1758 = tpu.memref_slice %arg7[%dma_start3A_1750] : memref<2x!tpu.dma_semaphore, #tpu.memory_space<semaphore_mem>> -> memref<1x!tpu.dma_semaphore, #tpu.memory_space<semaphore_mem>>
        %dma_start3A_1759 = tpu.memref_squeeze %dma_start3A_1758 : memref<1x!tpu.dma_semaphore, #tpu.memory_space<semaphore_mem>> -> memref<!tpu.dma_semaphore, #tpu.memory_space<semaphore_mem>>
        tpu.enqueue_indirect_dma source(%dma_start3A_1757 : memref<1000000x64xf32, #tpu.memory_space<hbm>>) target(%dma_start3A_1754 : memref<16x64xf32, #tpu.memory_space<vmem>>) offsets(%get3A_1748 : vector<16xi32>) semaphore(%dma_start3A_1759 : memref<!tpu.dma_semaphore, #tpu.memory_space<semaphore_mem>>)
        %mul3A_1760 = arith.constant 800 : i32
        %mul3A_1761 = arith.muli %add3A_1615, %mul3A_1760 : i32
        %add3A_1762 = arith.constant 128 : i32
        %add3A_1763 = arith.addi %mul3A_1761, %add3A_1762 : i32
        %get3A_1764 = arith.index_cast %add3A_1763 : i32 to index
        %get3A_1765 = tpu.vector_load %arg5[%get3A_1764] {strides = array<i32>} : memref<6400xi32, #tpu.memory_space<vmem>>, vector<16xi32>,
        %get3A_1766 = vector.shape_cast %get3A_1765 : vector<16xi32> to vector<16xi32>
        %dma_start3A_1767 = arith.constant 1 : i32
        %dma_start3A_1768 = arith.constant 1 : i32
        %dma_start3A_1769 = arith.constant 128 : i32
        %dma_start3A_1770 = arith.constant 0 : i32
        %dma_start3A_1771 = tpu.memref_slice %arg6[%dma_start3A_1767, %dma_start3A_1769, %dma_start3A_1770] : memref<2x800x64xf32, #tpu.memory_space<vmem>> -> memref<1x16x64xf32, #tpu.memory_space<vmem>>
        %dma_start3A_1772 = tpu.memref_squeeze %dma_start3A_1771 : memref<1x16x64xf32, #tpu.memory_space<vmem>> -> memref<16x64xf32, #tpu.memory_space<vmem>>
        %dma_start3A_1773 = arith.constant 0 : i32
        %dma_start3A_1774 = arith.constant 0 : i32
        %dma_start3A_1775 = tpu.memref_slice %arg3[%dma_start3A_1773, %dma_start3A_1774] : memref<1000000x64xf32, #tpu.memory_space<hbm>> -> memref<1000000x64xf32, #tpu.memory_space<hbm>>
        %dma_start3A_1776 = tpu.memref_slice %arg7[%dma_start3A_1768] : memref<2x!tpu.dma_semaphore, #tpu.memory_space<semaphore_mem>> -> memref<1x!tpu.dma_semaphore, #tpu.memory_space<semaphore_mem>>
        %dma_start3A_1777 = tpu.memref_squeeze %dma_start3A_1776 : memref<1x!tpu.dma_semaphore, #tpu.memory_space<semaphore_mem>> -> memref<!tpu.dma_semaphore, #tpu.memory_space<semaphore_mem>>
        tpu.enqueue_indirect_dma source(%dma_start3A_1775 : memref<1000000x64xf32, #tpu.memory_space<hbm>>) target(%dma_start3A_1772 : memref<16x64xf32, #tpu.memory_space<vmem>>) offsets(%get3A_1766 : vector<16xi32>) semaphore(%dma_start3A_1777 : memref<!tpu.dma_semaphore, #tpu.memory_space<semaphore_mem>>)
        %mul3A_1778 = arith.constant 800 : i32
        %mul3A_1779 = arith.muli %add3A_1615, %mul3A_1778 : i32
        %add3A_1780 = arith.constant 144 : i32
        %add3A_1781 = arith.addi %mul3A_1779, %add3A_1780 : i32
        %get3A_1782 = arith.index_cast %add3A_1781 : i32 to index
        %get3A_1783 = tpu.vector_load %arg5[%get3A_1782] {strides = array<i32>} : memref<6400xi32, #tpu.memory_space<vmem>>, vector<16xi32>,
        %get3A_1784 = vector.shape_cast %get3A_1783 : vector<16xi32> to vector<16xi32>
        %dma_start3A_1785 = arith.constant 1 : i32
        %dma_start3A_1786 = arith.constant 1 : i32
        %dma_start3A_1787 = arith.constant 144 : i32
        %dma_start3A_1788 = arith.constant 0 : i32
        %dma_start3A_1789 = tpu.memref_slice %arg6[%dma_start3A_1785, %dma_start3A_1787, %dma_start3A_1788] : memref<2x800x64xf32, #tpu.memory_space<vmem>> -> memref<1x16x64xf32, #tpu.memory_space<vmem>>
        %dma_start3A_1790 = tpu.memref_squeeze %dma_start3A_1789 : memref<1x16x64xf32, #tpu.memory_space<vmem>> -> memref<16x64xf32, #tpu.memory_space<vmem>>
        %dma_start3A_1791 = arith.constant 0 : i32
        %dma_start3A_1792 = arith.constant 0 : i32
        %dma_start3A_1793 = tpu.memref_slice %arg3[%dma_start3A_1791, %dma_start3A_1792] : memref<1000000x64xf32, #tpu.memory_space<hbm>> -> memref<1000000x64xf32, #tpu.memory_space<hbm>>
        %dma_start3A_1794 = tpu.memref_slice %arg7[%dma_start3A_1786] : memref<2x!tpu.dma_semaphore, #tpu.memory_space<semaphore_mem>> -> memref<1x!tpu.dma_semaphore, #tpu.memory_space<semaphore_mem>>
        %dma_start3A_1795 = tpu.memref_squeeze %dma_start3A_1794 : memref<1x!tpu.dma_semaphore, #tpu.memory_space<semaphore_mem>> -> memref<!tpu.dma_semaphore, #tpu.memory_space<semaphore_mem>>
        tpu.enqueue_indirect_dma source(%dma_start3A_1793 : memref<1000000x64xf32, #tpu.memory_space<hbm>>) target(%dma_start3A_1790 : memref<16x64xf32, #tpu.memory_space<vmem>>) offsets(%get3A_1784 : vector<16xi32>) semaphore(%dma_start3A_1795 : memref<!tpu.dma_semaphore, #tpu.memory_space<semaphore_mem>>)
        %mul3A_1796 = arith.constant 800 : i32
        %mul3A_1797 = arith.muli %add3A_1615, %mul3A_1796 : i32
        %add3A_1798 = arith.constant 160 : i32
        %add3A_1799 = arith.addi %mul3A_1797, %add3A_1798 : i32
        %get3A_1800 = arith.index_cast %add3A_1799 : i32 to index
        %get3A_1801 = tpu.vector_load %arg5[%get3A_1800] {strides = array<i32>} : memref<6400xi32, #tpu.memory_space<vmem>>, vector<16xi32>,
        %get3A_1802 = vector.shape_cast %get3A_1801 : vector<16xi32> to vector<16xi32>
        %dma_start3A_1803 = arith.constant 1 : i32
        %dma_start3A_1804 = arith.constant 1 : i32
        %dma_start3A_1805 = arith.constant 160 : i32
        %dma_start3A_1806 = arith.constant 0 : i32
        %dma_start3A_1807 = tpu.memref_slice %arg6[%dma_start3A_1803, %dma_start3A_1805, %dma_start3A_1806] : memref<2x800x64xf32, #tpu.memory_space<vmem>> -> memref<1x16x64xf32, #tpu.memory_space<vmem>>
        %dma_start3A_1808 = tpu.memref_squeeze %dma_start3A_1807 : memref<1x16x64xf32, #tpu.memory_space<vmem>> -> memref<16x64xf32, #tpu.memory_space<vmem>>
        %dma_start3A_1809 = arith.constant 0 : i32
        %dma_start3A_1810 = arith.constant 0 : i32
        %dma_start3A_1811 = tpu.memref_slice %arg3[%dma_start3A_1809, %dma_start3A_1810] : memref<1000000x64xf32, #tpu.memory_space<hbm>> -> memref<1000000x64xf32, #tpu.memory_space<hbm>>
        %dma_start3A_1812 = tpu.memref_slice %arg7[%dma_start3A_1804] : memref<2x!tpu.dma_semaphore, #tpu.memory_space<semaphore_mem>> -> memref<1x!tpu.dma_semaphore, #tpu.memory_space<semaphore_mem>>
        %dma_start3A_1813 = tpu.memref_squeeze %dma_start3A_1812 : memref<1x!tpu.dma_semaphore, #tpu.memory_space<semaphore_mem>> -> memref<!tpu.dma_semaphore, #tpu.memory_space<semaphore_mem>>
        tpu.enqueue_indirect_dma source(%dma_start3A_1811 : memref<1000000x64xf32, #tpu.memory_space<hbm>>) target(%dma_start3A_1808 : memref<16x64xf32, #tpu.memory_space<vmem>>) offsets(%get3A_1802 : vector<16xi32>) semaphore(%dma_start3A_1813 : memref<!tpu.dma_semaphore, #tpu.memory_space<semaphore_mem>>)
        %mul3A_1814 = arith.constant 800 : i32
        %mul3A_1815 = arith.muli %add3A_1615, %mul3A_1814 : i32
        %add3A_1816 = arith.constant 176 : i32
        %add3A_1817 = arith.addi %mul3A_1815, %add3A_1816 : i32
        %get3A_1818 = arith.index_cast %add3A_1817 : i32 to index
        %get3A_1819 = tpu.vector_load %arg5[%get3A_1818] {strides = array<i32>} : memref<6400xi32, #tpu.memory_space<vmem>>, vector<16xi32>,
        %get3A_1820 = vector.shape_cast %get3A_1819 : vector<16xi32> to vector<16xi32>
        %dma_start3A_1821 = arith.constant 1 : i32
        %dma_start3A_1822 = arith.constant 1 : i32
        %dma_start3A_1823 = arith.constant 176 : i32
        %dma_start3A_1824 = arith.constant 0 : i32
        %dma_start3A_1825 = tpu.memref_slice %arg6[%dma_start3A_1821, %dma_start3A_1823, %dma_start3A_1824] : memref<2x800x64xf32, #tpu.memory_space<vmem>> -> memref<1x16x64xf32, #tpu.memory_space<vmem>>
        %dma_start3A_1826 = tpu.memref_squeeze %dma_start3A_1825 : memref<1x16x64xf32, #tpu.memory_space<vmem>> -> memref<16x64xf32, #tpu.memory_space<vmem>>
        %dma_start3A_1827 = arith.constant 0 : i32
        %dma_start3A_1828 = arith.constant 0 : i32
        %dma_start3A_1829 = tpu.memref_slice %arg3[%dma_start3A_1827, %dma_start3A_1828] : memref<1000000x64xf32, #tpu.memory_space<hbm>> -> memref<1000000x64xf32, #tpu.memory_space<hbm>>
        %dma_start3A_1830 = tpu.memref_slice %arg7[%dma_start3A_1822] : memref<2x!tpu.dma_semaphore, #tpu.memory_space<semaphore_mem>> -> memref<1x!tpu.dma_semaphore, #tpu.memory_space<semaphore_mem>>
        %dma_start3A_1831 = tpu.memref_squeeze %dma_start3A_1830 : memref<1x!tpu.dma_semaphore, #tpu.memory_space<semaphore_mem>> -> memref<!tpu.dma_semaphore, #tpu.memory_space<semaphore_mem>>
        tpu.enqueue_indirect_dma source(%dma_start3A_1829 : memref<1000000x64xf32, #tpu.memory_space<hbm>>) target(%dma_start3A_1826 : memref<16x64xf32, #tpu.memory_space<vmem>>) offsets(%get3A_1820 : vector<16xi32>) semaphore(%dma_start3A_1831 : memref<!tpu.dma_semaphore, #tpu.memory_space<semaphore_mem>>)
        %mul3A_1832 = arith.constant 800 : i32
        %mul3A_1833 = arith.muli %add3A_1615, %mul3A_1832 : i32
        %add3A_1834 = arith.constant 192 : i32
        %add3A_1835 = arith.addi %mul3A_1833, %add3A_1834 : i32
        %get3A_1836 = arith.index_cast %add3A_1835 : i32 to index
        %get3A_1837 = tpu.vector_load %arg5[%get3A_1836] {strides = array<i32>} : memref<6400xi32, #tpu.memory_space<vmem>>, vector<16xi32>,
        %get3A_1838 = vector.shape_cast %get3A_1837 : vector<16xi32> to vector<16xi32>
        %dma_start3A_1839 = arith.constant 1 : i32
        %dma_start3A_1840 = arith.constant 1 : i32
        %dma_start3A_1841 = arith.constant 192 : i32
        %dma_start3A_1842 = arith.constant 0 : i32
        %dma_start3A_1843 = tpu.memref_slice %arg6[%dma_start3A_1839, %dma_start3A_1841, %dma_start3A_1842] : memref<2x800x64xf32, #tpu.memory_space<vmem>> -> memref<1x16x64xf32, #tpu.memory_space<vmem>>
        %dma_start3A_1844 = tpu.memref_squeeze %dma_start3A_1843 : memref<1x16x64xf32, #tpu.memory_space<vmem>> -> memref<16x64xf32, #tpu.memory_space<vmem>>
        %dma_start3A_1845 = arith.constant 0 : i32
        %dma_start3A_1846 = arith.constant 0 : i32
        %dma_start3A_1847 = tpu.memref_slice %arg3[%dma_start3A_1845, %dma_start3A_1846] : memref<1000000x64xf32, #tpu.memory_space<hbm>> -> memref<1000000x64xf32, #tpu.memory_space<hbm>>
        %dma_start3A_1848 = tpu.memref_slice %arg7[%dma_start3A_1840] : memref<2x!tpu.dma_semaphore, #tpu.memory_space<semaphore_mem>> -> memref<1x!tpu.dma_semaphore, #tpu.memory_space<semaphore_mem>>
        %dma_start3A_1849 = tpu.memref_squeeze %dma_start3A_1848 : memref<1x!tpu.dma_semaphore, #tpu.memory_space<semaphore_mem>> -> memref<!tpu.dma_semaphore, #tpu.memory_space<semaphore_mem>>
        tpu.enqueue_indirect_dma source(%dma_start3A_1847 : memref<1000000x64xf32, #tpu.memory_space<hbm>>) target(%dma_start3A_1844 : memref<16x64xf32, #tpu.memory_space<vmem>>) offsets(%get3A_1838 : vector<16xi32>) semaphore(%dma_start3A_1849 : memref<!tpu.dma_semaphore, #tpu.memory_space<semaphore_mem>>)
        %mul3A_1850 = arith.constant 800 : i32
        %mul3A_1851 = arith.muli %add3A_1615, %mul3A_1850 : i32
        %add3A_1852 = arith.constant 208 : i32
        %add3A_1853 = arith.addi %mul3A_1851, %add3A_1852 : i32
        %get3A_1854 = arith.index_cast %add3A_1853 : i32 to index
        %get3A_1855 = tpu.vector_load %arg5[%get3A_1854] {strides = array<i32>} : memref<6400xi32, #tpu.memory_space<vmem>>, vector<16xi32>,
        %get3A_1856 = vector.shape_cast %get3A_1855 : vector<16xi32> to vector<16xi32>
        %dma_start3A_1857 = arith.constant 1 : i32
        %dma_start3A_1858 = arith.constant 1 : i32
        %dma_start3A_1859 = arith.constant 208 : i32
        %dma_start3A_1860 = arith.constant 0 : i32
        %dma_start3A_1861 = tpu.memref_slice %arg6[%dma_start3A_1857, %dma_start3A_1859, %dma_start3A_1860] : memref<2x800x64xf32, #tpu.memory_space<vmem>> -> memref<1x16x64xf32, #tpu.memory_space<vmem>>
        %dma_start3A_1862 = tpu.memref_squeeze %dma_start3A_1861 : memref<1x16x64xf32, #tpu.memory_space<vmem>> -> memref<16x64xf32, #tpu.memory_space<vmem>>
        %dma_start3A_1863 = arith.constant 0 : i32
        %dma_start3A_1864 = arith.constant 0 : i32
        %dma_start3A_1865 = tpu.memref_slice %arg3[%dma_start3A_1863, %dma_start3A_1864] : memref<1000000x64xf32, #tpu.memory_space<hbm>> -> memref<1000000x64xf32, #tpu.memory_space<hbm>>
        %dma_start3A_1866 = tpu.memref_slice %arg7[%dma_start3A_1858] : memref<2x!tpu.dma_semaphore, #tpu.memory_space<semaphore_mem>> -> memref<1x!tpu.dma_semaphore, #tpu.memory_space<semaphore_mem>>
        %dma_start3A_1867 = tpu.memref_squeeze %dma_start3A_1866 : memref<1x!tpu.dma_semaphore, #tpu.memory_space<semaphore_mem>> -> memref<!tpu.dma_semaphore, #tpu.memory_space<semaphore_mem>>
        tpu.enqueue_indirect_dma source(%dma_start3A_1865 : memref<1000000x64xf32, #tpu.memory_space<hbm>>) target(%dma_start3A_1862 : memref<16x64xf32, #tpu.memory_space<vmem>>) offsets(%get3A_1856 : vector<16xi32>) semaphore(%dma_start3A_1867 : memref<!tpu.dma_semaphore, #tpu.memory_space<semaphore_mem>>)
        %mul3A_1868 = arith.constant 800 : i32
        %mul3A_1869 = arith.muli %add3A_1615, %mul3A_1868 : i32
        %add3A_1870 = arith.constant 224 : i32
        %add3A_1871 = arith.addi %mul3A_1869, %add3A_1870 : i32
        %get3A_1872 = arith.index_cast %add3A_1871 : i32 to index
        %get3A_1873 = tpu.vector_load %arg5[%get3A_1872] {strides = array<i32>} : memref<6400xi32, #tpu.memory_space<vmem>>, vector<16xi32>,
        %get3A_1874 = vector.shape_cast %get3A_1873 : vector<16xi32> to vector<16xi32>
        %dma_start3A_1875 = arith.constant 1 : i32
        %dma_start3A_1876 = arith.constant 1 : i32
        %dma_start3A_1877 = arith.constant 224 : i32
        %dma_start3A_1878 = arith.constant 0 : i32
        %dma_start3A_1879 = tpu.memref_slice %arg6[%dma_start3A_1875, %dma_start3A_1877, %dma_start3A_1878] : memref<2x800x64xf32, #tpu.memory_space<vmem>> -> memref<1x16x64xf32, #tpu.memory_space<vmem>>
        %dma_start3A_1880 = tpu.memref_squeeze %dma_start3A_1879 : memref<1x16x64xf32, #tpu.memory_space<vmem>> -> memref<16x64xf32, #tpu.memory_space<vmem>>
        %dma_start3A_1881 = arith.constant 0 : i32
        %dma_start3A_1882 = arith.constant 0 : i32
        %dma_start3A_1883 = tpu.memref_slice %arg3[%dma_start3A_1881, %dma_start3A_1882] : memref<1000000x64xf32, #tpu.memory_space<hbm>> -> memref<1000000x64xf32, #tpu.memory_space<hbm>>
        %dma_start3A_1884 = tpu.memref_slice %arg7[%dma_start3A_1876] : memref<2x!tpu.dma_semaphore, #tpu.memory_space<semaphore_mem>> -> memref<1x!tpu.dma_semaphore, #tpu.memory_space<semaphore_mem>>
        %dma_start3A_1885 = tpu.memref_squeeze %dma_start3A_1884 : memref<1x!tpu.dma_semaphore, #tpu.memory_space<semaphore_mem>> -> memref<!tpu.dma_semaphore, #tpu.memory_space<semaphore_mem>>
        tpu.enqueue_indirect_dma source(%dma_start3A_1883 : memref<1000000x64xf32, #tpu.memory_space<hbm>>) target(%dma_start3A_1880 : memref<16x64xf32, #tpu.memory_space<vmem>>) offsets(%get3A_1874 : vector<16xi32>) semaphore(%dma_start3A_1885 : memref<!tpu.dma_semaphore, #tpu.memory_space<semaphore_mem>>)
        %mul3A_1886 = arith.constant 800 : i32
        %mul3A_1887 = arith.muli %add3A_1615, %mul3A_1886 : i32
        %add3A_1888 = arith.constant 240 : i32
        %add3A_1889 = arith.addi %mul3A_1887, %add3A_1888 : i32
        %get3A_1890 = arith.index_cast %add3A_1889 : i32 to index
        %get3A_1891 = tpu.vector_load %arg5[%get3A_1890] {strides = array<i32>} : memref<6400xi32, #tpu.memory_space<vmem>>, vector<16xi32>,
        %get3A_1892 = vector.shape_cast %get3A_1891 : vector<16xi32> to vector<16xi32>
        %dma_start3A_1893 = arith.constant 1 : i32
        %dma_start3A_1894 = arith.constant 1 : i32
        %dma_start3A_1895 = arith.constant 240 : i32
        %dma_start3A_1896 = arith.constant 0 : i32
        %dma_start3A_1897 = tpu.memref_slice %arg6[%dma_start3A_1893, %dma_start3A_1895, %dma_start3A_1896] : memref<2x800x64xf32, #tpu.memory_space<vmem>> -> memref<1x16x64xf32, #tpu.memory_space<vmem>>
        %dma_start3A_1898 = tpu.memref_squeeze %dma_start3A_1897 : memref<1x16x64xf32, #tpu.memory_space<vmem>> -> memref<16x64xf32, #tpu.memory_space<vmem>>
        %dma_start3A_1899 = arith.constant 0 : i32
        %dma_start3A_1900 = arith.constant 0 : i32
        %dma_start3A_1901 = tpu.memref_slice %arg3[%dma_start3A_1899, %dma_start3A_1900] : memref<1000000x64xf32, #tpu.memory_space<hbm>> -> memref<1000000x64xf32, #tpu.memory_space<hbm>>
        %dma_start3A_1902 = tpu.memref_slice %arg7[%dma_start3A_1894] : memref<2x!tpu.dma_semaphore, #tpu.memory_space<semaphore_mem>> -> memref<1x!tpu.dma_semaphore, #tpu.memory_space<semaphore_mem>>
        %dma_start3A_1903 = tpu.memref_squeeze %dma_start3A_1902 : memref<1x!tpu.dma_semaphore, #tpu.memory_space<semaphore_mem>> -> memref<!tpu.dma_semaphore, #tpu.memory_space<semaphore_mem>>
        tpu.enqueue_indirect_dma source(%dma_start3A_1901 : memref<1000000x64xf32, #tpu.memory_space<hbm>>) target(%dma_start3A_1898 : memref<16x64xf32, #tpu.memory_space<vmem>>) offsets(%get3A_1892 : vector<16xi32>) semaphore(%dma_start3A_1903 : memref<!tpu.dma_semaphore, #tpu.memory_space<semaphore_mem>>)
        %mul3A_1904 = arith.constant 800 : i32
        %mul3A_1905 = arith.muli %add3A_1615, %mul3A_1904 : i32
        %add3A_1906 = arith.constant 256 : i32
        %add3A_1907 = arith.addi %mul3A_1905, %add3A_1906 : i32
        %get3A_1908 = arith.index_cast %add3A_1907 : i32 to index
        %get3A_1909 = tpu.vector_load %arg5[%get3A_1908] {strides = array<i32>} : memref<6400xi32, #tpu.memory_space<vmem>>, vector<16xi32>,
        %get3A_1910 = vector.shape_cast %get3A_1909 : vector<16xi32> to vector<16xi32>
        %dma_start3A_1911 = arith.constant 1 : i32
        %dma_start3A_1912 = arith.constant 1 : i32
        %dma_start3A_1913 = arith.constant 256 : i32
        %dma_start3A_1914 = arith.constant 0 : i32
        %dma_start3A_1915 = tpu.memref_slice %arg6[%dma_start3A_1911, %dma_start3A_1913, %dma_start3A_1914] : memref<2x800x64xf32, #tpu.memory_space<vmem>> -> memref<1x16x64xf32, #tpu.memory_space<vmem>>
        %dma_start3A_1916 = tpu.memref_squeeze %dma_start3A_1915 : memref<1x16x64xf32, #tpu.memory_space<vmem>> -> memref<16x64xf32, #tpu.memory_space<vmem>>
        %dma_start3A_1917 = arith.constant 0 : i32
        %dma_start3A_1918 = arith.constant 0 : i32
        %dma_start3A_1919 = tpu.memref_slice %arg3[%dma_start3A_1917, %dma_start3A_1918] : memref<1000000x64xf32, #tpu.memory_space<hbm>> -> memref<1000000x64xf32, #tpu.memory_space<hbm>>
        %dma_start3A_1920 = tpu.memref_slice %arg7[%dma_start3A_1912] : memref<2x!tpu.dma_semaphore, #tpu.memory_space<semaphore_mem>> -> memref<1x!tpu.dma_semaphore, #tpu.memory_space<semaphore_mem>>
        %dma_start3A_1921 = tpu.memref_squeeze %dma_start3A_1920 : memref<1x!tpu.dma_semaphore, #tpu.memory_space<semaphore_mem>> -> memref<!tpu.dma_semaphore, #tpu.memory_space<semaphore_mem>>
        tpu.enqueue_indirect_dma source(%dma_start3A_1919 : memref<1000000x64xf32, #tpu.memory_space<hbm>>) target(%dma_start3A_1916 : memref<16x64xf32, #tpu.memory_space<vmem>>) offsets(%get3A_1910 : vector<16xi32>) semaphore(%dma_start3A_1921 : memref<!tpu.dma_semaphore, #tpu.memory_space<semaphore_mem>>)
        %mul3A_1922 = arith.constant 800 : i32
        %mul3A_1923 = arith.muli %add3A_1615, %mul3A_1922 : i32
        %add3A_1924 = arith.constant 272 : i32
        %add3A_1925 = arith.addi %mul3A_1923, %add3A_1924 : i32
        %get3A_1926 = arith.index_cast %add3A_1925 : i32 to index
        %get3A_1927 = tpu.vector_load %arg5[%get3A_1926] {strides = array<i32>} : memref<6400xi32, #tpu.memory_space<vmem>>, vector<16xi32>,
        %get3A_1928 = vector.shape_cast %get3A_1927 : vector<16xi32> to vector<16xi32>
        %dma_start3A_1929 = arith.constant 1 : i32
        %dma_start3A_1930 = arith.constant 1 : i32
        %dma_start3A_1931 = arith.constant 272 : i32
        %dma_start3A_1932 = arith.constant 0 : i32
        %dma_start3A_1933 = tpu.memref_slice %arg6[%dma_start3A_1929, %dma_start3A_1931, %dma_start3A_1932] : memref<2x800x64xf32, #tpu.memory_space<vmem>> -> memref<1x16x64xf32, #tpu.memory_space<vmem>>
        %dma_start3A_1934 = tpu.memref_squeeze %dma_start3A_1933 : memref<1x16x64xf32, #tpu.memory_space<vmem>> -> memref<16x64xf32, #tpu.memory_space<vmem>>
        %dma_start3A_1935 = arith.constant 0 : i32
        %dma_start3A_1936 = arith.constant 0 : i32
        %dma_start3A_1937 = tpu.memref_slice %arg3[%dma_start3A_1935, %dma_start3A_1936] : memref<1000000x64xf32, #tpu.memory_space<hbm>> -> memref<1000000x64xf32, #tpu.memory_space<hbm>>
        %dma_start3A_1938 = tpu.memref_slice %arg7[%dma_start3A_1930] : memref<2x!tpu.dma_semaphore, #tpu.memory_space<semaphore_mem>> -> memref<1x!tpu.dma_semaphore, #tpu.memory_space<semaphore_mem>>
        %dma_start3A_1939 = tpu.memref_squeeze %dma_start3A_1938 : memref<1x!tpu.dma_semaphore, #tpu.memory_space<semaphore_mem>> -> memref<!tpu.dma_semaphore, #tpu.memory_space<semaphore_mem>>
        tpu.enqueue_indirect_dma source(%dma_start3A_1937 : memref<1000000x64xf32, #tpu.memory_space<hbm>>) target(%dma_start3A_1934 : memref<16x64xf32, #tpu.memory_space<vmem>>) offsets(%get3A_1928 : vector<16xi32>) semaphore(%dma_start3A_1939 : memref<!tpu.dma_semaphore, #tpu.memory_space<semaphore_mem>>)
        %mul3A_1940 = arith.constant 800 : i32
        %mul3A_1941 = arith.muli %add3A_1615, %mul3A_1940 : i32
        %add3A_1942 = arith.constant 288 : i32
        %add3A_1943 = arith.addi %mul3A_1941, %add3A_1942 : i32
        %get3A_1944 = arith.index_cast %add3A_1943 : i32 to index
        %get3A_1945 = tpu.vector_load %arg5[%get3A_1944] {strides = array<i32>} : memref<6400xi32, #tpu.memory_space<vmem>>, vector<16xi32>,
        %get3A_1946 = vector.shape_cast %get3A_1945 : vector<16xi32> to vector<16xi32>
        %dma_start3A_1947 = arith.constant 1 : i32
        %dma_start3A_1948 = arith.constant 1 : i32
        %dma_start3A_1949 = arith.constant 288 : i32
        %dma_start3A_1950 = arith.constant 0 : i32
        %dma_start3A_1951 = tpu.memref_slice %arg6[%dma_start3A_1947, %dma_start3A_1949, %dma_start3A_1950] : memref<2x800x64xf32, #tpu.memory_space<vmem>> -> memref<1x16x64xf32, #tpu.memory_space<vmem>>
        %dma_start3A_1952 = tpu.memref_squeeze %dma_start3A_1951 : memref<1x16x64xf32, #tpu.memory_space<vmem>> -> memref<16x64xf32, #tpu.memory_space<vmem>>
        %dma_start3A_1953 = arith.constant 0 : i32
        %dma_start3A_1954 = arith.constant 0 : i32
        %dma_start3A_1955 = tpu.memref_slice %arg3[%dma_start3A_1953, %dma_start3A_1954] : memref<1000000x64xf32, #tpu.memory_space<hbm>> -> memref<1000000x64xf32, #tpu.memory_space<hbm>>
        %dma_start3A_1956 = tpu.memref_slice %arg7[%dma_start3A_1948] : memref<2x!tpu.dma_semaphore, #tpu.memory_space<semaphore_mem>> -> memref<1x!tpu.dma_semaphore, #tpu.memory_space<semaphore_mem>>
        %dma_start3A_1957 = tpu.memref_squeeze %dma_start3A_1956 : memref<1x!tpu.dma_semaphore, #tpu.memory_space<semaphore_mem>> -> memref<!tpu.dma_semaphore, #tpu.memory_space<semaphore_mem>>
        tpu.enqueue_indirect_dma source(%dma_start3A_1955 : memref<1000000x64xf32, #tpu.memory_space<hbm>>) target(%dma_start3A_1952 : memref<16x64xf32, #tpu.memory_space<vmem>>) offsets(%get3A_1946 : vector<16xi32>) semaphore(%dma_start3A_1957 : memref<!tpu.dma_semaphore, #tpu.memory_space<semaphore_mem>>)
        %mul3A_1958 = arith.constant 800 : i32
        %mul3A_1959 = arith.muli %add3A_1615, %mul3A_1958 : i32
        %add3A_1960 = arith.constant 304 : i32
        %add3A_1961 = arith.addi %mul3A_1959, %add3A_1960 : i32
        %get3A_1962 = arith.index_cast %add3A_1961 : i32 to index
        %get3A_1963 = tpu.vector_load %arg5[%get3A_1962] {strides = array<i32>} : memref<6400xi32, #tpu.memory_space<vmem>>, vector<16xi32>,
        %get3A_1964 = vector.shape_cast %get3A_1963 : vector<16xi32> to vector<16xi32>
        %dma_start3A_1965 = arith.constant 1 : i32
        %dma_start3A_1966 = arith.constant 1 : i32
        %dma_start3A_1967 = arith.constant 304 : i32
        %dma_start3A_1968 = arith.constant 0 : i32
        %dma_start3A_1969 = tpu.memref_slice %arg6[%dma_start3A_1965, %dma_start3A_1967, %dma_start3A_1968] : memref<2x800x64xf32, #tpu.memory_space<vmem>> -> memref<1x16x64xf32, #tpu.memory_space<vmem>>
        %dma_start3A_1970 = tpu.memref_squeeze %dma_start3A_1969 : memref<1x16x64xf32, #tpu.memory_space<vmem>> -> memref<16x64xf32, #tpu.memory_space<vmem>>
        %dma_start3A_1971 = arith.constant 0 : i32
        %dma_start3A_1972 = arith.constant 0 : i32
        %dma_start3A_1973 = tpu.memref_slice %arg3[%dma_start3A_1971, %dma_start3A_1972] : memref<1000000x64xf32, #tpu.memory_space<hbm>> -> memref<1000000x64xf32, #tpu.memory_space<hbm>>
        %dma_start3A_1974 = tpu.memref_slice %arg7[%dma_start3A_1966] : memref<2x!tpu.dma_semaphore, #tpu.memory_space<semaphore_mem>> -> memref<1x!tpu.dma_semaphore, #tpu.memory_space<semaphore_mem>>
        %dma_start3A_1975 = tpu.memref_squeeze %dma_start3A_1974 : memref<1x!tpu.dma_semaphore, #tpu.memory_space<semaphore_mem>> -> memref<!tpu.dma_semaphore, #tpu.memory_space<semaphore_mem>>
        tpu.enqueue_indirect_dma source(%dma_start3A_1973 : memref<1000000x64xf32, #tpu.memory_space<hbm>>) target(%dma_start3A_1970 : memref<16x64xf32, #tpu.memory_space<vmem>>) offsets(%get3A_1964 : vector<16xi32>) semaphore(%dma_start3A_1975 : memref<!tpu.dma_semaphore, #tpu.memory_space<semaphore_mem>>)
        %mul3A_1976 = arith.constant 800 : i32
        %mul3A_1977 = arith.muli %add3A_1615, %mul3A_1976 : i32
        %add3A_1978 = arith.constant 320 : i32
        %add3A_1979 = arith.addi %mul3A_1977, %add3A_1978 : i32
        %get3A_1980 = arith.index_cast %add3A_1979 : i32 to index
        %get3A_1981 = tpu.vector_load %arg5[%get3A_1980] {strides = array<i32>} : memref<6400xi32, #tpu.memory_space<vmem>>, vector<16xi32>,
        %get3A_1982 = vector.shape_cast %get3A_1981 : vector<16xi32> to vector<16xi32>
        %dma_start3A_1983 = arith.constant 1 : i32
        %dma_start3A_1984 = arith.constant 1 : i32
        %dma_start3A_1985 = arith.constant 320 : i32
        %dma_start3A_1986 = arith.constant 0 : i32
        %dma_start3A_1987 = tpu.memref_slice %arg6[%dma_start3A_1983, %dma_start3A_1985, %dma_start3A_1986] : memref<2x800x64xf32, #tpu.memory_space<vmem>> -> memref<1x16x64xf32, #tpu.memory_space<vmem>>
        %dma_start3A_1988 = tpu.memref_squeeze %dma_start3A_1987 : memref<1x16x64xf32, #tpu.memory_space<vmem>> -> memref<16x64xf32, #tpu.memory_space<vmem>>
        %dma_start3A_1989 = arith.constant 0 : i32
        %dma_start3A_1990 = arith.constant 0 : i32
        %dma_start3A_1991 = tpu.memref_slice %arg3[%dma_start3A_1989, %dma_start3A_1990] : memref<1000000x64xf32, #tpu.memory_space<hbm>> -> memref<1000000x64xf32, #tpu.memory_space<hbm>>
        %dma_start3A_1992 = tpu.memref_slice %arg7[%dma_start3A_1984] : memref<2x!tpu.dma_semaphore, #tpu.memory_space<semaphore_mem>> -> memref<1x!tpu.dma_semaphore, #tpu.memory_space<semaphore_mem>>
        %dma_start3A_1993 = tpu.memref_squeeze %dma_start3A_1992 : memref<1x!tpu.dma_semaphore, #tpu.memory_space<semaphore_mem>> -> memref<!tpu.dma_semaphore, #tpu.memory_space<semaphore_mem>>
        tpu.enqueue_indirect_dma source(%dma_start3A_1991 : memref<1000000x64xf32, #tpu.memory_space<hbm>>) target(%dma_start3A_1988 : memref<16x64xf32, #tpu.memory_space<vmem>>) offsets(%get3A_1982 : vector<16xi32>) semaphore(%dma_start3A_1993 : memref<!tpu.dma_semaphore, #tpu.memory_space<semaphore_mem>>)
        %mul3A_1994 = arith.constant 800 : i32
        %mul3A_1995 = arith.muli %add3A_1615, %mul3A_1994 : i32
        %add3A_1996 = arith.constant 336 : i32
        %add3A_1997 = arith.addi %mul3A_1995, %add3A_1996 : i32
        %get3A_1998 = arith.index_cast %add3A_1997 : i32 to index
        %get3A_1999 = tpu.vector_load %arg5[%get3A_1998] {strides = array<i32>} : memref<6400xi32, #tpu.memory_space<vmem>>, vector<16xi32>,
        %get3A_2000 = vector.shape_cast %get3A_1999 : vector<16xi32> to vector<16xi32>
        %dma_start3A_2001 = arith.constant 1 : i32
        %dma_start3A_2002 = arith.constant 1 : i32
        %dma_start3A_2003 = arith.constant 336 : i32
        %dma_start3A_2004 = arith.constant 0 : i32
        %dma_start3A_2005 = tpu.memref_slice %arg6[%dma_start3A_2001, %dma_start3A_2003, %dma_start3A_2004] : memref<2x800x64xf32, #tpu.memory_space<vmem>> -> memref<1x16x64xf32, #tpu.memory_space<vmem>>
        %dma_start3A_2006 = tpu.memref_squeeze %dma_start3A_2005 : memref<1x16x64xf32, #tpu.memory_space<vmem>> -> memref<16x64xf32, #tpu.memory_space<vmem>>
        %dma_start3A_2007 = arith.constant 0 : i32
        %dma_start3A_2008 = arith.constant 0 : i32
        %dma_start3A_2009 = tpu.memref_slice %arg3[%dma_start3A_2007, %dma_start3A_2008] : memref<1000000x64xf32, #tpu.memory_space<hbm>> -> memref<1000000x64xf32, #tpu.memory_space<hbm>>
        %dma_start3A_2010 = tpu.memref_slice %arg7[%dma_start3A_2002] : memref<2x!tpu.dma_semaphore, #tpu.memory_space<semaphore_mem>> -> memref<1x!tpu.dma_semaphore, #tpu.memory_space<semaphore_mem>>
        %dma_start3A_2011 = tpu.memref_squeeze %dma_start3A_2010 : memref<1x!tpu.dma_semaphore, #tpu.memory_space<semaphore_mem>> -> memref<!tpu.dma_semaphore, #tpu.memory_space<semaphore_mem>>
        tpu.enqueue_indirect_dma source(%dma_start3A_2009 : memref<1000000x64xf32, #tpu.memory_space<hbm>>) target(%dma_start3A_2006 : memref<16x64xf32, #tpu.memory_space<vmem>>) offsets(%get3A_2000 : vector<16xi32>) semaphore(%dma_start3A_2011 : memref<!tpu.dma_semaphore, #tpu.memory_space<semaphore_mem>>)
        %mul3A_2012 = arith.constant 800 : i32
        %mul3A_2013 = arith.muli %add3A_1615, %mul3A_2012 : i32
        %add3A_2014 = arith.constant 352 : i32
        %add3A_2015 = arith.addi %mul3A_2013, %add3A_2014 : i32
        %get3A_2016 = arith.index_cast %add3A_2015 : i32 to index
        %get3A_2017 = tpu.vector_load %arg5[%get3A_2016] {strides = array<i32>} : memref<6400xi32, #tpu.memory_space<vmem>>, vector<16xi32>,
        %get3A_2018 = vector.shape_cast %get3A_2017 : vector<16xi32> to vector<16xi32>
        %dma_start3A_2019 = arith.constant 1 : i32
        %dma_start3A_2020 = arith.constant 1 : i32
        %dma_start3A_2021 = arith.constant 352 : i32
        %dma_start3A_2022 = arith.constant 0 : i32
        %dma_start3A_2023 = tpu.memref_slice %arg6[%dma_start3A_2019, %dma_start3A_2021, %dma_start3A_2022] : memref<2x800x64xf32, #tpu.memory_space<vmem>> -> memref<1x16x64xf32, #tpu.memory_space<vmem>>
        %dma_start3A_2024 = tpu.memref_squeeze %dma_start3A_2023 : memref<1x16x64xf32, #tpu.memory_space<vmem>> -> memref<16x64xf32, #tpu.memory_space<vmem>>
        %dma_start3A_2025 = arith.constant 0 : i32
        %dma_start3A_2026 = arith.constant 0 : i32
        %dma_start3A_2027 = tpu.memref_slice %arg3[%dma_start3A_2025, %dma_start3A_2026] : memref<1000000x64xf32, #tpu.memory_space<hbm>> -> memref<1000000x64xf32, #tpu.memory_space<hbm>>
        %dma_start3A_2028 = tpu.memref_slice %arg7[%dma_start3A_2020] : memref<2x!tpu.dma_semaphore, #tpu.memory_space<semaphore_mem>> -> memref<1x!tpu.dma_semaphore, #tpu.memory_space<semaphore_mem>>
        %dma_start3A_2029 = tpu.memref_squeeze %dma_start3A_2028 : memref<1x!tpu.dma_semaphore, #tpu.memory_space<semaphore_mem>> -> memref<!tpu.dma_semaphore, #tpu.memory_space<semaphore_mem>>
        tpu.enqueue_indirect_dma source(%dma_start3A_2027 : memref<1000000x64xf32, #tpu.memory_space<hbm>>) target(%dma_start3A_2024 : memref<16x64xf32, #tpu.memory_space<vmem>>) offsets(%get3A_2018 : vector<16xi32>) semaphore(%dma_start3A_2029 : memref<!tpu.dma_semaphore, #tpu.memory_space<semaphore_mem>>)
        %mul3A_2030 = arith.constant 800 : i32
        %mul3A_2031 = arith.muli %add3A_1615, %mul3A_2030 : i32
        %add3A_2032 = arith.constant 368 : i32
        %add3A_2033 = arith.addi %mul3A_2031, %add3A_2032 : i32
        %get3A_2034 = arith.index_cast %add3A_2033 : i32 to index
        %get3A_2035 = tpu.vector_load %arg5[%get3A_2034] {strides = array<i32>} : memref<6400xi32, #tpu.memory_space<vmem>>, vector<16xi32>,
        %get3A_2036 = vector.shape_cast %get3A_2035 : vector<16xi32> to vector<16xi32>
        %dma_start3A_2037 = arith.constant 1 : i32
        %dma_start3A_2038 = arith.constant 1 : i32
        %dma_start3A_2039 = arith.constant 368 : i32
        %dma_start3A_2040 = arith.constant 0 : i32
        %dma_start3A_2041 = tpu.memref_slice %arg6[%dma_start3A_2037, %dma_start3A_2039, %dma_start3A_2040] : memref<2x800x64xf32, #tpu.memory_space<vmem>> -> memref<1x16x64xf32, #tpu.memory_space<vmem>>
        %dma_start3A_2042 = tpu.memref_squeeze %dma_start3A_2041 : memref<1x16x64xf32, #tpu.memory_space<vmem>> -> memref<16x64xf32, #tpu.memory_space<vmem>>
        %dma_start3A_2043 = arith.constant 0 : i32
        %dma_start3A_2044 = arith.constant 0 : i32
        %dma_start3A_2045 = tpu.memref_slice %arg3[%dma_start3A_2043, %dma_start3A_2044] : memref<1000000x64xf32, #tpu.memory_space<hbm>> -> memref<1000000x64xf32, #tpu.memory_space<hbm>>
        %dma_start3A_2046 = tpu.memref_slice %arg7[%dma_start3A_2038] : memref<2x!tpu.dma_semaphore, #tpu.memory_space<semaphore_mem>> -> memref<1x!tpu.dma_semaphore, #tpu.memory_space<semaphore_mem>>
        %dma_start3A_2047 = tpu.memref_squeeze %dma_start3A_2046 : memref<1x!tpu.dma_semaphore, #tpu.memory_space<semaphore_mem>> -> memref<!tpu.dma_semaphore, #tpu.memory_space<semaphore_mem>>
        tpu.enqueue_indirect_dma source(%dma_start3A_2045 : memref<1000000x64xf32, #tpu.memory_space<hbm>>) target(%dma_start3A_2042 : memref<16x64xf32, #tpu.memory_space<vmem>>) offsets(%get3A_2036 : vector<16xi32>) semaphore(%dma_start3A_2047 : memref<!tpu.dma_semaphore, #tpu.memory_space<semaphore_mem>>)
        %mul3A_2048 = arith.constant 800 : i32
        %mul3A_2049 = arith.muli %add3A_1615, %mul3A_2048 : i32
        %add3A_2050 = arith.constant 384 : i32
        %add3A_2051 = arith.addi %mul3A_2049, %add3A_2050 : i32
        %get3A_2052 = arith.index_cast %add3A_2051 : i32 to index
        %get3A_2053 = tpu.vector_load %arg5[%get3A_2052] {strides = array<i32>} : memref<6400xi32, #tpu.memory_space<vmem>>, vector<16xi32>,
        %get3A_2054 = vector.shape_cast %get3A_2053 : vector<16xi32> to vector<16xi32>
        %dma_start3A_2055 = arith.constant 1 : i32
        %dma_start3A_2056 = arith.constant 1 : i32
        %dma_start3A_2057 = arith.constant 384 : i32
        %dma_start3A_2058 = arith.constant 0 : i32
        %dma_start3A_2059 = tpu.memref_slice %arg6[%dma_start3A_2055, %dma_start3A_2057, %dma_start3A_2058] : memref<2x800x64xf32, #tpu.memory_space<vmem>> -> memref<1x16x64xf32, #tpu.memory_space<vmem>>
        %dma_start3A_2060 = tpu.memref_squeeze %dma_start3A_2059 : memref<1x16x64xf32, #tpu.memory_space<vmem>> -> memref<16x64xf32, #tpu.memory_space<vmem>>
        %dma_start3A_2061 = arith.constant 0 : i32
        %dma_start3A_2062 = arith.constant 0 : i32
        %dma_start3A_2063 = tpu.memref_slice %arg3[%dma_start3A_2061, %dma_start3A_2062] : memref<1000000x64xf32, #tpu.memory_space<hbm>> -> memref<1000000x64xf32, #tpu.memory_space<hbm>>
        %dma_start3A_2064 = tpu.memref_slice %arg7[%dma_start3A_2056] : memref<2x!tpu.dma_semaphore, #tpu.memory_space<semaphore_mem>> -> memref<1x!tpu.dma_semaphore, #tpu.memory_space<semaphore_mem>>
        %dma_start3A_2065 = tpu.memref_squeeze %dma_start3A_2064 : memref<1x!tpu.dma_semaphore, #tpu.memory_space<semaphore_mem>> -> memref<!tpu.dma_semaphore, #tpu.memory_space<semaphore_mem>>
        tpu.enqueue_indirect_dma source(%dma_start3A_2063 : memref<1000000x64xf32, #tpu.memory_space<hbm>>) target(%dma_start3A_2060 : memref<16x64xf32, #tpu.memory_space<vmem>>) offsets(%get3A_2054 : vector<16xi32>) semaphore(%dma_start3A_2065 : memref<!tpu.dma_semaphore, #tpu.memory_space<semaphore_mem>>)
        %mul3A_2066 = arith.constant 800 : i32
        %mul3A_2067 = arith.muli %add3A_1615, %mul3A_2066 : i32
        %add3A_2068 = arith.constant 400 : i32
        %add3A_2069 = arith.addi %mul3A_2067, %add3A_2068 : i32
        %get3A_2070 = arith.index_cast %add3A_2069 : i32 to index
        %get3A_2071 = tpu.vector_load %arg5[%get3A_2070] {strides = array<i32>} : memref<6400xi32, #tpu.memory_space<vmem>>, vector<16xi32>,
        %get3A_2072 = vector.shape_cast %get3A_2071 : vector<16xi32> to vector<16xi32>
        %dma_start3A_2073 = arith.constant 1 : i32
        %dma_start3A_2074 = arith.constant 1 : i32
        %dma_start3A_2075 = arith.constant 400 : i32
        %dma_start3A_2076 = arith.constant 0 : i32
        %dma_start3A_2077 = tpu.memref_slice %arg6[%dma_start3A_2073, %dma_start3A_2075, %dma_start3A_2076] : memref<2x800x64xf32, #tpu.memory_space<vmem>> -> memref<1x16x64xf32, #tpu.memory_space<vmem>>
        %dma_start3A_2078 = tpu.memref_squeeze %dma_start3A_2077 : memref<1x16x64xf32, #tpu.memory_space<vmem>> -> memref<16x64xf32, #tpu.memory_space<vmem>>
        %dma_start3A_2079 = arith.constant 0 : i32
        %dma_start3A_2080 = arith.constant 0 : i32
        %dma_start3A_2081 = tpu.memref_slice %arg3[%dma_start3A_2079, %dma_start3A_2080] : memref<1000000x64xf32, #tpu.memory_space<hbm>> -> memref<1000000x64xf32, #tpu.memory_space<hbm>>
        %dma_start3A_2082 = tpu.memref_slice %arg7[%dma_start3A_2074] : memref<2x!tpu.dma_semaphore, #tpu.memory_space<semaphore_mem>> -> memref<1x!tpu.dma_semaphore, #tpu.memory_space<semaphore_mem>>
        %dma_start3A_2083 = tpu.memref_squeeze %dma_start3A_2082 : memref<1x!tpu.dma_semaphore, #tpu.memory_space<semaphore_mem>> -> memref<!tpu.dma_semaphore, #tpu.memory_space<semaphore_mem>>
        tpu.enqueue_indirect_dma source(%dma_start3A_2081 : memref<1000000x64xf32, #tpu.memory_space<hbm>>) target(%dma_start3A_2078 : memref<16x64xf32, #tpu.memory_space<vmem>>) offsets(%get3A_2072 : vector<16xi32>) semaphore(%dma_start3A_2083 : memref<!tpu.dma_semaphore, #tpu.memory_space<semaphore_mem>>)
        %mul3A_2084 = arith.constant 800 : i32
        %mul3A_2085 = arith.muli %add3A_1615, %mul3A_2084 : i32
        %add3A_2086 = arith.constant 416 : i32
        %add3A_2087 = arith.addi %mul3A_2085, %add3A_2086 : i32
        %get3A_2088 = arith.index_cast %add3A_2087 : i32 to index
        %get3A_2089 = tpu.vector_load %arg5[%get3A_2088] {strides = array<i32>} : memref<6400xi32, #tpu.memory_space<vmem>>, vector<16xi32>,
        %get3A_2090 = vector.shape_cast %get3A_2089 : vector<16xi32> to vector<16xi32>
        %dma_start3A_2091 = arith.constant 1 : i32
        %dma_start3A_2092 = arith.constant 1 : i32
        %dma_start3A_2093 = arith.constant 416 : i32
        %dma_start3A_2094 = arith.constant 0 : i32
        %dma_start3A_2095 = tpu.memref_slice %arg6[%dma_start3A_2091, %dma_start3A_2093, %dma_start3A_2094] : memref<2x800x64xf32, #tpu.memory_space<vmem>> -> memref<1x16x64xf32, #tpu.memory_space<vmem>>
        %dma_start3A_2096 = tpu.memref_squeeze %dma_start3A_2095 : memref<1x16x64xf32, #tpu.memory_space<vmem>> -> memref<16x64xf32, #tpu.memory_space<vmem>>
        %dma_start3A_2097 = arith.constant 0 : i32
        %dma_start3A_2098 = arith.constant 0 : i32
        %dma_start3A_2099 = tpu.memref_slice %arg3[%dma_start3A_2097, %dma_start3A_2098] : memref<1000000x64xf32, #tpu.memory_space<hbm>> -> memref<1000000x64xf32, #tpu.memory_space<hbm>>
        %dma_start3A_2100 = tpu.memref_slice %arg7[%dma_start3A_2092] : memref<2x!tpu.dma_semaphore, #tpu.memory_space<semaphore_mem>> -> memref<1x!tpu.dma_semaphore, #tpu.memory_space<semaphore_mem>>
        %dma_start3A_2101 = tpu.memref_squeeze %dma_start3A_2100 : memref<1x!tpu.dma_semaphore, #tpu.memory_space<semaphore_mem>> -> memref<!tpu.dma_semaphore, #tpu.memory_space<semaphore_mem>>
        tpu.enqueue_indirect_dma source(%dma_start3A_2099 : memref<1000000x64xf32, #tpu.memory_space<hbm>>) target(%dma_start3A_2096 : memref<16x64xf32, #tpu.memory_space<vmem>>) offsets(%get3A_2090 : vector<16xi32>) semaphore(%dma_start3A_2101 : memref<!tpu.dma_semaphore, #tpu.memory_space<semaphore_mem>>)
        %mul3A_2102 = arith.constant 800 : i32
        %mul3A_2103 = arith.muli %add3A_1615, %mul3A_2102 : i32
        %add3A_2104 = arith.constant 432 : i32
        %add3A_2105 = arith.addi %mul3A_2103, %add3A_2104 : i32
        %get3A_2106 = arith.index_cast %add3A_2105 : i32 to index
        %get3A_2107 = tpu.vector_load %arg5[%get3A_2106] {strides = array<i32>} : memref<6400xi32, #tpu.memory_space<vmem>>, vector<16xi32>,
        %get3A_2108 = vector.shape_cast %get3A_2107 : vector<16xi32> to vector<16xi32>
        %dma_start3A_2109 = arith.constant 1 : i32
        %dma_start3A_2110 = arith.constant 1 : i32
        %dma_start3A_2111 = arith.constant 432 : i32
        %dma_start3A_2112 = arith.constant 0 : i32
        %dma_start3A_2113 = tpu.memref_slice %arg6[%dma_start3A_2109, %dma_start3A_2111, %dma_start3A_2112] : memref<2x800x64xf32, #tpu.memory_space<vmem>> -> memref<1x16x64xf32, #tpu.memory_space<vmem>>
        %dma_start3A_2114 = tpu.memref_squeeze %dma_start3A_2113 : memref<1x16x64xf32, #tpu.memory_space<vmem>> -> memref<16x64xf32, #tpu.memory_space<vmem>>
        %dma_start3A_2115 = arith.constant 0 : i32
        %dma_start3A_2116 = arith.constant 0 : i32
        %dma_start3A_2117 = tpu.memref_slice %arg3[%dma_start3A_2115, %dma_start3A_2116] : memref<1000000x64xf32, #tpu.memory_space<hbm>> -> memref<1000000x64xf32, #tpu.memory_space<hbm>>
        %dma_start3A_2118 = tpu.memref_slice %arg7[%dma_start3A_2110] : memref<2x!tpu.dma_semaphore, #tpu.memory_space<semaphore_mem>> -> memref<1x!tpu.dma_semaphore, #tpu.memory_space<semaphore_mem>>
        %dma_start3A_2119 = tpu.memref_squeeze %dma_start3A_2118 : memref<1x!tpu.dma_semaphore, #tpu.memory_space<semaphore_mem>> -> memref<!tpu.dma_semaphore, #tpu.memory_space<semaphore_mem>>
        tpu.enqueue_indirect_dma source(%dma_start3A_2117 : memref<1000000x64xf32, #tpu.memory_space<hbm>>) target(%dma_start3A_2114 : memref<16x64xf32, #tpu.memory_space<vmem>>) offsets(%get3A_2108 : vector<16xi32>) semaphore(%dma_start3A_2119 : memref<!tpu.dma_semaphore, #tpu.memory_space<semaphore_mem>>)
        %mul3A_2120 = arith.constant 800 : i32
        %mul3A_2121 = arith.muli %add3A_1615, %mul3A_2120 : i32
        %add3A_2122 = arith.constant 448 : i32
        %add3A_2123 = arith.addi %mul3A_2121, %add3A_2122 : i32
        %get3A_2124 = arith.index_cast %add3A_2123 : i32 to index
        %get3A_2125 = tpu.vector_load %arg5[%get3A_2124] {strides = array<i32>} : memref<6400xi32, #tpu.memory_space<vmem>>, vector<16xi32>,
        %get3A_2126 = vector.shape_cast %get3A_2125 : vector<16xi32> to vector<16xi32>
        %dma_start3A_2127 = arith.constant 1 : i32
        %dma_start3A_2128 = arith.constant 1 : i32
        %dma_start3A_2129 = arith.constant 448 : i32
        %dma_start3A_2130 = arith.constant 0 : i32
        %dma_start3A_2131 = tpu.memref_slice %arg6[%dma_start3A_2127, %dma_start3A_2129, %dma_start3A_2130] : memref<2x800x64xf32, #tpu.memory_space<vmem>> -> memref<1x16x64xf32, #tpu.memory_space<vmem>>
        %dma_start3A_2132 = tpu.memref_squeeze %dma_start3A_2131 : memref<1x16x64xf32, #tpu.memory_space<vmem>> -> memref<16x64xf32, #tpu.memory_space<vmem>>
        %dma_start3A_2133 = arith.constant 0 : i32
        %dma_start3A_2134 = arith.constant 0 : i32
        %dma_start3A_2135 = tpu.memref_slice %arg3[%dma_start3A_2133, %dma_start3A_2134] : memref<1000000x64xf32, #tpu.memory_space<hbm>> -> memref<1000000x64xf32, #tpu.memory_space<hbm>>
        %dma_start3A_2136 = tpu.memref_slice %arg7[%dma_start3A_2128] : memref<2x!tpu.dma_semaphore, #tpu.memory_space<semaphore_mem>> -> memref<1x!tpu.dma_semaphore, #tpu.memory_space<semaphore_mem>>
        %dma_start3A_2137 = tpu.memref_squeeze %dma_start3A_2136 : memref<1x!tpu.dma_semaphore, #tpu.memory_space<semaphore_mem>> -> memref<!tpu.dma_semaphore, #tpu.memory_space<semaphore_mem>>
        tpu.enqueue_indirect_dma source(%dma_start3A_2135 : memref<1000000x64xf32, #tpu.memory_space<hbm>>) target(%dma_start3A_2132 : memref<16x64xf32, #tpu.memory_space<vmem>>) offsets(%get3A_2126 : vector<16xi32>) semaphore(%dma_start3A_2137 : memref<!tpu.dma_semaphore, #tpu.memory_space<semaphore_mem>>)
        %mul3A_2138 = arith.constant 800 : i32
        %mul3A_2139 = arith.muli %add3A_1615, %mul3A_2138 : i32
        %add3A_2140 = arith.constant 464 : i32
        %add3A_2141 = arith.addi %mul3A_2139, %add3A_2140 : i32
        %get3A_2142 = arith.index_cast %add3A_2141 : i32 to index
        %get3A_2143 = tpu.vector_load %arg5[%get3A_2142] {strides = array<i32>} : memref<6400xi32, #tpu.memory_space<vmem>>, vector<16xi32>,
        %get3A_2144 = vector.shape_cast %get3A_2143 : vector<16xi32> to vector<16xi32>
        %dma_start3A_2145 = arith.constant 1 : i32
        %dma_start3A_2146 = arith.constant 1 : i32
        %dma_start3A_2147 = arith.constant 464 : i32
        %dma_start3A_2148 = arith.constant 0 : i32
        %dma_start3A_2149 = tpu.memref_slice %arg6[%dma_start3A_2145, %dma_start3A_2147, %dma_start3A_2148] : memref<2x800x64xf32, #tpu.memory_space<vmem>> -> memref<1x16x64xf32, #tpu.memory_space<vmem>>
        %dma_start3A_2150 = tpu.memref_squeeze %dma_start3A_2149 : memref<1x16x64xf32, #tpu.memory_space<vmem>> -> memref<16x64xf32, #tpu.memory_space<vmem>>
        %dma_start3A_2151 = arith.constant 0 : i32
        %dma_start3A_2152 = arith.constant 0 : i32
        %dma_start3A_2153 = tpu.memref_slice %arg3[%dma_start3A_2151, %dma_start3A_2152] : memref<1000000x64xf32, #tpu.memory_space<hbm>> -> memref<1000000x64xf32, #tpu.memory_space<hbm>>
        %dma_start3A_2154 = tpu.memref_slice %arg7[%dma_start3A_2146] : memref<2x!tpu.dma_semaphore, #tpu.memory_space<semaphore_mem>> -> memref<1x!tpu.dma_semaphore, #tpu.memory_space<semaphore_mem>>
        %dma_start3A_2155 = tpu.memref_squeeze %dma_start3A_2154 : memref<1x!tpu.dma_semaphore, #tpu.memory_space<semaphore_mem>> -> memref<!tpu.dma_semaphore, #tpu.memory_space<semaphore_mem>>
        tpu.enqueue_indirect_dma source(%dma_start3A_2153 : memref<1000000x64xf32, #tpu.memory_space<hbm>>) target(%dma_start3A_2150 : memref<16x64xf32, #tpu.memory_space<vmem>>) offsets(%get3A_2144 : vector<16xi32>) semaphore(%dma_start3A_2155 : memref<!tpu.dma_semaphore, #tpu.memory_space<semaphore_mem>>)
        %mul3A_2156 = arith.constant 800 : i32
        %mul3A_2157 = arith.muli %add3A_1615, %mul3A_2156 : i32
        %add3A_2158 = arith.constant 480 : i32
        %add3A_2159 = arith.addi %mul3A_2157, %add3A_2158 : i32
        %get3A_2160 = arith.index_cast %add3A_2159 : i32 to index
        %get3A_2161 = tpu.vector_load %arg5[%get3A_2160] {strides = array<i32>} : memref<6400xi32, #tpu.memory_space<vmem>>, vector<16xi32>,
        %get3A_2162 = vector.shape_cast %get3A_2161 : vector<16xi32> to vector<16xi32>
        %dma_start3A_2163 = arith.constant 1 : i32
        %dma_start3A_2164 = arith.constant 1 : i32
        %dma_start3A_2165 = arith.constant 480 : i32
        %dma_start3A_2166 = arith.constant 0 : i32
        %dma_start3A_2167 = tpu.memref_slice %arg6[%dma_start3A_2163, %dma_start3A_2165, %dma_start3A_2166] : memref<2x800x64xf32, #tpu.memory_space<vmem>> -> memref<1x16x64xf32, #tpu.memory_space<vmem>>
        %dma_start3A_2168 = tpu.memref_squeeze %dma_start3A_2167 : memref<1x16x64xf32, #tpu.memory_space<vmem>> -> memref<16x64xf32, #tpu.memory_space<vmem>>
        %dma_start3A_2169 = arith.constant 0 : i32
        %dma_start3A_2170 = arith.constant 0 : i32
        %dma_start3A_2171 = tpu.memref_slice %arg3[%dma_start3A_2169, %dma_start3A_2170] : memref<1000000x64xf32, #tpu.memory_space<hbm>> -> memref<1000000x64xf32, #tpu.memory_space<hbm>>
        %dma_start3A_2172 = tpu.memref_slice %arg7[%dma_start3A_2164] : memref<2x!tpu.dma_semaphore, #tpu.memory_space<semaphore_mem>> -> memref<1x!tpu.dma_semaphore, #tpu.memory_space<semaphore_mem>>
        %dma_start3A_2173 = tpu.memref_squeeze %dma_start3A_2172 : memref<1x!tpu.dma_semaphore, #tpu.memory_space<semaphore_mem>> -> memref<!tpu.dma_semaphore, #tpu.memory_space<semaphore_mem>>
        tpu.enqueue_indirect_dma source(%dma_start3A_2171 : memref<1000000x64xf32, #tpu.memory_space<hbm>>) target(%dma_start3A_2168 : memref<16x64xf32, #tpu.memory_space<vmem>>) offsets(%get3A_2162 : vector<16xi32>) semaphore(%dma_start3A_2173 : memref<!tpu.dma_semaphore, #tpu.memory_space<semaphore_mem>>)
        %mul3A_2174 = arith.constant 800 : i32
        %mul3A_2175 = arith.muli %add3A_1615, %mul3A_2174 : i32
        %add3A_2176 = arith.constant 496 : i32
        %add3A_2177 = arith.addi %mul3A_2175, %add3A_2176 : i32
        %get3A_2178 = arith.index_cast %add3A_2177 : i32 to index
        %get3A_2179 = tpu.vector_load %arg5[%get3A_2178] {strides = array<i32>} : memref<6400xi32, #tpu.memory_space<vmem>>, vector<16xi32>,
        %get3A_2180 = vector.shape_cast %get3A_2179 : vector<16xi32> to vector<16xi32>
        %dma_start3A_2181 = arith.constant 1 : i32
        %dma_start3A_2182 = arith.constant 1 : i32
        %dma_start3A_2183 = arith.constant 496 : i32
        %dma_start3A_2184 = arith.constant 0 : i32
        %dma_start3A_2185 = tpu.memref_slice %arg6[%dma_start3A_2181, %dma_start3A_2183, %dma_start3A_2184] : memref<2x800x64xf32, #tpu.memory_space<vmem>> -> memref<1x16x64xf32, #tpu.memory_space<vmem>>
        %dma_start3A_2186 = tpu.memref_squeeze %dma_start3A_2185 : memref<1x16x64xf32, #tpu.memory_space<vmem>> -> memref<16x64xf32, #tpu.memory_space<vmem>>
        %dma_start3A_2187 = arith.constant 0 : i32
        %dma_start3A_2188 = arith.constant 0 : i32
        %dma_start3A_2189 = tpu.memref_slice %arg3[%dma_start3A_2187, %dma_start3A_2188] : memref<1000000x64xf32, #tpu.memory_space<hbm>> -> memref<1000000x64xf32, #tpu.memory_space<hbm>>
        %dma_start3A_2190 = tpu.memref_slice %arg7[%dma_start3A_2182] : memref<2x!tpu.dma_semaphore, #tpu.memory_space<semaphore_mem>> -> memref<1x!tpu.dma_semaphore, #tpu.memory_space<semaphore_mem>>
        %dma_start3A_2191 = tpu.memref_squeeze %dma_start3A_2190 : memref<1x!tpu.dma_semaphore, #tpu.memory_space<semaphore_mem>> -> memref<!tpu.dma_semaphore, #tpu.memory_space<semaphore_mem>>
        tpu.enqueue_indirect_dma source(%dma_start3A_2189 : memref<1000000x64xf32, #tpu.memory_space<hbm>>) target(%dma_start3A_2186 : memref<16x64xf32, #tpu.memory_space<vmem>>) offsets(%get3A_2180 : vector<16xi32>) semaphore(%dma_start3A_2191 : memref<!tpu.dma_semaphore, #tpu.memory_space<semaphore_mem>>)
        %mul3A_2192 = arith.constant 800 : i32
        %mul3A_2193 = arith.muli %add3A_1615, %mul3A_2192 : i32
        %add3A_2194 = arith.constant 512 : i32
        %add3A_2195 = arith.addi %mul3A_2193, %add3A_2194 : i32
        %get3A_2196 = arith.index_cast %add3A_2195 : i32 to index
        %get3A_2197 = tpu.vector_load %arg5[%get3A_2196] {strides = array<i32>} : memref<6400xi32, #tpu.memory_space<vmem>>, vector<16xi32>,
        %get3A_2198 = vector.shape_cast %get3A_2197 : vector<16xi32> to vector<16xi32>
        %dma_start3A_2199 = arith.constant 1 : i32
        %dma_start3A_2200 = arith.constant 1 : i32
        %dma_start3A_2201 = arith.constant 512 : i32
        %dma_start3A_2202 = arith.constant 0 : i32
        %dma_start3A_2203 = tpu.memref_slice %arg6[%dma_start3A_2199, %dma_start3A_2201, %dma_start3A_2202] : memref<2x800x64xf32, #tpu.memory_space<vmem>> -> memref<1x16x64xf32, #tpu.memory_space<vmem>>
        %dma_start3A_2204 = tpu.memref_squeeze %dma_start3A_2203 : memref<1x16x64xf32, #tpu.memory_space<vmem>> -> memref<16x64xf32, #tpu.memory_space<vmem>>
        %dma_start3A_2205 = arith.constant 0 : i32
        %dma_start3A_2206 = arith.constant 0 : i32
        %dma_start3A_2207 = tpu.memref_slice %arg3[%dma_start3A_2205, %dma_start3A_2206] : memref<1000000x64xf32, #tpu.memory_space<hbm>> -> memref<1000000x64xf32, #tpu.memory_space<hbm>>
        %dma_start3A_2208 = tpu.memref_slice %arg7[%dma_start3A_2200] : memref<2x!tpu.dma_semaphore, #tpu.memory_space<semaphore_mem>> -> memref<1x!tpu.dma_semaphore, #tpu.memory_space<semaphore_mem>>
        %dma_start3A_2209 = tpu.memref_squeeze %dma_start3A_2208 : memref<1x!tpu.dma_semaphore, #tpu.memory_space<semaphore_mem>> -> memref<!tpu.dma_semaphore, #tpu.memory_space<semaphore_mem>>
        tpu.enqueue_indirect_dma source(%dma_start3A_2207 : memref<1000000x64xf32, #tpu.memory_space<hbm>>) target(%dma_start3A_2204 : memref<16x64xf32, #tpu.memory_space<vmem>>) offsets(%get3A_2198 : vector<16xi32>) semaphore(%dma_start3A_2209 : memref<!tpu.dma_semaphore, #tpu.memory_space<semaphore_mem>>)
        %mul3A_2210 = arith.constant 800 : i32
        %mul3A_2211 = arith.muli %add3A_1615, %mul3A_2210 : i32
        %add3A_2212 = arith.constant 528 : i32
        %add3A_2213 = arith.addi %mul3A_2211, %add3A_2212 : i32
        %get3A_2214 = arith.index_cast %add3A_2213 : i32 to index
        %get3A_2215 = tpu.vector_load %arg5[%get3A_2214] {strides = array<i32>} : memref<6400xi32, #tpu.memory_space<vmem>>, vector<16xi32>,
        %get3A_2216 = vector.shape_cast %get3A_2215 : vector<16xi32> to vector<16xi32>
        %dma_start3A_2217 = arith.constant 1 : i32
        %dma_start3A_2218 = arith.constant 1 : i32
        %dma_start3A_2219 = arith.constant 528 : i32
        %dma_start3A_2220 = arith.constant 0 : i32
        %dma_start3A_2221 = tpu.memref_slice %arg6[%dma_start3A_2217, %dma_start3A_2219, %dma_start3A_2220] : memref<2x800x64xf32, #tpu.memory_space<vmem>> -> memref<1x16x64xf32, #tpu.memory_space<vmem>>
        %dma_start3A_2222 = tpu.memref_squeeze %dma_start3A_2221 : memref<1x16x64xf32, #tpu.memory_space<vmem>> -> memref<16x64xf32, #tpu.memory_space<vmem>>
        %dma_start3A_2223 = arith.constant 0 : i32
        %dma_start3A_2224 = arith.constant 0 : i32
        %dma_start3A_2225 = tpu.memref_slice %arg3[%dma_start3A_2223, %dma_start3A_2224] : memref<1000000x64xf32, #tpu.memory_space<hbm>> -> memref<1000000x64xf32, #tpu.memory_space<hbm>>
        %dma_start3A_2226 = tpu.memref_slice %arg7[%dma_start3A_2218] : memref<2x!tpu.dma_semaphore, #tpu.memory_space<semaphore_mem>> -> memref<1x!tpu.dma_semaphore, #tpu.memory_space<semaphore_mem>>
        %dma_start3A_2227 = tpu.memref_squeeze %dma_start3A_2226 : memref<1x!tpu.dma_semaphore, #tpu.memory_space<semaphore_mem>> -> memref<!tpu.dma_semaphore, #tpu.memory_space<semaphore_mem>>
        tpu.enqueue_indirect_dma source(%dma_start3A_2225 : memref<1000000x64xf32, #tpu.memory_space<hbm>>) target(%dma_start3A_2222 : memref<16x64xf32, #tpu.memory_space<vmem>>) offsets(%get3A_2216 : vector<16xi32>) semaphore(%dma_start3A_2227 : memref<!tpu.dma_semaphore, #tpu.memory_space<semaphore_mem>>)
        %mul3A_2228 = arith.constant 800 : i32
        %mul3A_2229 = arith.muli %add3A_1615, %mul3A_2228 : i32
        %add3A_2230 = arith.constant 544 : i32
        %add3A_2231 = arith.addi %mul3A_2229, %add3A_2230 : i32
        %get3A_2232 = arith.index_cast %add3A_2231 : i32 to index
        %get3A_2233 = tpu.vector_load %arg5[%get3A_2232] {strides = array<i32>} : memref<6400xi32, #tpu.memory_space<vmem>>, vector<16xi32>,
        %get3A_2234 = vector.shape_cast %get3A_2233 : vector<16xi32> to vector<16xi32>
        %dma_start3A_2235 = arith.constant 1 : i32
        %dma_start3A_2236 = arith.constant 1 : i32
        %dma_start3A_2237 = arith.constant 544 : i32
        %dma_start3A_2238 = arith.constant 0 : i32
        %dma_start3A_2239 = tpu.memref_slice %arg6[%dma_start3A_2235, %dma_start3A_2237, %dma_start3A_2238] : memref<2x800x64xf32, #tpu.memory_space<vmem>> -> memref<1x16x64xf32, #tpu.memory_space<vmem>>
        %dma_start3A_2240 = tpu.memref_squeeze %dma_start3A_2239 : memref<1x16x64xf32, #tpu.memory_space<vmem>> -> memref<16x64xf32, #tpu.memory_space<vmem>>
        %dma_start3A_2241 = arith.constant 0 : i32
        %dma_start3A_2242 = arith.constant 0 : i32
        %dma_start3A_2243 = tpu.memref_slice %arg3[%dma_start3A_2241, %dma_start3A_2242] : memref<1000000x64xf32, #tpu.memory_space<hbm>> -> memref<1000000x64xf32, #tpu.memory_space<hbm>>
        %dma_start3A_2244 = tpu.memref_slice %arg7[%dma_start3A_2236] : memref<2x!tpu.dma_semaphore, #tpu.memory_space<semaphore_mem>> -> memref<1x!tpu.dma_semaphore, #tpu.memory_space<semaphore_mem>>
        %dma_start3A_2245 = tpu.memref_squeeze %dma_start3A_2244 : memref<1x!tpu.dma_semaphore, #tpu.memory_space<semaphore_mem>> -> memref<!tpu.dma_semaphore, #tpu.memory_space<semaphore_mem>>
        tpu.enqueue_indirect_dma source(%dma_start3A_2243 : memref<1000000x64xf32, #tpu.memory_space<hbm>>) target(%dma_start3A_2240 : memref<16x64xf32, #tpu.memory_space<vmem>>) offsets(%get3A_2234 : vector<16xi32>) semaphore(%dma_start3A_2245 : memref<!tpu.dma_semaphore, #tpu.memory_space<semaphore_mem>>)
        %mul3A_2246 = arith.constant 800 : i32
        %mul3A_2247 = arith.muli %add3A_1615, %mul3A_2246 : i32
        %add3A_2248 = arith.constant 560 : i32
        %add3A_2249 = arith.addi %mul3A_2247, %add3A_2248 : i32
        %get3A_2250 = arith.index_cast %add3A_2249 : i32 to index
        %get3A_2251 = tpu.vector_load %arg5[%get3A_2250] {strides = array<i32>} : memref<6400xi32, #tpu.memory_space<vmem>>, vector<16xi32>,
        %get3A_2252 = vector.shape_cast %get3A_2251 : vector<16xi32> to vector<16xi32>
        %dma_start3A_2253 = arith.constant 1 : i32
        %dma_start3A_2254 = arith.constant 1 : i32
        %dma_start3A_2255 = arith.constant 560 : i32
        %dma_start3A_2256 = arith.constant 0 : i32
        %dma_start3A_2257 = tpu.memref_slice %arg6[%dma_start3A_2253, %dma_start3A_2255, %dma_start3A_2256] : memref<2x800x64xf32, #tpu.memory_space<vmem>> -> memref<1x16x64xf32, #tpu.memory_space<vmem>>
        %dma_start3A_2258 = tpu.memref_squeeze %dma_start3A_2257 : memref<1x16x64xf32, #tpu.memory_space<vmem>> -> memref<16x64xf32, #tpu.memory_space<vmem>>
        %dma_start3A_2259 = arith.constant 0 : i32
        %dma_start3A_2260 = arith.constant 0 : i32
        %dma_start3A_2261 = tpu.memref_slice %arg3[%dma_start3A_2259, %dma_start3A_2260] : memref<1000000x64xf32, #tpu.memory_space<hbm>> -> memref<1000000x64xf32, #tpu.memory_space<hbm>>
        %dma_start3A_2262 = tpu.memref_slice %arg7[%dma_start3A_2254] : memref<2x!tpu.dma_semaphore, #tpu.memory_space<semaphore_mem>> -> memref<1x!tpu.dma_semaphore, #tpu.memory_space<semaphore_mem>>
        %dma_start3A_2263 = tpu.memref_squeeze %dma_start3A_2262 : memref<1x!tpu.dma_semaphore, #tpu.memory_space<semaphore_mem>> -> memref<!tpu.dma_semaphore, #tpu.memory_space<semaphore_mem>>
        tpu.enqueue_indirect_dma source(%dma_start3A_2261 : memref<1000000x64xf32, #tpu.memory_space<hbm>>) target(%dma_start3A_2258 : memref<16x64xf32, #tpu.memory_space<vmem>>) offsets(%get3A_2252 : vector<16xi32>) semaphore(%dma_start3A_2263 : memref<!tpu.dma_semaphore, #tpu.memory_space<semaphore_mem>>)
        %mul3A_2264 = arith.constant 800 : i32
        %mul3A_2265 = arith.muli %add3A_1615, %mul3A_2264 : i32
        %add3A_2266 = arith.constant 576 : i32
        %add3A_2267 = arith.addi %mul3A_2265, %add3A_2266 : i32
        %get3A_2268 = arith.index_cast %add3A_2267 : i32 to index
        %get3A_2269 = tpu.vector_load %arg5[%get3A_2268] {strides = array<i32>} : memref<6400xi32, #tpu.memory_space<vmem>>, vector<16xi32>,
        %get3A_2270 = vector.shape_cast %get3A_2269 : vector<16xi32> to vector<16xi32>
        %dma_start3A_2271 = arith.constant 1 : i32
        %dma_start3A_2272 = arith.constant 1 : i32
        %dma_start3A_2273 = arith.constant 576 : i32
        %dma_start3A_2274 = arith.constant 0 : i32
        %dma_start3A_2275 = tpu.memref_slice %arg6[%dma_start3A_2271, %dma_start3A_2273, %dma_start3A_2274] : memref<2x800x64xf32, #tpu.memory_space<vmem>> -> memref<1x16x64xf32, #tpu.memory_space<vmem>>
        %dma_start3A_2276 = tpu.memref_squeeze %dma_start3A_2275 : memref<1x16x64xf32, #tpu.memory_space<vmem>> -> memref<16x64xf32, #tpu.memory_space<vmem>>
        %dma_start3A_2277 = arith.constant 0 : i32
        %dma_start3A_2278 = arith.constant 0 : i32
        %dma_start3A_2279 = tpu.memref_slice %arg3[%dma_start3A_2277, %dma_start3A_2278] : memref<1000000x64xf32, #tpu.memory_space<hbm>> -> memref<1000000x64xf32, #tpu.memory_space<hbm>>
        %dma_start3A_2280 = tpu.memref_slice %arg7[%dma_start3A_2272] : memref<2x!tpu.dma_semaphore, #tpu.memory_space<semaphore_mem>> -> memref<1x!tpu.dma_semaphore, #tpu.memory_space<semaphore_mem>>
        %dma_start3A_2281 = tpu.memref_squeeze %dma_start3A_2280 : memref<1x!tpu.dma_semaphore, #tpu.memory_space<semaphore_mem>> -> memref<!tpu.dma_semaphore, #tpu.memory_space<semaphore_mem>>
        tpu.enqueue_indirect_dma source(%dma_start3A_2279 : memref<1000000x64xf32, #tpu.memory_space<hbm>>) target(%dma_start3A_2276 : memref<16x64xf32, #tpu.memory_space<vmem>>) offsets(%get3A_2270 : vector<16xi32>) semaphore(%dma_start3A_2281 : memref<!tpu.dma_semaphore, #tpu.memory_space<semaphore_mem>>)
        %mul3A_2282 = arith.constant 800 : i32
        %mul3A_2283 = arith.muli %add3A_1615, %mul3A_2282 : i32
        %add3A_2284 = arith.constant 592 : i32
        %add3A_2285 = arith.addi %mul3A_2283, %add3A_2284 : i32
        %get3A_2286 = arith.index_cast %add3A_2285 : i32 to index
        %get3A_2287 = tpu.vector_load %arg5[%get3A_2286] {strides = array<i32>} : memref<6400xi32, #tpu.memory_space<vmem>>, vector<16xi32>,
        %get3A_2288 = vector.shape_cast %get3A_2287 : vector<16xi32> to vector<16xi32>
        %dma_start3A_2289 = arith.constant 1 : i32
        %dma_start3A_2290 = arith.constant 1 : i32
        %dma_start3A_2291 = arith.constant 592 : i32
        %dma_start3A_2292 = arith.constant 0 : i32
        %dma_start3A_2293 = tpu.memref_slice %arg6[%dma_start3A_2289, %dma_start3A_2291, %dma_start3A_2292] : memref<2x800x64xf32, #tpu.memory_space<vmem>> -> memref<1x16x64xf32, #tpu.memory_space<vmem>>
        %dma_start3A_2294 = tpu.memref_squeeze %dma_start3A_2293 : memref<1x16x64xf32, #tpu.memory_space<vmem>> -> memref<16x64xf32, #tpu.memory_space<vmem>>
        %dma_start3A_2295 = arith.constant 0 : i32
        %dma_start3A_2296 = arith.constant 0 : i32
        %dma_start3A_2297 = tpu.memref_slice %arg3[%dma_start3A_2295, %dma_start3A_2296] : memref<1000000x64xf32, #tpu.memory_space<hbm>> -> memref<1000000x64xf32, #tpu.memory_space<hbm>>
        %dma_start3A_2298 = tpu.memref_slice %arg7[%dma_start3A_2290] : memref<2x!tpu.dma_semaphore, #tpu.memory_space<semaphore_mem>> -> memref<1x!tpu.dma_semaphore, #tpu.memory_space<semaphore_mem>>
        %dma_start3A_2299 = tpu.memref_squeeze %dma_start3A_2298 : memref<1x!tpu.dma_semaphore, #tpu.memory_space<semaphore_mem>> -> memref<!tpu.dma_semaphore, #tpu.memory_space<semaphore_mem>>
        tpu.enqueue_indirect_dma source(%dma_start3A_2297 : memref<1000000x64xf32, #tpu.memory_space<hbm>>) target(%dma_start3A_2294 : memref<16x64xf32, #tpu.memory_space<vmem>>) offsets(%get3A_2288 : vector<16xi32>) semaphore(%dma_start3A_2299 : memref<!tpu.dma_semaphore, #tpu.memory_space<semaphore_mem>>)
        %mul3A_2300 = arith.constant 800 : i32
        %mul3A_2301 = arith.muli %add3A_1615, %mul3A_2300 : i32
        %add3A_2302 = arith.constant 608 : i32
        %add3A_2303 = arith.addi %mul3A_2301, %add3A_2302 : i32
        %get3A_2304 = arith.index_cast %add3A_2303 : i32 to index
        %get3A_2305 = tpu.vector_load %arg5[%get3A_2304] {strides = array<i32>} : memref<6400xi32, #tpu.memory_space<vmem>>, vector<16xi32>,
        %get3A_2306 = vector.shape_cast %get3A_2305 : vector<16xi32> to vector<16xi32>
        %dma_start3A_2307 = arith.constant 1 : i32
        %dma_start3A_2308 = arith.constant 1 : i32
        %dma_start3A_2309 = arith.constant 608 : i32
        %dma_start3A_2310 = arith.constant 0 : i32
        %dma_start3A_2311 = tpu.memref_slice %arg6[%dma_start3A_2307, %dma_start3A_2309, %dma_start3A_2310] : memref<2x800x64xf32, #tpu.memory_space<vmem>> -> memref<1x16x64xf32, #tpu.memory_space<vmem>>
        %dma_start3A_2312 = tpu.memref_squeeze %dma_start3A_2311 : memref<1x16x64xf32, #tpu.memory_space<vmem>> -> memref<16x64xf32, #tpu.memory_space<vmem>>
        %dma_start3A_2313 = arith.constant 0 : i32
        %dma_start3A_2314 = arith.constant 0 : i32
        %dma_start3A_2315 = tpu.memref_slice %arg3[%dma_start3A_2313, %dma_start3A_2314] : memref<1000000x64xf32, #tpu.memory_space<hbm>> -> memref<1000000x64xf32, #tpu.memory_space<hbm>>
        %dma_start3A_2316 = tpu.memref_slice %arg7[%dma_start3A_2308] : memref<2x!tpu.dma_semaphore, #tpu.memory_space<semaphore_mem>> -> memref<1x!tpu.dma_semaphore, #tpu.memory_space<semaphore_mem>>
        %dma_start3A_2317 = tpu.memref_squeeze %dma_start3A_2316 : memref<1x!tpu.dma_semaphore, #tpu.memory_space<semaphore_mem>> -> memref<!tpu.dma_semaphore, #tpu.memory_space<semaphore_mem>>
        tpu.enqueue_indirect_dma source(%dma_start3A_2315 : memref<1000000x64xf32, #tpu.memory_space<hbm>>) target(%dma_start3A_2312 : memref<16x64xf32, #tpu.memory_space<vmem>>) offsets(%get3A_2306 : vector<16xi32>) semaphore(%dma_start3A_2317 : memref<!tpu.dma_semaphore, #tpu.memory_space<semaphore_mem>>)
        %mul3A_2318 = arith.constant 800 : i32
        %mul3A_2319 = arith.muli %add3A_1615, %mul3A_2318 : i32
        %add3A_2320 = arith.constant 624 : i32
        %add3A_2321 = arith.addi %mul3A_2319, %add3A_2320 : i32
        %get3A_2322 = arith.index_cast %add3A_2321 : i32 to index
        %get3A_2323 = tpu.vector_load %arg5[%get3A_2322] {strides = array<i32>} : memref<6400xi32, #tpu.memory_space<vmem>>, vector<16xi32>,
        %get3A_2324 = vector.shape_cast %get3A_2323 : vector<16xi32> to vector<16xi32>
        %dma_start3A_2325 = arith.constant 1 : i32
        %dma_start3A_2326 = arith.constant 1 : i32
        %dma_start3A_2327 = arith.constant 624 : i32
        %dma_start3A_2328 = arith.constant 0 : i32
        %dma_start3A_2329 = tpu.memref_slice %arg6[%dma_start3A_2325, %dma_start3A_2327, %dma_start3A_2328] : memref<2x800x64xf32, #tpu.memory_space<vmem>> -> memref<1x16x64xf32, #tpu.memory_space<vmem>>
        %dma_start3A_2330 = tpu.memref_squeeze %dma_start3A_2329 : memref<1x16x64xf32, #tpu.memory_space<vmem>> -> memref<16x64xf32, #tpu.memory_space<vmem>>
        %dma_start3A_2331 = arith.constant 0 : i32
        %dma_start3A_2332 = arith.constant 0 : i32
        %dma_start3A_2333 = tpu.memref_slice %arg3[%dma_start3A_2331, %dma_start3A_2332] : memref<1000000x64xf32, #tpu.memory_space<hbm>> -> memref<1000000x64xf32, #tpu.memory_space<hbm>>
        %dma_start3A_2334 = tpu.memref_slice %arg7[%dma_start3A_2326] : memref<2x!tpu.dma_semaphore, #tpu.memory_space<semaphore_mem>> -> memref<1x!tpu.dma_semaphore, #tpu.memory_space<semaphore_mem>>
        %dma_start3A_2335 = tpu.memref_squeeze %dma_start3A_2334 : memref<1x!tpu.dma_semaphore, #tpu.memory_space<semaphore_mem>> -> memref<!tpu.dma_semaphore, #tpu.memory_space<semaphore_mem>>
        tpu.enqueue_indirect_dma source(%dma_start3A_2333 : memref<1000000x64xf32, #tpu.memory_space<hbm>>) target(%dma_start3A_2330 : memref<16x64xf32, #tpu.memory_space<vmem>>) offsets(%get3A_2324 : vector<16xi32>) semaphore(%dma_start3A_2335 : memref<!tpu.dma_semaphore, #tpu.memory_space<semaphore_mem>>)
        %mul3A_2336 = arith.constant 800 : i32
        %mul3A_2337 = arith.muli %add3A_1615, %mul3A_2336 : i32
        %add3A_2338 = arith.constant 640 : i32
        %add3A_2339 = arith.addi %mul3A_2337, %add3A_2338 : i32
        %get3A_2340 = arith.index_cast %add3A_2339 : i32 to index
        %get3A_2341 = tpu.vector_load %arg5[%get3A_2340] {strides = array<i32>} : memref<6400xi32, #tpu.memory_space<vmem>>, vector<16xi32>,
        %get3A_2342 = vector.shape_cast %get3A_2341 : vector<16xi32> to vector<16xi32>
        %dma_start3A_2343 = arith.constant 1 : i32
        %dma_start3A_2344 = arith.constant 1 : i32
        %dma_start3A_2345 = arith.constant 640 : i32
        %dma_start3A_2346 = arith.constant 0 : i32
        %dma_start3A_2347 = tpu.memref_slice %arg6[%dma_start3A_2343, %dma_start3A_2345, %dma_start3A_2346] : memref<2x800x64xf32, #tpu.memory_space<vmem>> -> memref<1x16x64xf32, #tpu.memory_space<vmem>>
        %dma_start3A_2348 = tpu.memref_squeeze %dma_start3A_2347 : memref<1x16x64xf32, #tpu.memory_space<vmem>> -> memref<16x64xf32, #tpu.memory_space<vmem>>
        %dma_start3A_2349 = arith.constant 0 : i32
        %dma_start3A_2350 = arith.constant 0 : i32
        %dma_start3A_2351 = tpu.memref_slice %arg3[%dma_start3A_2349, %dma_start3A_2350] : memref<1000000x64xf32, #tpu.memory_space<hbm>> -> memref<1000000x64xf32, #tpu.memory_space<hbm>>
        %dma_start3A_2352 = tpu.memref_slice %arg7[%dma_start3A_2344] : memref<2x!tpu.dma_semaphore, #tpu.memory_space<semaphore_mem>> -> memref<1x!tpu.dma_semaphore, #tpu.memory_space<semaphore_mem>>
        %dma_start3A_2353 = tpu.memref_squeeze %dma_start3A_2352 : memref<1x!tpu.dma_semaphore, #tpu.memory_space<semaphore_mem>> -> memref<!tpu.dma_semaphore, #tpu.memory_space<semaphore_mem>>
        tpu.enqueue_indirect_dma source(%dma_start3A_2351 : memref<1000000x64xf32, #tpu.memory_space<hbm>>) target(%dma_start3A_2348 : memref<16x64xf32, #tpu.memory_space<vmem>>) offsets(%get3A_2342 : vector<16xi32>) semaphore(%dma_start3A_2353 : memref<!tpu.dma_semaphore, #tpu.memory_space<semaphore_mem>>)
        %mul3A_2354 = arith.constant 800 : i32
        %mul3A_2355 = arith.muli %add3A_1615, %mul3A_2354 : i32
        %add3A_2356 = arith.constant 656 : i32
        %add3A_2357 = arith.addi %mul3A_2355, %add3A_2356 : i32
        %get3A_2358 = arith.index_cast %add3A_2357 : i32 to index
        %get3A_2359 = tpu.vector_load %arg5[%get3A_2358] {strides = array<i32>} : memref<6400xi32, #tpu.memory_space<vmem>>, vector<16xi32>,
        %get3A_2360 = vector.shape_cast %get3A_2359 : vector<16xi32> to vector<16xi32>
        %dma_start3A_2361 = arith.constant 1 : i32
        %dma_start3A_2362 = arith.constant 1 : i32
        %dma_start3A_2363 = arith.constant 656 : i32
        %dma_start3A_2364 = arith.constant 0 : i32
        %dma_start3A_2365 = tpu.memref_slice %arg6[%dma_start3A_2361, %dma_start3A_2363, %dma_start3A_2364] : memref<2x800x64xf32, #tpu.memory_space<vmem>> -> memref<1x16x64xf32, #tpu.memory_space<vmem>>
        %dma_start3A_2366 = tpu.memref_squeeze %dma_start3A_2365 : memref<1x16x64xf32, #tpu.memory_space<vmem>> -> memref<16x64xf32, #tpu.memory_space<vmem>>
        %dma_start3A_2367 = arith.constant 0 : i32
        %dma_start3A_2368 = arith.constant 0 : i32
        %dma_start3A_2369 = tpu.memref_slice %arg3[%dma_start3A_2367, %dma_start3A_2368] : memref<1000000x64xf32, #tpu.memory_space<hbm>> -> memref<1000000x64xf32, #tpu.memory_space<hbm>>
        %dma_start3A_2370 = tpu.memref_slice %arg7[%dma_start3A_2362] : memref<2x!tpu.dma_semaphore, #tpu.memory_space<semaphore_mem>> -> memref<1x!tpu.dma_semaphore, #tpu.memory_space<semaphore_mem>>
        %dma_start3A_2371 = tpu.memref_squeeze %dma_start3A_2370 : memref<1x!tpu.dma_semaphore, #tpu.memory_space<semaphore_mem>> -> memref<!tpu.dma_semaphore, #tpu.memory_space<semaphore_mem>>
        tpu.enqueue_indirect_dma source(%dma_start3A_2369 : memref<1000000x64xf32, #tpu.memory_space<hbm>>) target(%dma_start3A_2366 : memref<16x64xf32, #tpu.memory_space<vmem>>) offsets(%get3A_2360 : vector<16xi32>) semaphore(%dma_start3A_2371 : memref<!tpu.dma_semaphore, #tpu.memory_space<semaphore_mem>>)
        %mul3A_2372 = arith.constant 800 : i32
        %mul3A_2373 = arith.muli %add3A_1615, %mul3A_2372 : i32
        %add3A_2374 = arith.constant 672 : i32
        %add3A_2375 = arith.addi %mul3A_2373, %add3A_2374 : i32
        %get3A_2376 = arith.index_cast %add3A_2375 : i32 to index
        %get3A_2377 = tpu.vector_load %arg5[%get3A_2376] {strides = array<i32>} : memref<6400xi32, #tpu.memory_space<vmem>>, vector<16xi32>,
        %get3A_2378 = vector.shape_cast %get3A_2377 : vector<16xi32> to vector<16xi32>
        %dma_start3A_2379 = arith.constant 1 : i32
        %dma_start3A_2380 = arith.constant 1 : i32
        %dma_start3A_2381 = arith.constant 672 : i32
        %dma_start3A_2382 = arith.constant 0 : i32
        %dma_start3A_2383 = tpu.memref_slice %arg6[%dma_start3A_2379, %dma_start3A_2381, %dma_start3A_2382] : memref<2x800x64xf32, #tpu.memory_space<vmem>> -> memref<1x16x64xf32, #tpu.memory_space<vmem>>
        %dma_start3A_2384 = tpu.memref_squeeze %dma_start3A_2383 : memref<1x16x64xf32, #tpu.memory_space<vmem>> -> memref<16x64xf32, #tpu.memory_space<vmem>>
        %dma_start3A_2385 = arith.constant 0 : i32
        %dma_start3A_2386 = arith.constant 0 : i32
        %dma_start3A_2387 = tpu.memref_slice %arg3[%dma_start3A_2385, %dma_start3A_2386] : memref<1000000x64xf32, #tpu.memory_space<hbm>> -> memref<1000000x64xf32, #tpu.memory_space<hbm>>
        %dma_start3A_2388 = tpu.memref_slice %arg7[%dma_start3A_2380] : memref<2x!tpu.dma_semaphore, #tpu.memory_space<semaphore_mem>> -> memref<1x!tpu.dma_semaphore, #tpu.memory_space<semaphore_mem>>
        %dma_start3A_2389 = tpu.memref_squeeze %dma_start3A_2388 : memref<1x!tpu.dma_semaphore, #tpu.memory_space<semaphore_mem>> -> memref<!tpu.dma_semaphore, #tpu.memory_space<semaphore_mem>>
        tpu.enqueue_indirect_dma source(%dma_start3A_2387 : memref<1000000x64xf32, #tpu.memory_space<hbm>>) target(%dma_start3A_2384 : memref<16x64xf32, #tpu.memory_space<vmem>>) offsets(%get3A_2378 : vector<16xi32>) semaphore(%dma_start3A_2389 : memref<!tpu.dma_semaphore, #tpu.memory_space<semaphore_mem>>)
        %mul3A_2390 = arith.constant 800 : i32
        %mul3A_2391 = arith.muli %add3A_1615, %mul3A_2390 : i32
        %add3A_2392 = arith.constant 688 : i32
        %add3A_2393 = arith.addi %mul3A_2391, %add3A_2392 : i32
        %get3A_2394 = arith.index_cast %add3A_2393 : i32 to index
        %get3A_2395 = tpu.vector_load %arg5[%get3A_2394] {strides = array<i32>} : memref<6400xi32, #tpu.memory_space<vmem>>, vector<16xi32>,
        %get3A_2396 = vector.shape_cast %get3A_2395 : vector<16xi32> to vector<16xi32>
        %dma_start3A_2397 = arith.constant 1 : i32
        %dma_start3A_2398 = arith.constant 1 : i32
        %dma_start3A_2399 = arith.constant 688 : i32
        %dma_start3A_2400 = arith.constant 0 : i32
        %dma_start3A_2401 = tpu.memref_slice %arg6[%dma_start3A_2397, %dma_start3A_2399, %dma_start3A_2400] : memref<2x800x64xf32, #tpu.memory_space<vmem>> -> memref<1x16x64xf32, #tpu.memory_space<vmem>>
        %dma_start3A_2402 = tpu.memref_squeeze %dma_start3A_2401 : memref<1x16x64xf32, #tpu.memory_space<vmem>> -> memref<16x64xf32, #tpu.memory_space<vmem>>
        %dma_start3A_2403 = arith.constant 0 : i32
        %dma_start3A_2404 = arith.constant 0 : i32
        %dma_start3A_2405 = tpu.memref_slice %arg3[%dma_start3A_2403, %dma_start3A_2404] : memref<1000000x64xf32, #tpu.memory_space<hbm>> -> memref<1000000x64xf32, #tpu.memory_space<hbm>>
        %dma_start3A_2406 = tpu.memref_slice %arg7[%dma_start3A_2398] : memref<2x!tpu.dma_semaphore, #tpu.memory_space<semaphore_mem>> -> memref<1x!tpu.dma_semaphore, #tpu.memory_space<semaphore_mem>>
        %dma_start3A_2407 = tpu.memref_squeeze %dma_start3A_2406 : memref<1x!tpu.dma_semaphore, #tpu.memory_space<semaphore_mem>> -> memref<!tpu.dma_semaphore, #tpu.memory_space<semaphore_mem>>
        tpu.enqueue_indirect_dma source(%dma_start3A_2405 : memref<1000000x64xf32, #tpu.memory_space<hbm>>) target(%dma_start3A_2402 : memref<16x64xf32, #tpu.memory_space<vmem>>) offsets(%get3A_2396 : vector<16xi32>) semaphore(%dma_start3A_2407 : memref<!tpu.dma_semaphore, #tpu.memory_space<semaphore_mem>>)
        %mul3A_2408 = arith.constant 800 : i32
        %mul3A_2409 = arith.muli %add3A_1615, %mul3A_2408 : i32
        %add3A_2410 = arith.constant 704 : i32
        %add3A_2411 = arith.addi %mul3A_2409, %add3A_2410 : i32
        %get3A_2412 = arith.index_cast %add3A_2411 : i32 to index
        %get3A_2413 = tpu.vector_load %arg5[%get3A_2412] {strides = array<i32>} : memref<6400xi32, #tpu.memory_space<vmem>>, vector<16xi32>,
        %get3A_2414 = vector.shape_cast %get3A_2413 : vector<16xi32> to vector<16xi32>
        %dma_start3A_2415 = arith.constant 1 : i32
        %dma_start3A_2416 = arith.constant 1 : i32
        %dma_start3A_2417 = arith.constant 704 : i32
        %dma_start3A_2418 = arith.constant 0 : i32
        %dma_start3A_2419 = tpu.memref_slice %arg6[%dma_start3A_2415, %dma_start3A_2417, %dma_start3A_2418] : memref<2x800x64xf32, #tpu.memory_space<vmem>> -> memref<1x16x64xf32, #tpu.memory_space<vmem>>
        %dma_start3A_2420 = tpu.memref_squeeze %dma_start3A_2419 : memref<1x16x64xf32, #tpu.memory_space<vmem>> -> memref<16x64xf32, #tpu.memory_space<vmem>>
        %dma_start3A_2421 = arith.constant 0 : i32
        %dma_start3A_2422 = arith.constant 0 : i32
        %dma_start3A_2423 = tpu.memref_slice %arg3[%dma_start3A_2421, %dma_start3A_2422] : memref<1000000x64xf32, #tpu.memory_space<hbm>> -> memref<1000000x64xf32, #tpu.memory_space<hbm>>
        %dma_start3A_2424 = tpu.memref_slice %arg7[%dma_start3A_2416] : memref<2x!tpu.dma_semaphore, #tpu.memory_space<semaphore_mem>> -> memref<1x!tpu.dma_semaphore, #tpu.memory_space<semaphore_mem>>
        %dma_start3A_2425 = tpu.memref_squeeze %dma_start3A_2424 : memref<1x!tpu.dma_semaphore, #tpu.memory_space<semaphore_mem>> -> memref<!tpu.dma_semaphore, #tpu.memory_space<semaphore_mem>>
        tpu.enqueue_indirect_dma source(%dma_start3A_2423 : memref<1000000x64xf32, #tpu.memory_space<hbm>>) target(%dma_start3A_2420 : memref<16x64xf32, #tpu.memory_space<vmem>>) offsets(%get3A_2414 : vector<16xi32>) semaphore(%dma_start3A_2425 : memref<!tpu.dma_semaphore, #tpu.memory_space<semaphore_mem>>)
        %mul3A_2426 = arith.constant 800 : i32
        %mul3A_2427 = arith.muli %add3A_1615, %mul3A_2426 : i32
        %add3A_2428 = arith.constant 720 : i32
        %add3A_2429 = arith.addi %mul3A_2427, %add3A_2428 : i32
        %get3A_2430 = arith.index_cast %add3A_2429 : i32 to index
        %get3A_2431 = tpu.vector_load %arg5[%get3A_2430] {strides = array<i32>} : memref<6400xi32, #tpu.memory_space<vmem>>, vector<16xi32>,
        %get3A_2432 = vector.shape_cast %get3A_2431 : vector<16xi32> to vector<16xi32>
        %dma_start3A_2433 = arith.constant 1 : i32
        %dma_start3A_2434 = arith.constant 1 : i32
        %dma_start3A_2435 = arith.constant 720 : i32
        %dma_start3A_2436 = arith.constant 0 : i32
        %dma_start3A_2437 = tpu.memref_slice %arg6[%dma_start3A_2433, %dma_start3A_2435, %dma_start3A_2436] : memref<2x800x64xf32, #tpu.memory_space<vmem>> -> memref<1x16x64xf32, #tpu.memory_space<vmem>>
        %dma_start3A_2438 = tpu.memref_squeeze %dma_start3A_2437 : memref<1x16x64xf32, #tpu.memory_space<vmem>> -> memref<16x64xf32, #tpu.memory_space<vmem>>
        %dma_start3A_2439 = arith.constant 0 : i32
        %dma_start3A_2440 = arith.constant 0 : i32
        %dma_start3A_2441 = tpu.memref_slice %arg3[%dma_start3A_2439, %dma_start3A_2440] : memref<1000000x64xf32, #tpu.memory_space<hbm>> -> memref<1000000x64xf32, #tpu.memory_space<hbm>>
        %dma_start3A_2442 = tpu.memref_slice %arg7[%dma_start3A_2434] : memref<2x!tpu.dma_semaphore, #tpu.memory_space<semaphore_mem>> -> memref<1x!tpu.dma_semaphore, #tpu.memory_space<semaphore_mem>>
        %dma_start3A_2443 = tpu.memref_squeeze %dma_start3A_2442 : memref<1x!tpu.dma_semaphore, #tpu.memory_space<semaphore_mem>> -> memref<!tpu.dma_semaphore, #tpu.memory_space<semaphore_mem>>
        tpu.enqueue_indirect_dma source(%dma_start3A_2441 : memref<1000000x64xf32, #tpu.memory_space<hbm>>) target(%dma_start3A_2438 : memref<16x64xf32, #tpu.memory_space<vmem>>) offsets(%get3A_2432 : vector<16xi32>) semaphore(%dma_start3A_2443 : memref<!tpu.dma_semaphore, #tpu.memory_space<semaphore_mem>>)
        %mul3A_2444 = arith.constant 800 : i32
        %mul3A_2445 = arith.muli %add3A_1615, %mul3A_2444 : i32
        %add3A_2446 = arith.constant 736 : i32
        %add3A_2447 = arith.addi %mul3A_2445, %add3A_2446 : i32
        %get3A_2448 = arith.index_cast %add3A_2447 : i32 to index
        %get3A_2449 = tpu.vector_load %arg5[%get3A_2448] {strides = array<i32>} : memref<6400xi32, #tpu.memory_space<vmem>>, vector<16xi32>,
        %get3A_2450 = vector.shape_cast %get3A_2449 : vector<16xi32> to vector<16xi32>
        %dma_start3A_2451 = arith.constant 1 : i32
        %dma_start3A_2452 = arith.constant 1 : i32
        %dma_start3A_2453 = arith.constant 736 : i32
        %dma_start3A_2454 = arith.constant 0 : i32
        %dma_start3A_2455 = tpu.memref_slice %arg6[%dma_start3A_2451, %dma_start3A_2453, %dma_start3A_2454] : memref<2x800x64xf32, #tpu.memory_space<vmem>> -> memref<1x16x64xf32, #tpu.memory_space<vmem>>
        %dma_start3A_2456 = tpu.memref_squeeze %dma_start3A_2455 : memref<1x16x64xf32, #tpu.memory_space<vmem>> -> memref<16x64xf32, #tpu.memory_space<vmem>>
        %dma_start3A_2457 = arith.constant 0 : i32
        %dma_start3A_2458 = arith.constant 0 : i32
        %dma_start3A_2459 = tpu.memref_slice %arg3[%dma_start3A_2457, %dma_start3A_2458] : memref<1000000x64xf32, #tpu.memory_space<hbm>> -> memref<1000000x64xf32, #tpu.memory_space<hbm>>
        %dma_start3A_2460 = tpu.memref_slice %arg7[%dma_start3A_2452] : memref<2x!tpu.dma_semaphore, #tpu.memory_space<semaphore_mem>> -> memref<1x!tpu.dma_semaphore, #tpu.memory_space<semaphore_mem>>
        %dma_start3A_2461 = tpu.memref_squeeze %dma_start3A_2460 : memref<1x!tpu.dma_semaphore, #tpu.memory_space<semaphore_mem>> -> memref<!tpu.dma_semaphore, #tpu.memory_space<semaphore_mem>>
        tpu.enqueue_indirect_dma source(%dma_start3A_2459 : memref<1000000x64xf32, #tpu.memory_space<hbm>>) target(%dma_start3A_2456 : memref<16x64xf32, #tpu.memory_space<vmem>>) offsets(%get3A_2450 : vector<16xi32>) semaphore(%dma_start3A_2461 : memref<!tpu.dma_semaphore, #tpu.memory_space<semaphore_mem>>)
        %mul3A_2462 = arith.constant 800 : i32
        %mul3A_2463 = arith.muli %add3A_1615, %mul3A_2462 : i32
        %add3A_2464 = arith.constant 752 : i32
        %add3A_2465 = arith.addi %mul3A_2463, %add3A_2464 : i32
        %get3A_2466 = arith.index_cast %add3A_2465 : i32 to index
        %get3A_2467 = tpu.vector_load %arg5[%get3A_2466] {strides = array<i32>} : memref<6400xi32, #tpu.memory_space<vmem>>, vector<16xi32>,
        %get3A_2468 = vector.shape_cast %get3A_2467 : vector<16xi32> to vector<16xi32>
        %dma_start3A_2469 = arith.constant 1 : i32
        %dma_start3A_2470 = arith.constant 1 : i32
        %dma_start3A_2471 = arith.constant 752 : i32
        %dma_start3A_2472 = arith.constant 0 : i32
        %dma_start3A_2473 = tpu.memref_slice %arg6[%dma_start3A_2469, %dma_start3A_2471, %dma_start3A_2472] : memref<2x800x64xf32, #tpu.memory_space<vmem>> -> memref<1x16x64xf32, #tpu.memory_space<vmem>>
        %dma_start3A_2474 = tpu.memref_squeeze %dma_start3A_2473 : memref<1x16x64xf32, #tpu.memory_space<vmem>> -> memref<16x64xf32, #tpu.memory_space<vmem>>
        %dma_start3A_2475 = arith.constant 0 : i32
        %dma_start3A_2476 = arith.constant 0 : i32
        %dma_start3A_2477 = tpu.memref_slice %arg3[%dma_start3A_2475, %dma_start3A_2476] : memref<1000000x64xf32, #tpu.memory_space<hbm>> -> memref<1000000x64xf32, #tpu.memory_space<hbm>>
        %dma_start3A_2478 = tpu.memref_slice %arg7[%dma_start3A_2470] : memref<2x!tpu.dma_semaphore, #tpu.memory_space<semaphore_mem>> -> memref<1x!tpu.dma_semaphore, #tpu.memory_space<semaphore_mem>>
        %dma_start3A_2479 = tpu.memref_squeeze %dma_start3A_2478 : memref<1x!tpu.dma_semaphore, #tpu.memory_space<semaphore_mem>> -> memref<!tpu.dma_semaphore, #tpu.memory_space<semaphore_mem>>
        tpu.enqueue_indirect_dma source(%dma_start3A_2477 : memref<1000000x64xf32, #tpu.memory_space<hbm>>) target(%dma_start3A_2474 : memref<16x64xf32, #tpu.memory_space<vmem>>) offsets(%get3A_2468 : vector<16xi32>) semaphore(%dma_start3A_2479 : memref<!tpu.dma_semaphore, #tpu.memory_space<semaphore_mem>>)
        %mul3A_2480 = arith.constant 800 : i32
        %mul3A_2481 = arith.muli %add3A_1615, %mul3A_2480 : i32
        %add3A_2482 = arith.constant 768 : i32
        %add3A_2483 = arith.addi %mul3A_2481, %add3A_2482 : i32
        %get3A_2484 = arith.index_cast %add3A_2483 : i32 to index
        %get3A_2485 = tpu.vector_load %arg5[%get3A_2484] {strides = array<i32>} : memref<6400xi32, #tpu.memory_space<vmem>>, vector<16xi32>,
        %get3A_2486 = vector.shape_cast %get3A_2485 : vector<16xi32> to vector<16xi32>
        %dma_start3A_2487 = arith.constant 1 : i32
        %dma_start3A_2488 = arith.constant 1 : i32
        %dma_start3A_2489 = arith.constant 768 : i32
        %dma_start3A_2490 = arith.constant 0 : i32
        %dma_start3A_2491 = tpu.memref_slice %arg6[%dma_start3A_2487, %dma_start3A_2489, %dma_start3A_2490] : memref<2x800x64xf32, #tpu.memory_space<vmem>> -> memref<1x16x64xf32, #tpu.memory_space<vmem>>
        %dma_start3A_2492 = tpu.memref_squeeze %dma_start3A_2491 : memref<1x16x64xf32, #tpu.memory_space<vmem>> -> memref<16x64xf32, #tpu.memory_space<vmem>>
        %dma_start3A_2493 = arith.constant 0 : i32
        %dma_start3A_2494 = arith.constant 0 : i32
        %dma_start3A_2495 = tpu.memref_slice %arg3[%dma_start3A_2493, %dma_start3A_2494] : memref<1000000x64xf32, #tpu.memory_space<hbm>> -> memref<1000000x64xf32, #tpu.memory_space<hbm>>
        %dma_start3A_2496 = tpu.memref_slice %arg7[%dma_start3A_2488] : memref<2x!tpu.dma_semaphore, #tpu.memory_space<semaphore_mem>> -> memref<1x!tpu.dma_semaphore, #tpu.memory_space<semaphore_mem>>
        %dma_start3A_2497 = tpu.memref_squeeze %dma_start3A_2496 : memref<1x!tpu.dma_semaphore, #tpu.memory_space<semaphore_mem>> -> memref<!tpu.dma_semaphore, #tpu.memory_space<semaphore_mem>>
        tpu.enqueue_indirect_dma source(%dma_start3A_2495 : memref<1000000x64xf32, #tpu.memory_space<hbm>>) target(%dma_start3A_2492 : memref<16x64xf32, #tpu.memory_space<vmem>>) offsets(%get3A_2486 : vector<16xi32>) semaphore(%dma_start3A_2497 : memref<!tpu.dma_semaphore, #tpu.memory_space<semaphore_mem>>)
        %mul3A_2498 = arith.constant 800 : i32
        %mul3A_2499 = arith.muli %add3A_1615, %mul3A_2498 : i32
        %add3A_2500 = arith.constant 784 : i32
        %add3A_2501 = arith.addi %mul3A_2499, %add3A_2500 : i32
        %get3A_2502 = arith.index_cast %add3A_2501 : i32 to index
        %get3A_2503 = tpu.vector_load %arg5[%get3A_2502] {strides = array<i32>} : memref<6400xi32, #tpu.memory_space<vmem>>, vector<16xi32>,
        %get3A_2504 = vector.shape_cast %get3A_2503 : vector<16xi32> to vector<16xi32>
        %dma_start3A_2505 = arith.constant 1 : i32
        %dma_start3A_2506 = arith.constant 1 : i32
        %dma_start3A_2507 = arith.constant 784 : i32
        %dma_start3A_2508 = arith.constant 0 : i32
        %dma_start3A_2509 = tpu.memref_slice %arg6[%dma_start3A_2505, %dma_start3A_2507, %dma_start3A_2508] : memref<2x800x64xf32, #tpu.memory_space<vmem>> -> memref<1x16x64xf32, #tpu.memory_space<vmem>>
        %dma_start3A_2510 = tpu.memref_squeeze %dma_start3A_2509 : memref<1x16x64xf32, #tpu.memory_space<vmem>> -> memref<16x64xf32, #tpu.memory_space<vmem>>
        %dma_start3A_2511 = arith.constant 0 : i32
        %dma_start3A_2512 = arith.constant 0 : i32
        %dma_start3A_2513 = tpu.memref_slice %arg3[%dma_start3A_2511, %dma_start3A_2512] : memref<1000000x64xf32, #tpu.memory_space<hbm>> -> memref<1000000x64xf32, #tpu.memory_space<hbm>>
        %dma_start3A_2514 = tpu.memref_slice %arg7[%dma_start3A_2506] : memref<2x!tpu.dma_semaphore, #tpu.memory_space<semaphore_mem>> -> memref<1x!tpu.dma_semaphore, #tpu.memory_space<semaphore_mem>>
        %dma_start3A_2515 = tpu.memref_squeeze %dma_start3A_2514 : memref<1x!tpu.dma_semaphore, #tpu.memory_space<semaphore_mem>> -> memref<!tpu.dma_semaphore, #tpu.memory_space<semaphore_mem>>
        tpu.enqueue_indirect_dma source(%dma_start3A_2513 : memref<1000000x64xf32, #tpu.memory_space<hbm>>) target(%dma_start3A_2510 : memref<16x64xf32, #tpu.memory_space<vmem>>) offsets(%get3A_2504 : vector<16xi32>) semaphore(%dma_start3A_2515 : memref<!tpu.dma_semaphore, #tpu.memory_space<semaphore_mem>>)
      } else {
      }
      %dma_wait3A_757 = arith.constant 0 : i32
      %dma_wait3A_758 = arith.constant 0 : i32
      %dma_wait3A_759 = arith.constant 0 : i32
      %dma_wait3A_760 = arith.constant 0 : i32
      %dma_wait3A_761 = tpu.memref_slice %arg6[%dma_wait3A_757, %dma_wait3A_759, %dma_wait3A_760] : memref<2x800x64xf32, #tpu.memory_space<vmem>> -> memref<1x800x64xf32, #tpu.memory_space<vmem>>
      %dma_wait3A_762 = tpu.memref_squeeze %dma_wait3A_761 : memref<1x800x64xf32, #tpu.memory_space<vmem>> -> memref<800x64xf32, #tpu.memory_space<vmem>>
      %dma_wait3A_763 = arith.constant 0 : i32
      %dma_wait3A_764 = arith.constant 0 : i32
      %dma_wait3A_765 = tpu.memref_slice %arg3[%dma_wait3A_763, %dma_wait3A_764] : memref<1000000x64xf32, #tpu.memory_space<hbm>> -> memref<800x64xf32, #tpu.memory_space<hbm>>
      %dma_wait3A_766 = tpu.memref_slice %arg7[%dma_wait3A_758] : memref<2x!tpu.dma_semaphore, #tpu.memory_space<semaphore_mem>> -> memref<1x!tpu.dma_semaphore, #tpu.memory_space<semaphore_mem>>
      %dma_wait3A_767 = tpu.memref_squeeze %dma_wait3A_766 : memref<1x!tpu.dma_semaphore, #tpu.memory_space<semaphore_mem>> -> memref<!tpu.dma_semaphore, #tpu.memory_space<semaphore_mem>>
      %dma_wait3A_768 = arith.constant 0 : i32
      %dma_wait3A_769 = arith.constant 0 : i32
      %dma_wait3A_770 = tpu.memref_slice %arg6[%dma_wait3A_757, %dma_wait3A_768, %dma_wait3A_769] : memref<2x800x64xf32, #tpu.memory_space<vmem>> -> memref<1x800x64xf32, #tpu.memory_space<vmem>>
      %dma_wait3A_771 = tpu.memref_squeeze %dma_wait3A_770 : memref<1x800x64xf32, #tpu.memory_space<vmem>> -> memref<800x64xf32, #tpu.memory_space<vmem>>
      %dma_wait3A_772 = arith.constant 0 : i32
      %dma_wait3A_773 = arith.constant 0 : i32
      %dma_wait3A_774 = tpu.memref_slice %arg3[%dma_wait3A_772, %dma_wait3A_773] : memref<1000000x64xf32, #tpu.memory_space<hbm>> -> memref<800x64xf32, #tpu.memory_space<hbm>>
      tpu.wait_dma2 semaphore(%dma_wait3A_767 : memref<!tpu.dma_semaphore, #tpu.memory_space<semaphore_mem>>) src(%dma_wait3A_774 : memref<800x64xf32, #tpu.memory_space<hbm>>) dst(%dma_wait3A_771 : memref<800x64xf32, #tpu.memory_space<vmem>>)
      %parallel_loop3A = arith.constant 0 : i32
      %parallel_loop3A_775 = arith.constant 800 : i32
      %parallel_loop3A_776 = arith.constant 1 : i32
      scf.for %parallel_loop3A_1614 = %parallel_loop3A to %parallel_loop3A_775 step %parallel_loop3A_776  : i32 {
        %parallel_loop3A_1615 = arith.constant 0 : i32
        %parallel_loop3A_1616 = arith.index_cast %parallel_loop3A_1615 : i32 to index
        %parallel_loop3A_1617 = arith.index_cast %parallel_loop3A_1614 : i32 to index
        %parallel_loop3A_1618 = arith.constant 0 : index
        %parallel_loop3A_1619 = tpu.vector_load %arg6[%parallel_loop3A_1616, %parallel_loop3A_1617, %parallel_loop3A_1618] {strides = array<i32>} : memref<2x800x64xf32, #tpu.memory_space<vmem>>, vector<1x1x16xf32>,
        %parallel_loop3A_1620 = vector.shape_cast %parallel_loop3A_1619 : vector<1x1x16xf32> to vector<16xf32>
        %parallel_loop3A_1621 = arith.constant 8.000000e+00 : f32
        %parallel_loop3A_1622 = vector.broadcast %parallel_loop3A_1621 : f32 to vector<16xf32>
        %parallel_loop3A_1623 = arith.mulf %parallel_loop3A_1620, %parallel_loop3A_1622 : vector<16xf32>
        %parallel_loop3A_1624 = arith.constant 0 : i32
        %parallel_loop3A_1625 = arith.index_cast %parallel_loop3A_1624 : i32 to index
        %parallel_loop3A_1626 = arith.index_cast %parallel_loop3A_1614 : i32 to index
        %parallel_loop3A_1627 = arith.constant 0 : index
        %parallel_loop3A_1628 = tpu.vector_load %arg6[%parallel_loop3A_1625, %parallel_loop3A_1626, %parallel_loop3A_1627] {strides = array<i32>} : memref<2x800x64xf32, #tpu.memory_space<vmem>>, vector<1x1x16xf32>,
        %parallel_loop3A_1629 = vector.shape_cast %parallel_loop3A_1628 : vector<1x1x16xf32> to vector<16xf32>
        %parallel_loop3A_1630 = vector.shape_cast %parallel_loop3A_1623 : vector<16xf32> to vector<1x1x16xf32>
        tpu.vector_store %arg6[%parallel_loop3A_1625, %parallel_loop3A_1626, %parallel_loop3A_1627], %parallel_loop3A_1630 {strides = array<i32>} : memref<2x800x64xf32, #tpu.memory_space<vmem>>, vector<1x1x16xf32>,
        %parallel_loop3A_1631 = arith.constant 0 : i32
        %parallel_loop3A_1632 = arith.index_cast %parallel_loop3A_1631 : i32 to index
        %parallel_loop3A_1633 = arith.index_cast %parallel_loop3A_1614 : i32 to index
        %parallel_loop3A_1634 = arith.constant 16 : index
        %parallel_loop3A_1635 = tpu.vector_load %arg6[%parallel_loop3A_1632, %parallel_loop3A_1633, %parallel_loop3A_1634] {strides = array<i32>} : memref<2x800x64xf32, #tpu.memory_space<vmem>>, vector<1x1x16xf32>,
        %parallel_loop3A_1636 = vector.shape_cast %parallel_loop3A_1635 : vector<1x1x16xf32> to vector<16xf32>
        %parallel_loop3A_1637 = arith.constant 8.000000e+00 : f32
        %parallel_loop3A_1638 = vector.broadcast %parallel_loop3A_1637 : f32 to vector<16xf32>
        %parallel_loop3A_1639 = arith.mulf %parallel_loop3A_1636, %parallel_loop3A_1638 : vector<16xf32>
        %parallel_loop3A_1640 = arith.constant 0 : i32
        %parallel_loop3A_1641 = arith.index_cast %parallel_loop3A_1640 : i32 to index
        %parallel_loop3A_1642 = arith.index_cast %parallel_loop3A_1614 : i32 to index
        %parallel_loop3A_1643 = arith.constant 16 : index
        %parallel_loop3A_1644 = tpu.vector_load %arg6[%parallel_loop3A_1641, %parallel_loop3A_1642, %parallel_loop3A_1643] {strides = array<i32>} : memref<2x800x64xf32, #tpu.memory_space<vmem>>, vector<1x1x16xf32>,
        %parallel_loop3A_1645 = vector.shape_cast %parallel_loop3A_1644 : vector<1x1x16xf32> to vector<16xf32>
        %parallel_loop3A_1646 = vector.shape_cast %parallel_loop3A_1639 : vector<16xf32> to vector<1x1x16xf32>
        tpu.vector_store %arg6[%parallel_loop3A_1641, %parallel_loop3A_1642, %parallel_loop3A_1643], %parallel_loop3A_1646 {strides = array<i32>} : memref<2x800x64xf32, #tpu.memory_space<vmem>>, vector<1x1x16xf32>,
        %parallel_loop3A_1647 = arith.constant 0 : i32
        %parallel_loop3A_1648 = arith.index_cast %parallel_loop3A_1647 : i32 to index
        %parallel_loop3A_1649 = arith.index_cast %parallel_loop3A_1614 : i32 to index
        %parallel_loop3A_1650 = arith.constant 32 : index
        %parallel_loop3A_1651 = tpu.vector_load %arg6[%parallel_loop3A_1648, %parallel_loop3A_1649, %parallel_loop3A_1650] {strides = array<i32>} : memref<2x800x64xf32, #tpu.memory_space<vmem>>, vector<1x1x16xf32>,
        %parallel_loop3A_1652 = vector.shape_cast %parallel_loop3A_1651 : vector<1x1x16xf32> to vector<16xf32>
        %parallel_loop3A_1653 = arith.constant 8.000000e+00 : f32
        %parallel_loop3A_1654 = vector.broadcast %parallel_loop3A_1653 : f32 to vector<16xf32>
        %parallel_loop3A_1655 = arith.mulf %parallel_loop3A_1652, %parallel_loop3A_1654 : vector<16xf32>
        %parallel_loop3A_1656 = arith.constant 0 : i32
        %parallel_loop3A_1657 = arith.index_cast %parallel_loop3A_1656 : i32 to index
        %parallel_loop3A_1658 = arith.index_cast %parallel_loop3A_1614 : i32 to index
        %parallel_loop3A_1659 = arith.constant 32 : index
        %parallel_loop3A_1660 = tpu.vector_load %arg6[%parallel_loop3A_1657, %parallel_loop3A_1658, %parallel_loop3A_1659] {strides = array<i32>} : memref<2x800x64xf32, #tpu.memory_space<vmem>>, vector<1x1x16xf32>,
        %parallel_loop3A_1661 = vector.shape_cast %parallel_loop3A_1660 : vector<1x1x16xf32> to vector<16xf32>
        %parallel_loop3A_1662 = vector.shape_cast %parallel_loop3A_1655 : vector<16xf32> to vector<1x1x16xf32>
        tpu.vector_store %arg6[%parallel_loop3A_1657, %parallel_loop3A_1658, %parallel_loop3A_1659], %parallel_loop3A_1662 {strides = array<i32>} : memref<2x800x64xf32, #tpu.memory_space<vmem>>, vector<1x1x16xf32>,
        %parallel_loop3A_1663 = arith.constant 0 : i32
        %parallel_loop3A_1664 = arith.index_cast %parallel_loop3A_1663 : i32 to index
        %parallel_loop3A_1665 = arith.index_cast %parallel_loop3A_1614 : i32 to index
        %parallel_loop3A_1666 = arith.constant 48 : index
        %parallel_loop3A_1667 = tpu.vector_load %arg6[%parallel_loop3A_1664, %parallel_loop3A_1665, %parallel_loop3A_1666] {strides = array<i32>} : memref<2x800x64xf32, #tpu.memory_space<vmem>>, vector<1x1x16xf32>,
        %parallel_loop3A_1668 = vector.shape_cast %parallel_loop3A_1667 : vector<1x1x16xf32> to vector<16xf32>
        %parallel_loop3A_1669 = arith.constant 8.000000e+00 : f32
        %parallel_loop3A_1670 = vector.broadcast %parallel_loop3A_1669 : f32 to vector<16xf32>
        %parallel_loop3A_1671 = arith.mulf %parallel_loop3A_1668, %parallel_loop3A_1670 : vector<16xf32>
        %parallel_loop3A_1672 = arith.constant 0 : i32
        %parallel_loop3A_1673 = arith.index_cast %parallel_loop3A_1672 : i32 to index
        %parallel_loop3A_1674 = arith.index_cast %parallel_loop3A_1614 : i32 to index
        %parallel_loop3A_1675 = arith.constant 48 : index
        %parallel_loop3A_1676 = tpu.vector_load %arg6[%parallel_loop3A_1673, %parallel_loop3A_1674, %parallel_loop3A_1675] {strides = array<i32>} : memref<2x800x64xf32, #tpu.memory_space<vmem>>, vector<1x1x16xf32>,
        %parallel_loop3A_1677 = vector.shape_cast %parallel_loop3A_1676 : vector<1x1x16xf32> to vector<16xf32>
        %parallel_loop3A_1678 = vector.shape_cast %parallel_loop3A_1671 : vector<16xf32> to vector<1x1x16xf32>
        tpu.vector_store %arg6[%parallel_loop3A_1673, %parallel_loop3A_1674, %parallel_loop3A_1675], %parallel_loop3A_1678 {strides = array<i32>} : memref<2x800x64xf32, #tpu.memory_space<vmem>>, vector<1x1x16xf32>,
      } {sc.loop_unroll_factor = 8 : i64, sc.parallel_access}
      %mul3A_777 = arith.constant 800 : i32
      %mul3A_778 = arith.muli %add3A_748, %mul3A_777 : i32
      %add3A_779 = arith.addi %mul3A_2, %mul3A_778 : i32
      %jit3A_780 = arith.constant 50 : i32
      %div3A_781 = arith.divsi %add3A_779, %jit3A_780 : i32
      %sign3A_782 = arith.constant 0 : i32
      %sign3A_783 = arith.cmpi sgt, %add3A_779, %sign3A_782 : i32
      %sign3A_784 = arith.extui %sign3A_783 : i1 to i32
      %sign3A_785 = arith.constant 0 : i32
      %sign3A_786 = arith.cmpi slt, %add3A_779, %sign3A_785 : i32
      %sign3A_787 = arith.extui %sign3A_786 : i1 to i32
      %sign3A_788 = arith.subi %sign3A_784, %sign3A_787 : i32
      %sign3A_789 = arith.constant 0 : i32
      %sign3A_790 = arith.cmpi sgt, %jit3A_780, %sign3A_789 : i32
      %sign3A_791 = arith.extui %sign3A_790 : i1 to i32
      %sign3A_792 = arith.constant 0 : i32
      %sign3A_793 = arith.cmpi slt, %jit3A_780, %sign3A_792 : i32
      %sign3A_794 = arith.extui %sign3A_793 : i1 to i32
      %sign3A_795 = arith.subi %sign3A_791, %sign3A_794 : i32
      %ne3A_796 = arith.cmpi ne, %sign3A_788, %sign3A_795 : i32
      %rem3A_797 = arith.remsi %add3A_779, %jit3A_780 : i32
      %ne3A_798 = arith.constant 0 : i32
      %ne3A_799 = arith.cmpi ne, %rem3A_797, %ne3A_798 : i32
      %and3A_800 = arith.andi %ne3A_796, %ne3A_799 : i1
      %sub3A_801 = arith.constant 1 : i32
      %sub3A_802 = arith.subi %div3A_781, %sub3A_801 : i32
      %select_n3A_803 = arith.select %and3A_800, %sub3A_802, %div3A_781 : i32
      %add3A_804 = arith.constant 0 : i32
      %add3A_805 = arith.addi %select_n3A_803, %add3A_804 : i32
      %dma_start3A_806 = arith.constant 0 : i32
      %dma_start3A_807 = arith.constant 0 : i32
      %dma_start3A_808 = arith.constant 0 : i32
      %dma_start3A_809 = arith.constant 0 : i32
      %dma_start3A_810 = tpu.memref_slice %arg6[%dma_start3A_806, %dma_start3A_808, %dma_start3A_809] : memref<2x800x64xf32, #tpu.memory_space<vmem>> -> memref<1x50x64xf32, #tpu.memory_space<vmem>>
      %dma_start3A_811 = tpu.memref_squeeze %dma_start3A_810 : memref<1x50x64xf32, #tpu.memory_space<vmem>> -> memref<50x64xf32, #tpu.memory_space<vmem>>
      %dma_start3A_812 = arith.constant 0 : i32
      %dma_start3A_813 = arith.constant 0 : i32
      %dma_start3A_814 = tpu.memref_slice %arg4[%add3A_805, %dma_start3A_812, %dma_start3A_813] : memref<4096x50x64xf32, #tpu.memory_space<hbm>> -> memref<1x50x64xf32, #tpu.memory_space<hbm>>
      %dma_start3A_815 = tpu.memref_squeeze %dma_start3A_814 : memref<1x50x64xf32, #tpu.memory_space<hbm>> -> memref<50x64xf32, #tpu.memory_space<hbm>>
      %dma_start3A_816 = tpu.memref_slice %arg8[%dma_start3A_807] : memref<2x!tpu.dma_semaphore, #tpu.memory_space<semaphore_mem>> -> memref<1x!tpu.dma_semaphore, #tpu.memory_space<semaphore_mem>>
      %dma_start3A_817 = tpu.memref_squeeze %dma_start3A_816 : memref<1x!tpu.dma_semaphore, #tpu.memory_space<semaphore_mem>> -> memref<!tpu.dma_semaphore, #tpu.memory_space<semaphore_mem>>
      %dma_start3A_818 = arith.constant 0 : i32
      %dma_start3A_819 = arith.constant 0 : i32
      %dma_start3A_820 = tpu.memref_slice %arg4[%add3A_805, %dma_start3A_818, %dma_start3A_819] : memref<4096x50x64xf32, #tpu.memory_space<hbm>> -> memref<1x50x64xf32, #tpu.memory_space<hbm>>
      %dma_start3A_821 = tpu.memref_squeeze %dma_start3A_820 : memref<1x50x64xf32, #tpu.memory_space<hbm>> -> memref<50x64xf32, #tpu.memory_space<hbm>>
      %dma_start3A_822 = arith.constant 0 : i32
      %dma_start3A_823 = arith.constant 0 : i32
      %dma_start3A_824 = tpu.memref_slice %arg6[%dma_start3A_806, %dma_start3A_822, %dma_start3A_823] : memref<2x800x64xf32, #tpu.memory_space<vmem>> -> memref<1x50x64xf32, #tpu.memory_space<vmem>>
      %dma_start3A_825 = tpu.memref_squeeze %dma_start3A_824 : memref<1x50x64xf32, #tpu.memory_space<vmem>> -> memref<50x64xf32, #tpu.memory_space<vmem>>
      tpu.enqueue_dma source(%dma_start3A_825 : memref<50x64xf32, #tpu.memory_space<vmem>>) target(%dma_start3A_821 : memref<50x64xf32, #tpu.memory_space<hbm>>) target_semaphore(%dma_start3A_817 : memref<!tpu.dma_semaphore, #tpu.memory_space<semaphore_mem>>)
      %add3A_826 = arith.constant 1 : i32
      %add3A_827 = arith.addi %select_n3A_803, %add3A_826 : i32
      %dma_start3A_828 = arith.constant 0 : i32
      %dma_start3A_829 = arith.constant 0 : i32
      %dma_start3A_830 = arith.constant 50 : i32
      %dma_start3A_831 = arith.constant 0 : i32
      %dma_start3A_832 = tpu.memref_slice %arg6[%dma_start3A_828, %dma_start3A_830, %dma_start3A_831] : memref<2x800x64xf32, #tpu.memory_space<vmem>> -> memref<1x50x64xf32, #tpu.memory_space<vmem>>
      %dma_start3A_833 = tpu.memref_squeeze %dma_start3A_832 : memref<1x50x64xf32, #tpu.memory_space<vmem>> -> memref<50x64xf32, #tpu.memory_space<vmem>>
      %dma_start3A_834 = arith.constant 0 : i32
      %dma_start3A_835 = arith.constant 0 : i32
      %dma_start3A_836 = tpu.memref_slice %arg4[%add3A_827, %dma_start3A_834, %dma_start3A_835] : memref<4096x50x64xf32, #tpu.memory_space<hbm>> -> memref<1x50x64xf32, #tpu.memory_space<hbm>>
      %dma_start3A_837 = tpu.memref_squeeze %dma_start3A_836 : memref<1x50x64xf32, #tpu.memory_space<hbm>> -> memref<50x64xf32, #tpu.memory_space<hbm>>
      %dma_start3A_838 = tpu.memref_slice %arg8[%dma_start3A_829] : memref<2x!tpu.dma_semaphore, #tpu.memory_space<semaphore_mem>> -> memref<1x!tpu.dma_semaphore, #tpu.memory_space<semaphore_mem>>
      %dma_start3A_839 = tpu.memref_squeeze %dma_start3A_838 : memref<1x!tpu.dma_semaphore, #tpu.memory_space<semaphore_mem>> -> memref<!tpu.dma_semaphore, #tpu.memory_space<semaphore_mem>>
      %dma_start3A_840 = arith.constant 0 : i32
      %dma_start3A_841 = arith.constant 0 : i32
      %dma_start3A_842 = tpu.memref_slice %arg4[%add3A_827, %dma_start3A_840, %dma_start3A_841] : memref<4096x50x64xf32, #tpu.memory_space<hbm>> -> memref<1x50x64xf32, #tpu.memory_space<hbm>>
      %dma_start3A_843 = tpu.memref_squeeze %dma_start3A_842 : memref<1x50x64xf32, #tpu.memory_space<hbm>> -> memref<50x64xf32, #tpu.memory_space<hbm>>
      %dma_start3A_844 = arith.constant 50 : i32
      %dma_start3A_845 = arith.constant 0 : i32
      %dma_start3A_846 = tpu.memref_slice %arg6[%dma_start3A_828, %dma_start3A_844, %dma_start3A_845] : memref<2x800x64xf32, #tpu.memory_space<vmem>> -> memref<1x50x64xf32, #tpu.memory_space<vmem>>
      %dma_start3A_847 = tpu.memref_squeeze %dma_start3A_846 : memref<1x50x64xf32, #tpu.memory_space<vmem>> -> memref<50x64xf32, #tpu.memory_space<vmem>>
      tpu.enqueue_dma source(%dma_start3A_847 : memref<50x64xf32, #tpu.memory_space<vmem>>) target(%dma_start3A_843 : memref<50x64xf32, #tpu.memory_space<hbm>>) target_semaphore(%dma_start3A_839 : memref<!tpu.dma_semaphore, #tpu.memory_space<semaphore_mem>>)
      %add3A_848 = arith.constant 2 : i32
      %add3A_849 = arith.addi %select_n3A_803, %add3A_848 : i32
      %dma_start3A_850 = arith.constant 0 : i32
      %dma_start3A_851 = arith.constant 0 : i32
      %dma_start3A_852 = arith.constant 100 : i32
      %dma_start3A_853 = arith.constant 0 : i32
      %dma_start3A_854 = tpu.memref_slice %arg6[%dma_start3A_850, %dma_start3A_852, %dma_start3A_853] : memref<2x800x64xf32, #tpu.memory_space<vmem>> -> memref<1x50x64xf32, #tpu.memory_space<vmem>>
      %dma_start3A_855 = tpu.memref_squeeze %dma_start3A_854 : memref<1x50x64xf32, #tpu.memory_space<vmem>> -> memref<50x64xf32, #tpu.memory_space<vmem>>
      %dma_start3A_856 = arith.constant 0 : i32
      %dma_start3A_857 = arith.constant 0 : i32
      %dma_start3A_858 = tpu.memref_slice %arg4[%add3A_849, %dma_start3A_856, %dma_start3A_857] : memref<4096x50x64xf32, #tpu.memory_space<hbm>> -> memref<1x50x64xf32, #tpu.memory_space<hbm>>
      %dma_start3A_859 = tpu.memref_squeeze %dma_start3A_858 : memref<1x50x64xf32, #tpu.memory_space<hbm>> -> memref<50x64xf32, #tpu.memory_space<hbm>>
      %dma_start3A_860 = tpu.memref_slice %arg8[%dma_start3A_851] : memref<2x!tpu.dma_semaphore, #tpu.memory_space<semaphore_mem>> -> memref<1x!tpu.dma_semaphore, #tpu.memory_space<semaphore_mem>>
      %dma_start3A_861 = tpu.memref_squeeze %dma_start3A_860 : memref<1x!tpu.dma_semaphore, #tpu.memory_space<semaphore_mem>> -> memref<!tpu.dma_semaphore, #tpu.memory_space<semaphore_mem>>
      %dma_start3A_862 = arith.constant 0 : i32
      %dma_start3A_863 = arith.constant 0 : i32
      %dma_start3A_864 = tpu.memref_slice %arg4[%add3A_849, %dma_start3A_862, %dma_start3A_863] : memref<4096x50x64xf32, #tpu.memory_space<hbm>> -> memref<1x50x64xf32, #tpu.memory_space<hbm>>
      %dma_start3A_865 = tpu.memref_squeeze %dma_start3A_864 : memref<1x50x64xf32, #tpu.memory_space<hbm>> -> memref<50x64xf32, #tpu.memory_space<hbm>>
      %dma_start3A_866 = arith.constant 100 : i32
      %dma_start3A_867 = arith.constant 0 : i32
      %dma_start3A_868 = tpu.memref_slice %arg6[%dma_start3A_850, %dma_start3A_866, %dma_start3A_867] : memref<2x800x64xf32, #tpu.memory_space<vmem>> -> memref<1x50x64xf32, #tpu.memory_space<vmem>>
      %dma_start3A_869 = tpu.memref_squeeze %dma_start3A_868 : memref<1x50x64xf32, #tpu.memory_space<vmem>> -> memref<50x64xf32, #tpu.memory_space<vmem>>
      tpu.enqueue_dma source(%dma_start3A_869 : memref<50x64xf32, #tpu.memory_space<vmem>>) target(%dma_start3A_865 : memref<50x64xf32, #tpu.memory_space<hbm>>) target_semaphore(%dma_start3A_861 : memref<!tpu.dma_semaphore, #tpu.memory_space<semaphore_mem>>)
      %add3A_870 = arith.constant 3 : i32
      %add3A_871 = arith.addi %select_n3A_803, %add3A_870 : i32
      %dma_start3A_872 = arith.constant 0 : i32
      %dma_start3A_873 = arith.constant 0 : i32
      %dma_start3A_874 = arith.constant 150 : i32
      %dma_start3A_875 = arith.constant 0 : i32
      %dma_start3A_876 = tpu.memref_slice %arg6[%dma_start3A_872, %dma_start3A_874, %dma_start3A_875] : memref<2x800x64xf32, #tpu.memory_space<vmem>> -> memref<1x50x64xf32, #tpu.memory_space<vmem>>
      %dma_start3A_877 = tpu.memref_squeeze %dma_start3A_876 : memref<1x50x64xf32, #tpu.memory_space<vmem>> -> memref<50x64xf32, #tpu.memory_space<vmem>>
      %dma_start3A_878 = arith.constant 0 : i32
      %dma_start3A_879 = arith.constant 0 : i32
      %dma_start3A_880 = tpu.memref_slice %arg4[%add3A_871, %dma_start3A_878, %dma_start3A_879] : memref<4096x50x64xf32, #tpu.memory_space<hbm>> -> memref<1x50x64xf32, #tpu.memory_space<hbm>>
      %dma_start3A_881 = tpu.memref_squeeze %dma_start3A_880 : memref<1x50x64xf32, #tpu.memory_space<hbm>> -> memref<50x64xf32, #tpu.memory_space<hbm>>
      %dma_start3A_882 = tpu.memref_slice %arg8[%dma_start3A_873] : memref<2x!tpu.dma_semaphore, #tpu.memory_space<semaphore_mem>> -> memref<1x!tpu.dma_semaphore, #tpu.memory_space<semaphore_mem>>
      %dma_start3A_883 = tpu.memref_squeeze %dma_start3A_882 : memref<1x!tpu.dma_semaphore, #tpu.memory_space<semaphore_mem>> -> memref<!tpu.dma_semaphore, #tpu.memory_space<semaphore_mem>>
      %dma_start3A_884 = arith.constant 0 : i32
      %dma_start3A_885 = arith.constant 0 : i32
      %dma_start3A_886 = tpu.memref_slice %arg4[%add3A_871, %dma_start3A_884, %dma_start3A_885] : memref<4096x50x64xf32, #tpu.memory_space<hbm>> -> memref<1x50x64xf32, #tpu.memory_space<hbm>>
      %dma_start3A_887 = tpu.memref_squeeze %dma_start3A_886 : memref<1x50x64xf32, #tpu.memory_space<hbm>> -> memref<50x64xf32, #tpu.memory_space<hbm>>
      %dma_start3A_888 = arith.constant 150 : i32
      %dma_start3A_889 = arith.constant 0 : i32
      %dma_start3A_890 = tpu.memref_slice %arg6[%dma_start3A_872, %dma_start3A_888, %dma_start3A_889] : memref<2x800x64xf32, #tpu.memory_space<vmem>> -> memref<1x50x64xf32, #tpu.memory_space<vmem>>
      %dma_start3A_891 = tpu.memref_squeeze %dma_start3A_890 : memref<1x50x64xf32, #tpu.memory_space<vmem>> -> memref<50x64xf32, #tpu.memory_space<vmem>>
      tpu.enqueue_dma source(%dma_start3A_891 : memref<50x64xf32, #tpu.memory_space<vmem>>) target(%dma_start3A_887 : memref<50x64xf32, #tpu.memory_space<hbm>>) target_semaphore(%dma_start3A_883 : memref<!tpu.dma_semaphore, #tpu.memory_space<semaphore_mem>>)
      %add3A_892 = arith.constant 4 : i32
      %add3A_893 = arith.addi %select_n3A_803, %add3A_892 : i32
      %dma_start3A_894 = arith.constant 0 : i32
      %dma_start3A_895 = arith.constant 0 : i32
      %dma_start3A_896 = arith.constant 200 : i32
      %dma_start3A_897 = arith.constant 0 : i32
      %dma_start3A_898 = tpu.memref_slice %arg6[%dma_start3A_894, %dma_start3A_896, %dma_start3A_897] : memref<2x800x64xf32, #tpu.memory_space<vmem>> -> memref<1x50x64xf32, #tpu.memory_space<vmem>>
      %dma_start3A_899 = tpu.memref_squeeze %dma_start3A_898 : memref<1x50x64xf32, #tpu.memory_space<vmem>> -> memref<50x64xf32, #tpu.memory_space<vmem>>
      %dma_start3A_900 = arith.constant 0 : i32
      %dma_start3A_901 = arith.constant 0 : i32
      %dma_start3A_902 = tpu.memref_slice %arg4[%add3A_893, %dma_start3A_900, %dma_start3A_901] : memref<4096x50x64xf32, #tpu.memory_space<hbm>> -> memref<1x50x64xf32, #tpu.memory_space<hbm>>
      %dma_start3A_903 = tpu.memref_squeeze %dma_start3A_902 : memref<1x50x64xf32, #tpu.memory_space<hbm>> -> memref<50x64xf32, #tpu.memory_space<hbm>>
      %dma_start3A_904 = tpu.memref_slice %arg8[%dma_start3A_895] : memref<2x!tpu.dma_semaphore, #tpu.memory_space<semaphore_mem>> -> memref<1x!tpu.dma_semaphore, #tpu.memory_space<semaphore_mem>>
      %dma_start3A_905 = tpu.memref_squeeze %dma_start3A_904 : memref<1x!tpu.dma_semaphore, #tpu.memory_space<semaphore_mem>> -> memref<!tpu.dma_semaphore, #tpu.memory_space<semaphore_mem>>
      %dma_start3A_906 = arith.constant 0 : i32
      %dma_start3A_907 = arith.constant 0 : i32
      %dma_start3A_908 = tpu.memref_slice %arg4[%add3A_893, %dma_start3A_906, %dma_start3A_907] : memref<4096x50x64xf32, #tpu.memory_space<hbm>> -> memref<1x50x64xf32, #tpu.memory_space<hbm>>
      %dma_start3A_909 = tpu.memref_squeeze %dma_start3A_908 : memref<1x50x64xf32, #tpu.memory_space<hbm>> -> memref<50x64xf32, #tpu.memory_space<hbm>>
      %dma_start3A_910 = arith.constant 200 : i32
      %dma_start3A_911 = arith.constant 0 : i32
      %dma_start3A_912 = tpu.memref_slice %arg6[%dma_start3A_894, %dma_start3A_910, %dma_start3A_911] : memref<2x800x64xf32, #tpu.memory_space<vmem>> -> memref<1x50x64xf32, #tpu.memory_space<vmem>>
      %dma_start3A_913 = tpu.memref_squeeze %dma_start3A_912 : memref<1x50x64xf32, #tpu.memory_space<vmem>> -> memref<50x64xf32, #tpu.memory_space<vmem>>
      tpu.enqueue_dma source(%dma_start3A_913 : memref<50x64xf32, #tpu.memory_space<vmem>>) target(%dma_start3A_909 : memref<50x64xf32, #tpu.memory_space<hbm>>) target_semaphore(%dma_start3A_905 : memref<!tpu.dma_semaphore, #tpu.memory_space<semaphore_mem>>)
      %add3A_914 = arith.constant 5 : i32
      %add3A_915 = arith.addi %select_n3A_803, %add3A_914 : i32
      %dma_start3A_916 = arith.constant 0 : i32
      %dma_start3A_917 = arith.constant 0 : i32
      %dma_start3A_918 = arith.constant 250 : i32
      %dma_start3A_919 = arith.constant 0 : i32
      %dma_start3A_920 = tpu.memref_slice %arg6[%dma_start3A_916, %dma_start3A_918, %dma_start3A_919] : memref<2x800x64xf32, #tpu.memory_space<vmem>> -> memref<1x50x64xf32, #tpu.memory_space<vmem>>
      %dma_start3A_921 = tpu.memref_squeeze %dma_start3A_920 : memref<1x50x64xf32, #tpu.memory_space<vmem>> -> memref<50x64xf32, #tpu.memory_space<vmem>>
      %dma_start3A_922 = arith.constant 0 : i32
      %dma_start3A_923 = arith.constant 0 : i32
      %dma_start3A_924 = tpu.memref_slice %arg4[%add3A_915, %dma_start3A_922, %dma_start3A_923] : memref<4096x50x64xf32, #tpu.memory_space<hbm>> -> memref<1x50x64xf32, #tpu.memory_space<hbm>>
      %dma_start3A_925 = tpu.memref_squeeze %dma_start3A_924 : memref<1x50x64xf32, #tpu.memory_space<hbm>> -> memref<50x64xf32, #tpu.memory_space<hbm>>
      %dma_start3A_926 = tpu.memref_slice %arg8[%dma_start3A_917] : memref<2x!tpu.dma_semaphore, #tpu.memory_space<semaphore_mem>> -> memref<1x!tpu.dma_semaphore, #tpu.memory_space<semaphore_mem>>
      %dma_start3A_927 = tpu.memref_squeeze %dma_start3A_926 : memref<1x!tpu.dma_semaphore, #tpu.memory_space<semaphore_mem>> -> memref<!tpu.dma_semaphore, #tpu.memory_space<semaphore_mem>>
      %dma_start3A_928 = arith.constant 0 : i32
      %dma_start3A_929 = arith.constant 0 : i32
      %dma_start3A_930 = tpu.memref_slice %arg4[%add3A_915, %dma_start3A_928, %dma_start3A_929] : memref<4096x50x64xf32, #tpu.memory_space<hbm>> -> memref<1x50x64xf32, #tpu.memory_space<hbm>>
      %dma_start3A_931 = tpu.memref_squeeze %dma_start3A_930 : memref<1x50x64xf32, #tpu.memory_space<hbm>> -> memref<50x64xf32, #tpu.memory_space<hbm>>
      %dma_start3A_932 = arith.constant 250 : i32
      %dma_start3A_933 = arith.constant 0 : i32
      %dma_start3A_934 = tpu.memref_slice %arg6[%dma_start3A_916, %dma_start3A_932, %dma_start3A_933] : memref<2x800x64xf32, #tpu.memory_space<vmem>> -> memref<1x50x64xf32, #tpu.memory_space<vmem>>
      %dma_start3A_935 = tpu.memref_squeeze %dma_start3A_934 : memref<1x50x64xf32, #tpu.memory_space<vmem>> -> memref<50x64xf32, #tpu.memory_space<vmem>>
      tpu.enqueue_dma source(%dma_start3A_935 : memref<50x64xf32, #tpu.memory_space<vmem>>) target(%dma_start3A_931 : memref<50x64xf32, #tpu.memory_space<hbm>>) target_semaphore(%dma_start3A_927 : memref<!tpu.dma_semaphore, #tpu.memory_space<semaphore_mem>>)
      %add3A_936 = arith.constant 6 : i32
      %add3A_937 = arith.addi %select_n3A_803, %add3A_936 : i32
      %dma_start3A_938 = arith.constant 0 : i32
      %dma_start3A_939 = arith.constant 0 : i32
      %dma_start3A_940 = arith.constant 300 : i32
      %dma_start3A_941 = arith.constant 0 : i32
      %dma_start3A_942 = tpu.memref_slice %arg6[%dma_start3A_938, %dma_start3A_940, %dma_start3A_941] : memref<2x800x64xf32, #tpu.memory_space<vmem>> -> memref<1x50x64xf32, #tpu.memory_space<vmem>>
      %dma_start3A_943 = tpu.memref_squeeze %dma_start3A_942 : memref<1x50x64xf32, #tpu.memory_space<vmem>> -> memref<50x64xf32, #tpu.memory_space<vmem>>
      %dma_start3A_944 = arith.constant 0 : i32
      %dma_start3A_945 = arith.constant 0 : i32
      %dma_start3A_946 = tpu.memref_slice %arg4[%add3A_937, %dma_start3A_944, %dma_start3A_945] : memref<4096x50x64xf32, #tpu.memory_space<hbm>> -> memref<1x50x64xf32, #tpu.memory_space<hbm>>
      %dma_start3A_947 = tpu.memref_squeeze %dma_start3A_946 : memref<1x50x64xf32, #tpu.memory_space<hbm>> -> memref<50x64xf32, #tpu.memory_space<hbm>>
      %dma_start3A_948 = tpu.memref_slice %arg8[%dma_start3A_939] : memref<2x!tpu.dma_semaphore, #tpu.memory_space<semaphore_mem>> -> memref<1x!tpu.dma_semaphore, #tpu.memory_space<semaphore_mem>>
      %dma_start3A_949 = tpu.memref_squeeze %dma_start3A_948 : memref<1x!tpu.dma_semaphore, #tpu.memory_space<semaphore_mem>> -> memref<!tpu.dma_semaphore, #tpu.memory_space<semaphore_mem>>
      %dma_start3A_950 = arith.constant 0 : i32
      %dma_start3A_951 = arith.constant 0 : i32
      %dma_start3A_952 = tpu.memref_slice %arg4[%add3A_937, %dma_start3A_950, %dma_start3A_951] : memref<4096x50x64xf32, #tpu.memory_space<hbm>> -> memref<1x50x64xf32, #tpu.memory_space<hbm>>
      %dma_start3A_953 = tpu.memref_squeeze %dma_start3A_952 : memref<1x50x64xf32, #tpu.memory_space<hbm>> -> memref<50x64xf32, #tpu.memory_space<hbm>>
      %dma_start3A_954 = arith.constant 300 : i32
      %dma_start3A_955 = arith.constant 0 : i32
      %dma_start3A_956 = tpu.memref_slice %arg6[%dma_start3A_938, %dma_start3A_954, %dma_start3A_955] : memref<2x800x64xf32, #tpu.memory_space<vmem>> -> memref<1x50x64xf32, #tpu.memory_space<vmem>>
      %dma_start3A_957 = tpu.memref_squeeze %dma_start3A_956 : memref<1x50x64xf32, #tpu.memory_space<vmem>> -> memref<50x64xf32, #tpu.memory_space<vmem>>
      tpu.enqueue_dma source(%dma_start3A_957 : memref<50x64xf32, #tpu.memory_space<vmem>>) target(%dma_start3A_953 : memref<50x64xf32, #tpu.memory_space<hbm>>) target_semaphore(%dma_start3A_949 : memref<!tpu.dma_semaphore, #tpu.memory_space<semaphore_mem>>)
      %add3A_958 = arith.constant 7 : i32
      %add3A_959 = arith.addi %select_n3A_803, %add3A_958 : i32
      %dma_start3A_960 = arith.constant 0 : i32
      %dma_start3A_961 = arith.constant 0 : i32
      %dma_start3A_962 = arith.constant 350 : i32
      %dma_start3A_963 = arith.constant 0 : i32
      %dma_start3A_964 = tpu.memref_slice %arg6[%dma_start3A_960, %dma_start3A_962, %dma_start3A_963] : memref<2x800x64xf32, #tpu.memory_space<vmem>> -> memref<1x50x64xf32, #tpu.memory_space<vmem>>
      %dma_start3A_965 = tpu.memref_squeeze %dma_start3A_964 : memref<1x50x64xf32, #tpu.memory_space<vmem>> -> memref<50x64xf32, #tpu.memory_space<vmem>>
      %dma_start3A_966 = arith.constant 0 : i32
      %dma_start3A_967 = arith.constant 0 : i32
      %dma_start3A_968 = tpu.memref_slice %arg4[%add3A_959, %dma_start3A_966, %dma_start3A_967] : memref<4096x50x64xf32, #tpu.memory_space<hbm>> -> memref<1x50x64xf32, #tpu.memory_space<hbm>>
      %dma_start3A_969 = tpu.memref_squeeze %dma_start3A_968 : memref<1x50x64xf32, #tpu.memory_space<hbm>> -> memref<50x64xf32, #tpu.memory_space<hbm>>
      %dma_start3A_970 = tpu.memref_slice %arg8[%dma_start3A_961] : memref<2x!tpu.dma_semaphore, #tpu.memory_space<semaphore_mem>> -> memref<1x!tpu.dma_semaphore, #tpu.memory_space<semaphore_mem>>
      %dma_start3A_971 = tpu.memref_squeeze %dma_start3A_970 : memref<1x!tpu.dma_semaphore, #tpu.memory_space<semaphore_mem>> -> memref<!tpu.dma_semaphore, #tpu.memory_space<semaphore_mem>>
      %dma_start3A_972 = arith.constant 0 : i32
      %dma_start3A_973 = arith.constant 0 : i32
      %dma_start3A_974 = tpu.memref_slice %arg4[%add3A_959, %dma_start3A_972, %dma_start3A_973] : memref<4096x50x64xf32, #tpu.memory_space<hbm>> -> memref<1x50x64xf32, #tpu.memory_space<hbm>>
      %dma_start3A_975 = tpu.memref_squeeze %dma_start3A_974 : memref<1x50x64xf32, #tpu.memory_space<hbm>> -> memref<50x64xf32, #tpu.memory_space<hbm>>
      %dma_start3A_976 = arith.constant 350 : i32
      %dma_start3A_977 = arith.constant 0 : i32
      %dma_start3A_978 = tpu.memref_slice %arg6[%dma_start3A_960, %dma_start3A_976, %dma_start3A_977] : memref<2x800x64xf32, #tpu.memory_space<vmem>> -> memref<1x50x64xf32, #tpu.memory_space<vmem>>
      %dma_start3A_979 = tpu.memref_squeeze %dma_start3A_978 : memref<1x50x64xf32, #tpu.memory_space<vmem>> -> memref<50x64xf32, #tpu.memory_space<vmem>>
      tpu.enqueue_dma source(%dma_start3A_979 : memref<50x64xf32, #tpu.memory_space<vmem>>) target(%dma_start3A_975 : memref<50x64xf32, #tpu.memory_space<hbm>>) target_semaphore(%dma_start3A_971 : memref<!tpu.dma_semaphore, #tpu.memory_space<semaphore_mem>>)
      %add3A_980 = arith.constant 8 : i32
      %add3A_981 = arith.addi %select_n3A_803, %add3A_980 : i32
      %dma_start3A_982 = arith.constant 0 : i32
      %dma_start3A_983 = arith.constant 0 : i32
      %dma_start3A_984 = arith.constant 400 : i32
      %dma_start3A_985 = arith.constant 0 : i32
      %dma_start3A_986 = tpu.memref_slice %arg6[%dma_start3A_982, %dma_start3A_984, %dma_start3A_985] : memref<2x800x64xf32, #tpu.memory_space<vmem>> -> memref<1x50x64xf32, #tpu.memory_space<vmem>>
      %dma_start3A_987 = tpu.memref_squeeze %dma_start3A_986 : memref<1x50x64xf32, #tpu.memory_space<vmem>> -> memref<50x64xf32, #tpu.memory_space<vmem>>
      %dma_start3A_988 = arith.constant 0 : i32
      %dma_start3A_989 = arith.constant 0 : i32
      %dma_start3A_990 = tpu.memref_slice %arg4[%add3A_981, %dma_start3A_988, %dma_start3A_989] : memref<4096x50x64xf32, #tpu.memory_space<hbm>> -> memref<1x50x64xf32, #tpu.memory_space<hbm>>
      %dma_start3A_991 = tpu.memref_squeeze %dma_start3A_990 : memref<1x50x64xf32, #tpu.memory_space<hbm>> -> memref<50x64xf32, #tpu.memory_space<hbm>>
      %dma_start3A_992 = tpu.memref_slice %arg8[%dma_start3A_983] : memref<2x!tpu.dma_semaphore, #tpu.memory_space<semaphore_mem>> -> memref<1x!tpu.dma_semaphore, #tpu.memory_space<semaphore_mem>>
      %dma_start3A_993 = tpu.memref_squeeze %dma_start3A_992 : memref<1x!tpu.dma_semaphore, #tpu.memory_space<semaphore_mem>> -> memref<!tpu.dma_semaphore, #tpu.memory_space<semaphore_mem>>
      %dma_start3A_994 = arith.constant 0 : i32
      %dma_start3A_995 = arith.constant 0 : i32
      %dma_start3A_996 = tpu.memref_slice %arg4[%add3A_981, %dma_start3A_994, %dma_start3A_995] : memref<4096x50x64xf32, #tpu.memory_space<hbm>> -> memref<1x50x64xf32, #tpu.memory_space<hbm>>
      %dma_start3A_997 = tpu.memref_squeeze %dma_start3A_996 : memref<1x50x64xf32, #tpu.memory_space<hbm>> -> memref<50x64xf32, #tpu.memory_space<hbm>>
      %dma_start3A_998 = arith.constant 400 : i32
      %dma_start3A_999 = arith.constant 0 : i32
      %dma_start3A_1000 = tpu.memref_slice %arg6[%dma_start3A_982, %dma_start3A_998, %dma_start3A_999] : memref<2x800x64xf32, #tpu.memory_space<vmem>> -> memref<1x50x64xf32, #tpu.memory_space<vmem>>
      %dma_start3A_1001 = tpu.memref_squeeze %dma_start3A_1000 : memref<1x50x64xf32, #tpu.memory_space<vmem>> -> memref<50x64xf32, #tpu.memory_space<vmem>>
      tpu.enqueue_dma source(%dma_start3A_1001 : memref<50x64xf32, #tpu.memory_space<vmem>>) target(%dma_start3A_997 : memref<50x64xf32, #tpu.memory_space<hbm>>) target_semaphore(%dma_start3A_993 : memref<!tpu.dma_semaphore, #tpu.memory_space<semaphore_mem>>)
      %add3A_1002 = arith.constant 9 : i32
      %add3A_1003 = arith.addi %select_n3A_803, %add3A_1002 : i32
      %dma_start3A_1004 = arith.constant 0 : i32
      %dma_start3A_1005 = arith.constant 0 : i32
      %dma_start3A_1006 = arith.constant 450 : i32
      %dma_start3A_1007 = arith.constant 0 : i32
      %dma_start3A_1008 = tpu.memref_slice %arg6[%dma_start3A_1004, %dma_start3A_1006, %dma_start3A_1007] : memref<2x800x64xf32, #tpu.memory_space<vmem>> -> memref<1x50x64xf32, #tpu.memory_space<vmem>>
      %dma_start3A_1009 = tpu.memref_squeeze %dma_start3A_1008 : memref<1x50x64xf32, #tpu.memory_space<vmem>> -> memref<50x64xf32, #tpu.memory_space<vmem>>
      %dma_start3A_1010 = arith.constant 0 : i32
      %dma_start3A_1011 = arith.constant 0 : i32
      %dma_start3A_1012 = tpu.memref_slice %arg4[%add3A_1003, %dma_start3A_1010, %dma_start3A_1011] : memref<4096x50x64xf32, #tpu.memory_space<hbm>> -> memref<1x50x64xf32, #tpu.memory_space<hbm>>
      %dma_start3A_1013 = tpu.memref_squeeze %dma_start3A_1012 : memref<1x50x64xf32, #tpu.memory_space<hbm>> -> memref<50x64xf32, #tpu.memory_space<hbm>>
      %dma_start3A_1014 = tpu.memref_slice %arg8[%dma_start3A_1005] : memref<2x!tpu.dma_semaphore, #tpu.memory_space<semaphore_mem>> -> memref<1x!tpu.dma_semaphore, #tpu.memory_space<semaphore_mem>>
      %dma_start3A_1015 = tpu.memref_squeeze %dma_start3A_1014 : memref<1x!tpu.dma_semaphore, #tpu.memory_space<semaphore_mem>> -> memref<!tpu.dma_semaphore, #tpu.memory_space<semaphore_mem>>
      %dma_start3A_1016 = arith.constant 0 : i32
      %dma_start3A_1017 = arith.constant 0 : i32
      %dma_start3A_1018 = tpu.memref_slice %arg4[%add3A_1003, %dma_start3A_1016, %dma_start3A_1017] : memref<4096x50x64xf32, #tpu.memory_space<hbm>> -> memref<1x50x64xf32, #tpu.memory_space<hbm>>
      %dma_start3A_1019 = tpu.memref_squeeze %dma_start3A_1018 : memref<1x50x64xf32, #tpu.memory_space<hbm>> -> memref<50x64xf32, #tpu.memory_space<hbm>>
      %dma_start3A_1020 = arith.constant 450 : i32
      %dma_start3A_1021 = arith.constant 0 : i32
      %dma_start3A_1022 = tpu.memref_slice %arg6[%dma_start3A_1004, %dma_start3A_1020, %dma_start3A_1021] : memref<2x800x64xf32, #tpu.memory_space<vmem>> -> memref<1x50x64xf32, #tpu.memory_space<vmem>>
      %dma_start3A_1023 = tpu.memref_squeeze %dma_start3A_1022 : memref<1x50x64xf32, #tpu.memory_space<vmem>> -> memref<50x64xf32, #tpu.memory_space<vmem>>
      tpu.enqueue_dma source(%dma_start3A_1023 : memref<50x64xf32, #tpu.memory_space<vmem>>) target(%dma_start3A_1019 : memref<50x64xf32, #tpu.memory_space<hbm>>) target_semaphore(%dma_start3A_1015 : memref<!tpu.dma_semaphore, #tpu.memory_space<semaphore_mem>>)
      %add3A_1024 = arith.constant 10 : i32
      %add3A_1025 = arith.addi %select_n3A_803, %add3A_1024 : i32
      %dma_start3A_1026 = arith.constant 0 : i32
      %dma_start3A_1027 = arith.constant 0 : i32
      %dma_start3A_1028 = arith.constant 500 : i32
      %dma_start3A_1029 = arith.constant 0 : i32
      %dma_start3A_1030 = tpu.memref_slice %arg6[%dma_start3A_1026, %dma_start3A_1028, %dma_start3A_1029] : memref<2x800x64xf32, #tpu.memory_space<vmem>> -> memref<1x50x64xf32, #tpu.memory_space<vmem>>
      %dma_start3A_1031 = tpu.memref_squeeze %dma_start3A_1030 : memref<1x50x64xf32, #tpu.memory_space<vmem>> -> memref<50x64xf32, #tpu.memory_space<vmem>>
      %dma_start3A_1032 = arith.constant 0 : i32
      %dma_start3A_1033 = arith.constant 0 : i32
      %dma_start3A_1034 = tpu.memref_slice %arg4[%add3A_1025, %dma_start3A_1032, %dma_start3A_1033] : memref<4096x50x64xf32, #tpu.memory_space<hbm>> -> memref<1x50x64xf32, #tpu.memory_space<hbm>>
      %dma_start3A_1035 = tpu.memref_squeeze %dma_start3A_1034 : memref<1x50x64xf32, #tpu.memory_space<hbm>> -> memref<50x64xf32, #tpu.memory_space<hbm>>
      %dma_start3A_1036 = tpu.memref_slice %arg8[%dma_start3A_1027] : memref<2x!tpu.dma_semaphore, #tpu.memory_space<semaphore_mem>> -> memref<1x!tpu.dma_semaphore, #tpu.memory_space<semaphore_mem>>
      %dma_start3A_1037 = tpu.memref_squeeze %dma_start3A_1036 : memref<1x!tpu.dma_semaphore, #tpu.memory_space<semaphore_mem>> -> memref<!tpu.dma_semaphore, #tpu.memory_space<semaphore_mem>>
      %dma_start3A_1038 = arith.constant 0 : i32
      %dma_start3A_1039 = arith.constant 0 : i32
      %dma_start3A_1040 = tpu.memref_slice %arg4[%add3A_1025, %dma_start3A_1038, %dma_start3A_1039] : memref<4096x50x64xf32, #tpu.memory_space<hbm>> -> memref<1x50x64xf32, #tpu.memory_space<hbm>>
      %dma_start3A_1041 = tpu.memref_squeeze %dma_start3A_1040 : memref<1x50x64xf32, #tpu.memory_space<hbm>> -> memref<50x64xf32, #tpu.memory_space<hbm>>
      %dma_start3A_1042 = arith.constant 500 : i32
      %dma_start3A_1043 = arith.constant 0 : i32
      %dma_start3A_1044 = tpu.memref_slice %arg6[%dma_start3A_1026, %dma_start3A_1042, %dma_start3A_1043] : memref<2x800x64xf32, #tpu.memory_space<vmem>> -> memref<1x50x64xf32, #tpu.memory_space<vmem>>
      %dma_start3A_1045 = tpu.memref_squeeze %dma_start3A_1044 : memref<1x50x64xf32, #tpu.memory_space<vmem>> -> memref<50x64xf32, #tpu.memory_space<vmem>>
      tpu.enqueue_dma source(%dma_start3A_1045 : memref<50x64xf32, #tpu.memory_space<vmem>>) target(%dma_start3A_1041 : memref<50x64xf32, #tpu.memory_space<hbm>>) target_semaphore(%dma_start3A_1037 : memref<!tpu.dma_semaphore, #tpu.memory_space<semaphore_mem>>)
      %add3A_1046 = arith.constant 11 : i32
      %add3A_1047 = arith.addi %select_n3A_803, %add3A_1046 : i32
      %dma_start3A_1048 = arith.constant 0 : i32
      %dma_start3A_1049 = arith.constant 0 : i32
      %dma_start3A_1050 = arith.constant 550 : i32
      %dma_start3A_1051 = arith.constant 0 : i32
      %dma_start3A_1052 = tpu.memref_slice %arg6[%dma_start3A_1048, %dma_start3A_1050, %dma_start3A_1051] : memref<2x800x64xf32, #tpu.memory_space<vmem>> -> memref<1x50x64xf32, #tpu.memory_space<vmem>>
      %dma_start3A_1053 = tpu.memref_squeeze %dma_start3A_1052 : memref<1x50x64xf32, #tpu.memory_space<vmem>> -> memref<50x64xf32, #tpu.memory_space<vmem>>
      %dma_start3A_1054 = arith.constant 0 : i32
      %dma_start3A_1055 = arith.constant 0 : i32
      %dma_start3A_1056 = tpu.memref_slice %arg4[%add3A_1047, %dma_start3A_1054, %dma_start3A_1055] : memref<4096x50x64xf32, #tpu.memory_space<hbm>> -> memref<1x50x64xf32, #tpu.memory_space<hbm>>
      %dma_start3A_1057 = tpu.memref_squeeze %dma_start3A_1056 : memref<1x50x64xf32, #tpu.memory_space<hbm>> -> memref<50x64xf32, #tpu.memory_space<hbm>>
      %dma_start3A_1058 = tpu.memref_slice %arg8[%dma_start3A_1049] : memref<2x!tpu.dma_semaphore, #tpu.memory_space<semaphore_mem>> -> memref<1x!tpu.dma_semaphore, #tpu.memory_space<semaphore_mem>>
      %dma_start3A_1059 = tpu.memref_squeeze %dma_start3A_1058 : memref<1x!tpu.dma_semaphore, #tpu.memory_space<semaphore_mem>> -> memref<!tpu.dma_semaphore, #tpu.memory_space<semaphore_mem>>
      %dma_start3A_1060 = arith.constant 0 : i32
      %dma_start3A_1061 = arith.constant 0 : i32
      %dma_start3A_1062 = tpu.memref_slice %arg4[%add3A_1047, %dma_start3A_1060, %dma_start3A_1061] : memref<4096x50x64xf32, #tpu.memory_space<hbm>> -> memref<1x50x64xf32, #tpu.memory_space<hbm>>
      %dma_start3A_1063 = tpu.memref_squeeze %dma_start3A_1062 : memref<1x50x64xf32, #tpu.memory_space<hbm>> -> memref<50x64xf32, #tpu.memory_space<hbm>>
      %dma_start3A_1064 = arith.constant 550 : i32
      %dma_start3A_1065 = arith.constant 0 : i32
      %dma_start3A_1066 = tpu.memref_slice %arg6[%dma_start3A_1048, %dma_start3A_1064, %dma_start3A_1065] : memref<2x800x64xf32, #tpu.memory_space<vmem>> -> memref<1x50x64xf32, #tpu.memory_space<vmem>>
      %dma_start3A_1067 = tpu.memref_squeeze %dma_start3A_1066 : memref<1x50x64xf32, #tpu.memory_space<vmem>> -> memref<50x64xf32, #tpu.memory_space<vmem>>
      tpu.enqueue_dma source(%dma_start3A_1067 : memref<50x64xf32, #tpu.memory_space<vmem>>) target(%dma_start3A_1063 : memref<50x64xf32, #tpu.memory_space<hbm>>) target_semaphore(%dma_start3A_1059 : memref<!tpu.dma_semaphore, #tpu.memory_space<semaphore_mem>>)
      %add3A_1068 = arith.constant 12 : i32
      %add3A_1069 = arith.addi %select_n3A_803, %add3A_1068 : i32
      %dma_start3A_1070 = arith.constant 0 : i32
      %dma_start3A_1071 = arith.constant 0 : i32
      %dma_start3A_1072 = arith.constant 600 : i32
      %dma_start3A_1073 = arith.constant 0 : i32
      %dma_start3A_1074 = tpu.memref_slice %arg6[%dma_start3A_1070, %dma_start3A_1072, %dma_start3A_1073] : memref<2x800x64xf32, #tpu.memory_space<vmem>> -> memref<1x50x64xf32, #tpu.memory_space<vmem>>
      %dma_start3A_1075 = tpu.memref_squeeze %dma_start3A_1074 : memref<1x50x64xf32, #tpu.memory_space<vmem>> -> memref<50x64xf32, #tpu.memory_space<vmem>>
      %dma_start3A_1076 = arith.constant 0 : i32
      %dma_start3A_1077 = arith.constant 0 : i32
      %dma_start3A_1078 = tpu.memref_slice %arg4[%add3A_1069, %dma_start3A_1076, %dma_start3A_1077] : memref<4096x50x64xf32, #tpu.memory_space<hbm>> -> memref<1x50x64xf32, #tpu.memory_space<hbm>>
      %dma_start3A_1079 = tpu.memref_squeeze %dma_start3A_1078 : memref<1x50x64xf32, #tpu.memory_space<hbm>> -> memref<50x64xf32, #tpu.memory_space<hbm>>
      %dma_start3A_1080 = tpu.memref_slice %arg8[%dma_start3A_1071] : memref<2x!tpu.dma_semaphore, #tpu.memory_space<semaphore_mem>> -> memref<1x!tpu.dma_semaphore, #tpu.memory_space<semaphore_mem>>
      %dma_start3A_1081 = tpu.memref_squeeze %dma_start3A_1080 : memref<1x!tpu.dma_semaphore, #tpu.memory_space<semaphore_mem>> -> memref<!tpu.dma_semaphore, #tpu.memory_space<semaphore_mem>>
      %dma_start3A_1082 = arith.constant 0 : i32
      %dma_start3A_1083 = arith.constant 0 : i32
      %dma_start3A_1084 = tpu.memref_slice %arg4[%add3A_1069, %dma_start3A_1082, %dma_start3A_1083] : memref<4096x50x64xf32, #tpu.memory_space<hbm>> -> memref<1x50x64xf32, #tpu.memory_space<hbm>>
      %dma_start3A_1085 = tpu.memref_squeeze %dma_start3A_1084 : memref<1x50x64xf32, #tpu.memory_space<hbm>> -> memref<50x64xf32, #tpu.memory_space<hbm>>
      %dma_start3A_1086 = arith.constant 600 : i32
      %dma_start3A_1087 = arith.constant 0 : i32
      %dma_start3A_1088 = tpu.memref_slice %arg6[%dma_start3A_1070, %dma_start3A_1086, %dma_start3A_1087] : memref<2x800x64xf32, #tpu.memory_space<vmem>> -> memref<1x50x64xf32, #tpu.memory_space<vmem>>
      %dma_start3A_1089 = tpu.memref_squeeze %dma_start3A_1088 : memref<1x50x64xf32, #tpu.memory_space<vmem>> -> memref<50x64xf32, #tpu.memory_space<vmem>>
      tpu.enqueue_dma source(%dma_start3A_1089 : memref<50x64xf32, #tpu.memory_space<vmem>>) target(%dma_start3A_1085 : memref<50x64xf32, #tpu.memory_space<hbm>>) target_semaphore(%dma_start3A_1081 : memref<!tpu.dma_semaphore, #tpu.memory_space<semaphore_mem>>)
      %add3A_1090 = arith.constant 13 : i32
      %add3A_1091 = arith.addi %select_n3A_803, %add3A_1090 : i32
      %dma_start3A_1092 = arith.constant 0 : i32
      %dma_start3A_1093 = arith.constant 0 : i32
      %dma_start3A_1094 = arith.constant 650 : i32
      %dma_start3A_1095 = arith.constant 0 : i32
      %dma_start3A_1096 = tpu.memref_slice %arg6[%dma_start3A_1092, %dma_start3A_1094, %dma_start3A_1095] : memref<2x800x64xf32, #tpu.memory_space<vmem>> -> memref<1x50x64xf32, #tpu.memory_space<vmem>>
      %dma_start3A_1097 = tpu.memref_squeeze %dma_start3A_1096 : memref<1x50x64xf32, #tpu.memory_space<vmem>> -> memref<50x64xf32, #tpu.memory_space<vmem>>
      %dma_start3A_1098 = arith.constant 0 : i32
      %dma_start3A_1099 = arith.constant 0 : i32
      %dma_start3A_1100 = tpu.memref_slice %arg4[%add3A_1091, %dma_start3A_1098, %dma_start3A_1099] : memref<4096x50x64xf32, #tpu.memory_space<hbm>> -> memref<1x50x64xf32, #tpu.memory_space<hbm>>
      %dma_start3A_1101 = tpu.memref_squeeze %dma_start3A_1100 : memref<1x50x64xf32, #tpu.memory_space<hbm>> -> memref<50x64xf32, #tpu.memory_space<hbm>>
      %dma_start3A_1102 = tpu.memref_slice %arg8[%dma_start3A_1093] : memref<2x!tpu.dma_semaphore, #tpu.memory_space<semaphore_mem>> -> memref<1x!tpu.dma_semaphore, #tpu.memory_space<semaphore_mem>>
      %dma_start3A_1103 = tpu.memref_squeeze %dma_start3A_1102 : memref<1x!tpu.dma_semaphore, #tpu.memory_space<semaphore_mem>> -> memref<!tpu.dma_semaphore, #tpu.memory_space<semaphore_mem>>
      %dma_start3A_1104 = arith.constant 0 : i32
      %dma_start3A_1105 = arith.constant 0 : i32
      %dma_start3A_1106 = tpu.memref_slice %arg4[%add3A_1091, %dma_start3A_1104, %dma_start3A_1105] : memref<4096x50x64xf32, #tpu.memory_space<hbm>> -> memref<1x50x64xf32, #tpu.memory_space<hbm>>
      %dma_start3A_1107 = tpu.memref_squeeze %dma_start3A_1106 : memref<1x50x64xf32, #tpu.memory_space<hbm>> -> memref<50x64xf32, #tpu.memory_space<hbm>>
      %dma_start3A_1108 = arith.constant 650 : i32
      %dma_start3A_1109 = arith.constant 0 : i32
      %dma_start3A_1110 = tpu.memref_slice %arg6[%dma_start3A_1092, %dma_start3A_1108, %dma_start3A_1109] : memref<2x800x64xf32, #tpu.memory_space<vmem>> -> memref<1x50x64xf32, #tpu.memory_space<vmem>>
      %dma_start3A_1111 = tpu.memref_squeeze %dma_start3A_1110 : memref<1x50x64xf32, #tpu.memory_space<vmem>> -> memref<50x64xf32, #tpu.memory_space<vmem>>
      tpu.enqueue_dma source(%dma_start3A_1111 : memref<50x64xf32, #tpu.memory_space<vmem>>) target(%dma_start3A_1107 : memref<50x64xf32, #tpu.memory_space<hbm>>) target_semaphore(%dma_start3A_1103 : memref<!tpu.dma_semaphore, #tpu.memory_space<semaphore_mem>>)
      %add3A_1112 = arith.constant 14 : i32
      %add3A_1113 = arith.addi %select_n3A_803, %add3A_1112 : i32
      %dma_start3A_1114 = arith.constant 0 : i32
      %dma_start3A_1115 = arith.constant 0 : i32
      %dma_start3A_1116 = arith.constant 700 : i32
      %dma_start3A_1117 = arith.constant 0 : i32
      %dma_start3A_1118 = tpu.memref_slice %arg6[%dma_start3A_1114, %dma_start3A_1116, %dma_start3A_1117] : memref<2x800x64xf32, #tpu.memory_space<vmem>> -> memref<1x50x64xf32, #tpu.memory_space<vmem>>
      %dma_start3A_1119 = tpu.memref_squeeze %dma_start3A_1118 : memref<1x50x64xf32, #tpu.memory_space<vmem>> -> memref<50x64xf32, #tpu.memory_space<vmem>>
      %dma_start3A_1120 = arith.constant 0 : i32
      %dma_start3A_1121 = arith.constant 0 : i32
      %dma_start3A_1122 = tpu.memref_slice %arg4[%add3A_1113, %dma_start3A_1120, %dma_start3A_1121] : memref<4096x50x64xf32, #tpu.memory_space<hbm>> -> memref<1x50x64xf32, #tpu.memory_space<hbm>>
      %dma_start3A_1123 = tpu.memref_squeeze %dma_start3A_1122 : memref<1x50x64xf32, #tpu.memory_space<hbm>> -> memref<50x64xf32, #tpu.memory_space<hbm>>
      %dma_start3A_1124 = tpu.memref_slice %arg8[%dma_start3A_1115] : memref<2x!tpu.dma_semaphore, #tpu.memory_space<semaphore_mem>> -> memref<1x!tpu.dma_semaphore, #tpu.memory_space<semaphore_mem>>
      %dma_start3A_1125 = tpu.memref_squeeze %dma_start3A_1124 : memref<1x!tpu.dma_semaphore, #tpu.memory_space<semaphore_mem>> -> memref<!tpu.dma_semaphore, #tpu.memory_space<semaphore_mem>>
      %dma_start3A_1126 = arith.constant 0 : i32
      %dma_start3A_1127 = arith.constant 0 : i32
      %dma_start3A_1128 = tpu.memref_slice %arg4[%add3A_1113, %dma_start3A_1126, %dma_start3A_1127] : memref<4096x50x64xf32, #tpu.memory_space<hbm>> -> memref<1x50x64xf32, #tpu.memory_space<hbm>>
      %dma_start3A_1129 = tpu.memref_squeeze %dma_start3A_1128 : memref<1x50x64xf32, #tpu.memory_space<hbm>> -> memref<50x64xf32, #tpu.memory_space<hbm>>
      %dma_start3A_1130 = arith.constant 700 : i32
      %dma_start3A_1131 = arith.constant 0 : i32
      %dma_start3A_1132 = tpu.memref_slice %arg6[%dma_start3A_1114, %dma_start3A_1130, %dma_start3A_1131] : memref<2x800x64xf32, #tpu.memory_space<vmem>> -> memref<1x50x64xf32, #tpu.memory_space<vmem>>
      %dma_start3A_1133 = tpu.memref_squeeze %dma_start3A_1132 : memref<1x50x64xf32, #tpu.memory_space<vmem>> -> memref<50x64xf32, #tpu.memory_space<vmem>>
      tpu.enqueue_dma source(%dma_start3A_1133 : memref<50x64xf32, #tpu.memory_space<vmem>>) target(%dma_start3A_1129 : memref<50x64xf32, #tpu.memory_space<hbm>>) target_semaphore(%dma_start3A_1125 : memref<!tpu.dma_semaphore, #tpu.memory_space<semaphore_mem>>)
      %add3A_1134 = arith.constant 15 : i32
      %add3A_1135 = arith.addi %select_n3A_803, %add3A_1134 : i32
      %dma_start3A_1136 = arith.constant 0 : i32
      %dma_start3A_1137 = arith.constant 0 : i32
      %dma_start3A_1138 = arith.constant 750 : i32
      %dma_start3A_1139 = arith.constant 0 : i32
      %dma_start3A_1140 = tpu.memref_slice %arg6[%dma_start3A_1136, %dma_start3A_1138, %dma_start3A_1139] : memref<2x800x64xf32, #tpu.memory_space<vmem>> -> memref<1x50x64xf32, #tpu.memory_space<vmem>>
      %dma_start3A_1141 = tpu.memref_squeeze %dma_start3A_1140 : memref<1x50x64xf32, #tpu.memory_space<vmem>> -> memref<50x64xf32, #tpu.memory_space<vmem>>
      %dma_start3A_1142 = arith.constant 0 : i32
      %dma_start3A_1143 = arith.constant 0 : i32
      %dma_start3A_1144 = tpu.memref_slice %arg4[%add3A_1135, %dma_start3A_1142, %dma_start3A_1143] : memref<4096x50x64xf32, #tpu.memory_space<hbm>> -> memref<1x50x64xf32, #tpu.memory_space<hbm>>
      %dma_start3A_1145 = tpu.memref_squeeze %dma_start3A_1144 : memref<1x50x64xf32, #tpu.memory_space<hbm>> -> memref<50x64xf32, #tpu.memory_space<hbm>>
      %dma_start3A_1146 = tpu.memref_slice %arg8[%dma_start3A_1137] : memref<2x!tpu.dma_semaphore, #tpu.memory_space<semaphore_mem>> -> memref<1x!tpu.dma_semaphore, #tpu.memory_space<semaphore_mem>>
      %dma_start3A_1147 = tpu.memref_squeeze %dma_start3A_1146 : memref<1x!tpu.dma_semaphore, #tpu.memory_space<semaphore_mem>> -> memref<!tpu.dma_semaphore, #tpu.memory_space<semaphore_mem>>
      %dma_start3A_1148 = arith.constant 0 : i32
      %dma_start3A_1149 = arith.constant 0 : i32
      %dma_start3A_1150 = tpu.memref_slice %arg4[%add3A_1135, %dma_start3A_1148, %dma_start3A_1149] : memref<4096x50x64xf32, #tpu.memory_space<hbm>> -> memref<1x50x64xf32, #tpu.memory_space<hbm>>
      %dma_start3A_1151 = tpu.memref_squeeze %dma_start3A_1150 : memref<1x50x64xf32, #tpu.memory_space<hbm>> -> memref<50x64xf32, #tpu.memory_space<hbm>>
      %dma_start3A_1152 = arith.constant 750 : i32
      %dma_start3A_1153 = arith.constant 0 : i32
      %dma_start3A_1154 = tpu.memref_slice %arg6[%dma_start3A_1136, %dma_start3A_1152, %dma_start3A_1153] : memref<2x800x64xf32, #tpu.memory_space<vmem>> -> memref<1x50x64xf32, #tpu.memory_space<vmem>>
      %dma_start3A_1155 = tpu.memref_squeeze %dma_start3A_1154 : memref<1x50x64xf32, #tpu.memory_space<vmem>> -> memref<50x64xf32, #tpu.memory_space<vmem>>
      tpu.enqueue_dma source(%dma_start3A_1155 : memref<50x64xf32, #tpu.memory_space<vmem>>) target(%dma_start3A_1151 : memref<50x64xf32, #tpu.memory_space<hbm>>) target_semaphore(%dma_start3A_1147 : memref<!tpu.dma_semaphore, #tpu.memory_space<semaphore_mem>>)
      %mul3A_1156 = arith.constant 2 : i32
      %mul3A_1157 = arith.muli %add3A_744, %mul3A_1156 : i32
      %add3A_1158 = arith.constant 1 : i32
      %add3A_1159 = arith.addi %mul3A_1157, %add3A_1158 : i32
      %sub3A_1160 = arith.constant 1 : i32
      %sub3A_1161 = arith.subi %add3A_1159, %sub3A_1160 : i32
      %mul3A_1162 = arith.constant 800 : i32
      %mul3A_1163 = arith.muli %sub3A_1161, %mul3A_1162 : i32
      %add3A_1164 = arith.addi %mul3A_2, %mul3A_1163 : i32
      %jit3A_1165 = arith.constant 50 : i32
      %div3A_1166 = arith.divsi %add3A_1164, %jit3A_1165 : i32
      %sign3A_1167 = arith.constant 0 : i32
      %sign3A_1168 = arith.cmpi sgt, %add3A_1164, %sign3A_1167 : i32
      %sign3A_1169 = arith.extui %sign3A_1168 : i1 to i32
      %sign3A_1170 = arith.constant 0 : i32
      %sign3A_1171 = arith.cmpi slt, %add3A_1164, %sign3A_1170 : i32
      %sign3A_1172 = arith.extui %sign3A_1171 : i1 to i32
      %sign3A_1173 = arith.subi %sign3A_1169, %sign3A_1172 : i32
      %sign3A_1174 = arith.constant 0 : i32
      %sign3A_1175 = arith.cmpi sgt, %jit3A_1165, %sign3A_1174 : i32
      %sign3A_1176 = arith.extui %sign3A_1175 : i1 to i32
      %sign3A_1177 = arith.constant 0 : i32
      %sign3A_1178 = arith.cmpi slt, %jit3A_1165, %sign3A_1177 : i32
      %sign3A_1179 = arith.extui %sign3A_1178 : i1 to i32
      %sign3A_1180 = arith.subi %sign3A_1176, %sign3A_1179 : i32
      %ne3A_1181 = arith.cmpi ne, %sign3A_1173, %sign3A_1180 : i32
      %rem3A_1182 = arith.remsi %add3A_1164, %jit3A_1165 : i32
      %ne3A_1183 = arith.constant 0 : i32
      %ne3A_1184 = arith.cmpi ne, %rem3A_1182, %ne3A_1183 : i32
      %and3A_1185 = arith.andi %ne3A_1181, %ne3A_1184 : i1
      %sub3A_1186 = arith.constant 1 : i32
      %sub3A_1187 = arith.subi %div3A_1166, %sub3A_1186 : i32
      %select_n3A_1188 = arith.select %and3A_1185, %sub3A_1187, %div3A_1166 : i32
      %dma_wait3A_1189 = arith.constant 0 : i32
      %dma_wait3A_1190 = arith.constant 0 : i32
      %dma_wait3A_1191 = arith.constant 0 : i32
      %dma_wait3A_1192 = arith.constant 0 : i32
      %dma_wait3A_1193 = tpu.memref_slice %arg6[%dma_wait3A_1189, %dma_wait3A_1191, %dma_wait3A_1192] : memref<2x800x64xf32, #tpu.memory_space<vmem>> -> memref<1x800x64xf32, #tpu.memory_space<vmem>>
      %dma_wait3A_1194 = tpu.memref_squeeze %dma_wait3A_1193 : memref<1x800x64xf32, #tpu.memory_space<vmem>> -> memref<800x64xf32, #tpu.memory_space<vmem>>
      %dma_wait3A_1195 = arith.constant 0 : i32
      %dma_wait3A_1196 = arith.constant 0 : i32
      %dma_wait3A_1197 = tpu.memref_slice %arg4[%select_n3A_1188, %dma_wait3A_1195, %dma_wait3A_1196] : memref<4096x50x64xf32, #tpu.memory_space<hbm>> -> memref<16x50x64xf32, #tpu.memory_space<hbm>>
      %dma_wait3A_1198 = tpu.memref_slice %arg8[%dma_wait3A_1190] : memref<2x!tpu.dma_semaphore, #tpu.memory_space<semaphore_mem>> -> memref<1x!tpu.dma_semaphore, #tpu.memory_space<semaphore_mem>>
      %dma_wait3A_1199 = tpu.memref_squeeze %dma_wait3A_1198 : memref<1x!tpu.dma_semaphore, #tpu.memory_space<semaphore_mem>> -> memref<!tpu.dma_semaphore, #tpu.memory_space<semaphore_mem>>
      %dma_wait3A_1200 = arith.constant 0 : i32
      %dma_wait3A_1201 = arith.constant 0 : i32
      %dma_wait3A_1202 = tpu.memref_slice %arg4[%select_n3A_1188, %dma_wait3A_1200, %dma_wait3A_1201] : memref<4096x50x64xf32, #tpu.memory_space<hbm>> -> memref<16x50x64xf32, #tpu.memory_space<hbm>>
      %dma_wait3A_1203 = arith.constant 0 : i32
      %dma_wait3A_1204 = arith.constant 0 : i32
      %dma_wait3A_1205 = tpu.memref_slice %arg6[%dma_wait3A_1189, %dma_wait3A_1203, %dma_wait3A_1204] : memref<2x800x64xf32, #tpu.memory_space<vmem>> -> memref<1x800x64xf32, #tpu.memory_space<vmem>>
      %dma_wait3A_1206 = tpu.memref_squeeze %dma_wait3A_1205 : memref<1x800x64xf32, #tpu.memory_space<vmem>> -> memref<800x64xf32, #tpu.memory_space<vmem>>
      tpu.wait_dma2 semaphore(%dma_wait3A_1199 : memref<!tpu.dma_semaphore, #tpu.memory_space<semaphore_mem>>) src(%dma_wait3A_1206 : memref<800x64xf32, #tpu.memory_space<vmem>>) dst(%dma_wait3A_1202 : memref<16x50x64xf32, #tpu.memory_space<hbm>>)
      %add3A_1207 = arith.constant 1 : i32
      %add3A_1208 = arith.addi %add3A_1159, %add3A_1207 : i32
      %lt3A_1209 = arith.constant 8 : i32
      %lt3A_1210 = arith.cmpi slt, %add3A_1208, %lt3A_1209 : i32
      %convert_element_type3A_1211 = arith.extui %lt3A_1210 : i1 to i32
      %cond3A_1212 = arith.constant 0 : i32
      %cond3A_1213 = arith.cmpi ne, %convert_element_type3A_1211, %cond3A_1212 : i32
      scf.if %cond3A_1213 {
        %add3A_1614 = arith.constant 1 : i32
        %add3A_1615 = arith.addi %add3A_1159, %add3A_1614 : i32
        %mul3A_1616 = arith.constant 800 : i32
        %mul3A_1617 = arith.muli %add3A_1615, %mul3A_1616 : i32
        %add3A_1618 = arith.constant 0 : i32
        %add3A_1619 = arith.addi %mul3A_1617, %add3A_1618 : i32
        %get3A_1620 = arith.index_cast %add3A_1619 : i32 to index
        %get3A_1621 = tpu.vector_load %arg5[%get3A_1620] {strides = array<i32>} : memref<6400xi32, #tpu.memory_space<vmem>>, vector<16xi32>,
        %get3A_1622 = vector.shape_cast %get3A_1621 : vector<16xi32> to vector<16xi32>
        %dma_start3A_1623 = arith.constant 0 : i32
        %dma_start3A_1624 = arith.constant 0 : i32
        %dma_start3A_1625 = arith.constant 0 : i32
        %dma_start3A_1626 = arith.constant 0 : i32
        %dma_start3A_1627 = tpu.memref_slice %arg6[%dma_start3A_1623, %dma_start3A_1625, %dma_start3A_1626] : memref<2x800x64xf32, #tpu.memory_space<vmem>> -> memref<1x16x64xf32, #tpu.memory_space<vmem>>
        %dma_start3A_1628 = tpu.memref_squeeze %dma_start3A_1627 : memref<1x16x64xf32, #tpu.memory_space<vmem>> -> memref<16x64xf32, #tpu.memory_space<vmem>>
        %dma_start3A_1629 = arith.constant 0 : i32
        %dma_start3A_1630 = arith.constant 0 : i32
        %dma_start3A_1631 = tpu.memref_slice %arg3[%dma_start3A_1629, %dma_start3A_1630] : memref<1000000x64xf32, #tpu.memory_space<hbm>> -> memref<1000000x64xf32, #tpu.memory_space<hbm>>
        %dma_start3A_1632 = tpu.memref_slice %arg7[%dma_start3A_1624] : memref<2x!tpu.dma_semaphore, #tpu.memory_space<semaphore_mem>> -> memref<1x!tpu.dma_semaphore, #tpu.memory_space<semaphore_mem>>
        %dma_start3A_1633 = tpu.memref_squeeze %dma_start3A_1632 : memref<1x!tpu.dma_semaphore, #tpu.memory_space<semaphore_mem>> -> memref<!tpu.dma_semaphore, #tpu.memory_space<semaphore_mem>>
        tpu.enqueue_indirect_dma source(%dma_start3A_1631 : memref<1000000x64xf32, #tpu.memory_space<hbm>>) target(%dma_start3A_1628 : memref<16x64xf32, #tpu.memory_space<vmem>>) offsets(%get3A_1622 : vector<16xi32>) semaphore(%dma_start3A_1633 : memref<!tpu.dma_semaphore, #tpu.memory_space<semaphore_mem>>)
        %mul3A_1634 = arith.constant 800 : i32
        %mul3A_1635 = arith.muli %add3A_1615, %mul3A_1634 : i32
        %add3A_1636 = arith.constant 16 : i32
        %add3A_1637 = arith.addi %mul3A_1635, %add3A_1636 : i32
        %get3A_1638 = arith.index_cast %add3A_1637 : i32 to index
        %get3A_1639 = tpu.vector_load %arg5[%get3A_1638] {strides = array<i32>} : memref<6400xi32, #tpu.memory_space<vmem>>, vector<16xi32>,
        %get3A_1640 = vector.shape_cast %get3A_1639 : vector<16xi32> to vector<16xi32>
        %dma_start3A_1641 = arith.constant 0 : i32
        %dma_start3A_1642 = arith.constant 0 : i32
        %dma_start3A_1643 = arith.constant 16 : i32
        %dma_start3A_1644 = arith.constant 0 : i32
        %dma_start3A_1645 = tpu.memref_slice %arg6[%dma_start3A_1641, %dma_start3A_1643, %dma_start3A_1644] : memref<2x800x64xf32, #tpu.memory_space<vmem>> -> memref<1x16x64xf32, #tpu.memory_space<vmem>>
        %dma_start3A_1646 = tpu.memref_squeeze %dma_start3A_1645 : memref<1x16x64xf32, #tpu.memory_space<vmem>> -> memref<16x64xf32, #tpu.memory_space<vmem>>
        %dma_start3A_1647 = arith.constant 0 : i32
        %dma_start3A_1648 = arith.constant 0 : i32
        %dma_start3A_1649 = tpu.memref_slice %arg3[%dma_start3A_1647, %dma_start3A_1648] : memref<1000000x64xf32, #tpu.memory_space<hbm>> -> memref<1000000x64xf32, #tpu.memory_space<hbm>>
        %dma_start3A_1650 = tpu.memref_slice %arg7[%dma_start3A_1642] : memref<2x!tpu.dma_semaphore, #tpu.memory_space<semaphore_mem>> -> memref<1x!tpu.dma_semaphore, #tpu.memory_space<semaphore_mem>>
        %dma_start3A_1651 = tpu.memref_squeeze %dma_start3A_1650 : memref<1x!tpu.dma_semaphore, #tpu.memory_space<semaphore_mem>> -> memref<!tpu.dma_semaphore, #tpu.memory_space<semaphore_mem>>
        tpu.enqueue_indirect_dma source(%dma_start3A_1649 : memref<1000000x64xf32, #tpu.memory_space<hbm>>) target(%dma_start3A_1646 : memref<16x64xf32, #tpu.memory_space<vmem>>) offsets(%get3A_1640 : vector<16xi32>) semaphore(%dma_start3A_1651 : memref<!tpu.dma_semaphore, #tpu.memory_space<semaphore_mem>>)
        %mul3A_1652 = arith.constant 800 : i32
        %mul3A_1653 = arith.muli %add3A_1615, %mul3A_1652 : i32
        %add3A_1654 = arith.constant 32 : i32
        %add3A_1655 = arith.addi %mul3A_1653, %add3A_1654 : i32
        %get3A_1656 = arith.index_cast %add3A_1655 : i32 to index
        %get3A_1657 = tpu.vector_load %arg5[%get3A_1656] {strides = array<i32>} : memref<6400xi32, #tpu.memory_space<vmem>>, vector<16xi32>,
        %get3A_1658 = vector.shape_cast %get3A_1657 : vector<16xi32> to vector<16xi32>
        %dma_start3A_1659 = arith.constant 0 : i32
        %dma_start3A_1660 = arith.constant 0 : i32
        %dma_start3A_1661 = arith.constant 32 : i32
        %dma_start3A_1662 = arith.constant 0 : i32
        %dma_start3A_1663 = tpu.memref_slice %arg6[%dma_start3A_1659, %dma_start3A_1661, %dma_start3A_1662] : memref<2x800x64xf32, #tpu.memory_space<vmem>> -> memref<1x16x64xf32, #tpu.memory_space<vmem>>
        %dma_start3A_1664 = tpu.memref_squeeze %dma_start3A_1663 : memref<1x16x64xf32, #tpu.memory_space<vmem>> -> memref<16x64xf32, #tpu.memory_space<vmem>>
        %dma_start3A_1665 = arith.constant 0 : i32
        %dma_start3A_1666 = arith.constant 0 : i32
        %dma_start3A_1667 = tpu.memref_slice %arg3[%dma_start3A_1665, %dma_start3A_1666] : memref<1000000x64xf32, #tpu.memory_space<hbm>> -> memref<1000000x64xf32, #tpu.memory_space<hbm>>
        %dma_start3A_1668 = tpu.memref_slice %arg7[%dma_start3A_1660] : memref<2x!tpu.dma_semaphore, #tpu.memory_space<semaphore_mem>> -> memref<1x!tpu.dma_semaphore, #tpu.memory_space<semaphore_mem>>
        %dma_start3A_1669 = tpu.memref_squeeze %dma_start3A_1668 : memref<1x!tpu.dma_semaphore, #tpu.memory_space<semaphore_mem>> -> memref<!tpu.dma_semaphore, #tpu.memory_space<semaphore_mem>>
        tpu.enqueue_indirect_dma source(%dma_start3A_1667 : memref<1000000x64xf32, #tpu.memory_space<hbm>>) target(%dma_start3A_1664 : memref<16x64xf32, #tpu.memory_space<vmem>>) offsets(%get3A_1658 : vector<16xi32>) semaphore(%dma_start3A_1669 : memref<!tpu.dma_semaphore, #tpu.memory_space<semaphore_mem>>)
        %mul3A_1670 = arith.constant 800 : i32
        %mul3A_1671 = arith.muli %add3A_1615, %mul3A_1670 : i32
        %add3A_1672 = arith.constant 48 : i32
        %add3A_1673 = arith.addi %mul3A_1671, %add3A_1672 : i32
        %get3A_1674 = arith.index_cast %add3A_1673 : i32 to index
        %get3A_1675 = tpu.vector_load %arg5[%get3A_1674] {strides = array<i32>} : memref<6400xi32, #tpu.memory_space<vmem>>, vector<16xi32>,
        %get3A_1676 = vector.shape_cast %get3A_1675 : vector<16xi32> to vector<16xi32>
        %dma_start3A_1677 = arith.constant 0 : i32
        %dma_start3A_1678 = arith.constant 0 : i32
        %dma_start3A_1679 = arith.constant 48 : i32
        %dma_start3A_1680 = arith.constant 0 : i32
        %dma_start3A_1681 = tpu.memref_slice %arg6[%dma_start3A_1677, %dma_start3A_1679, %dma_start3A_1680] : memref<2x800x64xf32, #tpu.memory_space<vmem>> -> memref<1x16x64xf32, #tpu.memory_space<vmem>>
        %dma_start3A_1682 = tpu.memref_squeeze %dma_start3A_1681 : memref<1x16x64xf32, #tpu.memory_space<vmem>> -> memref<16x64xf32, #tpu.memory_space<vmem>>
        %dma_start3A_1683 = arith.constant 0 : i32
        %dma_start3A_1684 = arith.constant 0 : i32
        %dma_start3A_1685 = tpu.memref_slice %arg3[%dma_start3A_1683, %dma_start3A_1684] : memref<1000000x64xf32, #tpu.memory_space<hbm>> -> memref<1000000x64xf32, #tpu.memory_space<hbm>>
        %dma_start3A_1686 = tpu.memref_slice %arg7[%dma_start3A_1678] : memref<2x!tpu.dma_semaphore, #tpu.memory_space<semaphore_mem>> -> memref<1x!tpu.dma_semaphore, #tpu.memory_space<semaphore_mem>>
        %dma_start3A_1687 = tpu.memref_squeeze %dma_start3A_1686 : memref<1x!tpu.dma_semaphore, #tpu.memory_space<semaphore_mem>> -> memref<!tpu.dma_semaphore, #tpu.memory_space<semaphore_mem>>
        tpu.enqueue_indirect_dma source(%dma_start3A_1685 : memref<1000000x64xf32, #tpu.memory_space<hbm>>) target(%dma_start3A_1682 : memref<16x64xf32, #tpu.memory_space<vmem>>) offsets(%get3A_1676 : vector<16xi32>) semaphore(%dma_start3A_1687 : memref<!tpu.dma_semaphore, #tpu.memory_space<semaphore_mem>>)
        %mul3A_1688 = arith.constant 800 : i32
        %mul3A_1689 = arith.muli %add3A_1615, %mul3A_1688 : i32
        %add3A_1690 = arith.constant 64 : i32
        %add3A_1691 = arith.addi %mul3A_1689, %add3A_1690 : i32
        %get3A_1692 = arith.index_cast %add3A_1691 : i32 to index
        %get3A_1693 = tpu.vector_load %arg5[%get3A_1692] {strides = array<i32>} : memref<6400xi32, #tpu.memory_space<vmem>>, vector<16xi32>,
        %get3A_1694 = vector.shape_cast %get3A_1693 : vector<16xi32> to vector<16xi32>
        %dma_start3A_1695 = arith.constant 0 : i32
        %dma_start3A_1696 = arith.constant 0 : i32
        %dma_start3A_1697 = arith.constant 64 : i32
        %dma_start3A_1698 = arith.constant 0 : i32
        %dma_start3A_1699 = tpu.memref_slice %arg6[%dma_start3A_1695, %dma_start3A_1697, %dma_start3A_1698] : memref<2x800x64xf32, #tpu.memory_space<vmem>> -> memref<1x16x64xf32, #tpu.memory_space<vmem>>
        %dma_start3A_1700 = tpu.memref_squeeze %dma_start3A_1699 : memref<1x16x64xf32, #tpu.memory_space<vmem>> -> memref<16x64xf32, #tpu.memory_space<vmem>>
        %dma_start3A_1701 = arith.constant 0 : i32
        %dma_start3A_1702 = arith.constant 0 : i32
        %dma_start3A_1703 = tpu.memref_slice %arg3[%dma_start3A_1701, %dma_start3A_1702] : memref<1000000x64xf32, #tpu.memory_space<hbm>> -> memref<1000000x64xf32, #tpu.memory_space<hbm>>
        %dma_start3A_1704 = tpu.memref_slice %arg7[%dma_start3A_1696] : memref<2x!tpu.dma_semaphore, #tpu.memory_space<semaphore_mem>> -> memref<1x!tpu.dma_semaphore, #tpu.memory_space<semaphore_mem>>
        %dma_start3A_1705 = tpu.memref_squeeze %dma_start3A_1704 : memref<1x!tpu.dma_semaphore, #tpu.memory_space<semaphore_mem>> -> memref<!tpu.dma_semaphore, #tpu.memory_space<semaphore_mem>>
        tpu.enqueue_indirect_dma source(%dma_start3A_1703 : memref<1000000x64xf32, #tpu.memory_space<hbm>>) target(%dma_start3A_1700 : memref<16x64xf32, #tpu.memory_space<vmem>>) offsets(%get3A_1694 : vector<16xi32>) semaphore(%dma_start3A_1705 : memref<!tpu.dma_semaphore, #tpu.memory_space<semaphore_mem>>)
        %mul3A_1706 = arith.constant 800 : i32
        %mul3A_1707 = arith.muli %add3A_1615, %mul3A_1706 : i32
        %add3A_1708 = arith.constant 80 : i32
        %add3A_1709 = arith.addi %mul3A_1707, %add3A_1708 : i32
        %get3A_1710 = arith.index_cast %add3A_1709 : i32 to index
        %get3A_1711 = tpu.vector_load %arg5[%get3A_1710] {strides = array<i32>} : memref<6400xi32, #tpu.memory_space<vmem>>, vector<16xi32>,
        %get3A_1712 = vector.shape_cast %get3A_1711 : vector<16xi32> to vector<16xi32>
        %dma_start3A_1713 = arith.constant 0 : i32
        %dma_start3A_1714 = arith.constant 0 : i32
        %dma_start3A_1715 = arith.constant 80 : i32
        %dma_start3A_1716 = arith.constant 0 : i32
        %dma_start3A_1717 = tpu.memref_slice %arg6[%dma_start3A_1713, %dma_start3A_1715, %dma_start3A_1716] : memref<2x800x64xf32, #tpu.memory_space<vmem>> -> memref<1x16x64xf32, #tpu.memory_space<vmem>>
        %dma_start3A_1718 = tpu.memref_squeeze %dma_start3A_1717 : memref<1x16x64xf32, #tpu.memory_space<vmem>> -> memref<16x64xf32, #tpu.memory_space<vmem>>
        %dma_start3A_1719 = arith.constant 0 : i32
        %dma_start3A_1720 = arith.constant 0 : i32
        %dma_start3A_1721 = tpu.memref_slice %arg3[%dma_start3A_1719, %dma_start3A_1720] : memref<1000000x64xf32, #tpu.memory_space<hbm>> -> memref<1000000x64xf32, #tpu.memory_space<hbm>>
        %dma_start3A_1722 = tpu.memref_slice %arg7[%dma_start3A_1714] : memref<2x!tpu.dma_semaphore, #tpu.memory_space<semaphore_mem>> -> memref<1x!tpu.dma_semaphore, #tpu.memory_space<semaphore_mem>>
        %dma_start3A_1723 = tpu.memref_squeeze %dma_start3A_1722 : memref<1x!tpu.dma_semaphore, #tpu.memory_space<semaphore_mem>> -> memref<!tpu.dma_semaphore, #tpu.memory_space<semaphore_mem>>
        tpu.enqueue_indirect_dma source(%dma_start3A_1721 : memref<1000000x64xf32, #tpu.memory_space<hbm>>) target(%dma_start3A_1718 : memref<16x64xf32, #tpu.memory_space<vmem>>) offsets(%get3A_1712 : vector<16xi32>) semaphore(%dma_start3A_1723 : memref<!tpu.dma_semaphore, #tpu.memory_space<semaphore_mem>>)
        %mul3A_1724 = arith.constant 800 : i32
        %mul3A_1725 = arith.muli %add3A_1615, %mul3A_1724 : i32
        %add3A_1726 = arith.constant 96 : i32
        %add3A_1727 = arith.addi %mul3A_1725, %add3A_1726 : i32
        %get3A_1728 = arith.index_cast %add3A_1727 : i32 to index
        %get3A_1729 = tpu.vector_load %arg5[%get3A_1728] {strides = array<i32>} : memref<6400xi32, #tpu.memory_space<vmem>>, vector<16xi32>,
        %get3A_1730 = vector.shape_cast %get3A_1729 : vector<16xi32> to vector<16xi32>
        %dma_start3A_1731 = arith.constant 0 : i32
        %dma_start3A_1732 = arith.constant 0 : i32
        %dma_start3A_1733 = arith.constant 96 : i32
        %dma_start3A_1734 = arith.constant 0 : i32
        %dma_start3A_1735 = tpu.memref_slice %arg6[%dma_start3A_1731, %dma_start3A_1733, %dma_start3A_1734] : memref<2x800x64xf32, #tpu.memory_space<vmem>> -> memref<1x16x64xf32, #tpu.memory_space<vmem>>
        %dma_start3A_1736 = tpu.memref_squeeze %dma_start3A_1735 : memref<1x16x64xf32, #tpu.memory_space<vmem>> -> memref<16x64xf32, #tpu.memory_space<vmem>>
        %dma_start3A_1737 = arith.constant 0 : i32
        %dma_start3A_1738 = arith.constant 0 : i32
        %dma_start3A_1739 = tpu.memref_slice %arg3[%dma_start3A_1737, %dma_start3A_1738] : memref<1000000x64xf32, #tpu.memory_space<hbm>> -> memref<1000000x64xf32, #tpu.memory_space<hbm>>
        %dma_start3A_1740 = tpu.memref_slice %arg7[%dma_start3A_1732] : memref<2x!tpu.dma_semaphore, #tpu.memory_space<semaphore_mem>> -> memref<1x!tpu.dma_semaphore, #tpu.memory_space<semaphore_mem>>
        %dma_start3A_1741 = tpu.memref_squeeze %dma_start3A_1740 : memref<1x!tpu.dma_semaphore, #tpu.memory_space<semaphore_mem>> -> memref<!tpu.dma_semaphore, #tpu.memory_space<semaphore_mem>>
        tpu.enqueue_indirect_dma source(%dma_start3A_1739 : memref<1000000x64xf32, #tpu.memory_space<hbm>>) target(%dma_start3A_1736 : memref<16x64xf32, #tpu.memory_space<vmem>>) offsets(%get3A_1730 : vector<16xi32>) semaphore(%dma_start3A_1741 : memref<!tpu.dma_semaphore, #tpu.memory_space<semaphore_mem>>)
        %mul3A_1742 = arith.constant 800 : i32
        %mul3A_1743 = arith.muli %add3A_1615, %mul3A_1742 : i32
        %add3A_1744 = arith.constant 112 : i32
        %add3A_1745 = arith.addi %mul3A_1743, %add3A_1744 : i32
        %get3A_1746 = arith.index_cast %add3A_1745 : i32 to index
        %get3A_1747 = tpu.vector_load %arg5[%get3A_1746] {strides = array<i32>} : memref<6400xi32, #tpu.memory_space<vmem>>, vector<16xi32>,
        %get3A_1748 = vector.shape_cast %get3A_1747 : vector<16xi32> to vector<16xi32>
        %dma_start3A_1749 = arith.constant 0 : i32
        %dma_start3A_1750 = arith.constant 0 : i32
        %dma_start3A_1751 = arith.constant 112 : i32
        %dma_start3A_1752 = arith.constant 0 : i32
        %dma_start3A_1753 = tpu.memref_slice %arg6[%dma_start3A_1749, %dma_start3A_1751, %dma_start3A_1752] : memref<2x800x64xf32, #tpu.memory_space<vmem>> -> memref<1x16x64xf32, #tpu.memory_space<vmem>>
        %dma_start3A_1754 = tpu.memref_squeeze %dma_start3A_1753 : memref<1x16x64xf32, #tpu.memory_space<vmem>> -> memref<16x64xf32, #tpu.memory_space<vmem>>
        %dma_start3A_1755 = arith.constant 0 : i32
        %dma_start3A_1756 = arith.constant 0 : i32
        %dma_start3A_1757 = tpu.memref_slice %arg3[%dma_start3A_1755, %dma_start3A_1756] : memref<1000000x64xf32, #tpu.memory_space<hbm>> -> memref<1000000x64xf32, #tpu.memory_space<hbm>>
        %dma_start3A_1758 = tpu.memref_slice %arg7[%dma_start3A_1750] : memref<2x!tpu.dma_semaphore, #tpu.memory_space<semaphore_mem>> -> memref<1x!tpu.dma_semaphore, #tpu.memory_space<semaphore_mem>>
        %dma_start3A_1759 = tpu.memref_squeeze %dma_start3A_1758 : memref<1x!tpu.dma_semaphore, #tpu.memory_space<semaphore_mem>> -> memref<!tpu.dma_semaphore, #tpu.memory_space<semaphore_mem>>
        tpu.enqueue_indirect_dma source(%dma_start3A_1757 : memref<1000000x64xf32, #tpu.memory_space<hbm>>) target(%dma_start3A_1754 : memref<16x64xf32, #tpu.memory_space<vmem>>) offsets(%get3A_1748 : vector<16xi32>) semaphore(%dma_start3A_1759 : memref<!tpu.dma_semaphore, #tpu.memory_space<semaphore_mem>>)
        %mul3A_1760 = arith.constant 800 : i32
        %mul3A_1761 = arith.muli %add3A_1615, %mul3A_1760 : i32
        %add3A_1762 = arith.constant 128 : i32
        %add3A_1763 = arith.addi %mul3A_1761, %add3A_1762 : i32
        %get3A_1764 = arith.index_cast %add3A_1763 : i32 to index
        %get3A_1765 = tpu.vector_load %arg5[%get3A_1764] {strides = array<i32>} : memref<6400xi32, #tpu.memory_space<vmem>>, vector<16xi32>,
        %get3A_1766 = vector.shape_cast %get3A_1765 : vector<16xi32> to vector<16xi32>
        %dma_start3A_1767 = arith.constant 0 : i32
        %dma_start3A_1768 = arith.constant 0 : i32
        %dma_start3A_1769 = arith.constant 128 : i32
        %dma_start3A_1770 = arith.constant 0 : i32
        %dma_start3A_1771 = tpu.memref_slice %arg6[%dma_start3A_1767, %dma_start3A_1769, %dma_start3A_1770] : memref<2x800x64xf32, #tpu.memory_space<vmem>> -> memref<1x16x64xf32, #tpu.memory_space<vmem>>
        %dma_start3A_1772 = tpu.memref_squeeze %dma_start3A_1771 : memref<1x16x64xf32, #tpu.memory_space<vmem>> -> memref<16x64xf32, #tpu.memory_space<vmem>>
        %dma_start3A_1773 = arith.constant 0 : i32
        %dma_start3A_1774 = arith.constant 0 : i32
        %dma_start3A_1775 = tpu.memref_slice %arg3[%dma_start3A_1773, %dma_start3A_1774] : memref<1000000x64xf32, #tpu.memory_space<hbm>> -> memref<1000000x64xf32, #tpu.memory_space<hbm>>
        %dma_start3A_1776 = tpu.memref_slice %arg7[%dma_start3A_1768] : memref<2x!tpu.dma_semaphore, #tpu.memory_space<semaphore_mem>> -> memref<1x!tpu.dma_semaphore, #tpu.memory_space<semaphore_mem>>
        %dma_start3A_1777 = tpu.memref_squeeze %dma_start3A_1776 : memref<1x!tpu.dma_semaphore, #tpu.memory_space<semaphore_mem>> -> memref<!tpu.dma_semaphore, #tpu.memory_space<semaphore_mem>>
        tpu.enqueue_indirect_dma source(%dma_start3A_1775 : memref<1000000x64xf32, #tpu.memory_space<hbm>>) target(%dma_start3A_1772 : memref<16x64xf32, #tpu.memory_space<vmem>>) offsets(%get3A_1766 : vector<16xi32>) semaphore(%dma_start3A_1777 : memref<!tpu.dma_semaphore, #tpu.memory_space<semaphore_mem>>)
        %mul3A_1778 = arith.constant 800 : i32
        %mul3A_1779 = arith.muli %add3A_1615, %mul3A_1778 : i32
        %add3A_1780 = arith.constant 144 : i32
        %add3A_1781 = arith.addi %mul3A_1779, %add3A_1780 : i32
        %get3A_1782 = arith.index_cast %add3A_1781 : i32 to index
        %get3A_1783 = tpu.vector_load %arg5[%get3A_1782] {strides = array<i32>} : memref<6400xi32, #tpu.memory_space<vmem>>, vector<16xi32>,
        %get3A_1784 = vector.shape_cast %get3A_1783 : vector<16xi32> to vector<16xi32>
        %dma_start3A_1785 = arith.constant 0 : i32
        %dma_start3A_1786 = arith.constant 0 : i32
        %dma_start3A_1787 = arith.constant 144 : i32
        %dma_start3A_1788 = arith.constant 0 : i32
        %dma_start3A_1789 = tpu.memref_slice %arg6[%dma_start3A_1785, %dma_start3A_1787, %dma_start3A_1788] : memref<2x800x64xf32, #tpu.memory_space<vmem>> -> memref<1x16x64xf32, #tpu.memory_space<vmem>>
        %dma_start3A_1790 = tpu.memref_squeeze %dma_start3A_1789 : memref<1x16x64xf32, #tpu.memory_space<vmem>> -> memref<16x64xf32, #tpu.memory_space<vmem>>
        %dma_start3A_1791 = arith.constant 0 : i32
        %dma_start3A_1792 = arith.constant 0 : i32
        %dma_start3A_1793 = tpu.memref_slice %arg3[%dma_start3A_1791, %dma_start3A_1792] : memref<1000000x64xf32, #tpu.memory_space<hbm>> -> memref<1000000x64xf32, #tpu.memory_space<hbm>>
        %dma_start3A_1794 = tpu.memref_slice %arg7[%dma_start3A_1786] : memref<2x!tpu.dma_semaphore, #tpu.memory_space<semaphore_mem>> -> memref<1x!tpu.dma_semaphore, #tpu.memory_space<semaphore_mem>>
        %dma_start3A_1795 = tpu.memref_squeeze %dma_start3A_1794 : memref<1x!tpu.dma_semaphore, #tpu.memory_space<semaphore_mem>> -> memref<!tpu.dma_semaphore, #tpu.memory_space<semaphore_mem>>
        tpu.enqueue_indirect_dma source(%dma_start3A_1793 : memref<1000000x64xf32, #tpu.memory_space<hbm>>) target(%dma_start3A_1790 : memref<16x64xf32, #tpu.memory_space<vmem>>) offsets(%get3A_1784 : vector<16xi32>) semaphore(%dma_start3A_1795 : memref<!tpu.dma_semaphore, #tpu.memory_space<semaphore_mem>>)
        %mul3A_1796 = arith.constant 800 : i32
        %mul3A_1797 = arith.muli %add3A_1615, %mul3A_1796 : i32
        %add3A_1798 = arith.constant 160 : i32
        %add3A_1799 = arith.addi %mul3A_1797, %add3A_1798 : i32
        %get3A_1800 = arith.index_cast %add3A_1799 : i32 to index
        %get3A_1801 = tpu.vector_load %arg5[%get3A_1800] {strides = array<i32>} : memref<6400xi32, #tpu.memory_space<vmem>>, vector<16xi32>,
        %get3A_1802 = vector.shape_cast %get3A_1801 : vector<16xi32> to vector<16xi32>
        %dma_start3A_1803 = arith.constant 0 : i32
        %dma_start3A_1804 = arith.constant 0 : i32
        %dma_start3A_1805 = arith.constant 160 : i32
        %dma_start3A_1806 = arith.constant 0 : i32
        %dma_start3A_1807 = tpu.memref_slice %arg6[%dma_start3A_1803, %dma_start3A_1805, %dma_start3A_1806] : memref<2x800x64xf32, #tpu.memory_space<vmem>> -> memref<1x16x64xf32, #tpu.memory_space<vmem>>
        %dma_start3A_1808 = tpu.memref_squeeze %dma_start3A_1807 : memref<1x16x64xf32, #tpu.memory_space<vmem>> -> memref<16x64xf32, #tpu.memory_space<vmem>>
        %dma_start3A_1809 = arith.constant 0 : i32
        %dma_start3A_1810 = arith.constant 0 : i32
        %dma_start3A_1811 = tpu.memref_slice %arg3[%dma_start3A_1809, %dma_start3A_1810] : memref<1000000x64xf32, #tpu.memory_space<hbm>> -> memref<1000000x64xf32, #tpu.memory_space<hbm>>
        %dma_start3A_1812 = tpu.memref_slice %arg7[%dma_start3A_1804] : memref<2x!tpu.dma_semaphore, #tpu.memory_space<semaphore_mem>> -> memref<1x!tpu.dma_semaphore, #tpu.memory_space<semaphore_mem>>
        %dma_start3A_1813 = tpu.memref_squeeze %dma_start3A_1812 : memref<1x!tpu.dma_semaphore, #tpu.memory_space<semaphore_mem>> -> memref<!tpu.dma_semaphore, #tpu.memory_space<semaphore_mem>>
        tpu.enqueue_indirect_dma source(%dma_start3A_1811 : memref<1000000x64xf32, #tpu.memory_space<hbm>>) target(%dma_start3A_1808 : memref<16x64xf32, #tpu.memory_space<vmem>>) offsets(%get3A_1802 : vector<16xi32>) semaphore(%dma_start3A_1813 : memref<!tpu.dma_semaphore, #tpu.memory_space<semaphore_mem>>)
        %mul3A_1814 = arith.constant 800 : i32
        %mul3A_1815 = arith.muli %add3A_1615, %mul3A_1814 : i32
        %add3A_1816 = arith.constant 176 : i32
        %add3A_1817 = arith.addi %mul3A_1815, %add3A_1816 : i32
        %get3A_1818 = arith.index_cast %add3A_1817 : i32 to index
        %get3A_1819 = tpu.vector_load %arg5[%get3A_1818] {strides = array<i32>} : memref<6400xi32, #tpu.memory_space<vmem>>, vector<16xi32>,
        %get3A_1820 = vector.shape_cast %get3A_1819 : vector<16xi32> to vector<16xi32>
        %dma_start3A_1821 = arith.constant 0 : i32
        %dma_start3A_1822 = arith.constant 0 : i32
        %dma_start3A_1823 = arith.constant 176 : i32
        %dma_start3A_1824 = arith.constant 0 : i32
        %dma_start3A_1825 = tpu.memref_slice %arg6[%dma_start3A_1821, %dma_start3A_1823, %dma_start3A_1824] : memref<2x800x64xf32, #tpu.memory_space<vmem>> -> memref<1x16x64xf32, #tpu.memory_space<vmem>>
        %dma_start3A_1826 = tpu.memref_squeeze %dma_start3A_1825 : memref<1x16x64xf32, #tpu.memory_space<vmem>> -> memref<16x64xf32, #tpu.memory_space<vmem>>
        %dma_start3A_1827 = arith.constant 0 : i32
        %dma_start3A_1828 = arith.constant 0 : i32
        %dma_start3A_1829 = tpu.memref_slice %arg3[%dma_start3A_1827, %dma_start3A_1828] : memref<1000000x64xf32, #tpu.memory_space<hbm>> -> memref<1000000x64xf32, #tpu.memory_space<hbm>>
        %dma_start3A_1830 = tpu.memref_slice %arg7[%dma_start3A_1822] : memref<2x!tpu.dma_semaphore, #tpu.memory_space<semaphore_mem>> -> memref<1x!tpu.dma_semaphore, #tpu.memory_space<semaphore_mem>>
        %dma_start3A_1831 = tpu.memref_squeeze %dma_start3A_1830 : memref<1x!tpu.dma_semaphore, #tpu.memory_space<semaphore_mem>> -> memref<!tpu.dma_semaphore, #tpu.memory_space<semaphore_mem>>
        tpu.enqueue_indirect_dma source(%dma_start3A_1829 : memref<1000000x64xf32, #tpu.memory_space<hbm>>) target(%dma_start3A_1826 : memref<16x64xf32, #tpu.memory_space<vmem>>) offsets(%get3A_1820 : vector<16xi32>) semaphore(%dma_start3A_1831 : memref<!tpu.dma_semaphore, #tpu.memory_space<semaphore_mem>>)
        %mul3A_1832 = arith.constant 800 : i32
        %mul3A_1833 = arith.muli %add3A_1615, %mul3A_1832 : i32
        %add3A_1834 = arith.constant 192 : i32
        %add3A_1835 = arith.addi %mul3A_1833, %add3A_1834 : i32
        %get3A_1836 = arith.index_cast %add3A_1835 : i32 to index
        %get3A_1837 = tpu.vector_load %arg5[%get3A_1836] {strides = array<i32>} : memref<6400xi32, #tpu.memory_space<vmem>>, vector<16xi32>,
        %get3A_1838 = vector.shape_cast %get3A_1837 : vector<16xi32> to vector<16xi32>
        %dma_start3A_1839 = arith.constant 0 : i32
        %dma_start3A_1840 = arith.constant 0 : i32
        %dma_start3A_1841 = arith.constant 192 : i32
        %dma_start3A_1842 = arith.constant 0 : i32
        %dma_start3A_1843 = tpu.memref_slice %arg6[%dma_start3A_1839, %dma_start3A_1841, %dma_start3A_1842] : memref<2x800x64xf32, #tpu.memory_space<vmem>> -> memref<1x16x64xf32, #tpu.memory_space<vmem>>
        %dma_start3A_1844 = tpu.memref_squeeze %dma_start3A_1843 : memref<1x16x64xf32, #tpu.memory_space<vmem>> -> memref<16x64xf32, #tpu.memory_space<vmem>>
        %dma_start3A_1845 = arith.constant 0 : i32
        %dma_start3A_1846 = arith.constant 0 : i32
        %dma_start3A_1847 = tpu.memref_slice %arg3[%dma_start3A_1845, %dma_start3A_1846] : memref<1000000x64xf32, #tpu.memory_space<hbm>> -> memref<1000000x64xf32, #tpu.memory_space<hbm>>
        %dma_start3A_1848 = tpu.memref_slice %arg7[%dma_start3A_1840] : memref<2x!tpu.dma_semaphore, #tpu.memory_space<semaphore_mem>> -> memref<1x!tpu.dma_semaphore, #tpu.memory_space<semaphore_mem>>
        %dma_start3A_1849 = tpu.memref_squeeze %dma_start3A_1848 : memref<1x!tpu.dma_semaphore, #tpu.memory_space<semaphore_mem>> -> memref<!tpu.dma_semaphore, #tpu.memory_space<semaphore_mem>>
        tpu.enqueue_indirect_dma source(%dma_start3A_1847 : memref<1000000x64xf32, #tpu.memory_space<hbm>>) target(%dma_start3A_1844 : memref<16x64xf32, #tpu.memory_space<vmem>>) offsets(%get3A_1838 : vector<16xi32>) semaphore(%dma_start3A_1849 : memref<!tpu.dma_semaphore, #tpu.memory_space<semaphore_mem>>)
        %mul3A_1850 = arith.constant 800 : i32
        %mul3A_1851 = arith.muli %add3A_1615, %mul3A_1850 : i32
        %add3A_1852 = arith.constant 208 : i32
        %add3A_1853 = arith.addi %mul3A_1851, %add3A_1852 : i32
        %get3A_1854 = arith.index_cast %add3A_1853 : i32 to index
        %get3A_1855 = tpu.vector_load %arg5[%get3A_1854] {strides = array<i32>} : memref<6400xi32, #tpu.memory_space<vmem>>, vector<16xi32>,
        %get3A_1856 = vector.shape_cast %get3A_1855 : vector<16xi32> to vector<16xi32>
        %dma_start3A_1857 = arith.constant 0 : i32
        %dma_start3A_1858 = arith.constant 0 : i32
        %dma_start3A_1859 = arith.constant 208 : i32
        %dma_start3A_1860 = arith.constant 0 : i32
        %dma_start3A_1861 = tpu.memref_slice %arg6[%dma_start3A_1857, %dma_start3A_1859, %dma_start3A_1860] : memref<2x800x64xf32, #tpu.memory_space<vmem>> -> memref<1x16x64xf32, #tpu.memory_space<vmem>>
        %dma_start3A_1862 = tpu.memref_squeeze %dma_start3A_1861 : memref<1x16x64xf32, #tpu.memory_space<vmem>> -> memref<16x64xf32, #tpu.memory_space<vmem>>
        %dma_start3A_1863 = arith.constant 0 : i32
        %dma_start3A_1864 = arith.constant 0 : i32
        %dma_start3A_1865 = tpu.memref_slice %arg3[%dma_start3A_1863, %dma_start3A_1864] : memref<1000000x64xf32, #tpu.memory_space<hbm>> -> memref<1000000x64xf32, #tpu.memory_space<hbm>>
        %dma_start3A_1866 = tpu.memref_slice %arg7[%dma_start3A_1858] : memref<2x!tpu.dma_semaphore, #tpu.memory_space<semaphore_mem>> -> memref<1x!tpu.dma_semaphore, #tpu.memory_space<semaphore_mem>>
        %dma_start3A_1867 = tpu.memref_squeeze %dma_start3A_1866 : memref<1x!tpu.dma_semaphore, #tpu.memory_space<semaphore_mem>> -> memref<!tpu.dma_semaphore, #tpu.memory_space<semaphore_mem>>
        tpu.enqueue_indirect_dma source(%dma_start3A_1865 : memref<1000000x64xf32, #tpu.memory_space<hbm>>) target(%dma_start3A_1862 : memref<16x64xf32, #tpu.memory_space<vmem>>) offsets(%get3A_1856 : vector<16xi32>) semaphore(%dma_start3A_1867 : memref<!tpu.dma_semaphore, #tpu.memory_space<semaphore_mem>>)
        %mul3A_1868 = arith.constant 800 : i32
        %mul3A_1869 = arith.muli %add3A_1615, %mul3A_1868 : i32
        %add3A_1870 = arith.constant 224 : i32
        %add3A_1871 = arith.addi %mul3A_1869, %add3A_1870 : i32
        %get3A_1872 = arith.index_cast %add3A_1871 : i32 to index
        %get3A_1873 = tpu.vector_load %arg5[%get3A_1872] {strides = array<i32>} : memref<6400xi32, #tpu.memory_space<vmem>>, vector<16xi32>,
        %get3A_1874 = vector.shape_cast %get3A_1873 : vector<16xi32> to vector<16xi32>
        %dma_start3A_1875 = arith.constant 0 : i32
        %dma_start3A_1876 = arith.constant 0 : i32
        %dma_start3A_1877 = arith.constant 224 : i32
        %dma_start3A_1878 = arith.constant 0 : i32
        %dma_start3A_1879 = tpu.memref_slice %arg6[%dma_start3A_1875, %dma_start3A_1877, %dma_start3A_1878] : memref<2x800x64xf32, #tpu.memory_space<vmem>> -> memref<1x16x64xf32, #tpu.memory_space<vmem>>
        %dma_start3A_1880 = tpu.memref_squeeze %dma_start3A_1879 : memref<1x16x64xf32, #tpu.memory_space<vmem>> -> memref<16x64xf32, #tpu.memory_space<vmem>>
        %dma_start3A_1881 = arith.constant 0 : i32
        %dma_start3A_1882 = arith.constant 0 : i32
        %dma_start3A_1883 = tpu.memref_slice %arg3[%dma_start3A_1881, %dma_start3A_1882] : memref<1000000x64xf32, #tpu.memory_space<hbm>> -> memref<1000000x64xf32, #tpu.memory_space<hbm>>
        %dma_start3A_1884 = tpu.memref_slice %arg7[%dma_start3A_1876] : memref<2x!tpu.dma_semaphore, #tpu.memory_space<semaphore_mem>> -> memref<1x!tpu.dma_semaphore, #tpu.memory_space<semaphore_mem>>
        %dma_start3A_1885 = tpu.memref_squeeze %dma_start3A_1884 : memref<1x!tpu.dma_semaphore, #tpu.memory_space<semaphore_mem>> -> memref<!tpu.dma_semaphore, #tpu.memory_space<semaphore_mem>>
        tpu.enqueue_indirect_dma source(%dma_start3A_1883 : memref<1000000x64xf32, #tpu.memory_space<hbm>>) target(%dma_start3A_1880 : memref<16x64xf32, #tpu.memory_space<vmem>>) offsets(%get3A_1874 : vector<16xi32>) semaphore(%dma_start3A_1885 : memref<!tpu.dma_semaphore, #tpu.memory_space<semaphore_mem>>)
        %mul3A_1886 = arith.constant 800 : i32
        %mul3A_1887 = arith.muli %add3A_1615, %mul3A_1886 : i32
        %add3A_1888 = arith.constant 240 : i32
        %add3A_1889 = arith.addi %mul3A_1887, %add3A_1888 : i32
        %get3A_1890 = arith.index_cast %add3A_1889 : i32 to index
        %get3A_1891 = tpu.vector_load %arg5[%get3A_1890] {strides = array<i32>} : memref<6400xi32, #tpu.memory_space<vmem>>, vector<16xi32>,
        %get3A_1892 = vector.shape_cast %get3A_1891 : vector<16xi32> to vector<16xi32>
        %dma_start3A_1893 = arith.constant 0 : i32
        %dma_start3A_1894 = arith.constant 0 : i32
        %dma_start3A_1895 = arith.constant 240 : i32
        %dma_start3A_1896 = arith.constant 0 : i32
        %dma_start3A_1897 = tpu.memref_slice %arg6[%dma_start3A_1893, %dma_start3A_1895, %dma_start3A_1896] : memref<2x800x64xf32, #tpu.memory_space<vmem>> -> memref<1x16x64xf32, #tpu.memory_space<vmem>>
        %dma_start3A_1898 = tpu.memref_squeeze %dma_start3A_1897 : memref<1x16x64xf32, #tpu.memory_space<vmem>> -> memref<16x64xf32, #tpu.memory_space<vmem>>
        %dma_start3A_1899 = arith.constant 0 : i32
        %dma_start3A_1900 = arith.constant 0 : i32
        %dma_start3A_1901 = tpu.memref_slice %arg3[%dma_start3A_1899, %dma_start3A_1900] : memref<1000000x64xf32, #tpu.memory_space<hbm>> -> memref<1000000x64xf32, #tpu.memory_space<hbm>>
        %dma_start3A_1902 = tpu.memref_slice %arg7[%dma_start3A_1894] : memref<2x!tpu.dma_semaphore, #tpu.memory_space<semaphore_mem>> -> memref<1x!tpu.dma_semaphore, #tpu.memory_space<semaphore_mem>>
        %dma_start3A_1903 = tpu.memref_squeeze %dma_start3A_1902 : memref<1x!tpu.dma_semaphore, #tpu.memory_space<semaphore_mem>> -> memref<!tpu.dma_semaphore, #tpu.memory_space<semaphore_mem>>
        tpu.enqueue_indirect_dma source(%dma_start3A_1901 : memref<1000000x64xf32, #tpu.memory_space<hbm>>) target(%dma_start3A_1898 : memref<16x64xf32, #tpu.memory_space<vmem>>) offsets(%get3A_1892 : vector<16xi32>) semaphore(%dma_start3A_1903 : memref<!tpu.dma_semaphore, #tpu.memory_space<semaphore_mem>>)
        %mul3A_1904 = arith.constant 800 : i32
        %mul3A_1905 = arith.muli %add3A_1615, %mul3A_1904 : i32
        %add3A_1906 = arith.constant 256 : i32
        %add3A_1907 = arith.addi %mul3A_1905, %add3A_1906 : i32
        %get3A_1908 = arith.index_cast %add3A_1907 : i32 to index
        %get3A_1909 = tpu.vector_load %arg5[%get3A_1908] {strides = array<i32>} : memref<6400xi32, #tpu.memory_space<vmem>>, vector<16xi32>,
        %get3A_1910 = vector.shape_cast %get3A_1909 : vector<16xi32> to vector<16xi32>
        %dma_start3A_1911 = arith.constant 0 : i32
        %dma_start3A_1912 = arith.constant 0 : i32
        %dma_start3A_1913 = arith.constant 256 : i32
        %dma_start3A_1914 = arith.constant 0 : i32
        %dma_start3A_1915 = tpu.memref_slice %arg6[%dma_start3A_1911, %dma_start3A_1913, %dma_start3A_1914] : memref<2x800x64xf32, #tpu.memory_space<vmem>> -> memref<1x16x64xf32, #tpu.memory_space<vmem>>
        %dma_start3A_1916 = tpu.memref_squeeze %dma_start3A_1915 : memref<1x16x64xf32, #tpu.memory_space<vmem>> -> memref<16x64xf32, #tpu.memory_space<vmem>>
        %dma_start3A_1917 = arith.constant 0 : i32
        %dma_start3A_1918 = arith.constant 0 : i32
        %dma_start3A_1919 = tpu.memref_slice %arg3[%dma_start3A_1917, %dma_start3A_1918] : memref<1000000x64xf32, #tpu.memory_space<hbm>> -> memref<1000000x64xf32, #tpu.memory_space<hbm>>
        %dma_start3A_1920 = tpu.memref_slice %arg7[%dma_start3A_1912] : memref<2x!tpu.dma_semaphore, #tpu.memory_space<semaphore_mem>> -> memref<1x!tpu.dma_semaphore, #tpu.memory_space<semaphore_mem>>
        %dma_start3A_1921 = tpu.memref_squeeze %dma_start3A_1920 : memref<1x!tpu.dma_semaphore, #tpu.memory_space<semaphore_mem>> -> memref<!tpu.dma_semaphore, #tpu.memory_space<semaphore_mem>>
        tpu.enqueue_indirect_dma source(%dma_start3A_1919 : memref<1000000x64xf32, #tpu.memory_space<hbm>>) target(%dma_start3A_1916 : memref<16x64xf32, #tpu.memory_space<vmem>>) offsets(%get3A_1910 : vector<16xi32>) semaphore(%dma_start3A_1921 : memref<!tpu.dma_semaphore, #tpu.memory_space<semaphore_mem>>)
        %mul3A_1922 = arith.constant 800 : i32
        %mul3A_1923 = arith.muli %add3A_1615, %mul3A_1922 : i32
        %add3A_1924 = arith.constant 272 : i32
        %add3A_1925 = arith.addi %mul3A_1923, %add3A_1924 : i32
        %get3A_1926 = arith.index_cast %add3A_1925 : i32 to index
        %get3A_1927 = tpu.vector_load %arg5[%get3A_1926] {strides = array<i32>} : memref<6400xi32, #tpu.memory_space<vmem>>, vector<16xi32>,
        %get3A_1928 = vector.shape_cast %get3A_1927 : vector<16xi32> to vector<16xi32>
        %dma_start3A_1929 = arith.constant 0 : i32
        %dma_start3A_1930 = arith.constant 0 : i32
        %dma_start3A_1931 = arith.constant 272 : i32
        %dma_start3A_1932 = arith.constant 0 : i32
        %dma_start3A_1933 = tpu.memref_slice %arg6[%dma_start3A_1929, %dma_start3A_1931, %dma_start3A_1932] : memref<2x800x64xf32, #tpu.memory_space<vmem>> -> memref<1x16x64xf32, #tpu.memory_space<vmem>>
        %dma_start3A_1934 = tpu.memref_squeeze %dma_start3A_1933 : memref<1x16x64xf32, #tpu.memory_space<vmem>> -> memref<16x64xf32, #tpu.memory_space<vmem>>
        %dma_start3A_1935 = arith.constant 0 : i32
        %dma_start3A_1936 = arith.constant 0 : i32
        %dma_start3A_1937 = tpu.memref_slice %arg3[%dma_start3A_1935, %dma_start3A_1936] : memref<1000000x64xf32, #tpu.memory_space<hbm>> -> memref<1000000x64xf32, #tpu.memory_space<hbm>>
        %dma_start3A_1938 = tpu.memref_slice %arg7[%dma_start3A_1930] : memref<2x!tpu.dma_semaphore, #tpu.memory_space<semaphore_mem>> -> memref<1x!tpu.dma_semaphore, #tpu.memory_space<semaphore_mem>>
        %dma_start3A_1939 = tpu.memref_squeeze %dma_start3A_1938 : memref<1x!tpu.dma_semaphore, #tpu.memory_space<semaphore_mem>> -> memref<!tpu.dma_semaphore, #tpu.memory_space<semaphore_mem>>
        tpu.enqueue_indirect_dma source(%dma_start3A_1937 : memref<1000000x64xf32, #tpu.memory_space<hbm>>) target(%dma_start3A_1934 : memref<16x64xf32, #tpu.memory_space<vmem>>) offsets(%get3A_1928 : vector<16xi32>) semaphore(%dma_start3A_1939 : memref<!tpu.dma_semaphore, #tpu.memory_space<semaphore_mem>>)
        %mul3A_1940 = arith.constant 800 : i32
        %mul3A_1941 = arith.muli %add3A_1615, %mul3A_1940 : i32
        %add3A_1942 = arith.constant 288 : i32
        %add3A_1943 = arith.addi %mul3A_1941, %add3A_1942 : i32
        %get3A_1944 = arith.index_cast %add3A_1943 : i32 to index
        %get3A_1945 = tpu.vector_load %arg5[%get3A_1944] {strides = array<i32>} : memref<6400xi32, #tpu.memory_space<vmem>>, vector<16xi32>,
        %get3A_1946 = vector.shape_cast %get3A_1945 : vector<16xi32> to vector<16xi32>
        %dma_start3A_1947 = arith.constant 0 : i32
        %dma_start3A_1948 = arith.constant 0 : i32
        %dma_start3A_1949 = arith.constant 288 : i32
        %dma_start3A_1950 = arith.constant 0 : i32
        %dma_start3A_1951 = tpu.memref_slice %arg6[%dma_start3A_1947, %dma_start3A_1949, %dma_start3A_1950] : memref<2x800x64xf32, #tpu.memory_space<vmem>> -> memref<1x16x64xf32, #tpu.memory_space<vmem>>
        %dma_start3A_1952 = tpu.memref_squeeze %dma_start3A_1951 : memref<1x16x64xf32, #tpu.memory_space<vmem>> -> memref<16x64xf32, #tpu.memory_space<vmem>>
        %dma_start3A_1953 = arith.constant 0 : i32
        %dma_start3A_1954 = arith.constant 0 : i32
        %dma_start3A_1955 = tpu.memref_slice %arg3[%dma_start3A_1953, %dma_start3A_1954] : memref<1000000x64xf32, #tpu.memory_space<hbm>> -> memref<1000000x64xf32, #tpu.memory_space<hbm>>
        %dma_start3A_1956 = tpu.memref_slice %arg7[%dma_start3A_1948] : memref<2x!tpu.dma_semaphore, #tpu.memory_space<semaphore_mem>> -> memref<1x!tpu.dma_semaphore, #tpu.memory_space<semaphore_mem>>
        %dma_start3A_1957 = tpu.memref_squeeze %dma_start3A_1956 : memref<1x!tpu.dma_semaphore, #tpu.memory_space<semaphore_mem>> -> memref<!tpu.dma_semaphore, #tpu.memory_space<semaphore_mem>>
        tpu.enqueue_indirect_dma source(%dma_start3A_1955 : memref<1000000x64xf32, #tpu.memory_space<hbm>>) target(%dma_start3A_1952 : memref<16x64xf32, #tpu.memory_space<vmem>>) offsets(%get3A_1946 : vector<16xi32>) semaphore(%dma_start3A_1957 : memref<!tpu.dma_semaphore, #tpu.memory_space<semaphore_mem>>)
        %mul3A_1958 = arith.constant 800 : i32
        %mul3A_1959 = arith.muli %add3A_1615, %mul3A_1958 : i32
        %add3A_1960 = arith.constant 304 : i32
        %add3A_1961 = arith.addi %mul3A_1959, %add3A_1960 : i32
        %get3A_1962 = arith.index_cast %add3A_1961 : i32 to index
        %get3A_1963 = tpu.vector_load %arg5[%get3A_1962] {strides = array<i32>} : memref<6400xi32, #tpu.memory_space<vmem>>, vector<16xi32>,
        %get3A_1964 = vector.shape_cast %get3A_1963 : vector<16xi32> to vector<16xi32>
        %dma_start3A_1965 = arith.constant 0 : i32
        %dma_start3A_1966 = arith.constant 0 : i32
        %dma_start3A_1967 = arith.constant 304 : i32
        %dma_start3A_1968 = arith.constant 0 : i32
        %dma_start3A_1969 = tpu.memref_slice %arg6[%dma_start3A_1965, %dma_start3A_1967, %dma_start3A_1968] : memref<2x800x64xf32, #tpu.memory_space<vmem>> -> memref<1x16x64xf32, #tpu.memory_space<vmem>>
        %dma_start3A_1970 = tpu.memref_squeeze %dma_start3A_1969 : memref<1x16x64xf32, #tpu.memory_space<vmem>> -> memref<16x64xf32, #tpu.memory_space<vmem>>
        %dma_start3A_1971 = arith.constant 0 : i32
        %dma_start3A_1972 = arith.constant 0 : i32
        %dma_start3A_1973 = tpu.memref_slice %arg3[%dma_start3A_1971, %dma_start3A_1972] : memref<1000000x64xf32, #tpu.memory_space<hbm>> -> memref<1000000x64xf32, #tpu.memory_space<hbm>>
        %dma_start3A_1974 = tpu.memref_slice %arg7[%dma_start3A_1966] : memref<2x!tpu.dma_semaphore, #tpu.memory_space<semaphore_mem>> -> memref<1x!tpu.dma_semaphore, #tpu.memory_space<semaphore_mem>>
        %dma_start3A_1975 = tpu.memref_squeeze %dma_start3A_1974 : memref<1x!tpu.dma_semaphore, #tpu.memory_space<semaphore_mem>> -> memref<!tpu.dma_semaphore, #tpu.memory_space<semaphore_mem>>
        tpu.enqueue_indirect_dma source(%dma_start3A_1973 : memref<1000000x64xf32, #tpu.memory_space<hbm>>) target(%dma_start3A_1970 : memref<16x64xf32, #tpu.memory_space<vmem>>) offsets(%get3A_1964 : vector<16xi32>) semaphore(%dma_start3A_1975 : memref<!tpu.dma_semaphore, #tpu.memory_space<semaphore_mem>>)
        %mul3A_1976 = arith.constant 800 : i32
        %mul3A_1977 = arith.muli %add3A_1615, %mul3A_1976 : i32
        %add3A_1978 = arith.constant 320 : i32
        %add3A_1979 = arith.addi %mul3A_1977, %add3A_1978 : i32
        %get3A_1980 = arith.index_cast %add3A_1979 : i32 to index
        %get3A_1981 = tpu.vector_load %arg5[%get3A_1980] {strides = array<i32>} : memref<6400xi32, #tpu.memory_space<vmem>>, vector<16xi32>,
        %get3A_1982 = vector.shape_cast %get3A_1981 : vector<16xi32> to vector<16xi32>
        %dma_start3A_1983 = arith.constant 0 : i32
        %dma_start3A_1984 = arith.constant 0 : i32
        %dma_start3A_1985 = arith.constant 320 : i32
        %dma_start3A_1986 = arith.constant 0 : i32
        %dma_start3A_1987 = tpu.memref_slice %arg6[%dma_start3A_1983, %dma_start3A_1985, %dma_start3A_1986] : memref<2x800x64xf32, #tpu.memory_space<vmem>> -> memref<1x16x64xf32, #tpu.memory_space<vmem>>
        %dma_start3A_1988 = tpu.memref_squeeze %dma_start3A_1987 : memref<1x16x64xf32, #tpu.memory_space<vmem>> -> memref<16x64xf32, #tpu.memory_space<vmem>>
        %dma_start3A_1989 = arith.constant 0 : i32
        %dma_start3A_1990 = arith.constant 0 : i32
        %dma_start3A_1991 = tpu.memref_slice %arg3[%dma_start3A_1989, %dma_start3A_1990] : memref<1000000x64xf32, #tpu.memory_space<hbm>> -> memref<1000000x64xf32, #tpu.memory_space<hbm>>
        %dma_start3A_1992 = tpu.memref_slice %arg7[%dma_start3A_1984] : memref<2x!tpu.dma_semaphore, #tpu.memory_space<semaphore_mem>> -> memref<1x!tpu.dma_semaphore, #tpu.memory_space<semaphore_mem>>
        %dma_start3A_1993 = tpu.memref_squeeze %dma_start3A_1992 : memref<1x!tpu.dma_semaphore, #tpu.memory_space<semaphore_mem>> -> memref<!tpu.dma_semaphore, #tpu.memory_space<semaphore_mem>>
        tpu.enqueue_indirect_dma source(%dma_start3A_1991 : memref<1000000x64xf32, #tpu.memory_space<hbm>>) target(%dma_start3A_1988 : memref<16x64xf32, #tpu.memory_space<vmem>>) offsets(%get3A_1982 : vector<16xi32>) semaphore(%dma_start3A_1993 : memref<!tpu.dma_semaphore, #tpu.memory_space<semaphore_mem>>)
        %mul3A_1994 = arith.constant 800 : i32
        %mul3A_1995 = arith.muli %add3A_1615, %mul3A_1994 : i32
        %add3A_1996 = arith.constant 336 : i32
        %add3A_1997 = arith.addi %mul3A_1995, %add3A_1996 : i32
        %get3A_1998 = arith.index_cast %add3A_1997 : i32 to index
        %get3A_1999 = tpu.vector_load %arg5[%get3A_1998] {strides = array<i32>} : memref<6400xi32, #tpu.memory_space<vmem>>, vector<16xi32>,
        %get3A_2000 = vector.shape_cast %get3A_1999 : vector<16xi32> to vector<16xi32>
        %dma_start3A_2001 = arith.constant 0 : i32
        %dma_start3A_2002 = arith.constant 0 : i32
        %dma_start3A_2003 = arith.constant 336 : i32
        %dma_start3A_2004 = arith.constant 0 : i32
        %dma_start3A_2005 = tpu.memref_slice %arg6[%dma_start3A_2001, %dma_start3A_2003, %dma_start3A_2004] : memref<2x800x64xf32, #tpu.memory_space<vmem>> -> memref<1x16x64xf32, #tpu.memory_space<vmem>>
        %dma_start3A_2006 = tpu.memref_squeeze %dma_start3A_2005 : memref<1x16x64xf32, #tpu.memory_space<vmem>> -> memref<16x64xf32, #tpu.memory_space<vmem>>
        %dma_start3A_2007 = arith.constant 0 : i32
        %dma_start3A_2008 = arith.constant 0 : i32
        %dma_start3A_2009 = tpu.memref_slice %arg3[%dma_start3A_2007, %dma_start3A_2008] : memref<1000000x64xf32, #tpu.memory_space<hbm>> -> memref<1000000x64xf32, #tpu.memory_space<hbm>>
        %dma_start3A_2010 = tpu.memref_slice %arg7[%dma_start3A_2002] : memref<2x!tpu.dma_semaphore, #tpu.memory_space<semaphore_mem>> -> memref<1x!tpu.dma_semaphore, #tpu.memory_space<semaphore_mem>>
        %dma_start3A_2011 = tpu.memref_squeeze %dma_start3A_2010 : memref<1x!tpu.dma_semaphore, #tpu.memory_space<semaphore_mem>> -> memref<!tpu.dma_semaphore, #tpu.memory_space<semaphore_mem>>
        tpu.enqueue_indirect_dma source(%dma_start3A_2009 : memref<1000000x64xf32, #tpu.memory_space<hbm>>) target(%dma_start3A_2006 : memref<16x64xf32, #tpu.memory_space<vmem>>) offsets(%get3A_2000 : vector<16xi32>) semaphore(%dma_start3A_2011 : memref<!tpu.dma_semaphore, #tpu.memory_space<semaphore_mem>>)
        %mul3A_2012 = arith.constant 800 : i32
        %mul3A_2013 = arith.muli %add3A_1615, %mul3A_2012 : i32
        %add3A_2014 = arith.constant 352 : i32
        %add3A_2015 = arith.addi %mul3A_2013, %add3A_2014 : i32
        %get3A_2016 = arith.index_cast %add3A_2015 : i32 to index
        %get3A_2017 = tpu.vector_load %arg5[%get3A_2016] {strides = array<i32>} : memref<6400xi32, #tpu.memory_space<vmem>>, vector<16xi32>,
        %get3A_2018 = vector.shape_cast %get3A_2017 : vector<16xi32> to vector<16xi32>
        %dma_start3A_2019 = arith.constant 0 : i32
        %dma_start3A_2020 = arith.constant 0 : i32
        %dma_start3A_2021 = arith.constant 352 : i32
        %dma_start3A_2022 = arith.constant 0 : i32
        %dma_start3A_2023 = tpu.memref_slice %arg6[%dma_start3A_2019, %dma_start3A_2021, %dma_start3A_2022] : memref<2x800x64xf32, #tpu.memory_space<vmem>> -> memref<1x16x64xf32, #tpu.memory_space<vmem>>
        %dma_start3A_2024 = tpu.memref_squeeze %dma_start3A_2023 : memref<1x16x64xf32, #tpu.memory_space<vmem>> -> memref<16x64xf32, #tpu.memory_space<vmem>>
        %dma_start3A_2025 = arith.constant 0 : i32
        %dma_start3A_2026 = arith.constant 0 : i32
        %dma_start3A_2027 = tpu.memref_slice %arg3[%dma_start3A_2025, %dma_start3A_2026] : memref<1000000x64xf32, #tpu.memory_space<hbm>> -> memref<1000000x64xf32, #tpu.memory_space<hbm>>
        %dma_start3A_2028 = tpu.memref_slice %arg7[%dma_start3A_2020] : memref<2x!tpu.dma_semaphore, #tpu.memory_space<semaphore_mem>> -> memref<1x!tpu.dma_semaphore, #tpu.memory_space<semaphore_mem>>
        %dma_start3A_2029 = tpu.memref_squeeze %dma_start3A_2028 : memref<1x!tpu.dma_semaphore, #tpu.memory_space<semaphore_mem>> -> memref<!tpu.dma_semaphore, #tpu.memory_space<semaphore_mem>>
        tpu.enqueue_indirect_dma source(%dma_start3A_2027 : memref<1000000x64xf32, #tpu.memory_space<hbm>>) target(%dma_start3A_2024 : memref<16x64xf32, #tpu.memory_space<vmem>>) offsets(%get3A_2018 : vector<16xi32>) semaphore(%dma_start3A_2029 : memref<!tpu.dma_semaphore, #tpu.memory_space<semaphore_mem>>)
        %mul3A_2030 = arith.constant 800 : i32
        %mul3A_2031 = arith.muli %add3A_1615, %mul3A_2030 : i32
        %add3A_2032 = arith.constant 368 : i32
        %add3A_2033 = arith.addi %mul3A_2031, %add3A_2032 : i32
        %get3A_2034 = arith.index_cast %add3A_2033 : i32 to index
        %get3A_2035 = tpu.vector_load %arg5[%get3A_2034] {strides = array<i32>} : memref<6400xi32, #tpu.memory_space<vmem>>, vector<16xi32>,
        %get3A_2036 = vector.shape_cast %get3A_2035 : vector<16xi32> to vector<16xi32>
        %dma_start3A_2037 = arith.constant 0 : i32
        %dma_start3A_2038 = arith.constant 0 : i32
        %dma_start3A_2039 = arith.constant 368 : i32
        %dma_start3A_2040 = arith.constant 0 : i32
        %dma_start3A_2041 = tpu.memref_slice %arg6[%dma_start3A_2037, %dma_start3A_2039, %dma_start3A_2040] : memref<2x800x64xf32, #tpu.memory_space<vmem>> -> memref<1x16x64xf32, #tpu.memory_space<vmem>>
        %dma_start3A_2042 = tpu.memref_squeeze %dma_start3A_2041 : memref<1x16x64xf32, #tpu.memory_space<vmem>> -> memref<16x64xf32, #tpu.memory_space<vmem>>
        %dma_start3A_2043 = arith.constant 0 : i32
        %dma_start3A_2044 = arith.constant 0 : i32
        %dma_start3A_2045 = tpu.memref_slice %arg3[%dma_start3A_2043, %dma_start3A_2044] : memref<1000000x64xf32, #tpu.memory_space<hbm>> -> memref<1000000x64xf32, #tpu.memory_space<hbm>>
        %dma_start3A_2046 = tpu.memref_slice %arg7[%dma_start3A_2038] : memref<2x!tpu.dma_semaphore, #tpu.memory_space<semaphore_mem>> -> memref<1x!tpu.dma_semaphore, #tpu.memory_space<semaphore_mem>>
        %dma_start3A_2047 = tpu.memref_squeeze %dma_start3A_2046 : memref<1x!tpu.dma_semaphore, #tpu.memory_space<semaphore_mem>> -> memref<!tpu.dma_semaphore, #tpu.memory_space<semaphore_mem>>
        tpu.enqueue_indirect_dma source(%dma_start3A_2045 : memref<1000000x64xf32, #tpu.memory_space<hbm>>) target(%dma_start3A_2042 : memref<16x64xf32, #tpu.memory_space<vmem>>) offsets(%get3A_2036 : vector<16xi32>) semaphore(%dma_start3A_2047 : memref<!tpu.dma_semaphore, #tpu.memory_space<semaphore_mem>>)
        %mul3A_2048 = arith.constant 800 : i32
        %mul3A_2049 = arith.muli %add3A_1615, %mul3A_2048 : i32
        %add3A_2050 = arith.constant 384 : i32
        %add3A_2051 = arith.addi %mul3A_2049, %add3A_2050 : i32
        %get3A_2052 = arith.index_cast %add3A_2051 : i32 to index
        %get3A_2053 = tpu.vector_load %arg5[%get3A_2052] {strides = array<i32>} : memref<6400xi32, #tpu.memory_space<vmem>>, vector<16xi32>,
        %get3A_2054 = vector.shape_cast %get3A_2053 : vector<16xi32> to vector<16xi32>
        %dma_start3A_2055 = arith.constant 0 : i32
        %dma_start3A_2056 = arith.constant 0 : i32
        %dma_start3A_2057 = arith.constant 384 : i32
        %dma_start3A_2058 = arith.constant 0 : i32
        %dma_start3A_2059 = tpu.memref_slice %arg6[%dma_start3A_2055, %dma_start3A_2057, %dma_start3A_2058] : memref<2x800x64xf32, #tpu.memory_space<vmem>> -> memref<1x16x64xf32, #tpu.memory_space<vmem>>
        %dma_start3A_2060 = tpu.memref_squeeze %dma_start3A_2059 : memref<1x16x64xf32, #tpu.memory_space<vmem>> -> memref<16x64xf32, #tpu.memory_space<vmem>>
        %dma_start3A_2061 = arith.constant 0 : i32
        %dma_start3A_2062 = arith.constant 0 : i32
        %dma_start3A_2063 = tpu.memref_slice %arg3[%dma_start3A_2061, %dma_start3A_2062] : memref<1000000x64xf32, #tpu.memory_space<hbm>> -> memref<1000000x64xf32, #tpu.memory_space<hbm>>
        %dma_start3A_2064 = tpu.memref_slice %arg7[%dma_start3A_2056] : memref<2x!tpu.dma_semaphore, #tpu.memory_space<semaphore_mem>> -> memref<1x!tpu.dma_semaphore, #tpu.memory_space<semaphore_mem>>
        %dma_start3A_2065 = tpu.memref_squeeze %dma_start3A_2064 : memref<1x!tpu.dma_semaphore, #tpu.memory_space<semaphore_mem>> -> memref<!tpu.dma_semaphore, #tpu.memory_space<semaphore_mem>>
        tpu.enqueue_indirect_dma source(%dma_start3A_2063 : memref<1000000x64xf32, #tpu.memory_space<hbm>>) target(%dma_start3A_2060 : memref<16x64xf32, #tpu.memory_space<vmem>>) offsets(%get3A_2054 : vector<16xi32>) semaphore(%dma_start3A_2065 : memref<!tpu.dma_semaphore, #tpu.memory_space<semaphore_mem>>)
        %mul3A_2066 = arith.constant 800 : i32
        %mul3A_2067 = arith.muli %add3A_1615, %mul3A_2066 : i32
        %add3A_2068 = arith.constant 400 : i32
        %add3A_2069 = arith.addi %mul3A_2067, %add3A_2068 : i32
        %get3A_2070 = arith.index_cast %add3A_2069 : i32 to index
        %get3A_2071 = tpu.vector_load %arg5[%get3A_2070] {strides = array<i32>} : memref<6400xi32, #tpu.memory_space<vmem>>, vector<16xi32>,
        %get3A_2072 = vector.shape_cast %get3A_2071 : vector<16xi32> to vector<16xi32>
        %dma_start3A_2073 = arith.constant 0 : i32
        %dma_start3A_2074 = arith.constant 0 : i32
        %dma_start3A_2075 = arith.constant 400 : i32
        %dma_start3A_2076 = arith.constant 0 : i32
        %dma_start3A_2077 = tpu.memref_slice %arg6[%dma_start3A_2073, %dma_start3A_2075, %dma_start3A_2076] : memref<2x800x64xf32, #tpu.memory_space<vmem>> -> memref<1x16x64xf32, #tpu.memory_space<vmem>>
        %dma_start3A_2078 = tpu.memref_squeeze %dma_start3A_2077 : memref<1x16x64xf32, #tpu.memory_space<vmem>> -> memref<16x64xf32, #tpu.memory_space<vmem>>
        %dma_start3A_2079 = arith.constant 0 : i32
        %dma_start3A_2080 = arith.constant 0 : i32
        %dma_start3A_2081 = tpu.memref_slice %arg3[%dma_start3A_2079, %dma_start3A_2080] : memref<1000000x64xf32, #tpu.memory_space<hbm>> -> memref<1000000x64xf32, #tpu.memory_space<hbm>>
        %dma_start3A_2082 = tpu.memref_slice %arg7[%dma_start3A_2074] : memref<2x!tpu.dma_semaphore, #tpu.memory_space<semaphore_mem>> -> memref<1x!tpu.dma_semaphore, #tpu.memory_space<semaphore_mem>>
        %dma_start3A_2083 = tpu.memref_squeeze %dma_start3A_2082 : memref<1x!tpu.dma_semaphore, #tpu.memory_space<semaphore_mem>> -> memref<!tpu.dma_semaphore, #tpu.memory_space<semaphore_mem>>
        tpu.enqueue_indirect_dma source(%dma_start3A_2081 : memref<1000000x64xf32, #tpu.memory_space<hbm>>) target(%dma_start3A_2078 : memref<16x64xf32, #tpu.memory_space<vmem>>) offsets(%get3A_2072 : vector<16xi32>) semaphore(%dma_start3A_2083 : memref<!tpu.dma_semaphore, #tpu.memory_space<semaphore_mem>>)
        %mul3A_2084 = arith.constant 800 : i32
        %mul3A_2085 = arith.muli %add3A_1615, %mul3A_2084 : i32
        %add3A_2086 = arith.constant 416 : i32
        %add3A_2087 = arith.addi %mul3A_2085, %add3A_2086 : i32
        %get3A_2088 = arith.index_cast %add3A_2087 : i32 to index
        %get3A_2089 = tpu.vector_load %arg5[%get3A_2088] {strides = array<i32>} : memref<6400xi32, #tpu.memory_space<vmem>>, vector<16xi32>,
        %get3A_2090 = vector.shape_cast %get3A_2089 : vector<16xi32> to vector<16xi32>
        %dma_start3A_2091 = arith.constant 0 : i32
        %dma_start3A_2092 = arith.constant 0 : i32
        %dma_start3A_2093 = arith.constant 416 : i32
        %dma_start3A_2094 = arith.constant 0 : i32
        %dma_start3A_2095 = tpu.memref_slice %arg6[%dma_start3A_2091, %dma_start3A_2093, %dma_start3A_2094] : memref<2x800x64xf32, #tpu.memory_space<vmem>> -> memref<1x16x64xf32, #tpu.memory_space<vmem>>
        %dma_start3A_2096 = tpu.memref_squeeze %dma_start3A_2095 : memref<1x16x64xf32, #tpu.memory_space<vmem>> -> memref<16x64xf32, #tpu.memory_space<vmem>>
        %dma_start3A_2097 = arith.constant 0 : i32
        %dma_start3A_2098 = arith.constant 0 : i32
        %dma_start3A_2099 = tpu.memref_slice %arg3[%dma_start3A_2097, %dma_start3A_2098] : memref<1000000x64xf32, #tpu.memory_space<hbm>> -> memref<1000000x64xf32, #tpu.memory_space<hbm>>
        %dma_start3A_2100 = tpu.memref_slice %arg7[%dma_start3A_2092] : memref<2x!tpu.dma_semaphore, #tpu.memory_space<semaphore_mem>> -> memref<1x!tpu.dma_semaphore, #tpu.memory_space<semaphore_mem>>
        %dma_start3A_2101 = tpu.memref_squeeze %dma_start3A_2100 : memref<1x!tpu.dma_semaphore, #tpu.memory_space<semaphore_mem>> -> memref<!tpu.dma_semaphore, #tpu.memory_space<semaphore_mem>>
        tpu.enqueue_indirect_dma source(%dma_start3A_2099 : memref<1000000x64xf32, #tpu.memory_space<hbm>>) target(%dma_start3A_2096 : memref<16x64xf32, #tpu.memory_space<vmem>>) offsets(%get3A_2090 : vector<16xi32>) semaphore(%dma_start3A_2101 : memref<!tpu.dma_semaphore, #tpu.memory_space<semaphore_mem>>)
        %mul3A_2102 = arith.constant 800 : i32
        %mul3A_2103 = arith.muli %add3A_1615, %mul3A_2102 : i32
        %add3A_2104 = arith.constant 432 : i32
        %add3A_2105 = arith.addi %mul3A_2103, %add3A_2104 : i32
        %get3A_2106 = arith.index_cast %add3A_2105 : i32 to index
        %get3A_2107 = tpu.vector_load %arg5[%get3A_2106] {strides = array<i32>} : memref<6400xi32, #tpu.memory_space<vmem>>, vector<16xi32>,
        %get3A_2108 = vector.shape_cast %get3A_2107 : vector<16xi32> to vector<16xi32>
        %dma_start3A_2109 = arith.constant 0 : i32
        %dma_start3A_2110 = arith.constant 0 : i32
        %dma_start3A_2111 = arith.constant 432 : i32
        %dma_start3A_2112 = arith.constant 0 : i32
        %dma_start3A_2113 = tpu.memref_slice %arg6[%dma_start3A_2109, %dma_start3A_2111, %dma_start3A_2112] : memref<2x800x64xf32, #tpu.memory_space<vmem>> -> memref<1x16x64xf32, #tpu.memory_space<vmem>>
        %dma_start3A_2114 = tpu.memref_squeeze %dma_start3A_2113 : memref<1x16x64xf32, #tpu.memory_space<vmem>> -> memref<16x64xf32, #tpu.memory_space<vmem>>
        %dma_start3A_2115 = arith.constant 0 : i32
        %dma_start3A_2116 = arith.constant 0 : i32
        %dma_start3A_2117 = tpu.memref_slice %arg3[%dma_start3A_2115, %dma_start3A_2116] : memref<1000000x64xf32, #tpu.memory_space<hbm>> -> memref<1000000x64xf32, #tpu.memory_space<hbm>>
        %dma_start3A_2118 = tpu.memref_slice %arg7[%dma_start3A_2110] : memref<2x!tpu.dma_semaphore, #tpu.memory_space<semaphore_mem>> -> memref<1x!tpu.dma_semaphore, #tpu.memory_space<semaphore_mem>>
        %dma_start3A_2119 = tpu.memref_squeeze %dma_start3A_2118 : memref<1x!tpu.dma_semaphore, #tpu.memory_space<semaphore_mem>> -> memref<!tpu.dma_semaphore, #tpu.memory_space<semaphore_mem>>
        tpu.enqueue_indirect_dma source(%dma_start3A_2117 : memref<1000000x64xf32, #tpu.memory_space<hbm>>) target(%dma_start3A_2114 : memref<16x64xf32, #tpu.memory_space<vmem>>) offsets(%get3A_2108 : vector<16xi32>) semaphore(%dma_start3A_2119 : memref<!tpu.dma_semaphore, #tpu.memory_space<semaphore_mem>>)
        %mul3A_2120 = arith.constant 800 : i32
        %mul3A_2121 = arith.muli %add3A_1615, %mul3A_2120 : i32
        %add3A_2122 = arith.constant 448 : i32
        %add3A_2123 = arith.addi %mul3A_2121, %add3A_2122 : i32
        %get3A_2124 = arith.index_cast %add3A_2123 : i32 to index
        %get3A_2125 = tpu.vector_load %arg5[%get3A_2124] {strides = array<i32>} : memref<6400xi32, #tpu.memory_space<vmem>>, vector<16xi32>,
        %get3A_2126 = vector.shape_cast %get3A_2125 : vector<16xi32> to vector<16xi32>
        %dma_start3A_2127 = arith.constant 0 : i32
        %dma_start3A_2128 = arith.constant 0 : i32
        %dma_start3A_2129 = arith.constant 448 : i32
        %dma_start3A_2130 = arith.constant 0 : i32
        %dma_start3A_2131 = tpu.memref_slice %arg6[%dma_start3A_2127, %dma_start3A_2129, %dma_start3A_2130] : memref<2x800x64xf32, #tpu.memory_space<vmem>> -> memref<1x16x64xf32, #tpu.memory_space<vmem>>
        %dma_start3A_2132 = tpu.memref_squeeze %dma_start3A_2131 : memref<1x16x64xf32, #tpu.memory_space<vmem>> -> memref<16x64xf32, #tpu.memory_space<vmem>>
        %dma_start3A_2133 = arith.constant 0 : i32
        %dma_start3A_2134 = arith.constant 0 : i32
        %dma_start3A_2135 = tpu.memref_slice %arg3[%dma_start3A_2133, %dma_start3A_2134] : memref<1000000x64xf32, #tpu.memory_space<hbm>> -> memref<1000000x64xf32, #tpu.memory_space<hbm>>
        %dma_start3A_2136 = tpu.memref_slice %arg7[%dma_start3A_2128] : memref<2x!tpu.dma_semaphore, #tpu.memory_space<semaphore_mem>> -> memref<1x!tpu.dma_semaphore, #tpu.memory_space<semaphore_mem>>
        %dma_start3A_2137 = tpu.memref_squeeze %dma_start3A_2136 : memref<1x!tpu.dma_semaphore, #tpu.memory_space<semaphore_mem>> -> memref<!tpu.dma_semaphore, #tpu.memory_space<semaphore_mem>>
        tpu.enqueue_indirect_dma source(%dma_start3A_2135 : memref<1000000x64xf32, #tpu.memory_space<hbm>>) target(%dma_start3A_2132 : memref<16x64xf32, #tpu.memory_space<vmem>>) offsets(%get3A_2126 : vector<16xi32>) semaphore(%dma_start3A_2137 : memref<!tpu.dma_semaphore, #tpu.memory_space<semaphore_mem>>)
        %mul3A_2138 = arith.constant 800 : i32
        %mul3A_2139 = arith.muli %add3A_1615, %mul3A_2138 : i32
        %add3A_2140 = arith.constant 464 : i32
        %add3A_2141 = arith.addi %mul3A_2139, %add3A_2140 : i32
        %get3A_2142 = arith.index_cast %add3A_2141 : i32 to index
        %get3A_2143 = tpu.vector_load %arg5[%get3A_2142] {strides = array<i32>} : memref<6400xi32, #tpu.memory_space<vmem>>, vector<16xi32>,
        %get3A_2144 = vector.shape_cast %get3A_2143 : vector<16xi32> to vector<16xi32>
        %dma_start3A_2145 = arith.constant 0 : i32
        %dma_start3A_2146 = arith.constant 0 : i32
        %dma_start3A_2147 = arith.constant 464 : i32
        %dma_start3A_2148 = arith.constant 0 : i32
        %dma_start3A_2149 = tpu.memref_slice %arg6[%dma_start3A_2145, %dma_start3A_2147, %dma_start3A_2148] : memref<2x800x64xf32, #tpu.memory_space<vmem>> -> memref<1x16x64xf32, #tpu.memory_space<vmem>>
        %dma_start3A_2150 = tpu.memref_squeeze %dma_start3A_2149 : memref<1x16x64xf32, #tpu.memory_space<vmem>> -> memref<16x64xf32, #tpu.memory_space<vmem>>
        %dma_start3A_2151 = arith.constant 0 : i32
        %dma_start3A_2152 = arith.constant 0 : i32
        %dma_start3A_2153 = tpu.memref_slice %arg3[%dma_start3A_2151, %dma_start3A_2152] : memref<1000000x64xf32, #tpu.memory_space<hbm>> -> memref<1000000x64xf32, #tpu.memory_space<hbm>>
        %dma_start3A_2154 = tpu.memref_slice %arg7[%dma_start3A_2146] : memref<2x!tpu.dma_semaphore, #tpu.memory_space<semaphore_mem>> -> memref<1x!tpu.dma_semaphore, #tpu.memory_space<semaphore_mem>>
        %dma_start3A_2155 = tpu.memref_squeeze %dma_start3A_2154 : memref<1x!tpu.dma_semaphore, #tpu.memory_space<semaphore_mem>> -> memref<!tpu.dma_semaphore, #tpu.memory_space<semaphore_mem>>
        tpu.enqueue_indirect_dma source(%dma_start3A_2153 : memref<1000000x64xf32, #tpu.memory_space<hbm>>) target(%dma_start3A_2150 : memref<16x64xf32, #tpu.memory_space<vmem>>) offsets(%get3A_2144 : vector<16xi32>) semaphore(%dma_start3A_2155 : memref<!tpu.dma_semaphore, #tpu.memory_space<semaphore_mem>>)
        %mul3A_2156 = arith.constant 800 : i32
        %mul3A_2157 = arith.muli %add3A_1615, %mul3A_2156 : i32
        %add3A_2158 = arith.constant 480 : i32
        %add3A_2159 = arith.addi %mul3A_2157, %add3A_2158 : i32
        %get3A_2160 = arith.index_cast %add3A_2159 : i32 to index
        %get3A_2161 = tpu.vector_load %arg5[%get3A_2160] {strides = array<i32>} : memref<6400xi32, #tpu.memory_space<vmem>>, vector<16xi32>,
        %get3A_2162 = vector.shape_cast %get3A_2161 : vector<16xi32> to vector<16xi32>
        %dma_start3A_2163 = arith.constant 0 : i32
        %dma_start3A_2164 = arith.constant 0 : i32
        %dma_start3A_2165 = arith.constant 480 : i32
        %dma_start3A_2166 = arith.constant 0 : i32
        %dma_start3A_2167 = tpu.memref_slice %arg6[%dma_start3A_2163, %dma_start3A_2165, %dma_start3A_2166] : memref<2x800x64xf32, #tpu.memory_space<vmem>> -> memref<1x16x64xf32, #tpu.memory_space<vmem>>
        %dma_start3A_2168 = tpu.memref_squeeze %dma_start3A_2167 : memref<1x16x64xf32, #tpu.memory_space<vmem>> -> memref<16x64xf32, #tpu.memory_space<vmem>>
        %dma_start3A_2169 = arith.constant 0 : i32
        %dma_start3A_2170 = arith.constant 0 : i32
        %dma_start3A_2171 = tpu.memref_slice %arg3[%dma_start3A_2169, %dma_start3A_2170] : memref<1000000x64xf32, #tpu.memory_space<hbm>> -> memref<1000000x64xf32, #tpu.memory_space<hbm>>
        %dma_start3A_2172 = tpu.memref_slice %arg7[%dma_start3A_2164] : memref<2x!tpu.dma_semaphore, #tpu.memory_space<semaphore_mem>> -> memref<1x!tpu.dma_semaphore, #tpu.memory_space<semaphore_mem>>
        %dma_start3A_2173 = tpu.memref_squeeze %dma_start3A_2172 : memref<1x!tpu.dma_semaphore, #tpu.memory_space<semaphore_mem>> -> memref<!tpu.dma_semaphore, #tpu.memory_space<semaphore_mem>>
        tpu.enqueue_indirect_dma source(%dma_start3A_2171 : memref<1000000x64xf32, #tpu.memory_space<hbm>>) target(%dma_start3A_2168 : memref<16x64xf32, #tpu.memory_space<vmem>>) offsets(%get3A_2162 : vector<16xi32>) semaphore(%dma_start3A_2173 : memref<!tpu.dma_semaphore, #tpu.memory_space<semaphore_mem>>)
        %mul3A_2174 = arith.constant 800 : i32
        %mul3A_2175 = arith.muli %add3A_1615, %mul3A_2174 : i32
        %add3A_2176 = arith.constant 496 : i32
        %add3A_2177 = arith.addi %mul3A_2175, %add3A_2176 : i32
        %get3A_2178 = arith.index_cast %add3A_2177 : i32 to index
        %get3A_2179 = tpu.vector_load %arg5[%get3A_2178] {strides = array<i32>} : memref<6400xi32, #tpu.memory_space<vmem>>, vector<16xi32>,
        %get3A_2180 = vector.shape_cast %get3A_2179 : vector<16xi32> to vector<16xi32>
        %dma_start3A_2181 = arith.constant 0 : i32
        %dma_start3A_2182 = arith.constant 0 : i32
        %dma_start3A_2183 = arith.constant 496 : i32
        %dma_start3A_2184 = arith.constant 0 : i32
        %dma_start3A_2185 = tpu.memref_slice %arg6[%dma_start3A_2181, %dma_start3A_2183, %dma_start3A_2184] : memref<2x800x64xf32, #tpu.memory_space<vmem>> -> memref<1x16x64xf32, #tpu.memory_space<vmem>>
        %dma_start3A_2186 = tpu.memref_squeeze %dma_start3A_2185 : memref<1x16x64xf32, #tpu.memory_space<vmem>> -> memref<16x64xf32, #tpu.memory_space<vmem>>
        %dma_start3A_2187 = arith.constant 0 : i32
        %dma_start3A_2188 = arith.constant 0 : i32
        %dma_start3A_2189 = tpu.memref_slice %arg3[%dma_start3A_2187, %dma_start3A_2188] : memref<1000000x64xf32, #tpu.memory_space<hbm>> -> memref<1000000x64xf32, #tpu.memory_space<hbm>>
        %dma_start3A_2190 = tpu.memref_slice %arg7[%dma_start3A_2182] : memref<2x!tpu.dma_semaphore, #tpu.memory_space<semaphore_mem>> -> memref<1x!tpu.dma_semaphore, #tpu.memory_space<semaphore_mem>>
        %dma_start3A_2191 = tpu.memref_squeeze %dma_start3A_2190 : memref<1x!tpu.dma_semaphore, #tpu.memory_space<semaphore_mem>> -> memref<!tpu.dma_semaphore, #tpu.memory_space<semaphore_mem>>
        tpu.enqueue_indirect_dma source(%dma_start3A_2189 : memref<1000000x64xf32, #tpu.memory_space<hbm>>) target(%dma_start3A_2186 : memref<16x64xf32, #tpu.memory_space<vmem>>) offsets(%get3A_2180 : vector<16xi32>) semaphore(%dma_start3A_2191 : memref<!tpu.dma_semaphore, #tpu.memory_space<semaphore_mem>>)
        %mul3A_2192 = arith.constant 800 : i32
        %mul3A_2193 = arith.muli %add3A_1615, %mul3A_2192 : i32
        %add3A_2194 = arith.constant 512 : i32
        %add3A_2195 = arith.addi %mul3A_2193, %add3A_2194 : i32
        %get3A_2196 = arith.index_cast %add3A_2195 : i32 to index
        %get3A_2197 = tpu.vector_load %arg5[%get3A_2196] {strides = array<i32>} : memref<6400xi32, #tpu.memory_space<vmem>>, vector<16xi32>,
        %get3A_2198 = vector.shape_cast %get3A_2197 : vector<16xi32> to vector<16xi32>
        %dma_start3A_2199 = arith.constant 0 : i32
        %dma_start3A_2200 = arith.constant 0 : i32
        %dma_start3A_2201 = arith.constant 512 : i32
        %dma_start3A_2202 = arith.constant 0 : i32
        %dma_start3A_2203 = tpu.memref_slice %arg6[%dma_start3A_2199, %dma_start3A_2201, %dma_start3A_2202] : memref<2x800x64xf32, #tpu.memory_space<vmem>> -> memref<1x16x64xf32, #tpu.memory_space<vmem>>
        %dma_start3A_2204 = tpu.memref_squeeze %dma_start3A_2203 : memref<1x16x64xf32, #tpu.memory_space<vmem>> -> memref<16x64xf32, #tpu.memory_space<vmem>>
        %dma_start3A_2205 = arith.constant 0 : i32
        %dma_start3A_2206 = arith.constant 0 : i32
        %dma_start3A_2207 = tpu.memref_slice %arg3[%dma_start3A_2205, %dma_start3A_2206] : memref<1000000x64xf32, #tpu.memory_space<hbm>> -> memref<1000000x64xf32, #tpu.memory_space<hbm>>
        %dma_start3A_2208 = tpu.memref_slice %arg7[%dma_start3A_2200] : memref<2x!tpu.dma_semaphore, #tpu.memory_space<semaphore_mem>> -> memref<1x!tpu.dma_semaphore, #tpu.memory_space<semaphore_mem>>
        %dma_start3A_2209 = tpu.memref_squeeze %dma_start3A_2208 : memref<1x!tpu.dma_semaphore, #tpu.memory_space<semaphore_mem>> -> memref<!tpu.dma_semaphore, #tpu.memory_space<semaphore_mem>>
        tpu.enqueue_indirect_dma source(%dma_start3A_2207 : memref<1000000x64xf32, #tpu.memory_space<hbm>>) target(%dma_start3A_2204 : memref<16x64xf32, #tpu.memory_space<vmem>>) offsets(%get3A_2198 : vector<16xi32>) semaphore(%dma_start3A_2209 : memref<!tpu.dma_semaphore, #tpu.memory_space<semaphore_mem>>)
        %mul3A_2210 = arith.constant 800 : i32
        %mul3A_2211 = arith.muli %add3A_1615, %mul3A_2210 : i32
        %add3A_2212 = arith.constant 528 : i32
        %add3A_2213 = arith.addi %mul3A_2211, %add3A_2212 : i32
        %get3A_2214 = arith.index_cast %add3A_2213 : i32 to index
        %get3A_2215 = tpu.vector_load %arg5[%get3A_2214] {strides = array<i32>} : memref<6400xi32, #tpu.memory_space<vmem>>, vector<16xi32>,
        %get3A_2216 = vector.shape_cast %get3A_2215 : vector<16xi32> to vector<16xi32>
        %dma_start3A_2217 = arith.constant 0 : i32
        %dma_start3A_2218 = arith.constant 0 : i32
        %dma_start3A_2219 = arith.constant 528 : i32
        %dma_start3A_2220 = arith.constant 0 : i32
        %dma_start3A_2221 = tpu.memref_slice %arg6[%dma_start3A_2217, %dma_start3A_2219, %dma_start3A_2220] : memref<2x800x64xf32, #tpu.memory_space<vmem>> -> memref<1x16x64xf32, #tpu.memory_space<vmem>>
        %dma_start3A_2222 = tpu.memref_squeeze %dma_start3A_2221 : memref<1x16x64xf32, #tpu.memory_space<vmem>> -> memref<16x64xf32, #tpu.memory_space<vmem>>
        %dma_start3A_2223 = arith.constant 0 : i32
        %dma_start3A_2224 = arith.constant 0 : i32
        %dma_start3A_2225 = tpu.memref_slice %arg3[%dma_start3A_2223, %dma_start3A_2224] : memref<1000000x64xf32, #tpu.memory_space<hbm>> -> memref<1000000x64xf32, #tpu.memory_space<hbm>>
        %dma_start3A_2226 = tpu.memref_slice %arg7[%dma_start3A_2218] : memref<2x!tpu.dma_semaphore, #tpu.memory_space<semaphore_mem>> -> memref<1x!tpu.dma_semaphore, #tpu.memory_space<semaphore_mem>>
        %dma_start3A_2227 = tpu.memref_squeeze %dma_start3A_2226 : memref<1x!tpu.dma_semaphore, #tpu.memory_space<semaphore_mem>> -> memref<!tpu.dma_semaphore, #tpu.memory_space<semaphore_mem>>
        tpu.enqueue_indirect_dma source(%dma_start3A_2225 : memref<1000000x64xf32, #tpu.memory_space<hbm>>) target(%dma_start3A_2222 : memref<16x64xf32, #tpu.memory_space<vmem>>) offsets(%get3A_2216 : vector<16xi32>) semaphore(%dma_start3A_2227 : memref<!tpu.dma_semaphore, #tpu.memory_space<semaphore_mem>>)
        %mul3A_2228 = arith.constant 800 : i32
        %mul3A_2229 = arith.muli %add3A_1615, %mul3A_2228 : i32
        %add3A_2230 = arith.constant 544 : i32
        %add3A_2231 = arith.addi %mul3A_2229, %add3A_2230 : i32
        %get3A_2232 = arith.index_cast %add3A_2231 : i32 to index
        %get3A_2233 = tpu.vector_load %arg5[%get3A_2232] {strides = array<i32>} : memref<6400xi32, #tpu.memory_space<vmem>>, vector<16xi32>,
        %get3A_2234 = vector.shape_cast %get3A_2233 : vector<16xi32> to vector<16xi32>
        %dma_start3A_2235 = arith.constant 0 : i32
        %dma_start3A_2236 = arith.constant 0 : i32
        %dma_start3A_2237 = arith.constant 544 : i32
        %dma_start3A_2238 = arith.constant 0 : i32
        %dma_start3A_2239 = tpu.memref_slice %arg6[%dma_start3A_2235, %dma_start3A_2237, %dma_start3A_2238] : memref<2x800x64xf32, #tpu.memory_space<vmem>> -> memref<1x16x64xf32, #tpu.memory_space<vmem>>
        %dma_start3A_2240 = tpu.memref_squeeze %dma_start3A_2239 : memref<1x16x64xf32, #tpu.memory_space<vmem>> -> memref<16x64xf32, #tpu.memory_space<vmem>>
        %dma_start3A_2241 = arith.constant 0 : i32
        %dma_start3A_2242 = arith.constant 0 : i32
        %dma_start3A_2243 = tpu.memref_slice %arg3[%dma_start3A_2241, %dma_start3A_2242] : memref<1000000x64xf32, #tpu.memory_space<hbm>> -> memref<1000000x64xf32, #tpu.memory_space<hbm>>
        %dma_start3A_2244 = tpu.memref_slice %arg7[%dma_start3A_2236] : memref<2x!tpu.dma_semaphore, #tpu.memory_space<semaphore_mem>> -> memref<1x!tpu.dma_semaphore, #tpu.memory_space<semaphore_mem>>
        %dma_start3A_2245 = tpu.memref_squeeze %dma_start3A_2244 : memref<1x!tpu.dma_semaphore, #tpu.memory_space<semaphore_mem>> -> memref<!tpu.dma_semaphore, #tpu.memory_space<semaphore_mem>>
        tpu.enqueue_indirect_dma source(%dma_start3A_2243 : memref<1000000x64xf32, #tpu.memory_space<hbm>>) target(%dma_start3A_2240 : memref<16x64xf32, #tpu.memory_space<vmem>>) offsets(%get3A_2234 : vector<16xi32>) semaphore(%dma_start3A_2245 : memref<!tpu.dma_semaphore, #tpu.memory_space<semaphore_mem>>)
        %mul3A_2246 = arith.constant 800 : i32
        %mul3A_2247 = arith.muli %add3A_1615, %mul3A_2246 : i32
        %add3A_2248 = arith.constant 560 : i32
        %add3A_2249 = arith.addi %mul3A_2247, %add3A_2248 : i32
        %get3A_2250 = arith.index_cast %add3A_2249 : i32 to index
        %get3A_2251 = tpu.vector_load %arg5[%get3A_2250] {strides = array<i32>} : memref<6400xi32, #tpu.memory_space<vmem>>, vector<16xi32>,
        %get3A_2252 = vector.shape_cast %get3A_2251 : vector<16xi32> to vector<16xi32>
        %dma_start3A_2253 = arith.constant 0 : i32
        %dma_start3A_2254 = arith.constant 0 : i32
        %dma_start3A_2255 = arith.constant 560 : i32
        %dma_start3A_2256 = arith.constant 0 : i32
        %dma_start3A_2257 = tpu.memref_slice %arg6[%dma_start3A_2253, %dma_start3A_2255, %dma_start3A_2256] : memref<2x800x64xf32, #tpu.memory_space<vmem>> -> memref<1x16x64xf32, #tpu.memory_space<vmem>>
        %dma_start3A_2258 = tpu.memref_squeeze %dma_start3A_2257 : memref<1x16x64xf32, #tpu.memory_space<vmem>> -> memref<16x64xf32, #tpu.memory_space<vmem>>
        %dma_start3A_2259 = arith.constant 0 : i32
        %dma_start3A_2260 = arith.constant 0 : i32
        %dma_start3A_2261 = tpu.memref_slice %arg3[%dma_start3A_2259, %dma_start3A_2260] : memref<1000000x64xf32, #tpu.memory_space<hbm>> -> memref<1000000x64xf32, #tpu.memory_space<hbm>>
        %dma_start3A_2262 = tpu.memref_slice %arg7[%dma_start3A_2254] : memref<2x!tpu.dma_semaphore, #tpu.memory_space<semaphore_mem>> -> memref<1x!tpu.dma_semaphore, #tpu.memory_space<semaphore_mem>>
        %dma_start3A_2263 = tpu.memref_squeeze %dma_start3A_2262 : memref<1x!tpu.dma_semaphore, #tpu.memory_space<semaphore_mem>> -> memref<!tpu.dma_semaphore, #tpu.memory_space<semaphore_mem>>
        tpu.enqueue_indirect_dma source(%dma_start3A_2261 : memref<1000000x64xf32, #tpu.memory_space<hbm>>) target(%dma_start3A_2258 : memref<16x64xf32, #tpu.memory_space<vmem>>) offsets(%get3A_2252 : vector<16xi32>) semaphore(%dma_start3A_2263 : memref<!tpu.dma_semaphore, #tpu.memory_space<semaphore_mem>>)
        %mul3A_2264 = arith.constant 800 : i32
        %mul3A_2265 = arith.muli %add3A_1615, %mul3A_2264 : i32
        %add3A_2266 = arith.constant 576 : i32
        %add3A_2267 = arith.addi %mul3A_2265, %add3A_2266 : i32
        %get3A_2268 = arith.index_cast %add3A_2267 : i32 to index
        %get3A_2269 = tpu.vector_load %arg5[%get3A_2268] {strides = array<i32>} : memref<6400xi32, #tpu.memory_space<vmem>>, vector<16xi32>,
        %get3A_2270 = vector.shape_cast %get3A_2269 : vector<16xi32> to vector<16xi32>
        %dma_start3A_2271 = arith.constant 0 : i32
        %dma_start3A_2272 = arith.constant 0 : i32
        %dma_start3A_2273 = arith.constant 576 : i32
        %dma_start3A_2274 = arith.constant 0 : i32
        %dma_start3A_2275 = tpu.memref_slice %arg6[%dma_start3A_2271, %dma_start3A_2273, %dma_start3A_2274] : memref<2x800x64xf32, #tpu.memory_space<vmem>> -> memref<1x16x64xf32, #tpu.memory_space<vmem>>
        %dma_start3A_2276 = tpu.memref_squeeze %dma_start3A_2275 : memref<1x16x64xf32, #tpu.memory_space<vmem>> -> memref<16x64xf32, #tpu.memory_space<vmem>>
        %dma_start3A_2277 = arith.constant 0 : i32
        %dma_start3A_2278 = arith.constant 0 : i32
        %dma_start3A_2279 = tpu.memref_slice %arg3[%dma_start3A_2277, %dma_start3A_2278] : memref<1000000x64xf32, #tpu.memory_space<hbm>> -> memref<1000000x64xf32, #tpu.memory_space<hbm>>
        %dma_start3A_2280 = tpu.memref_slice %arg7[%dma_start3A_2272] : memref<2x!tpu.dma_semaphore, #tpu.memory_space<semaphore_mem>> -> memref<1x!tpu.dma_semaphore, #tpu.memory_space<semaphore_mem>>
        %dma_start3A_2281 = tpu.memref_squeeze %dma_start3A_2280 : memref<1x!tpu.dma_semaphore, #tpu.memory_space<semaphore_mem>> -> memref<!tpu.dma_semaphore, #tpu.memory_space<semaphore_mem>>
        tpu.enqueue_indirect_dma source(%dma_start3A_2279 : memref<1000000x64xf32, #tpu.memory_space<hbm>>) target(%dma_start3A_2276 : memref<16x64xf32, #tpu.memory_space<vmem>>) offsets(%get3A_2270 : vector<16xi32>) semaphore(%dma_start3A_2281 : memref<!tpu.dma_semaphore, #tpu.memory_space<semaphore_mem>>)
        %mul3A_2282 = arith.constant 800 : i32
        %mul3A_2283 = arith.muli %add3A_1615, %mul3A_2282 : i32
        %add3A_2284 = arith.constant 592 : i32
        %add3A_2285 = arith.addi %mul3A_2283, %add3A_2284 : i32
        %get3A_2286 = arith.index_cast %add3A_2285 : i32 to index
        %get3A_2287 = tpu.vector_load %arg5[%get3A_2286] {strides = array<i32>} : memref<6400xi32, #tpu.memory_space<vmem>>, vector<16xi32>,
        %get3A_2288 = vector.shape_cast %get3A_2287 : vector<16xi32> to vector<16xi32>
        %dma_start3A_2289 = arith.constant 0 : i32
        %dma_start3A_2290 = arith.constant 0 : i32
        %dma_start3A_2291 = arith.constant 592 : i32
        %dma_start3A_2292 = arith.constant 0 : i32
        %dma_start3A_2293 = tpu.memref_slice %arg6[%dma_start3A_2289, %dma_start3A_2291, %dma_start3A_2292] : memref<2x800x64xf32, #tpu.memory_space<vmem>> -> memref<1x16x64xf32, #tpu.memory_space<vmem>>
        %dma_start3A_2294 = tpu.memref_squeeze %dma_start3A_2293 : memref<1x16x64xf32, #tpu.memory_space<vmem>> -> memref<16x64xf32, #tpu.memory_space<vmem>>
        %dma_start3A_2295 = arith.constant 0 : i32
        %dma_start3A_2296 = arith.constant 0 : i32
        %dma_start3A_2297 = tpu.memref_slice %arg3[%dma_start3A_2295, %dma_start3A_2296] : memref<1000000x64xf32, #tpu.memory_space<hbm>> -> memref<1000000x64xf32, #tpu.memory_space<hbm>>
        %dma_start3A_2298 = tpu.memref_slice %arg7[%dma_start3A_2290] : memref<2x!tpu.dma_semaphore, #tpu.memory_space<semaphore_mem>> -> memref<1x!tpu.dma_semaphore, #tpu.memory_space<semaphore_mem>>
        %dma_start3A_2299 = tpu.memref_squeeze %dma_start3A_2298 : memref<1x!tpu.dma_semaphore, #tpu.memory_space<semaphore_mem>> -> memref<!tpu.dma_semaphore, #tpu.memory_space<semaphore_mem>>
        tpu.enqueue_indirect_dma source(%dma_start3A_2297 : memref<1000000x64xf32, #tpu.memory_space<hbm>>) target(%dma_start3A_2294 : memref<16x64xf32, #tpu.memory_space<vmem>>) offsets(%get3A_2288 : vector<16xi32>) semaphore(%dma_start3A_2299 : memref<!tpu.dma_semaphore, #tpu.memory_space<semaphore_mem>>)
        %mul3A_2300 = arith.constant 800 : i32
        %mul3A_2301 = arith.muli %add3A_1615, %mul3A_2300 : i32
        %add3A_2302 = arith.constant 608 : i32
        %add3A_2303 = arith.addi %mul3A_2301, %add3A_2302 : i32
        %get3A_2304 = arith.index_cast %add3A_2303 : i32 to index
        %get3A_2305 = tpu.vector_load %arg5[%get3A_2304] {strides = array<i32>} : memref<6400xi32, #tpu.memory_space<vmem>>, vector<16xi32>,
        %get3A_2306 = vector.shape_cast %get3A_2305 : vector<16xi32> to vector<16xi32>
        %dma_start3A_2307 = arith.constant 0 : i32
        %dma_start3A_2308 = arith.constant 0 : i32
        %dma_start3A_2309 = arith.constant 608 : i32
        %dma_start3A_2310 = arith.constant 0 : i32
        %dma_start3A_2311 = tpu.memref_slice %arg6[%dma_start3A_2307, %dma_start3A_2309, %dma_start3A_2310] : memref<2x800x64xf32, #tpu.memory_space<vmem>> -> memref<1x16x64xf32, #tpu.memory_space<vmem>>
        %dma_start3A_2312 = tpu.memref_squeeze %dma_start3A_2311 : memref<1x16x64xf32, #tpu.memory_space<vmem>> -> memref<16x64xf32, #tpu.memory_space<vmem>>
        %dma_start3A_2313 = arith.constant 0 : i32
        %dma_start3A_2314 = arith.constant 0 : i32
        %dma_start3A_2315 = tpu.memref_slice %arg3[%dma_start3A_2313, %dma_start3A_2314] : memref<1000000x64xf32, #tpu.memory_space<hbm>> -> memref<1000000x64xf32, #tpu.memory_space<hbm>>
        %dma_start3A_2316 = tpu.memref_slice %arg7[%dma_start3A_2308] : memref<2x!tpu.dma_semaphore, #tpu.memory_space<semaphore_mem>> -> memref<1x!tpu.dma_semaphore, #tpu.memory_space<semaphore_mem>>
        %dma_start3A_2317 = tpu.memref_squeeze %dma_start3A_2316 : memref<1x!tpu.dma_semaphore, #tpu.memory_space<semaphore_mem>> -> memref<!tpu.dma_semaphore, #tpu.memory_space<semaphore_mem>>
        tpu.enqueue_indirect_dma source(%dma_start3A_2315 : memref<1000000x64xf32, #tpu.memory_space<hbm>>) target(%dma_start3A_2312 : memref<16x64xf32, #tpu.memory_space<vmem>>) offsets(%get3A_2306 : vector<16xi32>) semaphore(%dma_start3A_2317 : memref<!tpu.dma_semaphore, #tpu.memory_space<semaphore_mem>>)
        %mul3A_2318 = arith.constant 800 : i32
        %mul3A_2319 = arith.muli %add3A_1615, %mul3A_2318 : i32
        %add3A_2320 = arith.constant 624 : i32
        %add3A_2321 = arith.addi %mul3A_2319, %add3A_2320 : i32
        %get3A_2322 = arith.index_cast %add3A_2321 : i32 to index
        %get3A_2323 = tpu.vector_load %arg5[%get3A_2322] {strides = array<i32>} : memref<6400xi32, #tpu.memory_space<vmem>>, vector<16xi32>,
        %get3A_2324 = vector.shape_cast %get3A_2323 : vector<16xi32> to vector<16xi32>
        %dma_start3A_2325 = arith.constant 0 : i32
        %dma_start3A_2326 = arith.constant 0 : i32
        %dma_start3A_2327 = arith.constant 624 : i32
        %dma_start3A_2328 = arith.constant 0 : i32
        %dma_start3A_2329 = tpu.memref_slice %arg6[%dma_start3A_2325, %dma_start3A_2327, %dma_start3A_2328] : memref<2x800x64xf32, #tpu.memory_space<vmem>> -> memref<1x16x64xf32, #tpu.memory_space<vmem>>
        %dma_start3A_2330 = tpu.memref_squeeze %dma_start3A_2329 : memref<1x16x64xf32, #tpu.memory_space<vmem>> -> memref<16x64xf32, #tpu.memory_space<vmem>>
        %dma_start3A_2331 = arith.constant 0 : i32
        %dma_start3A_2332 = arith.constant 0 : i32
        %dma_start3A_2333 = tpu.memref_slice %arg3[%dma_start3A_2331, %dma_start3A_2332] : memref<1000000x64xf32, #tpu.memory_space<hbm>> -> memref<1000000x64xf32, #tpu.memory_space<hbm>>
        %dma_start3A_2334 = tpu.memref_slice %arg7[%dma_start3A_2326] : memref<2x!tpu.dma_semaphore, #tpu.memory_space<semaphore_mem>> -> memref<1x!tpu.dma_semaphore, #tpu.memory_space<semaphore_mem>>
        %dma_start3A_2335 = tpu.memref_squeeze %dma_start3A_2334 : memref<1x!tpu.dma_semaphore, #tpu.memory_space<semaphore_mem>> -> memref<!tpu.dma_semaphore, #tpu.memory_space<semaphore_mem>>
        tpu.enqueue_indirect_dma source(%dma_start3A_2333 : memref<1000000x64xf32, #tpu.memory_space<hbm>>) target(%dma_start3A_2330 : memref<16x64xf32, #tpu.memory_space<vmem>>) offsets(%get3A_2324 : vector<16xi32>) semaphore(%dma_start3A_2335 : memref<!tpu.dma_semaphore, #tpu.memory_space<semaphore_mem>>)
        %mul3A_2336 = arith.constant 800 : i32
        %mul3A_2337 = arith.muli %add3A_1615, %mul3A_2336 : i32
        %add3A_2338 = arith.constant 640 : i32
        %add3A_2339 = arith.addi %mul3A_2337, %add3A_2338 : i32
        %get3A_2340 = arith.index_cast %add3A_2339 : i32 to index
        %get3A_2341 = tpu.vector_load %arg5[%get3A_2340] {strides = array<i32>} : memref<6400xi32, #tpu.memory_space<vmem>>, vector<16xi32>,
        %get3A_2342 = vector.shape_cast %get3A_2341 : vector<16xi32> to vector<16xi32>
        %dma_start3A_2343 = arith.constant 0 : i32
        %dma_start3A_2344 = arith.constant 0 : i32
        %dma_start3A_2345 = arith.constant 640 : i32
        %dma_start3A_2346 = arith.constant 0 : i32
        %dma_start3A_2347 = tpu.memref_slice %arg6[%dma_start3A_2343, %dma_start3A_2345, %dma_start3A_2346] : memref<2x800x64xf32, #tpu.memory_space<vmem>> -> memref<1x16x64xf32, #tpu.memory_space<vmem>>
        %dma_start3A_2348 = tpu.memref_squeeze %dma_start3A_2347 : memref<1x16x64xf32, #tpu.memory_space<vmem>> -> memref<16x64xf32, #tpu.memory_space<vmem>>
        %dma_start3A_2349 = arith.constant 0 : i32
        %dma_start3A_2350 = arith.constant 0 : i32
        %dma_start3A_2351 = tpu.memref_slice %arg3[%dma_start3A_2349, %dma_start3A_2350] : memref<1000000x64xf32, #tpu.memory_space<hbm>> -> memref<1000000x64xf32, #tpu.memory_space<hbm>>
        %dma_start3A_2352 = tpu.memref_slice %arg7[%dma_start3A_2344] : memref<2x!tpu.dma_semaphore, #tpu.memory_space<semaphore_mem>> -> memref<1x!tpu.dma_semaphore, #tpu.memory_space<semaphore_mem>>
        %dma_start3A_2353 = tpu.memref_squeeze %dma_start3A_2352 : memref<1x!tpu.dma_semaphore, #tpu.memory_space<semaphore_mem>> -> memref<!tpu.dma_semaphore, #tpu.memory_space<semaphore_mem>>
        tpu.enqueue_indirect_dma source(%dma_start3A_2351 : memref<1000000x64xf32, #tpu.memory_space<hbm>>) target(%dma_start3A_2348 : memref<16x64xf32, #tpu.memory_space<vmem>>) offsets(%get3A_2342 : vector<16xi32>) semaphore(%dma_start3A_2353 : memref<!tpu.dma_semaphore, #tpu.memory_space<semaphore_mem>>)
        %mul3A_2354 = arith.constant 800 : i32
        %mul3A_2355 = arith.muli %add3A_1615, %mul3A_2354 : i32
        %add3A_2356 = arith.constant 656 : i32
        %add3A_2357 = arith.addi %mul3A_2355, %add3A_2356 : i32
        %get3A_2358 = arith.index_cast %add3A_2357 : i32 to index
        %get3A_2359 = tpu.vector_load %arg5[%get3A_2358] {strides = array<i32>} : memref<6400xi32, #tpu.memory_space<vmem>>, vector<16xi32>,
        %get3A_2360 = vector.shape_cast %get3A_2359 : vector<16xi32> to vector<16xi32>
        %dma_start3A_2361 = arith.constant 0 : i32
        %dma_start3A_2362 = arith.constant 0 : i32
        %dma_start3A_2363 = arith.constant 656 : i32
        %dma_start3A_2364 = arith.constant 0 : i32
        %dma_start3A_2365 = tpu.memref_slice %arg6[%dma_start3A_2361, %dma_start3A_2363, %dma_start3A_2364] : memref<2x800x64xf32, #tpu.memory_space<vmem>> -> memref<1x16x64xf32, #tpu.memory_space<vmem>>
        %dma_start3A_2366 = tpu.memref_squeeze %dma_start3A_2365 : memref<1x16x64xf32, #tpu.memory_space<vmem>> -> memref<16x64xf32, #tpu.memory_space<vmem>>
        %dma_start3A_2367 = arith.constant 0 : i32
        %dma_start3A_2368 = arith.constant 0 : i32
        %dma_start3A_2369 = tpu.memref_slice %arg3[%dma_start3A_2367, %dma_start3A_2368] : memref<1000000x64xf32, #tpu.memory_space<hbm>> -> memref<1000000x64xf32, #tpu.memory_space<hbm>>
        %dma_start3A_2370 = tpu.memref_slice %arg7[%dma_start3A_2362] : memref<2x!tpu.dma_semaphore, #tpu.memory_space<semaphore_mem>> -> memref<1x!tpu.dma_semaphore, #tpu.memory_space<semaphore_mem>>
        %dma_start3A_2371 = tpu.memref_squeeze %dma_start3A_2370 : memref<1x!tpu.dma_semaphore, #tpu.memory_space<semaphore_mem>> -> memref<!tpu.dma_semaphore, #tpu.memory_space<semaphore_mem>>
        tpu.enqueue_indirect_dma source(%dma_start3A_2369 : memref<1000000x64xf32, #tpu.memory_space<hbm>>) target(%dma_start3A_2366 : memref<16x64xf32, #tpu.memory_space<vmem>>) offsets(%get3A_2360 : vector<16xi32>) semaphore(%dma_start3A_2371 : memref<!tpu.dma_semaphore, #tpu.memory_space<semaphore_mem>>)
        %mul3A_2372 = arith.constant 800 : i32
        %mul3A_2373 = arith.muli %add3A_1615, %mul3A_2372 : i32
        %add3A_2374 = arith.constant 672 : i32
        %add3A_2375 = arith.addi %mul3A_2373, %add3A_2374 : i32
        %get3A_2376 = arith.index_cast %add3A_2375 : i32 to index
        %get3A_2377 = tpu.vector_load %arg5[%get3A_2376] {strides = array<i32>} : memref<6400xi32, #tpu.memory_space<vmem>>, vector<16xi32>,
        %get3A_2378 = vector.shape_cast %get3A_2377 : vector<16xi32> to vector<16xi32>
        %dma_start3A_2379 = arith.constant 0 : i32
        %dma_start3A_2380 = arith.constant 0 : i32
        %dma_start3A_2381 = arith.constant 672 : i32
        %dma_start3A_2382 = arith.constant 0 : i32
        %dma_start3A_2383 = tpu.memref_slice %arg6[%dma_start3A_2379, %dma_start3A_2381, %dma_start3A_2382] : memref<2x800x64xf32, #tpu.memory_space<vmem>> -> memref<1x16x64xf32, #tpu.memory_space<vmem>>
        %dma_start3A_2384 = tpu.memref_squeeze %dma_start3A_2383 : memref<1x16x64xf32, #tpu.memory_space<vmem>> -> memref<16x64xf32, #tpu.memory_space<vmem>>
        %dma_start3A_2385 = arith.constant 0 : i32
        %dma_start3A_2386 = arith.constant 0 : i32
        %dma_start3A_2387 = tpu.memref_slice %arg3[%dma_start3A_2385, %dma_start3A_2386] : memref<1000000x64xf32, #tpu.memory_space<hbm>> -> memref<1000000x64xf32, #tpu.memory_space<hbm>>
        %dma_start3A_2388 = tpu.memref_slice %arg7[%dma_start3A_2380] : memref<2x!tpu.dma_semaphore, #tpu.memory_space<semaphore_mem>> -> memref<1x!tpu.dma_semaphore, #tpu.memory_space<semaphore_mem>>
        %dma_start3A_2389 = tpu.memref_squeeze %dma_start3A_2388 : memref<1x!tpu.dma_semaphore, #tpu.memory_space<semaphore_mem>> -> memref<!tpu.dma_semaphore, #tpu.memory_space<semaphore_mem>>
        tpu.enqueue_indirect_dma source(%dma_start3A_2387 : memref<1000000x64xf32, #tpu.memory_space<hbm>>) target(%dma_start3A_2384 : memref<16x64xf32, #tpu.memory_space<vmem>>) offsets(%get3A_2378 : vector<16xi32>) semaphore(%dma_start3A_2389 : memref<!tpu.dma_semaphore, #tpu.memory_space<semaphore_mem>>)
        %mul3A_2390 = arith.constant 800 : i32
        %mul3A_2391 = arith.muli %add3A_1615, %mul3A_2390 : i32
        %add3A_2392 = arith.constant 688 : i32
        %add3A_2393 = arith.addi %mul3A_2391, %add3A_2392 : i32
        %get3A_2394 = arith.index_cast %add3A_2393 : i32 to index
        %get3A_2395 = tpu.vector_load %arg5[%get3A_2394] {strides = array<i32>} : memref<6400xi32, #tpu.memory_space<vmem>>, vector<16xi32>,
        %get3A_2396 = vector.shape_cast %get3A_2395 : vector<16xi32> to vector<16xi32>
        %dma_start3A_2397 = arith.constant 0 : i32
        %dma_start3A_2398 = arith.constant 0 : i32
        %dma_start3A_2399 = arith.constant 688 : i32
        %dma_start3A_2400 = arith.constant 0 : i32
        %dma_start3A_2401 = tpu.memref_slice %arg6[%dma_start3A_2397, %dma_start3A_2399, %dma_start3A_2400] : memref<2x800x64xf32, #tpu.memory_space<vmem>> -> memref<1x16x64xf32, #tpu.memory_space<vmem>>
        %dma_start3A_2402 = tpu.memref_squeeze %dma_start3A_2401 : memref<1x16x64xf32, #tpu.memory_space<vmem>> -> memref<16x64xf32, #tpu.memory_space<vmem>>
        %dma_start3A_2403 = arith.constant 0 : i32
        %dma_start3A_2404 = arith.constant 0 : i32
        %dma_start3A_2405 = tpu.memref_slice %arg3[%dma_start3A_2403, %dma_start3A_2404] : memref<1000000x64xf32, #tpu.memory_space<hbm>> -> memref<1000000x64xf32, #tpu.memory_space<hbm>>
        %dma_start3A_2406 = tpu.memref_slice %arg7[%dma_start3A_2398] : memref<2x!tpu.dma_semaphore, #tpu.memory_space<semaphore_mem>> -> memref<1x!tpu.dma_semaphore, #tpu.memory_space<semaphore_mem>>
        %dma_start3A_2407 = tpu.memref_squeeze %dma_start3A_2406 : memref<1x!tpu.dma_semaphore, #tpu.memory_space<semaphore_mem>> -> memref<!tpu.dma_semaphore, #tpu.memory_space<semaphore_mem>>
        tpu.enqueue_indirect_dma source(%dma_start3A_2405 : memref<1000000x64xf32, #tpu.memory_space<hbm>>) target(%dma_start3A_2402 : memref<16x64xf32, #tpu.memory_space<vmem>>) offsets(%get3A_2396 : vector<16xi32>) semaphore(%dma_start3A_2407 : memref<!tpu.dma_semaphore, #tpu.memory_space<semaphore_mem>>)
        %mul3A_2408 = arith.constant 800 : i32
        %mul3A_2409 = arith.muli %add3A_1615, %mul3A_2408 : i32
        %add3A_2410 = arith.constant 704 : i32
        %add3A_2411 = arith.addi %mul3A_2409, %add3A_2410 : i32
        %get3A_2412 = arith.index_cast %add3A_2411 : i32 to index
        %get3A_2413 = tpu.vector_load %arg5[%get3A_2412] {strides = array<i32>} : memref<6400xi32, #tpu.memory_space<vmem>>, vector<16xi32>,
        %get3A_2414 = vector.shape_cast %get3A_2413 : vector<16xi32> to vector<16xi32>
        %dma_start3A_2415 = arith.constant 0 : i32
        %dma_start3A_2416 = arith.constant 0 : i32
        %dma_start3A_2417 = arith.constant 704 : i32
        %dma_start3A_2418 = arith.constant 0 : i32
        %dma_start3A_2419 = tpu.memref_slice %arg6[%dma_start3A_2415, %dma_start3A_2417, %dma_start3A_2418] : memref<2x800x64xf32, #tpu.memory_space<vmem>> -> memref<1x16x64xf32, #tpu.memory_space<vmem>>
        %dma_start3A_2420 = tpu.memref_squeeze %dma_start3A_2419 : memref<1x16x64xf32, #tpu.memory_space<vmem>> -> memref<16x64xf32, #tpu.memory_space<vmem>>
        %dma_start3A_2421 = arith.constant 0 : i32
        %dma_start3A_2422 = arith.constant 0 : i32
        %dma_start3A_2423 = tpu.memref_slice %arg3[%dma_start3A_2421, %dma_start3A_2422] : memref<1000000x64xf32, #tpu.memory_space<hbm>> -> memref<1000000x64xf32, #tpu.memory_space<hbm>>
        %dma_start3A_2424 = tpu.memref_slice %arg7[%dma_start3A_2416] : memref<2x!tpu.dma_semaphore, #tpu.memory_space<semaphore_mem>> -> memref<1x!tpu.dma_semaphore, #tpu.memory_space<semaphore_mem>>
        %dma_start3A_2425 = tpu.memref_squeeze %dma_start3A_2424 : memref<1x!tpu.dma_semaphore, #tpu.memory_space<semaphore_mem>> -> memref<!tpu.dma_semaphore, #tpu.memory_space<semaphore_mem>>
        tpu.enqueue_indirect_dma source(%dma_start3A_2423 : memref<1000000x64xf32, #tpu.memory_space<hbm>>) target(%dma_start3A_2420 : memref<16x64xf32, #tpu.memory_space<vmem>>) offsets(%get3A_2414 : vector<16xi32>) semaphore(%dma_start3A_2425 : memref<!tpu.dma_semaphore, #tpu.memory_space<semaphore_mem>>)
        %mul3A_2426 = arith.constant 800 : i32
        %mul3A_2427 = arith.muli %add3A_1615, %mul3A_2426 : i32
        %add3A_2428 = arith.constant 720 : i32
        %add3A_2429 = arith.addi %mul3A_2427, %add3A_2428 : i32
        %get3A_2430 = arith.index_cast %add3A_2429 : i32 to index
        %get3A_2431 = tpu.vector_load %arg5[%get3A_2430] {strides = array<i32>} : memref<6400xi32, #tpu.memory_space<vmem>>, vector<16xi32>,
        %get3A_2432 = vector.shape_cast %get3A_2431 : vector<16xi32> to vector<16xi32>
        %dma_start3A_2433 = arith.constant 0 : i32
        %dma_start3A_2434 = arith.constant 0 : i32
        %dma_start3A_2435 = arith.constant 720 : i32
        %dma_start3A_2436 = arith.constant 0 : i32
        %dma_start3A_2437 = tpu.memref_slice %arg6[%dma_start3A_2433, %dma_start3A_2435, %dma_start3A_2436] : memref<2x800x64xf32, #tpu.memory_space<vmem>> -> memref<1x16x64xf32, #tpu.memory_space<vmem>>
        %dma_start3A_2438 = tpu.memref_squeeze %dma_start3A_2437 : memref<1x16x64xf32, #tpu.memory_space<vmem>> -> memref<16x64xf32, #tpu.memory_space<vmem>>
        %dma_start3A_2439 = arith.constant 0 : i32
        %dma_start3A_2440 = arith.constant 0 : i32
        %dma_start3A_2441 = tpu.memref_slice %arg3[%dma_start3A_2439, %dma_start3A_2440] : memref<1000000x64xf32, #tpu.memory_space<hbm>> -> memref<1000000x64xf32, #tpu.memory_space<hbm>>
        %dma_start3A_2442 = tpu.memref_slice %arg7[%dma_start3A_2434] : memref<2x!tpu.dma_semaphore, #tpu.memory_space<semaphore_mem>> -> memref<1x!tpu.dma_semaphore, #tpu.memory_space<semaphore_mem>>
        %dma_start3A_2443 = tpu.memref_squeeze %dma_start3A_2442 : memref<1x!tpu.dma_semaphore, #tpu.memory_space<semaphore_mem>> -> memref<!tpu.dma_semaphore, #tpu.memory_space<semaphore_mem>>
        tpu.enqueue_indirect_dma source(%dma_start3A_2441 : memref<1000000x64xf32, #tpu.memory_space<hbm>>) target(%dma_start3A_2438 : memref<16x64xf32, #tpu.memory_space<vmem>>) offsets(%get3A_2432 : vector<16xi32>) semaphore(%dma_start3A_2443 : memref<!tpu.dma_semaphore, #tpu.memory_space<semaphore_mem>>)
        %mul3A_2444 = arith.constant 800 : i32
        %mul3A_2445 = arith.muli %add3A_1615, %mul3A_2444 : i32
        %add3A_2446 = arith.constant 736 : i32
        %add3A_2447 = arith.addi %mul3A_2445, %add3A_2446 : i32
        %get3A_2448 = arith.index_cast %add3A_2447 : i32 to index
        %get3A_2449 = tpu.vector_load %arg5[%get3A_2448] {strides = array<i32>} : memref<6400xi32, #tpu.memory_space<vmem>>, vector<16xi32>,
        %get3A_2450 = vector.shape_cast %get3A_2449 : vector<16xi32> to vector<16xi32>
        %dma_start3A_2451 = arith.constant 0 : i32
        %dma_start3A_2452 = arith.constant 0 : i32
        %dma_start3A_2453 = arith.constant 736 : i32
        %dma_start3A_2454 = arith.constant 0 : i32
        %dma_start3A_2455 = tpu.memref_slice %arg6[%dma_start3A_2451, %dma_start3A_2453, %dma_start3A_2454] : memref<2x800x64xf32, #tpu.memory_space<vmem>> -> memref<1x16x64xf32, #tpu.memory_space<vmem>>
        %dma_start3A_2456 = tpu.memref_squeeze %dma_start3A_2455 : memref<1x16x64xf32, #tpu.memory_space<vmem>> -> memref<16x64xf32, #tpu.memory_space<vmem>>
        %dma_start3A_2457 = arith.constant 0 : i32
        %dma_start3A_2458 = arith.constant 0 : i32
        %dma_start3A_2459 = tpu.memref_slice %arg3[%dma_start3A_2457, %dma_start3A_2458] : memref<1000000x64xf32, #tpu.memory_space<hbm>> -> memref<1000000x64xf32, #tpu.memory_space<hbm>>
        %dma_start3A_2460 = tpu.memref_slice %arg7[%dma_start3A_2452] : memref<2x!tpu.dma_semaphore, #tpu.memory_space<semaphore_mem>> -> memref<1x!tpu.dma_semaphore, #tpu.memory_space<semaphore_mem>>
        %dma_start3A_2461 = tpu.memref_squeeze %dma_start3A_2460 : memref<1x!tpu.dma_semaphore, #tpu.memory_space<semaphore_mem>> -> memref<!tpu.dma_semaphore, #tpu.memory_space<semaphore_mem>>
        tpu.enqueue_indirect_dma source(%dma_start3A_2459 : memref<1000000x64xf32, #tpu.memory_space<hbm>>) target(%dma_start3A_2456 : memref<16x64xf32, #tpu.memory_space<vmem>>) offsets(%get3A_2450 : vector<16xi32>) semaphore(%dma_start3A_2461 : memref<!tpu.dma_semaphore, #tpu.memory_space<semaphore_mem>>)
        %mul3A_2462 = arith.constant 800 : i32
        %mul3A_2463 = arith.muli %add3A_1615, %mul3A_2462 : i32
        %add3A_2464 = arith.constant 752 : i32
        %add3A_2465 = arith.addi %mul3A_2463, %add3A_2464 : i32
        %get3A_2466 = arith.index_cast %add3A_2465 : i32 to index
        %get3A_2467 = tpu.vector_load %arg5[%get3A_2466] {strides = array<i32>} : memref<6400xi32, #tpu.memory_space<vmem>>, vector<16xi32>,
        %get3A_2468 = vector.shape_cast %get3A_2467 : vector<16xi32> to vector<16xi32>
        %dma_start3A_2469 = arith.constant 0 : i32
        %dma_start3A_2470 = arith.constant 0 : i32
        %dma_start3A_2471 = arith.constant 752 : i32
        %dma_start3A_2472 = arith.constant 0 : i32
        %dma_start3A_2473 = tpu.memref_slice %arg6[%dma_start3A_2469, %dma_start3A_2471, %dma_start3A_2472] : memref<2x800x64xf32, #tpu.memory_space<vmem>> -> memref<1x16x64xf32, #tpu.memory_space<vmem>>
        %dma_start3A_2474 = tpu.memref_squeeze %dma_start3A_2473 : memref<1x16x64xf32, #tpu.memory_space<vmem>> -> memref<16x64xf32, #tpu.memory_space<vmem>>
        %dma_start3A_2475 = arith.constant 0 : i32
        %dma_start3A_2476 = arith.constant 0 : i32
        %dma_start3A_2477 = tpu.memref_slice %arg3[%dma_start3A_2475, %dma_start3A_2476] : memref<1000000x64xf32, #tpu.memory_space<hbm>> -> memref<1000000x64xf32, #tpu.memory_space<hbm>>
        %dma_start3A_2478 = tpu.memref_slice %arg7[%dma_start3A_2470] : memref<2x!tpu.dma_semaphore, #tpu.memory_space<semaphore_mem>> -> memref<1x!tpu.dma_semaphore, #tpu.memory_space<semaphore_mem>>
        %dma_start3A_2479 = tpu.memref_squeeze %dma_start3A_2478 : memref<1x!tpu.dma_semaphore, #tpu.memory_space<semaphore_mem>> -> memref<!tpu.dma_semaphore, #tpu.memory_space<semaphore_mem>>
        tpu.enqueue_indirect_dma source(%dma_start3A_2477 : memref<1000000x64xf32, #tpu.memory_space<hbm>>) target(%dma_start3A_2474 : memref<16x64xf32, #tpu.memory_space<vmem>>) offsets(%get3A_2468 : vector<16xi32>) semaphore(%dma_start3A_2479 : memref<!tpu.dma_semaphore, #tpu.memory_space<semaphore_mem>>)
        %mul3A_2480 = arith.constant 800 : i32
        %mul3A_2481 = arith.muli %add3A_1615, %mul3A_2480 : i32
        %add3A_2482 = arith.constant 768 : i32
        %add3A_2483 = arith.addi %mul3A_2481, %add3A_2482 : i32
        %get3A_2484 = arith.index_cast %add3A_2483 : i32 to index
        %get3A_2485 = tpu.vector_load %arg5[%get3A_2484] {strides = array<i32>} : memref<6400xi32, #tpu.memory_space<vmem>>, vector<16xi32>,
        %get3A_2486 = vector.shape_cast %get3A_2485 : vector<16xi32> to vector<16xi32>
        %dma_start3A_2487 = arith.constant 0 : i32
        %dma_start3A_2488 = arith.constant 0 : i32
        %dma_start3A_2489 = arith.constant 768 : i32
        %dma_start3A_2490 = arith.constant 0 : i32
        %dma_start3A_2491 = tpu.memref_slice %arg6[%dma_start3A_2487, %dma_start3A_2489, %dma_start3A_2490] : memref<2x800x64xf32, #tpu.memory_space<vmem>> -> memref<1x16x64xf32, #tpu.memory_space<vmem>>
        %dma_start3A_2492 = tpu.memref_squeeze %dma_start3A_2491 : memref<1x16x64xf32, #tpu.memory_space<vmem>> -> memref<16x64xf32, #tpu.memory_space<vmem>>
        %dma_start3A_2493 = arith.constant 0 : i32
        %dma_start3A_2494 = arith.constant 0 : i32
        %dma_start3A_2495 = tpu.memref_slice %arg3[%dma_start3A_2493, %dma_start3A_2494] : memref<1000000x64xf32, #tpu.memory_space<hbm>> -> memref<1000000x64xf32, #tpu.memory_space<hbm>>
        %dma_start3A_2496 = tpu.memref_slice %arg7[%dma_start3A_2488] : memref<2x!tpu.dma_semaphore, #tpu.memory_space<semaphore_mem>> -> memref<1x!tpu.dma_semaphore, #tpu.memory_space<semaphore_mem>>
        %dma_start3A_2497 = tpu.memref_squeeze %dma_start3A_2496 : memref<1x!tpu.dma_semaphore, #tpu.memory_space<semaphore_mem>> -> memref<!tpu.dma_semaphore, #tpu.memory_space<semaphore_mem>>
        tpu.enqueue_indirect_dma source(%dma_start3A_2495 : memref<1000000x64xf32, #tpu.memory_space<hbm>>) target(%dma_start3A_2492 : memref<16x64xf32, #tpu.memory_space<vmem>>) offsets(%get3A_2486 : vector<16xi32>) semaphore(%dma_start3A_2497 : memref<!tpu.dma_semaphore, #tpu.memory_space<semaphore_mem>>)
        %mul3A_2498 = arith.constant 800 : i32
        %mul3A_2499 = arith.muli %add3A_1615, %mul3A_2498 : i32
        %add3A_2500 = arith.constant 784 : i32
        %add3A_2501 = arith.addi %mul3A_2499, %add3A_2500 : i32
        %get3A_2502 = arith.index_cast %add3A_2501 : i32 to index
        %get3A_2503 = tpu.vector_load %arg5[%get3A_2502] {strides = array<i32>} : memref<6400xi32, #tpu.memory_space<vmem>>, vector<16xi32>,
        %get3A_2504 = vector.shape_cast %get3A_2503 : vector<16xi32> to vector<16xi32>
        %dma_start3A_2505 = arith.constant 0 : i32
        %dma_start3A_2506 = arith.constant 0 : i32
        %dma_start3A_2507 = arith.constant 784 : i32
        %dma_start3A_2508 = arith.constant 0 : i32
        %dma_start3A_2509 = tpu.memref_slice %arg6[%dma_start3A_2505, %dma_start3A_2507, %dma_start3A_2508] : memref<2x800x64xf32, #tpu.memory_space<vmem>> -> memref<1x16x64xf32, #tpu.memory_space<vmem>>
        %dma_start3A_2510 = tpu.memref_squeeze %dma_start3A_2509 : memref<1x16x64xf32, #tpu.memory_space<vmem>> -> memref<16x64xf32, #tpu.memory_space<vmem>>
        %dma_start3A_2511 = arith.constant 0 : i32
        %dma_start3A_2512 = arith.constant 0 : i32
        %dma_start3A_2513 = tpu.memref_slice %arg3[%dma_start3A_2511, %dma_start3A_2512] : memref<1000000x64xf32, #tpu.memory_space<hbm>> -> memref<1000000x64xf32, #tpu.memory_space<hbm>>
        %dma_start3A_2514 = tpu.memref_slice %arg7[%dma_start3A_2506] : memref<2x!tpu.dma_semaphore, #tpu.memory_space<semaphore_mem>> -> memref<1x!tpu.dma_semaphore, #tpu.memory_space<semaphore_mem>>
        %dma_start3A_2515 = tpu.memref_squeeze %dma_start3A_2514 : memref<1x!tpu.dma_semaphore, #tpu.memory_space<semaphore_mem>> -> memref<!tpu.dma_semaphore, #tpu.memory_space<semaphore_mem>>
        tpu.enqueue_indirect_dma source(%dma_start3A_2513 : memref<1000000x64xf32, #tpu.memory_space<hbm>>) target(%dma_start3A_2510 : memref<16x64xf32, #tpu.memory_space<vmem>>) offsets(%get3A_2504 : vector<16xi32>) semaphore(%dma_start3A_2515 : memref<!tpu.dma_semaphore, #tpu.memory_space<semaphore_mem>>)
      } else {
      }
      %dma_wait3A_1214 = arith.constant 1 : i32
      %dma_wait3A_1215 = arith.constant 1 : i32
      %dma_wait3A_1216 = arith.constant 0 : i32
      %dma_wait3A_1217 = arith.constant 0 : i32
      %dma_wait3A_1218 = tpu.memref_slice %arg6[%dma_wait3A_1214, %dma_wait3A_1216, %dma_wait3A_1217] : memref<2x800x64xf32, #tpu.memory_space<vmem>> -> memref<1x800x64xf32, #tpu.memory_space<vmem>>
      %dma_wait3A_1219 = tpu.memref_squeeze %dma_wait3A_1218 : memref<1x800x64xf32, #tpu.memory_space<vmem>> -> memref<800x64xf32, #tpu.memory_space<vmem>>
      %dma_wait3A_1220 = arith.constant 0 : i32
      %dma_wait3A_1221 = arith.constant 0 : i32
      %dma_wait3A_1222 = tpu.memref_slice %arg3[%dma_wait3A_1220, %dma_wait3A_1221] : memref<1000000x64xf32, #tpu.memory_space<hbm>> -> memref<800x64xf32, #tpu.memory_space<hbm>>
      %dma_wait3A_1223 = tpu.memref_slice %arg7[%dma_wait3A_1215] : memref<2x!tpu.dma_semaphore, #tpu.memory_space<semaphore_mem>> -> memref<1x!tpu.dma_semaphore, #tpu.memory_space<semaphore_mem>>
      %dma_wait3A_1224 = tpu.memref_squeeze %dma_wait3A_1223 : memref<1x!tpu.dma_semaphore, #tpu.memory_space<semaphore_mem>> -> memref<!tpu.dma_semaphore, #tpu.memory_space<semaphore_mem>>
      %dma_wait3A_1225 = arith.constant 0 : i32
      %dma_wait3A_1226 = arith.constant 0 : i32
      %dma_wait3A_1227 = tpu.memref_slice %arg6[%dma_wait3A_1214, %dma_wait3A_1225, %dma_wait3A_1226] : memref<2x800x64xf32, #tpu.memory_space<vmem>> -> memref<1x800x64xf32, #tpu.memory_space<vmem>>
      %dma_wait3A_1228 = tpu.memref_squeeze %dma_wait3A_1227 : memref<1x800x64xf32, #tpu.memory_space<vmem>> -> memref<800x64xf32, #tpu.memory_space<vmem>>
      %dma_wait3A_1229 = arith.constant 0 : i32
      %dma_wait3A_1230 = arith.constant 0 : i32
      %dma_wait3A_1231 = tpu.memref_slice %arg3[%dma_wait3A_1229, %dma_wait3A_1230] : memref<1000000x64xf32, #tpu.memory_space<hbm>> -> memref<800x64xf32, #tpu.memory_space<hbm>>
      tpu.wait_dma2 semaphore(%dma_wait3A_1224 : memref<!tpu.dma_semaphore, #tpu.memory_space<semaphore_mem>>) src(%dma_wait3A_1231 : memref<800x64xf32, #tpu.memory_space<hbm>>) dst(%dma_wait3A_1228 : memref<800x64xf32, #tpu.memory_space<vmem>>)
      %parallel_loop3A_1232 = arith.constant 0 : i32
      %parallel_loop3A_1233 = arith.constant 800 : i32
      %parallel_loop3A_1234 = arith.constant 1 : i32
      scf.for %parallel_loop3A_1614 = %parallel_loop3A_1232 to %parallel_loop3A_1233 step %parallel_loop3A_1234  : i32 {
        %parallel_loop3A_1615 = arith.constant 1 : i32
        %parallel_loop3A_1616 = arith.index_cast %parallel_loop3A_1615 : i32 to index
        %parallel_loop3A_1617 = arith.index_cast %parallel_loop3A_1614 : i32 to index
        %parallel_loop3A_1618 = arith.constant 0 : index
        %parallel_loop3A_1619 = tpu.vector_load %arg6[%parallel_loop3A_1616, %parallel_loop3A_1617, %parallel_loop3A_1618] {strides = array<i32>} : memref<2x800x64xf32, #tpu.memory_space<vmem>>, vector<1x1x16xf32>,
        %parallel_loop3A_1620 = vector.shape_cast %parallel_loop3A_1619 : vector<1x1x16xf32> to vector<16xf32>
        %parallel_loop3A_1621 = arith.constant 8.000000e+00 : f32
        %parallel_loop3A_1622 = vector.broadcast %parallel_loop3A_1621 : f32 to vector<16xf32>
        %parallel_loop3A_1623 = arith.mulf %parallel_loop3A_1620, %parallel_loop3A_1622 : vector<16xf32>
        %parallel_loop3A_1624 = arith.constant 1 : i32
        %parallel_loop3A_1625 = arith.index_cast %parallel_loop3A_1624 : i32 to index
        %parallel_loop3A_1626 = arith.index_cast %parallel_loop3A_1614 : i32 to index
        %parallel_loop3A_1627 = arith.constant 0 : index
        %parallel_loop3A_1628 = tpu.vector_load %arg6[%parallel_loop3A_1625, %parallel_loop3A_1626, %parallel_loop3A_1627] {strides = array<i32>} : memref<2x800x64xf32, #tpu.memory_space<vmem>>, vector<1x1x16xf32>,
        %parallel_loop3A_1629 = vector.shape_cast %parallel_loop3A_1628 : vector<1x1x16xf32> to vector<16xf32>
        %parallel_loop3A_1630 = vector.shape_cast %parallel_loop3A_1623 : vector<16xf32> to vector<1x1x16xf32>
        tpu.vector_store %arg6[%parallel_loop3A_1625, %parallel_loop3A_1626, %parallel_loop3A_1627], %parallel_loop3A_1630 {strides = array<i32>} : memref<2x800x64xf32, #tpu.memory_space<vmem>>, vector<1x1x16xf32>,
        %parallel_loop3A_1631 = arith.constant 1 : i32
        %parallel_loop3A_1632 = arith.index_cast %parallel_loop3A_1631 : i32 to index
        %parallel_loop3A_1633 = arith.index_cast %parallel_loop3A_1614 : i32 to index
        %parallel_loop3A_1634 = arith.constant 16 : index
        %parallel_loop3A_1635 = tpu.vector_load %arg6[%parallel_loop3A_1632, %parallel_loop3A_1633, %parallel_loop3A_1634] {strides = array<i32>} : memref<2x800x64xf32, #tpu.memory_space<vmem>>, vector<1x1x16xf32>,
        %parallel_loop3A_1636 = vector.shape_cast %parallel_loop3A_1635 : vector<1x1x16xf32> to vector<16xf32>
        %parallel_loop3A_1637 = arith.constant 8.000000e+00 : f32
        %parallel_loop3A_1638 = vector.broadcast %parallel_loop3A_1637 : f32 to vector<16xf32>
        %parallel_loop3A_1639 = arith.mulf %parallel_loop3A_1636, %parallel_loop3A_1638 : vector<16xf32>
        %parallel_loop3A_1640 = arith.constant 1 : i32
        %parallel_loop3A_1641 = arith.index_cast %parallel_loop3A_1640 : i32 to index
        %parallel_loop3A_1642 = arith.index_cast %parallel_loop3A_1614 : i32 to index
        %parallel_loop3A_1643 = arith.constant 16 : index
        %parallel_loop3A_1644 = tpu.vector_load %arg6[%parallel_loop3A_1641, %parallel_loop3A_1642, %parallel_loop3A_1643] {strides = array<i32>} : memref<2x800x64xf32, #tpu.memory_space<vmem>>, vector<1x1x16xf32>,
        %parallel_loop3A_1645 = vector.shape_cast %parallel_loop3A_1644 : vector<1x1x16xf32> to vector<16xf32>
        %parallel_loop3A_1646 = vector.shape_cast %parallel_loop3A_1639 : vector<16xf32> to vector<1x1x16xf32>
        tpu.vector_store %arg6[%parallel_loop3A_1641, %parallel_loop3A_1642, %parallel_loop3A_1643], %parallel_loop3A_1646 {strides = array<i32>} : memref<2x800x64xf32, #tpu.memory_space<vmem>>, vector<1x1x16xf32>,
        %parallel_loop3A_1647 = arith.constant 1 : i32
        %parallel_loop3A_1648 = arith.index_cast %parallel_loop3A_1647 : i32 to index
        %parallel_loop3A_1649 = arith.index_cast %parallel_loop3A_1614 : i32 to index
        %parallel_loop3A_1650 = arith.constant 32 : index
        %parallel_loop3A_1651 = tpu.vector_load %arg6[%parallel_loop3A_1648, %parallel_loop3A_1649, %parallel_loop3A_1650] {strides = array<i32>} : memref<2x800x64xf32, #tpu.memory_space<vmem>>, vector<1x1x16xf32>,
        %parallel_loop3A_1652 = vector.shape_cast %parallel_loop3A_1651 : vector<1x1x16xf32> to vector<16xf32>
        %parallel_loop3A_1653 = arith.constant 8.000000e+00 : f32
        %parallel_loop3A_1654 = vector.broadcast %parallel_loop3A_1653 : f32 to vector<16xf32>
        %parallel_loop3A_1655 = arith.mulf %parallel_loop3A_1652, %parallel_loop3A_1654 : vector<16xf32>
        %parallel_loop3A_1656 = arith.constant 1 : i32
        %parallel_loop3A_1657 = arith.index_cast %parallel_loop3A_1656 : i32 to index
        %parallel_loop3A_1658 = arith.index_cast %parallel_loop3A_1614 : i32 to index
        %parallel_loop3A_1659 = arith.constant 32 : index
        %parallel_loop3A_1660 = tpu.vector_load %arg6[%parallel_loop3A_1657, %parallel_loop3A_1658, %parallel_loop3A_1659] {strides = array<i32>} : memref<2x800x64xf32, #tpu.memory_space<vmem>>, vector<1x1x16xf32>,
        %parallel_loop3A_1661 = vector.shape_cast %parallel_loop3A_1660 : vector<1x1x16xf32> to vector<16xf32>
        %parallel_loop3A_1662 = vector.shape_cast %parallel_loop3A_1655 : vector<16xf32> to vector<1x1x16xf32>
        tpu.vector_store %arg6[%parallel_loop3A_1657, %parallel_loop3A_1658, %parallel_loop3A_1659], %parallel_loop3A_1662 {strides = array<i32>} : memref<2x800x64xf32, #tpu.memory_space<vmem>>, vector<1x1x16xf32>,
        %parallel_loop3A_1663 = arith.constant 1 : i32
        %parallel_loop3A_1664 = arith.index_cast %parallel_loop3A_1663 : i32 to index
        %parallel_loop3A_1665 = arith.index_cast %parallel_loop3A_1614 : i32 to index
        %parallel_loop3A_1666 = arith.constant 48 : index
        %parallel_loop3A_1667 = tpu.vector_load %arg6[%parallel_loop3A_1664, %parallel_loop3A_1665, %parallel_loop3A_1666] {strides = array<i32>} : memref<2x800x64xf32, #tpu.memory_space<vmem>>, vector<1x1x16xf32>,
        %parallel_loop3A_1668 = vector.shape_cast %parallel_loop3A_1667 : vector<1x1x16xf32> to vector<16xf32>
        %parallel_loop3A_1669 = arith.constant 8.000000e+00 : f32
        %parallel_loop3A_1670 = vector.broadcast %parallel_loop3A_1669 : f32 to vector<16xf32>
        %parallel_loop3A_1671 = arith.mulf %parallel_loop3A_1668, %parallel_loop3A_1670 : vector<16xf32>
        %parallel_loop3A_1672 = arith.constant 1 : i32
        %parallel_loop3A_1673 = arith.index_cast %parallel_loop3A_1672 : i32 to index
        %parallel_loop3A_1674 = arith.index_cast %parallel_loop3A_1614 : i32 to index
        %parallel_loop3A_1675 = arith.constant 48 : index
        %parallel_loop3A_1676 = tpu.vector_load %arg6[%parallel_loop3A_1673, %parallel_loop3A_1674, %parallel_loop3A_1675] {strides = array<i32>} : memref<2x800x64xf32, #tpu.memory_space<vmem>>, vector<1x1x16xf32>,
        %parallel_loop3A_1677 = vector.shape_cast %parallel_loop3A_1676 : vector<1x1x16xf32> to vector<16xf32>
        %parallel_loop3A_1678 = vector.shape_cast %parallel_loop3A_1671 : vector<16xf32> to vector<1x1x16xf32>
        tpu.vector_store %arg6[%parallel_loop3A_1673, %parallel_loop3A_1674, %parallel_loop3A_1675], %parallel_loop3A_1678 {strides = array<i32>} : memref<2x800x64xf32, #tpu.memory_space<vmem>>, vector<1x1x16xf32>,
      } {sc.loop_unroll_factor = 8 : i64, sc.parallel_access}
      %mul3A_1235 = arith.constant 800 : i32
      %mul3A_1236 = arith.muli %add3A_1159, %mul3A_1235 : i32
      %add3A_1237 = arith.addi %mul3A_2, %mul3A_1236 : i32
      %jit3A_1238 = arith.constant 50 : i32
      %div3A_1239 = arith.divsi %add3A_1237, %jit3A_1238 : i32
      %sign3A_1240 = arith.constant 0 : i32
      %sign3A_1241 = arith.cmpi sgt, %add3A_1237, %sign3A_1240 : i32
      %sign3A_1242 = arith.extui %sign3A_1241 : i1 to i32
      %sign3A_1243 = arith.constant 0 : i32
      %sign3A_1244 = arith.cmpi slt, %add3A_1237, %sign3A_1243 : i32
      %sign3A_1245 = arith.extui %sign3A_1244 : i1 to i32
      %sign3A_1246 = arith.subi %sign3A_1242, %sign3A_1245 : i32
      %sign3A_1247 = arith.constant 0 : i32
      %sign3A_1248 = arith.cmpi sgt, %jit3A_1238, %sign3A_1247 : i32
      %sign3A_1249 = arith.extui %sign3A_1248 : i1 to i32
      %sign3A_1250 = arith.constant 0 : i32
      %sign3A_1251 = arith.cmpi slt, %jit3A_1238, %sign3A_1250 : i32
      %sign3A_1252 = arith.extui %sign3A_1251 : i1 to i32
      %sign3A_1253 = arith.subi %sign3A_1249, %sign3A_1252 : i32
      %ne3A_1254 = arith.cmpi ne, %sign3A_1246, %sign3A_1253 : i32
      %rem3A_1255 = arith.remsi %add3A_1237, %jit3A_1238 : i32
      %ne3A_1256 = arith.constant 0 : i32
      %ne3A_1257 = arith.cmpi ne, %rem3A_1255, %ne3A_1256 : i32
      %and3A_1258 = arith.andi %ne3A_1254, %ne3A_1257 : i1
      %sub3A_1259 = arith.constant 1 : i32
      %sub3A_1260 = arith.subi %div3A_1239, %sub3A_1259 : i32
      %select_n3A_1261 = arith.select %and3A_1258, %sub3A_1260, %div3A_1239 : i32
      %add3A_1262 = arith.constant 0 : i32
      %add3A_1263 = arith.addi %select_n3A_1261, %add3A_1262 : i32
      %dma_start3A_1264 = arith.constant 1 : i32
      %dma_start3A_1265 = arith.constant 1 : i32
      %dma_start3A_1266 = arith.constant 0 : i32
      %dma_start3A_1267 = arith.constant 0 : i32
      %dma_start3A_1268 = tpu.memref_slice %arg6[%dma_start3A_1264, %dma_start3A_1266, %dma_start3A_1267] : memref<2x800x64xf32, #tpu.memory_space<vmem>> -> memref<1x50x64xf32, #tpu.memory_space<vmem>>
      %dma_start3A_1269 = tpu.memref_squeeze %dma_start3A_1268 : memref<1x50x64xf32, #tpu.memory_space<vmem>> -> memref<50x64xf32, #tpu.memory_space<vmem>>
      %dma_start3A_1270 = arith.constant 0 : i32
      %dma_start3A_1271 = arith.constant 0 : i32
      %dma_start3A_1272 = tpu.memref_slice %arg4[%add3A_1263, %dma_start3A_1270, %dma_start3A_1271] : memref<4096x50x64xf32, #tpu.memory_space<hbm>> -> memref<1x50x64xf32, #tpu.memory_space<hbm>>
      %dma_start3A_1273 = tpu.memref_squeeze %dma_start3A_1272 : memref<1x50x64xf32, #tpu.memory_space<hbm>> -> memref<50x64xf32, #tpu.memory_space<hbm>>
      %dma_start3A_1274 = tpu.memref_slice %arg8[%dma_start3A_1265] : memref<2x!tpu.dma_semaphore, #tpu.memory_space<semaphore_mem>> -> memref<1x!tpu.dma_semaphore, #tpu.memory_space<semaphore_mem>>
      %dma_start3A_1275 = tpu.memref_squeeze %dma_start3A_1274 : memref<1x!tpu.dma_semaphore, #tpu.memory_space<semaphore_mem>> -> memref<!tpu.dma_semaphore, #tpu.memory_space<semaphore_mem>>
      %dma_start3A_1276 = arith.constant 0 : i32
      %dma_start3A_1277 = arith.constant 0 : i32
      %dma_start3A_1278 = tpu.memref_slice %arg4[%add3A_1263, %dma_start3A_1276, %dma_start3A_1277] : memref<4096x50x64xf32, #tpu.memory_space<hbm>> -> memref<1x50x64xf32, #tpu.memory_space<hbm>>
      %dma_start3A_1279 = tpu.memref_squeeze %dma_start3A_1278 : memref<1x50x64xf32, #tpu.memory_space<hbm>> -> memref<50x64xf32, #tpu.memory_space<hbm>>
      %dma_start3A_1280 = arith.constant 0 : i32
      %dma_start3A_1281 = arith.constant 0 : i32
      %dma_start3A_1282 = tpu.memref_slice %arg6[%dma_start3A_1264, %dma_start3A_1280, %dma_start3A_1281] : memref<2x800x64xf32, #tpu.memory_space<vmem>> -> memref<1x50x64xf32, #tpu.memory_space<vmem>>
      %dma_start3A_1283 = tpu.memref_squeeze %dma_start3A_1282 : memref<1x50x64xf32, #tpu.memory_space<vmem>> -> memref<50x64xf32, #tpu.memory_space<vmem>>
      tpu.enqueue_dma source(%dma_start3A_1283 : memref<50x64xf32, #tpu.memory_space<vmem>>) target(%dma_start3A_1279 : memref<50x64xf32, #tpu.memory_space<hbm>>) target_semaphore(%dma_start3A_1275 : memref<!tpu.dma_semaphore, #tpu.memory_space<semaphore_mem>>)
      %add3A_1284 = arith.constant 1 : i32
      %add3A_1285 = arith.addi %select_n3A_1261, %add3A_1284 : i32
      %dma_start3A_1286 = arith.constant 1 : i32
      %dma_start3A_1287 = arith.constant 1 : i32
      %dma_start3A_1288 = arith.constant 50 : i32
      %dma_start3A_1289 = arith.constant 0 : i32
      %dma_start3A_1290 = tpu.memref_slice %arg6[%dma_start3A_1286, %dma_start3A_1288, %dma_start3A_1289] : memref<2x800x64xf32, #tpu.memory_space<vmem>> -> memref<1x50x64xf32, #tpu.memory_space<vmem>>
      %dma_start3A_1291 = tpu.memref_squeeze %dma_start3A_1290 : memref<1x50x64xf32, #tpu.memory_space<vmem>> -> memref<50x64xf32, #tpu.memory_space<vmem>>
      %dma_start3A_1292 = arith.constant 0 : i32
      %dma_start3A_1293 = arith.constant 0 : i32
      %dma_start3A_1294 = tpu.memref_slice %arg4[%add3A_1285, %dma_start3A_1292, %dma_start3A_1293] : memref<4096x50x64xf32, #tpu.memory_space<hbm>> -> memref<1x50x64xf32, #tpu.memory_space<hbm>>
      %dma_start3A_1295 = tpu.memref_squeeze %dma_start3A_1294 : memref<1x50x64xf32, #tpu.memory_space<hbm>> -> memref<50x64xf32, #tpu.memory_space<hbm>>
      %dma_start3A_1296 = tpu.memref_slice %arg8[%dma_start3A_1287] : memref<2x!tpu.dma_semaphore, #tpu.memory_space<semaphore_mem>> -> memref<1x!tpu.dma_semaphore, #tpu.memory_space<semaphore_mem>>
      %dma_start3A_1297 = tpu.memref_squeeze %dma_start3A_1296 : memref<1x!tpu.dma_semaphore, #tpu.memory_space<semaphore_mem>> -> memref<!tpu.dma_semaphore, #tpu.memory_space<semaphore_mem>>
      %dma_start3A_1298 = arith.constant 0 : i32
      %dma_start3A_1299 = arith.constant 0 : i32
      %dma_start3A_1300 = tpu.memref_slice %arg4[%add3A_1285, %dma_start3A_1298, %dma_start3A_1299] : memref<4096x50x64xf32, #tpu.memory_space<hbm>> -> memref<1x50x64xf32, #tpu.memory_space<hbm>>
      %dma_start3A_1301 = tpu.memref_squeeze %dma_start3A_1300 : memref<1x50x64xf32, #tpu.memory_space<hbm>> -> memref<50x64xf32, #tpu.memory_space<hbm>>
      %dma_start3A_1302 = arith.constant 50 : i32
      %dma_start3A_1303 = arith.constant 0 : i32
      %dma_start3A_1304 = tpu.memref_slice %arg6[%dma_start3A_1286, %dma_start3A_1302, %dma_start3A_1303] : memref<2x800x64xf32, #tpu.memory_space<vmem>> -> memref<1x50x64xf32, #tpu.memory_space<vmem>>
      %dma_start3A_1305 = tpu.memref_squeeze %dma_start3A_1304 : memref<1x50x64xf32, #tpu.memory_space<vmem>> -> memref<50x64xf32, #tpu.memory_space<vmem>>
      tpu.enqueue_dma source(%dma_start3A_1305 : memref<50x64xf32, #tpu.memory_space<vmem>>) target(%dma_start3A_1301 : memref<50x64xf32, #tpu.memory_space<hbm>>) target_semaphore(%dma_start3A_1297 : memref<!tpu.dma_semaphore, #tpu.memory_space<semaphore_mem>>)
      %add3A_1306 = arith.constant 2 : i32
      %add3A_1307 = arith.addi %select_n3A_1261, %add3A_1306 : i32
      %dma_start3A_1308 = arith.constant 1 : i32
      %dma_start3A_1309 = arith.constant 1 : i32
      %dma_start3A_1310 = arith.constant 100 : i32
      %dma_start3A_1311 = arith.constant 0 : i32
      %dma_start3A_1312 = tpu.memref_slice %arg6[%dma_start3A_1308, %dma_start3A_1310, %dma_start3A_1311] : memref<2x800x64xf32, #tpu.memory_space<vmem>> -> memref<1x50x64xf32, #tpu.memory_space<vmem>>
      %dma_start3A_1313 = tpu.memref_squeeze %dma_start3A_1312 : memref<1x50x64xf32, #tpu.memory_space<vmem>> -> memref<50x64xf32, #tpu.memory_space<vmem>>
      %dma_start3A_1314 = arith.constant 0 : i32
      %dma_start3A_1315 = arith.constant 0 : i32
      %dma_start3A_1316 = tpu.memref_slice %arg4[%add3A_1307, %dma_start3A_1314, %dma_start3A_1315] : memref<4096x50x64xf32, #tpu.memory_space<hbm>> -> memref<1x50x64xf32, #tpu.memory_space<hbm>>
      %dma_start3A_1317 = tpu.memref_squeeze %dma_start3A_1316 : memref<1x50x64xf32, #tpu.memory_space<hbm>> -> memref<50x64xf32, #tpu.memory_space<hbm>>
      %dma_start3A_1318 = tpu.memref_slice %arg8[%dma_start3A_1309] : memref<2x!tpu.dma_semaphore, #tpu.memory_space<semaphore_mem>> -> memref<1x!tpu.dma_semaphore, #tpu.memory_space<semaphore_mem>>
      %dma_start3A_1319 = tpu.memref_squeeze %dma_start3A_1318 : memref<1x!tpu.dma_semaphore, #tpu.memory_space<semaphore_mem>> -> memref<!tpu.dma_semaphore, #tpu.memory_space<semaphore_mem>>
      %dma_start3A_1320 = arith.constant 0 : i32
      %dma_start3A_1321 = arith.constant 0 : i32
      %dma_start3A_1322 = tpu.memref_slice %arg4[%add3A_1307, %dma_start3A_1320, %dma_start3A_1321] : memref<4096x50x64xf32, #tpu.memory_space<hbm>> -> memref<1x50x64xf32, #tpu.memory_space<hbm>>
      %dma_start3A_1323 = tpu.memref_squeeze %dma_start3A_1322 : memref<1x50x64xf32, #tpu.memory_space<hbm>> -> memref<50x64xf32, #tpu.memory_space<hbm>>
      %dma_start3A_1324 = arith.constant 100 : i32
      %dma_start3A_1325 = arith.constant 0 : i32
      %dma_start3A_1326 = tpu.memref_slice %arg6[%dma_start3A_1308, %dma_start3A_1324, %dma_start3A_1325] : memref<2x800x64xf32, #tpu.memory_space<vmem>> -> memref<1x50x64xf32, #tpu.memory_space<vmem>>
      %dma_start3A_1327 = tpu.memref_squeeze %dma_start3A_1326 : memref<1x50x64xf32, #tpu.memory_space<vmem>> -> memref<50x64xf32, #tpu.memory_space<vmem>>
      tpu.enqueue_dma source(%dma_start3A_1327 : memref<50x64xf32, #tpu.memory_space<vmem>>) target(%dma_start3A_1323 : memref<50x64xf32, #tpu.memory_space<hbm>>) target_semaphore(%dma_start3A_1319 : memref<!tpu.dma_semaphore, #tpu.memory_space<semaphore_mem>>)
      %add3A_1328 = arith.constant 3 : i32
      %add3A_1329 = arith.addi %select_n3A_1261, %add3A_1328 : i32
      %dma_start3A_1330 = arith.constant 1 : i32
      %dma_start3A_1331 = arith.constant 1 : i32
      %dma_start3A_1332 = arith.constant 150 : i32
      %dma_start3A_1333 = arith.constant 0 : i32
      %dma_start3A_1334 = tpu.memref_slice %arg6[%dma_start3A_1330, %dma_start3A_1332, %dma_start3A_1333] : memref<2x800x64xf32, #tpu.memory_space<vmem>> -> memref<1x50x64xf32, #tpu.memory_space<vmem>>
      %dma_start3A_1335 = tpu.memref_squeeze %dma_start3A_1334 : memref<1x50x64xf32, #tpu.memory_space<vmem>> -> memref<50x64xf32, #tpu.memory_space<vmem>>
      %dma_start3A_1336 = arith.constant 0 : i32
      %dma_start3A_1337 = arith.constant 0 : i32
      %dma_start3A_1338 = tpu.memref_slice %arg4[%add3A_1329, %dma_start3A_1336, %dma_start3A_1337] : memref<4096x50x64xf32, #tpu.memory_space<hbm>> -> memref<1x50x64xf32, #tpu.memory_space<hbm>>
      %dma_start3A_1339 = tpu.memref_squeeze %dma_start3A_1338 : memref<1x50x64xf32, #tpu.memory_space<hbm>> -> memref<50x64xf32, #tpu.memory_space<hbm>>
      %dma_start3A_1340 = tpu.memref_slice %arg8[%dma_start3A_1331] : memref<2x!tpu.dma_semaphore, #tpu.memory_space<semaphore_mem>> -> memref<1x!tpu.dma_semaphore, #tpu.memory_space<semaphore_mem>>
      %dma_start3A_1341 = tpu.memref_squeeze %dma_start3A_1340 : memref<1x!tpu.dma_semaphore, #tpu.memory_space<semaphore_mem>> -> memref<!tpu.dma_semaphore, #tpu.memory_space<semaphore_mem>>
      %dma_start3A_1342 = arith.constant 0 : i32
      %dma_start3A_1343 = arith.constant 0 : i32
      %dma_start3A_1344 = tpu.memref_slice %arg4[%add3A_1329, %dma_start3A_1342, %dma_start3A_1343] : memref<4096x50x64xf32, #tpu.memory_space<hbm>> -> memref<1x50x64xf32, #tpu.memory_space<hbm>>
      %dma_start3A_1345 = tpu.memref_squeeze %dma_start3A_1344 : memref<1x50x64xf32, #tpu.memory_space<hbm>> -> memref<50x64xf32, #tpu.memory_space<hbm>>
      %dma_start3A_1346 = arith.constant 150 : i32
      %dma_start3A_1347 = arith.constant 0 : i32
      %dma_start3A_1348 = tpu.memref_slice %arg6[%dma_start3A_1330, %dma_start3A_1346, %dma_start3A_1347] : memref<2x800x64xf32, #tpu.memory_space<vmem>> -> memref<1x50x64xf32, #tpu.memory_space<vmem>>
      %dma_start3A_1349 = tpu.memref_squeeze %dma_start3A_1348 : memref<1x50x64xf32, #tpu.memory_space<vmem>> -> memref<50x64xf32, #tpu.memory_space<vmem>>
      tpu.enqueue_dma source(%dma_start3A_1349 : memref<50x64xf32, #tpu.memory_space<vmem>>) target(%dma_start3A_1345 : memref<50x64xf32, #tpu.memory_space<hbm>>) target_semaphore(%dma_start3A_1341 : memref<!tpu.dma_semaphore, #tpu.memory_space<semaphore_mem>>)
      %add3A_1350 = arith.constant 4 : i32
      %add3A_1351 = arith.addi %select_n3A_1261, %add3A_1350 : i32
      %dma_start3A_1352 = arith.constant 1 : i32
      %dma_start3A_1353 = arith.constant 1 : i32
      %dma_start3A_1354 = arith.constant 200 : i32
      %dma_start3A_1355 = arith.constant 0 : i32
      %dma_start3A_1356 = tpu.memref_slice %arg6[%dma_start3A_1352, %dma_start3A_1354, %dma_start3A_1355] : memref<2x800x64xf32, #tpu.memory_space<vmem>> -> memref<1x50x64xf32, #tpu.memory_space<vmem>>
      %dma_start3A_1357 = tpu.memref_squeeze %dma_start3A_1356 : memref<1x50x64xf32, #tpu.memory_space<vmem>> -> memref<50x64xf32, #tpu.memory_space<vmem>>
      %dma_start3A_1358 = arith.constant 0 : i32
      %dma_start3A_1359 = arith.constant 0 : i32
      %dma_start3A_1360 = tpu.memref_slice %arg4[%add3A_1351, %dma_start3A_1358, %dma_start3A_1359] : memref<4096x50x64xf32, #tpu.memory_space<hbm>> -> memref<1x50x64xf32, #tpu.memory_space<hbm>>
      %dma_start3A_1361 = tpu.memref_squeeze %dma_start3A_1360 : memref<1x50x64xf32, #tpu.memory_space<hbm>> -> memref<50x64xf32, #tpu.memory_space<hbm>>
      %dma_start3A_1362 = tpu.memref_slice %arg8[%dma_start3A_1353] : memref<2x!tpu.dma_semaphore, #tpu.memory_space<semaphore_mem>> -> memref<1x!tpu.dma_semaphore, #tpu.memory_space<semaphore_mem>>
      %dma_start3A_1363 = tpu.memref_squeeze %dma_start3A_1362 : memref<1x!tpu.dma_semaphore, #tpu.memory_space<semaphore_mem>> -> memref<!tpu.dma_semaphore, #tpu.memory_space<semaphore_mem>>
      %dma_start3A_1364 = arith.constant 0 : i32
      %dma_start3A_1365 = arith.constant 0 : i32
      %dma_start3A_1366 = tpu.memref_slice %arg4[%add3A_1351, %dma_start3A_1364, %dma_start3A_1365] : memref<4096x50x64xf32, #tpu.memory_space<hbm>> -> memref<1x50x64xf32, #tpu.memory_space<hbm>>
      %dma_start3A_1367 = tpu.memref_squeeze %dma_start3A_1366 : memref<1x50x64xf32, #tpu.memory_space<hbm>> -> memref<50x64xf32, #tpu.memory_space<hbm>>
      %dma_start3A_1368 = arith.constant 200 : i32
      %dma_start3A_1369 = arith.constant 0 : i32
      %dma_start3A_1370 = tpu.memref_slice %arg6[%dma_start3A_1352, %dma_start3A_1368, %dma_start3A_1369] : memref<2x800x64xf32, #tpu.memory_space<vmem>> -> memref<1x50x64xf32, #tpu.memory_space<vmem>>
      %dma_start3A_1371 = tpu.memref_squeeze %dma_start3A_1370 : memref<1x50x64xf32, #tpu.memory_space<vmem>> -> memref<50x64xf32, #tpu.memory_space<vmem>>
      tpu.enqueue_dma source(%dma_start3A_1371 : memref<50x64xf32, #tpu.memory_space<vmem>>) target(%dma_start3A_1367 : memref<50x64xf32, #tpu.memory_space<hbm>>) target_semaphore(%dma_start3A_1363 : memref<!tpu.dma_semaphore, #tpu.memory_space<semaphore_mem>>)
      %add3A_1372 = arith.constant 5 : i32
      %add3A_1373 = arith.addi %select_n3A_1261, %add3A_1372 : i32
      %dma_start3A_1374 = arith.constant 1 : i32
      %dma_start3A_1375 = arith.constant 1 : i32
      %dma_start3A_1376 = arith.constant 250 : i32
      %dma_start3A_1377 = arith.constant 0 : i32
      %dma_start3A_1378 = tpu.memref_slice %arg6[%dma_start3A_1374, %dma_start3A_1376, %dma_start3A_1377] : memref<2x800x64xf32, #tpu.memory_space<vmem>> -> memref<1x50x64xf32, #tpu.memory_space<vmem>>
      %dma_start3A_1379 = tpu.memref_squeeze %dma_start3A_1378 : memref<1x50x64xf32, #tpu.memory_space<vmem>> -> memref<50x64xf32, #tpu.memory_space<vmem>>
      %dma_start3A_1380 = arith.constant 0 : i32
      %dma_start3A_1381 = arith.constant 0 : i32
      %dma_start3A_1382 = tpu.memref_slice %arg4[%add3A_1373, %dma_start3A_1380, %dma_start3A_1381] : memref<4096x50x64xf32, #tpu.memory_space<hbm>> -> memref<1x50x64xf32, #tpu.memory_space<hbm>>
      %dma_start3A_1383 = tpu.memref_squeeze %dma_start3A_1382 : memref<1x50x64xf32, #tpu.memory_space<hbm>> -> memref<50x64xf32, #tpu.memory_space<hbm>>
      %dma_start3A_1384 = tpu.memref_slice %arg8[%dma_start3A_1375] : memref<2x!tpu.dma_semaphore, #tpu.memory_space<semaphore_mem>> -> memref<1x!tpu.dma_semaphore, #tpu.memory_space<semaphore_mem>>
      %dma_start3A_1385 = tpu.memref_squeeze %dma_start3A_1384 : memref<1x!tpu.dma_semaphore, #tpu.memory_space<semaphore_mem>> -> memref<!tpu.dma_semaphore, #tpu.memory_space<semaphore_mem>>
      %dma_start3A_1386 = arith.constant 0 : i32
      %dma_start3A_1387 = arith.constant 0 : i32
      %dma_start3A_1388 = tpu.memref_slice %arg4[%add3A_1373, %dma_start3A_1386, %dma_start3A_1387] : memref<4096x50x64xf32, #tpu.memory_space<hbm>> -> memref<1x50x64xf32, #tpu.memory_space<hbm>>
      %dma_start3A_1389 = tpu.memref_squeeze %dma_start3A_1388 : memref<1x50x64xf32, #tpu.memory_space<hbm>> -> memref<50x64xf32, #tpu.memory_space<hbm>>
      %dma_start3A_1390 = arith.constant 250 : i32
      %dma_start3A_1391 = arith.constant 0 : i32
      %dma_start3A_1392 = tpu.memref_slice %arg6[%dma_start3A_1374, %dma_start3A_1390, %dma_start3A_1391] : memref<2x800x64xf32, #tpu.memory_space<vmem>> -> memref<1x50x64xf32, #tpu.memory_space<vmem>>
      %dma_start3A_1393 = tpu.memref_squeeze %dma_start3A_1392 : memref<1x50x64xf32, #tpu.memory_space<vmem>> -> memref<50x64xf32, #tpu.memory_space<vmem>>
      tpu.enqueue_dma source(%dma_start3A_1393 : memref<50x64xf32, #tpu.memory_space<vmem>>) target(%dma_start3A_1389 : memref<50x64xf32, #tpu.memory_space<hbm>>) target_semaphore(%dma_start3A_1385 : memref<!tpu.dma_semaphore, #tpu.memory_space<semaphore_mem>>)
      %add3A_1394 = arith.constant 6 : i32
      %add3A_1395 = arith.addi %select_n3A_1261, %add3A_1394 : i32
      %dma_start3A_1396 = arith.constant 1 : i32
      %dma_start3A_1397 = arith.constant 1 : i32
      %dma_start3A_1398 = arith.constant 300 : i32
      %dma_start3A_1399 = arith.constant 0 : i32
      %dma_start3A_1400 = tpu.memref_slice %arg6[%dma_start3A_1396, %dma_start3A_1398, %dma_start3A_1399] : memref<2x800x64xf32, #tpu.memory_space<vmem>> -> memref<1x50x64xf32, #tpu.memory_space<vmem>>
      %dma_start3A_1401 = tpu.memref_squeeze %dma_start3A_1400 : memref<1x50x64xf32, #tpu.memory_space<vmem>> -> memref<50x64xf32, #tpu.memory_space<vmem>>
      %dma_start3A_1402 = arith.constant 0 : i32
      %dma_start3A_1403 = arith.constant 0 : i32
      %dma_start3A_1404 = tpu.memref_slice %arg4[%add3A_1395, %dma_start3A_1402, %dma_start3A_1403] : memref<4096x50x64xf32, #tpu.memory_space<hbm>> -> memref<1x50x64xf32, #tpu.memory_space<hbm>>
      %dma_start3A_1405 = tpu.memref_squeeze %dma_start3A_1404 : memref<1x50x64xf32, #tpu.memory_space<hbm>> -> memref<50x64xf32, #tpu.memory_space<hbm>>
      %dma_start3A_1406 = tpu.memref_slice %arg8[%dma_start3A_1397] : memref<2x!tpu.dma_semaphore, #tpu.memory_space<semaphore_mem>> -> memref<1x!tpu.dma_semaphore, #tpu.memory_space<semaphore_mem>>
      %dma_start3A_1407 = tpu.memref_squeeze %dma_start3A_1406 : memref<1x!tpu.dma_semaphore, #tpu.memory_space<semaphore_mem>> -> memref<!tpu.dma_semaphore, #tpu.memory_space<semaphore_mem>>
      %dma_start3A_1408 = arith.constant 0 : i32
      %dma_start3A_1409 = arith.constant 0 : i32
      %dma_start3A_1410 = tpu.memref_slice %arg4[%add3A_1395, %dma_start3A_1408, %dma_start3A_1409] : memref<4096x50x64xf32, #tpu.memory_space<hbm>> -> memref<1x50x64xf32, #tpu.memory_space<hbm>>
      %dma_start3A_1411 = tpu.memref_squeeze %dma_start3A_1410 : memref<1x50x64xf32, #tpu.memory_space<hbm>> -> memref<50x64xf32, #tpu.memory_space<hbm>>
      %dma_start3A_1412 = arith.constant 300 : i32
      %dma_start3A_1413 = arith.constant 0 : i32
      %dma_start3A_1414 = tpu.memref_slice %arg6[%dma_start3A_1396, %dma_start3A_1412, %dma_start3A_1413] : memref<2x800x64xf32, #tpu.memory_space<vmem>> -> memref<1x50x64xf32, #tpu.memory_space<vmem>>
      %dma_start3A_1415 = tpu.memref_squeeze %dma_start3A_1414 : memref<1x50x64xf32, #tpu.memory_space<vmem>> -> memref<50x64xf32, #tpu.memory_space<vmem>>
      tpu.enqueue_dma source(%dma_start3A_1415 : memref<50x64xf32, #tpu.memory_space<vmem>>) target(%dma_start3A_1411 : memref<50x64xf32, #tpu.memory_space<hbm>>) target_semaphore(%dma_start3A_1407 : memref<!tpu.dma_semaphore, #tpu.memory_space<semaphore_mem>>)
      %add3A_1416 = arith.constant 7 : i32
      %add3A_1417 = arith.addi %select_n3A_1261, %add3A_1416 : i32
      %dma_start3A_1418 = arith.constant 1 : i32
      %dma_start3A_1419 = arith.constant 1 : i32
      %dma_start3A_1420 = arith.constant 350 : i32
      %dma_start3A_1421 = arith.constant 0 : i32
      %dma_start3A_1422 = tpu.memref_slice %arg6[%dma_start3A_1418, %dma_start3A_1420, %dma_start3A_1421] : memref<2x800x64xf32, #tpu.memory_space<vmem>> -> memref<1x50x64xf32, #tpu.memory_space<vmem>>
      %dma_start3A_1423 = tpu.memref_squeeze %dma_start3A_1422 : memref<1x50x64xf32, #tpu.memory_space<vmem>> -> memref<50x64xf32, #tpu.memory_space<vmem>>
      %dma_start3A_1424 = arith.constant 0 : i32
      %dma_start3A_1425 = arith.constant 0 : i32
      %dma_start3A_1426 = tpu.memref_slice %arg4[%add3A_1417, %dma_start3A_1424, %dma_start3A_1425] : memref<4096x50x64xf32, #tpu.memory_space<hbm>> -> memref<1x50x64xf32, #tpu.memory_space<hbm>>
      %dma_start3A_1427 = tpu.memref_squeeze %dma_start3A_1426 : memref<1x50x64xf32, #tpu.memory_space<hbm>> -> memref<50x64xf32, #tpu.memory_space<hbm>>
      %dma_start3A_1428 = tpu.memref_slice %arg8[%dma_start3A_1419] : memref<2x!tpu.dma_semaphore, #tpu.memory_space<semaphore_mem>> -> memref<1x!tpu.dma_semaphore, #tpu.memory_space<semaphore_mem>>
      %dma_start3A_1429 = tpu.memref_squeeze %dma_start3A_1428 : memref<1x!tpu.dma_semaphore, #tpu.memory_space<semaphore_mem>> -> memref<!tpu.dma_semaphore, #tpu.memory_space<semaphore_mem>>
      %dma_start3A_1430 = arith.constant 0 : i32
      %dma_start3A_1431 = arith.constant 0 : i32
      %dma_start3A_1432 = tpu.memref_slice %arg4[%add3A_1417, %dma_start3A_1430, %dma_start3A_1431] : memref<4096x50x64xf32, #tpu.memory_space<hbm>> -> memref<1x50x64xf32, #tpu.memory_space<hbm>>
      %dma_start3A_1433 = tpu.memref_squeeze %dma_start3A_1432 : memref<1x50x64xf32, #tpu.memory_space<hbm>> -> memref<50x64xf32, #tpu.memory_space<hbm>>
      %dma_start3A_1434 = arith.constant 350 : i32
      %dma_start3A_1435 = arith.constant 0 : i32
      %dma_start3A_1436 = tpu.memref_slice %arg6[%dma_start3A_1418, %dma_start3A_1434, %dma_start3A_1435] : memref<2x800x64xf32, #tpu.memory_space<vmem>> -> memref<1x50x64xf32, #tpu.memory_space<vmem>>
      %dma_start3A_1437 = tpu.memref_squeeze %dma_start3A_1436 : memref<1x50x64xf32, #tpu.memory_space<vmem>> -> memref<50x64xf32, #tpu.memory_space<vmem>>
      tpu.enqueue_dma source(%dma_start3A_1437 : memref<50x64xf32, #tpu.memory_space<vmem>>) target(%dma_start3A_1433 : memref<50x64xf32, #tpu.memory_space<hbm>>) target_semaphore(%dma_start3A_1429 : memref<!tpu.dma_semaphore, #tpu.memory_space<semaphore_mem>>)
      %add3A_1438 = arith.constant 8 : i32
      %add3A_1439 = arith.addi %select_n3A_1261, %add3A_1438 : i32
      %dma_start3A_1440 = arith.constant 1 : i32
      %dma_start3A_1441 = arith.constant 1 : i32
      %dma_start3A_1442 = arith.constant 400 : i32
      %dma_start3A_1443 = arith.constant 0 : i32
      %dma_start3A_1444 = tpu.memref_slice %arg6[%dma_start3A_1440, %dma_start3A_1442, %dma_start3A_1443] : memref<2x800x64xf32, #tpu.memory_space<vmem>> -> memref<1x50x64xf32, #tpu.memory_space<vmem>>
      %dma_start3A_1445 = tpu.memref_squeeze %dma_start3A_1444 : memref<1x50x64xf32, #tpu.memory_space<vmem>> -> memref<50x64xf32, #tpu.memory_space<vmem>>
      %dma_start3A_1446 = arith.constant 0 : i32
      %dma_start3A_1447 = arith.constant 0 : i32
      %dma_start3A_1448 = tpu.memref_slice %arg4[%add3A_1439, %dma_start3A_1446, %dma_start3A_1447] : memref<4096x50x64xf32, #tpu.memory_space<hbm>> -> memref<1x50x64xf32, #tpu.memory_space<hbm>>
      %dma_start3A_1449 = tpu.memref_squeeze %dma_start3A_1448 : memref<1x50x64xf32, #tpu.memory_space<hbm>> -> memref<50x64xf32, #tpu.memory_space<hbm>>
      %dma_start3A_1450 = tpu.memref_slice %arg8[%dma_start3A_1441] : memref<2x!tpu.dma_semaphore, #tpu.memory_space<semaphore_mem>> -> memref<1x!tpu.dma_semaphore, #tpu.memory_space<semaphore_mem>>
      %dma_start3A_1451 = tpu.memref_squeeze %dma_start3A_1450 : memref<1x!tpu.dma_semaphore, #tpu.memory_space<semaphore_mem>> -> memref<!tpu.dma_semaphore, #tpu.memory_space<semaphore_mem>>
      %dma_start3A_1452 = arith.constant 0 : i32
      %dma_start3A_1453 = arith.constant 0 : i32
      %dma_start3A_1454 = tpu.memref_slice %arg4[%add3A_1439, %dma_start3A_1452, %dma_start3A_1453] : memref<4096x50x64xf32, #tpu.memory_space<hbm>> -> memref<1x50x64xf32, #tpu.memory_space<hbm>>
      %dma_start3A_1455 = tpu.memref_squeeze %dma_start3A_1454 : memref<1x50x64xf32, #tpu.memory_space<hbm>> -> memref<50x64xf32, #tpu.memory_space<hbm>>
      %dma_start3A_1456 = arith.constant 400 : i32
      %dma_start3A_1457 = arith.constant 0 : i32
      %dma_start3A_1458 = tpu.memref_slice %arg6[%dma_start3A_1440, %dma_start3A_1456, %dma_start3A_1457] : memref<2x800x64xf32, #tpu.memory_space<vmem>> -> memref<1x50x64xf32, #tpu.memory_space<vmem>>
      %dma_start3A_1459 = tpu.memref_squeeze %dma_start3A_1458 : memref<1x50x64xf32, #tpu.memory_space<vmem>> -> memref<50x64xf32, #tpu.memory_space<vmem>>
      tpu.enqueue_dma source(%dma_start3A_1459 : memref<50x64xf32, #tpu.memory_space<vmem>>) target(%dma_start3A_1455 : memref<50x64xf32, #tpu.memory_space<hbm>>) target_semaphore(%dma_start3A_1451 : memref<!tpu.dma_semaphore, #tpu.memory_space<semaphore_mem>>)
      %add3A_1460 = arith.constant 9 : i32
      %add3A_1461 = arith.addi %select_n3A_1261, %add3A_1460 : i32
      %dma_start3A_1462 = arith.constant 1 : i32
      %dma_start3A_1463 = arith.constant 1 : i32
      %dma_start3A_1464 = arith.constant 450 : i32
      %dma_start3A_1465 = arith.constant 0 : i32
      %dma_start3A_1466 = tpu.memref_slice %arg6[%dma_start3A_1462, %dma_start3A_1464, %dma_start3A_1465] : memref<2x800x64xf32, #tpu.memory_space<vmem>> -> memref<1x50x64xf32, #tpu.memory_space<vmem>>
      %dma_start3A_1467 = tpu.memref_squeeze %dma_start3A_1466 : memref<1x50x64xf32, #tpu.memory_space<vmem>> -> memref<50x64xf32, #tpu.memory_space<vmem>>
      %dma_start3A_1468 = arith.constant 0 : i32
      %dma_start3A_1469 = arith.constant 0 : i32
      %dma_start3A_1470 = tpu.memref_slice %arg4[%add3A_1461, %dma_start3A_1468, %dma_start3A_1469] : memref<4096x50x64xf32, #tpu.memory_space<hbm>> -> memref<1x50x64xf32, #tpu.memory_space<hbm>>
      %dma_start3A_1471 = tpu.memref_squeeze %dma_start3A_1470 : memref<1x50x64xf32, #tpu.memory_space<hbm>> -> memref<50x64xf32, #tpu.memory_space<hbm>>
      %dma_start3A_1472 = tpu.memref_slice %arg8[%dma_start3A_1463] : memref<2x!tpu.dma_semaphore, #tpu.memory_space<semaphore_mem>> -> memref<1x!tpu.dma_semaphore, #tpu.memory_space<semaphore_mem>>
      %dma_start3A_1473 = tpu.memref_squeeze %dma_start3A_1472 : memref<1x!tpu.dma_semaphore, #tpu.memory_space<semaphore_mem>> -> memref<!tpu.dma_semaphore, #tpu.memory_space<semaphore_mem>>
      %dma_start3A_1474 = arith.constant 0 : i32
      %dma_start3A_1475 = arith.constant 0 : i32
      %dma_start3A_1476 = tpu.memref_slice %arg4[%add3A_1461, %dma_start3A_1474, %dma_start3A_1475] : memref<4096x50x64xf32, #tpu.memory_space<hbm>> -> memref<1x50x64xf32, #tpu.memory_space<hbm>>
      %dma_start3A_1477 = tpu.memref_squeeze %dma_start3A_1476 : memref<1x50x64xf32, #tpu.memory_space<hbm>> -> memref<50x64xf32, #tpu.memory_space<hbm>>
      %dma_start3A_1478 = arith.constant 450 : i32
      %dma_start3A_1479 = arith.constant 0 : i32
      %dma_start3A_1480 = tpu.memref_slice %arg6[%dma_start3A_1462, %dma_start3A_1478, %dma_start3A_1479] : memref<2x800x64xf32, #tpu.memory_space<vmem>> -> memref<1x50x64xf32, #tpu.memory_space<vmem>>
      %dma_start3A_1481 = tpu.memref_squeeze %dma_start3A_1480 : memref<1x50x64xf32, #tpu.memory_space<vmem>> -> memref<50x64xf32, #tpu.memory_space<vmem>>
      tpu.enqueue_dma source(%dma_start3A_1481 : memref<50x64xf32, #tpu.memory_space<vmem>>) target(%dma_start3A_1477 : memref<50x64xf32, #tpu.memory_space<hbm>>) target_semaphore(%dma_start3A_1473 : memref<!tpu.dma_semaphore, #tpu.memory_space<semaphore_mem>>)
      %add3A_1482 = arith.constant 10 : i32
      %add3A_1483 = arith.addi %select_n3A_1261, %add3A_1482 : i32
      %dma_start3A_1484 = arith.constant 1 : i32
      %dma_start3A_1485 = arith.constant 1 : i32
      %dma_start3A_1486 = arith.constant 500 : i32
      %dma_start3A_1487 = arith.constant 0 : i32
      %dma_start3A_1488 = tpu.memref_slice %arg6[%dma_start3A_1484, %dma_start3A_1486, %dma_start3A_1487] : memref<2x800x64xf32, #tpu.memory_space<vmem>> -> memref<1x50x64xf32, #tpu.memory_space<vmem>>
      %dma_start3A_1489 = tpu.memref_squeeze %dma_start3A_1488 : memref<1x50x64xf32, #tpu.memory_space<vmem>> -> memref<50x64xf32, #tpu.memory_space<vmem>>
      %dma_start3A_1490 = arith.constant 0 : i32
      %dma_start3A_1491 = arith.constant 0 : i32
      %dma_start3A_1492 = tpu.memref_slice %arg4[%add3A_1483, %dma_start3A_1490, %dma_start3A_1491] : memref<4096x50x64xf32, #tpu.memory_space<hbm>> -> memref<1x50x64xf32, #tpu.memory_space<hbm>>
      %dma_start3A_1493 = tpu.memref_squeeze %dma_start3A_1492 : memref<1x50x64xf32, #tpu.memory_space<hbm>> -> memref<50x64xf32, #tpu.memory_space<hbm>>
      %dma_start3A_1494 = tpu.memref_slice %arg8[%dma_start3A_1485] : memref<2x!tpu.dma_semaphore, #tpu.memory_space<semaphore_mem>> -> memref<1x!tpu.dma_semaphore, #tpu.memory_space<semaphore_mem>>
      %dma_start3A_1495 = tpu.memref_squeeze %dma_start3A_1494 : memref<1x!tpu.dma_semaphore, #tpu.memory_space<semaphore_mem>> -> memref<!tpu.dma_semaphore, #tpu.memory_space<semaphore_mem>>
      %dma_start3A_1496 = arith.constant 0 : i32
      %dma_start3A_1497 = arith.constant 0 : i32
      %dma_start3A_1498 = tpu.memref_slice %arg4[%add3A_1483, %dma_start3A_1496, %dma_start3A_1497] : memref<4096x50x64xf32, #tpu.memory_space<hbm>> -> memref<1x50x64xf32, #tpu.memory_space<hbm>>
      %dma_start3A_1499 = tpu.memref_squeeze %dma_start3A_1498 : memref<1x50x64xf32, #tpu.memory_space<hbm>> -> memref<50x64xf32, #tpu.memory_space<hbm>>
      %dma_start3A_1500 = arith.constant 500 : i32
      %dma_start3A_1501 = arith.constant 0 : i32
      %dma_start3A_1502 = tpu.memref_slice %arg6[%dma_start3A_1484, %dma_start3A_1500, %dma_start3A_1501] : memref<2x800x64xf32, #tpu.memory_space<vmem>> -> memref<1x50x64xf32, #tpu.memory_space<vmem>>
      %dma_start3A_1503 = tpu.memref_squeeze %dma_start3A_1502 : memref<1x50x64xf32, #tpu.memory_space<vmem>> -> memref<50x64xf32, #tpu.memory_space<vmem>>
      tpu.enqueue_dma source(%dma_start3A_1503 : memref<50x64xf32, #tpu.memory_space<vmem>>) target(%dma_start3A_1499 : memref<50x64xf32, #tpu.memory_space<hbm>>) target_semaphore(%dma_start3A_1495 : memref<!tpu.dma_semaphore, #tpu.memory_space<semaphore_mem>>)
      %add3A_1504 = arith.constant 11 : i32
      %add3A_1505 = arith.addi %select_n3A_1261, %add3A_1504 : i32
      %dma_start3A_1506 = arith.constant 1 : i32
      %dma_start3A_1507 = arith.constant 1 : i32
      %dma_start3A_1508 = arith.constant 550 : i32
      %dma_start3A_1509 = arith.constant 0 : i32
      %dma_start3A_1510 = tpu.memref_slice %arg6[%dma_start3A_1506, %dma_start3A_1508, %dma_start3A_1509] : memref<2x800x64xf32, #tpu.memory_space<vmem>> -> memref<1x50x64xf32, #tpu.memory_space<vmem>>
      %dma_start3A_1511 = tpu.memref_squeeze %dma_start3A_1510 : memref<1x50x64xf32, #tpu.memory_space<vmem>> -> memref<50x64xf32, #tpu.memory_space<vmem>>
      %dma_start3A_1512 = arith.constant 0 : i32
      %dma_start3A_1513 = arith.constant 0 : i32
      %dma_start3A_1514 = tpu.memref_slice %arg4[%add3A_1505, %dma_start3A_1512, %dma_start3A_1513] : memref<4096x50x64xf32, #tpu.memory_space<hbm>> -> memref<1x50x64xf32, #tpu.memory_space<hbm>>
      %dma_start3A_1515 = tpu.memref_squeeze %dma_start3A_1514 : memref<1x50x64xf32, #tpu.memory_space<hbm>> -> memref<50x64xf32, #tpu.memory_space<hbm>>
      %dma_start3A_1516 = tpu.memref_slice %arg8[%dma_start3A_1507] : memref<2x!tpu.dma_semaphore, #tpu.memory_space<semaphore_mem>> -> memref<1x!tpu.dma_semaphore, #tpu.memory_space<semaphore_mem>>
      %dma_start3A_1517 = tpu.memref_squeeze %dma_start3A_1516 : memref<1x!tpu.dma_semaphore, #tpu.memory_space<semaphore_mem>> -> memref<!tpu.dma_semaphore, #tpu.memory_space<semaphore_mem>>
      %dma_start3A_1518 = arith.constant 0 : i32
      %dma_start3A_1519 = arith.constant 0 : i32
      %dma_start3A_1520 = tpu.memref_slice %arg4[%add3A_1505, %dma_start3A_1518, %dma_start3A_1519] : memref<4096x50x64xf32, #tpu.memory_space<hbm>> -> memref<1x50x64xf32, #tpu.memory_space<hbm>>
      %dma_start3A_1521 = tpu.memref_squeeze %dma_start3A_1520 : memref<1x50x64xf32, #tpu.memory_space<hbm>> -> memref<50x64xf32, #tpu.memory_space<hbm>>
      %dma_start3A_1522 = arith.constant 550 : i32
      %dma_start3A_1523 = arith.constant 0 : i32
      %dma_start3A_1524 = tpu.memref_slice %arg6[%dma_start3A_1506, %dma_start3A_1522, %dma_start3A_1523] : memref<2x800x64xf32, #tpu.memory_space<vmem>> -> memref<1x50x64xf32, #tpu.memory_space<vmem>>
      %dma_start3A_1525 = tpu.memref_squeeze %dma_start3A_1524 : memref<1x50x64xf32, #tpu.memory_space<vmem>> -> memref<50x64xf32, #tpu.memory_space<vmem>>
      tpu.enqueue_dma source(%dma_start3A_1525 : memref<50x64xf32, #tpu.memory_space<vmem>>) target(%dma_start3A_1521 : memref<50x64xf32, #tpu.memory_space<hbm>>) target_semaphore(%dma_start3A_1517 : memref<!tpu.dma_semaphore, #tpu.memory_space<semaphore_mem>>)
      %add3A_1526 = arith.constant 12 : i32
      %add3A_1527 = arith.addi %select_n3A_1261, %add3A_1526 : i32
      %dma_start3A_1528 = arith.constant 1 : i32
      %dma_start3A_1529 = arith.constant 1 : i32
      %dma_start3A_1530 = arith.constant 600 : i32
      %dma_start3A_1531 = arith.constant 0 : i32
      %dma_start3A_1532 = tpu.memref_slice %arg6[%dma_start3A_1528, %dma_start3A_1530, %dma_start3A_1531] : memref<2x800x64xf32, #tpu.memory_space<vmem>> -> memref<1x50x64xf32, #tpu.memory_space<vmem>>
      %dma_start3A_1533 = tpu.memref_squeeze %dma_start3A_1532 : memref<1x50x64xf32, #tpu.memory_space<vmem>> -> memref<50x64xf32, #tpu.memory_space<vmem>>
      %dma_start3A_1534 = arith.constant 0 : i32
      %dma_start3A_1535 = arith.constant 0 : i32
      %dma_start3A_1536 = tpu.memref_slice %arg4[%add3A_1527, %dma_start3A_1534, %dma_start3A_1535] : memref<4096x50x64xf32, #tpu.memory_space<hbm>> -> memref<1x50x64xf32, #tpu.memory_space<hbm>>
      %dma_start3A_1537 = tpu.memref_squeeze %dma_start3A_1536 : memref<1x50x64xf32, #tpu.memory_space<hbm>> -> memref<50x64xf32, #tpu.memory_space<hbm>>
      %dma_start3A_1538 = tpu.memref_slice %arg8[%dma_start3A_1529] : memref<2x!tpu.dma_semaphore, #tpu.memory_space<semaphore_mem>> -> memref<1x!tpu.dma_semaphore, #tpu.memory_space<semaphore_mem>>
      %dma_start3A_1539 = tpu.memref_squeeze %dma_start3A_1538 : memref<1x!tpu.dma_semaphore, #tpu.memory_space<semaphore_mem>> -> memref<!tpu.dma_semaphore, #tpu.memory_space<semaphore_mem>>
      %dma_start3A_1540 = arith.constant 0 : i32
      %dma_start3A_1541 = arith.constant 0 : i32
      %dma_start3A_1542 = tpu.memref_slice %arg4[%add3A_1527, %dma_start3A_1540, %dma_start3A_1541] : memref<4096x50x64xf32, #tpu.memory_space<hbm>> -> memref<1x50x64xf32, #tpu.memory_space<hbm>>
      %dma_start3A_1543 = tpu.memref_squeeze %dma_start3A_1542 : memref<1x50x64xf32, #tpu.memory_space<hbm>> -> memref<50x64xf32, #tpu.memory_space<hbm>>
      %dma_start3A_1544 = arith.constant 600 : i32
      %dma_start3A_1545 = arith.constant 0 : i32
      %dma_start3A_1546 = tpu.memref_slice %arg6[%dma_start3A_1528, %dma_start3A_1544, %dma_start3A_1545] : memref<2x800x64xf32, #tpu.memory_space<vmem>> -> memref<1x50x64xf32, #tpu.memory_space<vmem>>
      %dma_start3A_1547 = tpu.memref_squeeze %dma_start3A_1546 : memref<1x50x64xf32, #tpu.memory_space<vmem>> -> memref<50x64xf32, #tpu.memory_space<vmem>>
      tpu.enqueue_dma source(%dma_start3A_1547 : memref<50x64xf32, #tpu.memory_space<vmem>>) target(%dma_start3A_1543 : memref<50x64xf32, #tpu.memory_space<hbm>>) target_semaphore(%dma_start3A_1539 : memref<!tpu.dma_semaphore, #tpu.memory_space<semaphore_mem>>)
      %add3A_1548 = arith.constant 13 : i32
      %add3A_1549 = arith.addi %select_n3A_1261, %add3A_1548 : i32
      %dma_start3A_1550 = arith.constant 1 : i32
      %dma_start3A_1551 = arith.constant 1 : i32
      %dma_start3A_1552 = arith.constant 650 : i32
      %dma_start3A_1553 = arith.constant 0 : i32
      %dma_start3A_1554 = tpu.memref_slice %arg6[%dma_start3A_1550, %dma_start3A_1552, %dma_start3A_1553] : memref<2x800x64xf32, #tpu.memory_space<vmem>> -> memref<1x50x64xf32, #tpu.memory_space<vmem>>
      %dma_start3A_1555 = tpu.memref_squeeze %dma_start3A_1554 : memref<1x50x64xf32, #tpu.memory_space<vmem>> -> memref<50x64xf32, #tpu.memory_space<vmem>>
      %dma_start3A_1556 = arith.constant 0 : i32
      %dma_start3A_1557 = arith.constant 0 : i32
      %dma_start3A_1558 = tpu.memref_slice %arg4[%add3A_1549, %dma_start3A_1556, %dma_start3A_1557] : memref<4096x50x64xf32, #tpu.memory_space<hbm>> -> memref<1x50x64xf32, #tpu.memory_space<hbm>>
      %dma_start3A_1559 = tpu.memref_squeeze %dma_start3A_1558 : memref<1x50x64xf32, #tpu.memory_space<hbm>> -> memref<50x64xf32, #tpu.memory_space<hbm>>
      %dma_start3A_1560 = tpu.memref_slice %arg8[%dma_start3A_1551] : memref<2x!tpu.dma_semaphore, #tpu.memory_space<semaphore_mem>> -> memref<1x!tpu.dma_semaphore, #tpu.memory_space<semaphore_mem>>
      %dma_start3A_1561 = tpu.memref_squeeze %dma_start3A_1560 : memref<1x!tpu.dma_semaphore, #tpu.memory_space<semaphore_mem>> -> memref<!tpu.dma_semaphore, #tpu.memory_space<semaphore_mem>>
      %dma_start3A_1562 = arith.constant 0 : i32
      %dma_start3A_1563 = arith.constant 0 : i32
      %dma_start3A_1564 = tpu.memref_slice %arg4[%add3A_1549, %dma_start3A_1562, %dma_start3A_1563] : memref<4096x50x64xf32, #tpu.memory_space<hbm>> -> memref<1x50x64xf32, #tpu.memory_space<hbm>>
      %dma_start3A_1565 = tpu.memref_squeeze %dma_start3A_1564 : memref<1x50x64xf32, #tpu.memory_space<hbm>> -> memref<50x64xf32, #tpu.memory_space<hbm>>
      %dma_start3A_1566 = arith.constant 650 : i32
      %dma_start3A_1567 = arith.constant 0 : i32
      %dma_start3A_1568 = tpu.memref_slice %arg6[%dma_start3A_1550, %dma_start3A_1566, %dma_start3A_1567] : memref<2x800x64xf32, #tpu.memory_space<vmem>> -> memref<1x50x64xf32, #tpu.memory_space<vmem>>
      %dma_start3A_1569 = tpu.memref_squeeze %dma_start3A_1568 : memref<1x50x64xf32, #tpu.memory_space<vmem>> -> memref<50x64xf32, #tpu.memory_space<vmem>>
      tpu.enqueue_dma source(%dma_start3A_1569 : memref<50x64xf32, #tpu.memory_space<vmem>>) target(%dma_start3A_1565 : memref<50x64xf32, #tpu.memory_space<hbm>>) target_semaphore(%dma_start3A_1561 : memref<!tpu.dma_semaphore, #tpu.memory_space<semaphore_mem>>)
      %add3A_1570 = arith.constant 14 : i32
      %add3A_1571 = arith.addi %select_n3A_1261, %add3A_1570 : i32
      %dma_start3A_1572 = arith.constant 1 : i32
      %dma_start3A_1573 = arith.constant 1 : i32
      %dma_start3A_1574 = arith.constant 700 : i32
      %dma_start3A_1575 = arith.constant 0 : i32
      %dma_start3A_1576 = tpu.memref_slice %arg6[%dma_start3A_1572, %dma_start3A_1574, %dma_start3A_1575] : memref<2x800x64xf32, #tpu.memory_space<vmem>> -> memref<1x50x64xf32, #tpu.memory_space<vmem>>
      %dma_start3A_1577 = tpu.memref_squeeze %dma_start3A_1576 : memref<1x50x64xf32, #tpu.memory_space<vmem>> -> memref<50x64xf32, #tpu.memory_space<vmem>>
      %dma_start3A_1578 = arith.constant 0 : i32
      %dma_start3A_1579 = arith.constant 0 : i32
      %dma_start3A_1580 = tpu.memref_slice %arg4[%add3A_1571, %dma_start3A_1578, %dma_start3A_1579] : memref<4096x50x64xf32, #tpu.memory_space<hbm>> -> memref<1x50x64xf32, #tpu.memory_space<hbm>>
      %dma_start3A_1581 = tpu.memref_squeeze %dma_start3A_1580 : memref<1x50x64xf32, #tpu.memory_space<hbm>> -> memref<50x64xf32, #tpu.memory_space<hbm>>
      %dma_start3A_1582 = tpu.memref_slice %arg8[%dma_start3A_1573] : memref<2x!tpu.dma_semaphore, #tpu.memory_space<semaphore_mem>> -> memref<1x!tpu.dma_semaphore, #tpu.memory_space<semaphore_mem>>
      %dma_start3A_1583 = tpu.memref_squeeze %dma_start3A_1582 : memref<1x!tpu.dma_semaphore, #tpu.memory_space<semaphore_mem>> -> memref<!tpu.dma_semaphore, #tpu.memory_space<semaphore_mem>>
      %dma_start3A_1584 = arith.constant 0 : i32
      %dma_start3A_1585 = arith.constant 0 : i32
      %dma_start3A_1586 = tpu.memref_slice %arg4[%add3A_1571, %dma_start3A_1584, %dma_start3A_1585] : memref<4096x50x64xf32, #tpu.memory_space<hbm>> -> memref<1x50x64xf32, #tpu.memory_space<hbm>>
      %dma_start3A_1587 = tpu.memref_squeeze %dma_start3A_1586 : memref<1x50x64xf32, #tpu.memory_space<hbm>> -> memref<50x64xf32, #tpu.memory_space<hbm>>
      %dma_start3A_1588 = arith.constant 700 : i32
      %dma_start3A_1589 = arith.constant 0 : i32
      %dma_start3A_1590 = tpu.memref_slice %arg6[%dma_start3A_1572, %dma_start3A_1588, %dma_start3A_1589] : memref<2x800x64xf32, #tpu.memory_space<vmem>> -> memref<1x50x64xf32, #tpu.memory_space<vmem>>
      %dma_start3A_1591 = tpu.memref_squeeze %dma_start3A_1590 : memref<1x50x64xf32, #tpu.memory_space<vmem>> -> memref<50x64xf32, #tpu.memory_space<vmem>>
      tpu.enqueue_dma source(%dma_start3A_1591 : memref<50x64xf32, #tpu.memory_space<vmem>>) target(%dma_start3A_1587 : memref<50x64xf32, #tpu.memory_space<hbm>>) target_semaphore(%dma_start3A_1583 : memref<!tpu.dma_semaphore, #tpu.memory_space<semaphore_mem>>)
      %add3A_1592 = arith.constant 15 : i32
      %add3A_1593 = arith.addi %select_n3A_1261, %add3A_1592 : i32
      %dma_start3A_1594 = arith.constant 1 : i32
      %dma_start3A_1595 = arith.constant 1 : i32
      %dma_start3A_1596 = arith.constant 750 : i32
      %dma_start3A_1597 = arith.constant 0 : i32
      %dma_start3A_1598 = tpu.memref_slice %arg6[%dma_start3A_1594, %dma_start3A_1596, %dma_start3A_1597] : memref<2x800x64xf32, #tpu.memory_space<vmem>> -> memref<1x50x64xf32, #tpu.memory_space<vmem>>
      %dma_start3A_1599 = tpu.memref_squeeze %dma_start3A_1598 : memref<1x50x64xf32, #tpu.memory_space<vmem>> -> memref<50x64xf32, #tpu.memory_space<vmem>>
      %dma_start3A_1600 = arith.constant 0 : i32
      %dma_start3A_1601 = arith.constant 0 : i32
      %dma_start3A_1602 = tpu.memref_slice %arg4[%add3A_1593, %dma_start3A_1600, %dma_start3A_1601] : memref<4096x50x64xf32, #tpu.memory_space<hbm>> -> memref<1x50x64xf32, #tpu.memory_space<hbm>>
      %dma_start3A_1603 = tpu.memref_squeeze %dma_start3A_1602 : memref<1x50x64xf32, #tpu.memory_space<hbm>> -> memref<50x64xf32, #tpu.memory_space<hbm>>
      %dma_start3A_1604 = tpu.memref_slice %arg8[%dma_start3A_1595] : memref<2x!tpu.dma_semaphore, #tpu.memory_space<semaphore_mem>> -> memref<1x!tpu.dma_semaphore, #tpu.memory_space<semaphore_mem>>
      %dma_start3A_1605 = tpu.memref_squeeze %dma_start3A_1604 : memref<1x!tpu.dma_semaphore, #tpu.memory_space<semaphore_mem>> -> memref<!tpu.dma_semaphore, #tpu.memory_space<semaphore_mem>>
      %dma_start3A_1606 = arith.constant 0 : i32
      %dma_start3A_1607 = arith.constant 0 : i32
      %dma_start3A_1608 = tpu.memref_slice %arg4[%add3A_1593, %dma_start3A_1606, %dma_start3A_1607] : memref<4096x50x64xf32, #tpu.memory_space<hbm>> -> memref<1x50x64xf32, #tpu.memory_space<hbm>>
      %dma_start3A_1609 = tpu.memref_squeeze %dma_start3A_1608 : memref<1x50x64xf32, #tpu.memory_space<hbm>> -> memref<50x64xf32, #tpu.memory_space<hbm>>
      %dma_start3A_1610 = arith.constant 750 : i32
      %dma_start3A_1611 = arith.constant 0 : i32
      %dma_start3A_1612 = tpu.memref_slice %arg6[%dma_start3A_1594, %dma_start3A_1610, %dma_start3A_1611] : memref<2x800x64xf32, #tpu.memory_space<vmem>> -> memref<1x50x64xf32, #tpu.memory_space<vmem>>
      %dma_start3A_1613 = tpu.memref_squeeze %dma_start3A_1612 : memref<1x50x64xf32, #tpu.memory_space<vmem>> -> memref<50x64xf32, #tpu.memory_space<vmem>>
      tpu.enqueue_dma source(%dma_start3A_1613 : memref<50x64xf32, #tpu.memory_space<vmem>>) target(%dma_start3A_1609 : memref<50x64xf32, #tpu.memory_space<hbm>>) target_semaphore(%dma_start3A_1605 : memref<!tpu.dma_semaphore, #tpu.memory_space<semaphore_mem>>)
    }
    %scan3A_704 = arith.constant 4 : i32
    %add3A_705 = arith.constant 5600 : i32
    %add3A_706 = arith.addi %mul3A_2, %add3A_705 : i32
    %jit3A = arith.constant 50 : i32
    %div3A = arith.divsi %add3A_706, %jit3A : i32
    %sign3A = arith.constant 0 : i32
    %sign3A_707 = arith.cmpi sgt, %add3A_706, %sign3A : i32
    %sign3A_708 = arith.extui %sign3A_707 : i1 to i32
    %sign3A_709 = arith.constant 0 : i32
    %sign3A_710 = arith.cmpi slt, %add3A_706, %sign3A_709 : i32
    %sign3A_711 = arith.extui %sign3A_710 : i1 to i32
    %sign3A_712 = arith.subi %sign3A_708, %sign3A_711 : i32
    %sign3A_713 = arith.constant 0 : i32
    %sign3A_714 = arith.cmpi sgt, %jit3A, %sign3A_713 : i32
    %sign3A_715 = arith.extui %sign3A_714 : i1 to i32
    %sign3A_716 = arith.constant 0 : i32
    %sign3A_717 = arith.cmpi slt, %jit3A, %sign3A_716 : i32
    %sign3A_718 = arith.extui %sign3A_717 : i1 to i32
    %sign3A_719 = arith.subi %sign3A_715, %sign3A_718 : i32
    %ne3A = arith.cmpi ne, %sign3A_712, %sign3A_719 : i32
    %rem3A = arith.remsi %add3A_706, %jit3A : i32
    %ne3A_720 = arith.constant 0 : i32
    %ne3A_721 = arith.cmpi ne, %rem3A, %ne3A_720 : i32
    %and3A = arith.andi %ne3A, %ne3A_721 : i1
    %sub3A = arith.constant 1 : i32
    %sub3A_722 = arith.subi %div3A, %sub3A : i32
    %select_n3A = arith.select %and3A, %sub3A_722, %div3A : i32
    %dma_wait3A = arith.constant 1 : i32
    %dma_wait3A_723 = arith.constant 1 : i32
    %dma_wait3A_724 = arith.constant 0 : i32
    %dma_wait3A_725 = arith.constant 0 : i32
    %dma_wait3A_726 = tpu.memref_slice %arg6[%dma_wait3A, %dma_wait3A_724, %dma_wait3A_725] : memref<2x800x64xf32, #tpu.memory_space<vmem>> -> memref<1x800x64xf32, #tpu.memory_space<vmem>>
    %dma_wait3A_727 = tpu.memref_squeeze %dma_wait3A_726 : memref<1x800x64xf32, #tpu.memory_space<vmem>> -> memref<800x64xf32, #tpu.memory_space<vmem>>
    %dma_wait3A_728 = arith.constant 0 : i32
    %dma_wait3A_729 = arith.constant 0 : i32
    %dma_wait3A_730 = tpu.memref_slice %arg4[%select_n3A, %dma_wait3A_728, %dma_wait3A_729] : memref<4096x50x64xf32, #tpu.memory_space<hbm>> -> memref<16x50x64xf32, #tpu.memory_space<hbm>>
    %dma_wait3A_731 = tpu.memref_slice %arg8[%dma_wait3A_723] : memref<2x!tpu.dma_semaphore, #tpu.memory_space<semaphore_mem>> -> memref<1x!tpu.dma_semaphore, #tpu.memory_space<semaphore_mem>>
    %dma_wait3A_732 = tpu.memref_squeeze %dma_wait3A_731 : memref<1x!tpu.dma_semaphore, #tpu.memory_space<semaphore_mem>> -> memref<!tpu.dma_semaphore, #tpu.memory_space<semaphore_mem>>
    %dma_wait3A_733 = arith.constant 0 : i32
    %dma_wait3A_734 = arith.constant 0 : i32
    %dma_wait3A_735 = tpu.memref_slice %arg4[%select_n3A, %dma_wait3A_733, %dma_wait3A_734] : memref<4096x50x64xf32, #tpu.memory_space<hbm>> -> memref<16x50x64xf32, #tpu.memory_space<hbm>>
    %dma_wait3A_736 = arith.constant 0 : i32
    %dma_wait3A_737 = arith.constant 0 : i32
    %dma_wait3A_738 = tpu.memref_slice %arg6[%dma_wait3A, %dma_wait3A_736, %dma_wait3A_737] : memref<2x800x64xf32, #tpu.memory_space<vmem>> -> memref<1x800x64xf32, #tpu.memory_space<vmem>>
    %dma_wait3A_739 = tpu.memref_squeeze %dma_wait3A_738 : memref<1x800x64xf32, #tpu.memory_space<vmem>> -> memref<800x64xf32, #tpu.memory_space<vmem>>
    tpu.wait_dma2 semaphore(%dma_wait3A_732 : memref<!tpu.dma_semaphore, #tpu.memory_space<semaphore_mem>>) src(%dma_wait3A_739 : memref<800x64xf32, #tpu.memory_space<vmem>>) dst(%dma_wait3A_735 : memref<16x50x64xf32, #tpu.memory_space<hbm>>)
    return
  }
}

</mosaic_0001>

<sc_bundles>
// kernel: kernel.3.cloned.1.call-start
scs
__scs_entry_jumppad:
0x0: {  	(pc) =	sbr.rel $0x88, $3  }
0x1: {  	(tag) =	ssettag $0x0;
	lr =	simm.s32 $0x1  }
0x2: {  	[smem:$0x3F9F] =	sst lr;
	_ =	strace $0xD0000000  }
0x3: {  	_ = 	snop  }
0x4: {  	_ = 	snop  }
0x5: {  	_ = 	snop  }
0x6: {  	_ = 	snop  }
0x7: {  	_ = 	snop  }
__scs_overlays_trampoline_lowered:
0x8: {  	[smem:$0x3FAE] =	sst s0  }
0x9: {  	[smem:$0x3FAF] =	sst s1  }
0xa: {  	[smem:$0x3FB0] =	sst s2  }
0xb: {  	[smem:$0x3FB1] =	sst s3  }
0xc: {  	[smem:$0x3FB2] =	sst s4  }
0xd: {  	[smem:$0x3FB3] =	sst s5  }
0xe: {  	[smem:$0x3FB4] =	sst s6  }
0xf: {  	[smem:$0x3FB5] =	sst s7  }
0x10: {  	[smem:$0x3FB6] =	sst s8  }
0x11: {  	[smem:$0x3FB7] =	sst s9;
	s0 =	simm.s32 @!p0 $0x0  }
0x12: {  	s1 =	sld [smem:$0x3F9D];
	s0 =	simm.s32 @p0 $0x1  }
0x13: {  	[smem:$0x3FB8] =	sst s0;
	s0 =	simm.s32 @!p1 $0x0  }
0x14: {  	s2 =	sld [smem:$0x3F9C];
	s0 =	simm.s32 @p1 $0x1  }
0x15: {  	[smem:$0x3FB9] =	sst s0;
	s0 =	simm.s32 @!p2 $0x0  }
0x16: {  	s3 =	sld [smem:$0x3FDB];
	s0 =	simm.s32 @p2 $0x1  }
0x17: {  	s4 =	simm.s32 $0x1BF5;
	[smem:$0x3FBB] =	sst s0  }
0x18: {  	s0 =	sld [smem:$0x3F9E];
	_ =	swait.ge [sflag:s4], $0x0  }
0x19: {  	s7 =	sld [smem:$0x3F9F]  }
0x1a: {  	s8 =	sadd.s32 $0xFFFFE003, lr  }
0x1b: {  	s9 =	sadd.s32 $0xFFFFFEF7, lr;
	s5 =	simm.s32 $0xFFFFFFFF;
	p2 =	slt.u32 s8, $0xFFFFF086  }
0x1c: {  	p1 =	slt.u32 s9, $0xF7A;
	s5 =	simm.s32 @!p2 $0x0  }
0x1d: {  	s5 =	simm.s32 @p1 $0x1;
	p0 =	seq.s32 s7, s2  }
0x1e: {  	s7 =	smul.u32 @!p0 $0xF7A, s2;
	p2 =	seq.s32 @!p0 s5, $0x0  }
0x1f: {  	s9 =	smul.u32 $0xF7A, s1;
	s8 =	simm.s32 @!p0 $0x1BF5;
	p2 =	por !p2, p0  }
0x20: {  	[sflag:s8] =	ssyncset.s32 @!p0 $0xFFFFF086;
	s6 =	sadd.s32 @!p0 s3, s7;
	s7 =	simm.s32 @!p0 $0x108  }
0x21: {  	s3 =	sadd.s32 s3, s9;
	s6 =	sadd.s32 @!p0 $0x88, s6;
	s7 =	simm.s32 @p2 $0x1082  }
0x22: {  	[simem:s7], [sflag:s8] =	dma.local @!p0 [hbm:s6], $0xF7A  }
0x23: {  	s9 =	sor.u32 $0xD0000000, s2;
	s6 =	simm.s32 $0x108;
	_ =	swait.ge @!p0 [sflag:s8], $0x0  }
0x24: {  	s3 =	sadd.s32 $0x88, s3;
	s6 =	simm.s32 @!p1 $0x1082;
	[sflag:s4] =	ssyncset.s32 $0xFFFFF086  }
0x25: {  	[simem:s6], [sflag:s4] =	dma.local [hbm:s3], $0xF7A  }
0x26: {  	[smem:$0x3F9F] =	sst s1;
	(tag) =	ssettag s2;
	_ =	strace s9  }
0x27: {  	s1 =	sld [smem:$0x3FAF]  }
0x28: {  	s2 =	sld [smem:$0x3FB0]  }
0x29: {  	s4 =	sld [smem:$0x3FB2]  }
0x2a: {  	p0 =	seq.s32 s5, $0x0;
	s5 =	sld [smem:$0x3FB3]  }
0x2b: {  	s6 =	sld [smem:$0x3FB4]  }
0x2c: {  	s7 =	sld [smem:$0x3FB5]  }
0x2d: {  	s3 =	simm.s32 $0x108;
	s8 =	sld [smem:$0x3FB6]  }
0x2e: {  	s3 =	simm.s32 @!p0 $0x1082;
	s9 =	sld [smem:$0x3FB7]  }
0x2f: {  	lr =	sadd.s32 s0, s3;
	s0 =	sld [smem:$0x3FAE]  }
0x30: {  	s3 =	sld [smem:$0x3FB1]  }
0x31: {  	[smem:$0x3FBA] =	sst s10  }
0x32: {  	s10 =	sld [smem:$0x3FB8];
	_ =	sdelay $0x3  }
0x33: {  	p0 =	seq.s32 s10, $0x1;
	s10 =	sld [smem:$0x3FBA];
	_ =	sdelay $0x3  }
0x34: {  	[smem:$0x3FBA] =	sst s10  }
0x35: {  	s10 =	sld [smem:$0x3FB9];
	_ =	sdelay $0x3  }
0x36: {  	p1 =	seq.s32 s10, $0x1;
	s10 =	sld [smem:$0x3FBA];
	_ =	sdelay $0x3  }
0x37: {  	[smem:$0x3FBA] =	sst s10  }
0x38: {  	s10 =	sld [smem:$0x3FBB]  }
0x39: {  	_ = 	snop;
	(pc) =	sbr.ind lr, $3  }
0x3a: {  	_ = 	snop  }
0x3b: {  	_ = 	snop  }
0x3c: {  	p2 =	seq.s32 s10, $0x1;
	s10 =	sld [smem:$0x3FBA]  }
0x3d: {  	_ =	shalt  }
0x3e: {  	_ =	shalt  }
0x3f: {  	_ =	shalt  }
0x40: {  	_ =	shalt  }
0x41: {  	_ =	shalt  }
0x42: {  	_ =	shalt  }
0x43: {  	_ =	shalt  }
0x44: {  	_ =	shalt  }
0x45: {  	_ =	shalt  }
0x46: {  	_ =	shalt  }
0x47: {  	_ =	shalt  }
0x48: {  	_ =	shalt  }
0x49: {  	_ =	shalt  }
0x4a: {  	_ =	shalt  }
0x4b: {  	_ =	shalt  }
0x4c: {  	_ =	shalt  }
0x4d: {  	_ =	shalt  }
0x4e: {  	_ =	shalt  }
0x4f: {  	_ =	shalt  }
0x50: {  	_ =	shalt  }
0x51: {  	_ =	shalt  }
0x52: {  	_ =	shalt  }
0x53: {  	_ =	shalt  }
0x54: {  	_ =	shalt  }
0x55: {  	_ =	shalt  }
0x56: {  	_ =	shalt  }
0x57: {  	_ =	shalt  }
0x58: {  	_ =	shalt  }
0x59: {  	_ =	shalt  }
0x5a: {  	_ =	shalt  }
0x5b: {  	_ =	shalt  }
0x5c: {  	_ =	shalt  }
0x5d: {  	_ =	shalt  }
0x5e: {  	_ =	shalt  }
0x5f: {  	_ =	shalt  }
0x60: {  	_ =	shalt  }
0x61: {  	_ =	shalt  }
0x62: {  	_ =	shalt  }
0x63: {  	_ =	shalt  }
0x64: {  	_ =	shalt  }
0x65: {  	_ =	shalt  }
0x66: {  	_ =	shalt  }
0x67: {  	_ =	shalt  }
0x68: {  	_ =	shalt  }
0x69: {  	_ =	shalt  }
0x6a: {  	_ =	shalt  }
0x6b: {  	_ =	shalt  }
0x6c: {  	_ =	shalt  }
0x6d: {  	_ =	shalt  }
0x6e: {  	_ =	shalt  }
0x6f: {  	_ =	shalt  }
0x70: {  	_ =	shalt  }
0x71: {  	_ =	shalt  }
0x72: {  	_ =	shalt  }
0x73: {  	_ =	shalt  }
0x74: {  	_ =	shalt  }
0x75: {  	_ =	shalt  }
0x76: {  	_ =	shalt  }
0x77: {  	_ =	shalt  }
0x78: {  	_ =	shalt  }
0x79: {  	_ =	shalt  }
0x7a: {  	_ =	shalt  }
0x7b: {  	_ =	shalt  }
0x7c: {  	_ =	shalt  }
0x7d: {  	_ =	shalt  }
0x7e: {  	_ =	shalt  }
0x7f: {  	_ =	shalt  }
0x80: {  	_ =	shalt  }
0x81: {  	_ =	shalt  }
0x82: {  	_ =	shalt  }
0x83: {  	_ =	shalt  }
0x84: {  	_ =	shalt  }
0x85: {  	_ =	shalt  }
0x86: {  	_ =	shalt  }
0x87: {  	_ =	shalt  }
.Lfunc_end0:
.L_simem_size_0:
called_computation.1_lowered:
.L_overlay_start_0:
0x88: {  	s2 =	sld [smem:$0x3FD9]  }
0x89: {  	s3 =	sld [smem:$0x3FFE];
	_ =	sdelay $0x1  }
0x8a: {  	s1 =	srdreg.scid  }
0x8b: {  	s0 =	sand.u32 $0x1, s1  }
0x8c: {  	s17 =	sshll.u32 s0, $0xA;
	s2 =	sadd.s32 s3, s2  }
0x8d: {  	s2 =	sadd.s32 s2, s17  }
0x8e: {  	[smem:$0x3FC6] =	sst s2  }
0x8f: {  	_ = 	snop  }
0x90: {  	s2 =	sld [smem:$0x3FD0];
	(tm) =	ssettm $0x1  }
0x91: {  	s18 =	sld [smem:$0x3FFB];
	_ =	sdelay $0x3  }
0x92: {  	_ =	strace s18  }
0x93: {  	s3 =	sld [smem:$0x3FFC];
	_ =	sdelay $0x3  }
0x94: {  	_ =	strace s3  }
0x95: {  	s3 =	sld [smem:$0x3FFD];
	_ =	sdelay $0x3  }
0x96: {  	_ =	strace s3  }
0x97: {  	_ =	strace $0x8FFFFFFF  }
0x98: {  	s19 =	sld [smem:$0x3FDB];
	_ =	sdelay $0x1  }
0x99: {  	s4 =	simm.s32 $_scs_section_size  }
0x9a: {  	s5 =	simm.s32 $_size__tile_overlayer_lowered;
	s6 =	simm.s32 $_tile_overlayer_lowered  }
0x9b: {  	s22 =	simm.s32 $0x1BFF;
	s21 =	sshll.u32 s6, $0x1;
	s3 =	sadd.s32 s4, s19  }
0x9c: {  	s7 =	simm.s32 $0x0;
	s20 =	sshll.u32 s5, $0x1;
	s5 =	sadd.s32 s21, s3  }
0x9d: {  	[timem:s7], [sflag:s22] =	dma.local [hbm:s5], s20  }
0x9e: {  	_ =	swait.ge [sflag:s22], s20  }
0x9f: {  	s4 =	ssub.s32 $0x0, s20;
	[sflag:s22] =	ssyncset.done $0x0  }
0xa0: {  	[sflag:s22] =	ssyncadd.s32 s4;
	_ =	sdelay $0x1  }
0xa1: {  	s23 =	simm.s32 $0x1B8B  }
0xa2: {  	_ =	swait.ge [sflag:s23], $0x1  }
0xa3: {  	[sflag:s23] =	ssyncset.done $0x0  }
0xa4: {  	s25 =	simm.s32 $0x1B8E;
	s24 =	sld [smem:$0x3FFE];
	[sflag:s23] =	ssyncadd.s32 $0xFFFFFFFF  }
0xa5: {  	s26 =	simm.s32 $execute0_lowered;
	[smem:$0x3FD2] =	sst s25  }
0xa6: {  	s5 =	sshll.u32 s26, $0x1;
	_ =	strace $0x80000046;
	[dreg:$0x1] =	wrdreg $0xFFFFFFFF  }
0xa7: {  	s28 =	simm.s32 $_size_execute0_lowered;
	s3 =	sadd.s32 s3, s5;
	[dreg:$0x0] =	wrdreg $0x0  }
0xa8: {  	s5 =	sshll.u32 s28, $0x1;
	[dreg:$0x2] =	wrdreg s3  }
0xa9: {  	[dreg:$0x3] =	wrdreg s5  }
0xaa: {  	[dreg:$0x4] =	wrdreg $0xC0  }
0xab: {  	_ =	task [dreg:s7], $0x5FFFF  }
0xac: {  	[dreg:$0x1] =	wrdreg $0xFFFFFFFF  }
0xad: {  	[dreg:$0x0] =	wrdreg $0x60  }
0xae: {  	[dreg:$0x2] =	wrdreg s24  }
0xaf: {  	[dreg:$0x3] =	wrdreg s2  }
0xb0: {  	[dreg:$0x4] =	wrdreg $0x9  }
0xb1: {  	_ =	task.clear_ibuf [dreg:s7], $0x5FFFF;
	_ =	strace $0x90000046  }
0xb2: {  	s29 =	simm.s32 $0x9;
	_ =	strace $0x80000048  }
0xb3: {  	_ =	swait.ge [sflag:s29], $0x1  }
0xb4: {  	[sflag:s29] =	ssyncadd.s32 $0xFFFFFFFF  }
0xb5: {  	_ =	strace $0x90000048  }
0xb6: {  	_ =	sfence  }
0xb7: {  	s30 =	sld [smem:$0x0];
	_ =	sdelay $0x2  }
0xb8: {  	s31 =	sshll.u32 s1, $0xD;
	s1 =	sshrl.u32 s1, $0x2  }
0xb9: {  	s3 =	sand.u32 $0x4000, s31;
	s1 =	sadd.s32 s1, s30  }
0xba: {  	s0 =	sor.u32 s3, s0;
	s1 =	sshll.u32 s1, $0x11  }
0xbb: {  	s0 =	sor.u32 s1, s0  }
0xbc: {  	s0 =	sadd.s32 $0x8F2B, s0  }
0xbd: {  	[sflag:s0] =	ssyncadd.remote.s32 $0x1  }
0xbe: {  	_ =	sfence.sel $0xFFFF  }
0xbf: {  	[dreg:$0x0] =	wrdreg $0xFFFFFFFF;
	(pc) =	sbr.abs _section_cstart, $3  }
0xc0: {  	[dreg:$0x1] =	wrdreg $0xFFFFFFFF  }
0xc1: {  	_ =	task.clear_ibuf [dreg:s7], $0x2FFFF;
	_ =	strace $0x9FFFFFFF  }
0xc2: {  	(tm) =	ssettm $0x7FFFFFFF  }
0xc3: {  	_ =	shalt  }
tec
execute0_lowered:
.L_overlay_start_1:
0x0: {  	(tag) =	ssettag $0x1  }
0x1: {  	s0 =	srdreg.scid;
	s5 =	rddreg [dreg:$0x0]  }
0x2: {  	s1 =	stileid.u32;
	s2 =	rddreg [dreg:$0x1]  }
0x3: {  	s4 =	simm.s32 $0x0;
	s9 =	simm.s32 $0x1900;
	s7 =	simm.s32 $0x7D00  }
0x4: {  	s8 =	simm.s32 $0x14500;
	s11 =	simm.s32 $0x1;
	s26 =	simm.s32 $0x3  }
0x5: {  	s28 =	simm.s32 $0x2;
	s29 =	simm.s32 $0xED80;
	s30 =	simm.s32 $0xFA00  }
0x6: {  	s31 =	simm.s32 $0x10680;
	s10 =	simm.s32 $0x12C00;
	s12 =	simm.s32 $0x13880  }
0x7: {  	s13 =	simm.s32 $0x15180;
	s14 =	simm.s32 $0x15E00;
	s15 =	simm.s32 $0x16A80  }
0x8: {  	s16 =	simm.s32 $0x17700;
	s0 =	sand.u32 $0x1, s0;
	s1 =	sshll.u32 s1, $0x1  }
0x9: {  	s17 =	simm.s32 $0x18380;
	s18 =	simm.s32 $0x19000;
	s1 =	sor.u32 s0, s1  }
0xa: {  	s19 =	simm.s32 $0x19C80;
	s0 =	ssub.s32 $0x2, s0;
	s3 =	smul.u32 $0x1900, s1  }
0xb: {  	s22 =	simm.s32 $0x0;
	[smem:$0x7FF] =	sst s4;
	s6 =	sshrl.u32 s0, $0x1  }
0xc: {  	_ =	strace $0x80000047;
	s0 =	ssub.s32 s0, s6;
	s1 =	sshrl.u32 s3, $0x3  }
0xd: {  	s6 =	simm.s32 $0xE100;
	s0 =	smax.u32 s0, $0x1;
	s1 =	sadd.s32 s1, s5  }
0xe: {  	s5 =	sadd.s32 $0xF42E00, s5;
	[dreg:$0x4] =	wrdreg s0;
	s1 =	sadd.s32 $0xA00, s1  }
0xf: {  	vm0 =	vmmov $0xffff;
	s0 =	simm.s32 $0x11F80;
	[dreg:$0x3] =	wrdreg s1;
	s1 =	simm.s32 $0x11300  }
.LBB2_1:
0x10: {  	[dreg:$0x5] =	wrdreg s22  }
0x11: {  	s20 =	rddreg [dreg:$0x3];
	s22 =	simm.s32 $0x5  }
0x12: {  	[tilespmem:s4], [sflag:$0x5] =	stream.linear.gather [hbm4b:s20+s4], $0x1900, $0x38;
	[tilespmem:$0x1A900] =	vst v63  }
0x13: {  	_ =	swait.ge [sflag:s22], $0x1900  }
0x14: {  	[sflag:s22] =	ssyncset.done $0x0  }
0x15: {  	[sflag:s22] =	ssyncadd.s32 $0xFFFFE700  }
0x16: {  	v0 =	vld [tilespmem:$0x0];
	_ =	sdelay $0x7  }
0x17: {  	[tilespmem:s9], [sflag:$0x1] =	stream.indirect_vreg.gather [hbm4b:s5+s4], $0x40, v0, vm0, $0xb8;
	[tilespmem:$0x1A900] =	vst v63  }
0x18: {  	v0 =	vld [tilespmem:$0x10];
	_ =	sdelay $0x6  }
0x19: {  	s23 =	simm.s32 $0x1D00  }
0x1a: {  	[tilespmem:s23], [sflag:$0x1] =	stream.indirect_vreg.gather [hbm4b:s5+s4], $0x40, v0, vm0, $0xb8;
	[tilespmem:$0x1A900] =	vst v63  }
0x1b: {  	v0 =	vld [tilespmem:$0x20];
	_ =	sdelay $0x6  }
0x1c: {  	s24 =	simm.s32 $0x2100  }
0x1d: {  	[tilespmem:s24], [sflag:$0x1] =	stream.indirect_vreg.gather [hbm4b:s5+s4], $0x40, v0, vm0, $0xb8;
	[tilespmem:$0x1A900] =	vst v63  }
0x1e: {  	v0 =	vld [tilespmem:$0x30];
	_ =	sdelay $0x6  }
0x1f: {  	s25 =	simm.s32 $0x2500  }
0x20: {  	[tilespmem:s25], [sflag:$0x1] =	stream.indirect_vreg.gather [hbm4b:s5+s4], $0x40, v0, vm0, $0xb8;
	[tilespmem:$0x1A900] =	vst v63  }
0x21: {  	v0 =	vld [tilespmem:$0x40];
	_ =	sdelay $0x6  }
0x22: {  	s21 =	simm.s32 $0x2900  }
0x23: {  	[tilespmem:s21], [sflag:$0x1] =	stream.indirect_vreg.gather [hbm4b:s5+s4], $0x40, v0, vm0, $0xb8;
	[tilespmem:$0x1A900] =	vst v63  }
0x24: {  	v0 =	vld [tilespmem:$0x50];
	_ =	sdelay $0x6  }
0x25: {  	s22 =	simm.s32 $0x2D00  }
0x26: {  	[tilespmem:s22], [sflag:$0x1] =	stream.indirect_vreg.gather [hbm4b:s5+s4], $0x40, v0, vm0, $0xb8;
	[tilespmem:$0x1A900] =	vst v63  }
0x27: {  	v0 =	vld [tilespmem:$0x60];
	_ =	sdelay $0x6  }
0x28: {  	s23 =	simm.s32 $0x3100  }
0x29: {  	[tilespmem:s23], [sflag:$0x1] =	stream.indirect_vreg.gather [hbm4b:s5+s4], $0x40, v0, vm0, $0xb8;
	[tilespmem:$0x1A900] =	vst v63  }
0x2a: {  	v0 =	vld [tilespmem:$0x70];
	_ =	sdelay $0x6  }
0x2b: {  	s24 =	simm.s32 $0x3500  }
0x2c: {  	[tilespmem:s24], [sflag:$0x1] =	stream.indirect_vreg.gather [hbm4b:s5+s4], $0x40, v0, vm0, $0xb8;
	[tilespmem:$0x1A900] =	vst v63  }
0x2d: {  	v0 =	vld [tilespmem:$0x80];
	_ =	sdelay $0x6  }
0x2e: {  	s25 =	simm.s32 $0x3900  }
0x2f: {  	[tilespmem:s25], [sflag:$0x1] =	stream.indirect_vreg.gather [hbm4b:s5+s4], $0x40, v0, vm0, $0xb8;
	[tilespmem:$0x1A900] =	vst v63  }
0x30: {  	v0 =	vld [tilespmem:$0x90];
	_ =	sdelay $0x6  }
0x31: {  	s21 =	simm.s32 $0x3D00  }
0x32: {  	[tilespmem:s21], [sflag:$0x1] =	stream.indirect_vreg.gather [hbm4b:s5+s4], $0x40, v0, vm0, $0xb8;
	[tilespmem:$0x1A900] =	vst v63  }
0x33: {  	v0 =	vld [tilespmem:$0xA0];
	_ =	sdelay $0x6  }
0x34: {  	s22 =	simm.s32 $0x4100  }
0x35: {  	[tilespmem:s22], [sflag:$0x1] =	stream.indirect_vreg.gather [hbm4b:s5+s4], $0x40, v0, vm0, $0xb8;
	[tilespmem:$0x1A900] =	vst v63  }
0x36: {  	v0 =	vld [tilespmem:$0xB0];
	_ =	sdelay $0x6  }
0x37: {  	s23 =	simm.s32 $0x4500  }
0x38: {  	[tilespmem:s23], [sflag:$0x1] =	stream.indirect_vreg.gather [hbm4b:s5+s4], $0x40, v0, vm0, $0xb8;
	[tilespmem:$0x1A900] =	vst v63  }
0x39: {  	v0 =	vld [tilespmem:$0xC0];
	_ =	sdelay $0x6  }
0x3a: {  	s24 =	simm.s32 $0x4900  }
0x3b: {  	[tilespmem:s24], [sflag:$0x1] =	stream.indirect_vreg.gather [hbm4b:s5+s4], $0x40, v0, vm0, $0xb8;
	[tilespmem:$0x1A900] =	vst v63  }
0x3c: {  	v0 =	vld [tilespmem:$0xD0];
	_ =	sdelay $0x6  }
0x3d: {  	s25 =	simm.s32 $0x4D00  }
0x3e: {  	[tilespmem:s25], [sflag:$0x1] =	stream.indirect_vreg.gather [hbm4b:s5+s4], $0x40, v0, vm0, $0xb8;
	[tilespmem:$0x1A900] =	vst v63  }
0x3f: {  	v0 =	vld [tilespmem:$0xE0];
	_ =	sdelay $0x6  }
0x40: {  	s21 =	simm.s32 $0x5100  }
0x41: {  	[tilespmem:s21], [sflag:$0x1] =	stream.indirect_vreg.gather [hbm4b:s5+s4], $0x40, v0, vm0, $0xb8;
	[tilespmem:$0x1A900] =	vst v63  }
0x42: {  	v0 =	vld [tilespmem:$0xF0];
	_ =	sdelay $0x6  }
0x43: {  	s22 =	simm.s32 $0x5500  }
0x44: {  	[tilespmem:s22], [sflag:$0x1] =	stream.indirect_vreg.gather [hbm4b:s5+s4], $0x40, v0, vm0, $0xb8;
	[tilespmem:$0x1A900] =	vst v63  }
0x45: {  	v0 =	vld [tilespmem:$0x100];
	_ =	sdelay $0x6  }
0x46: {  	s23 =	simm.s32 $0x5900  }
0x47: {  	[tilespmem:s23], [sflag:$0x1] =	stream.indirect_vreg.gather [hbm4b:s5+s4], $0x40, v0, vm0, $0xb8;
	[tilespmem:$0x1A900] =	vst v63  }
0x48: {  	v0 =	vld [tilespmem:$0x110];
	_ =	sdelay $0x6  }
0x49: {  	s24 =	simm.s32 $0x5D00  }
0x4a: {  	[tilespmem:s24], [sflag:$0x1] =	stream.indirect_vreg.gather [hbm4b:s5+s4], $0x40, v0, vm0, $0xb8;
	[tilespmem:$0x1A900] =	vst v63  }
0x4b: {  	v0 =	vld [tilespmem:$0x120];
	_ =	sdelay $0x6  }
0x4c: {  	s25 =	simm.s32 $0x6100  }
0x4d: {  	[tilespmem:s25], [sflag:$0x1] =	stream.indirect_vreg.gather [hbm4b:s5+s4], $0x40, v0, vm0, $0xb8;
	[tilespmem:$0x1A900] =	vst v63  }
0x4e: {  	v0 =	vld [tilespmem:$0x130];
	_ =	sdelay $0x6  }
0x4f: {  	s21 =	simm.s32 $0x6500  }
0x50: {  	[tilespmem:s21], [sflag:$0x1] =	stream.indirect_vreg.gather [hbm4b:s5+s4], $0x40, v0, vm0, $0xb8;
	[tilespmem:$0x1A900] =	vst v63  }
0x51: {  	v0 =	vld [tilespmem:$0x140];
	_ =	sdelay $0x6  }
0x52: {  	s22 =	simm.s32 $0x6900  }
0x53: {  	[tilespmem:s22], [sflag:$0x1] =	stream.indirect_vreg.gather [hbm4b:s5+s4], $0x40, v0, vm0, $0xb8;
	[tilespmem:$0x1A900] =	vst v63  }
0x54: {  	v0 =	vld [tilespmem:$0x150];
	_ =	sdelay $0x6  }
0x55: {  	s23 =	simm.s32 $0x6D00  }
0x56: {  	[tilespmem:s23], [sflag:$0x1] =	stream.indirect_vreg.gather [hbm4b:s5+s4], $0x40, v0, vm0, $0xb8;
	[tilespmem:$0x1A900] =	vst v63  }
0x57: {  	v0 =	vld [tilespmem:$0x160];
	_ =	sdelay $0x6  }
0x58: {  	s24 =	simm.s32 $0x7100  }
0x59: {  	[tilespmem:s24], [sflag:$0x1] =	stream.indirect_vreg.gather [hbm4b:s5+s4], $0x40, v0, vm0, $0xb8;
	[tilespmem:$0x1A900] =	vst v63  }
0x5a: {  	v0 =	vld [tilespmem:$0x170];
	_ =	sdelay $0x6  }
0x5b: {  	s25 =	simm.s32 $0x7500  }
0x5c: {  	[tilespmem:s25], [sflag:$0x1] =	stream.indirect_vreg.gather [hbm4b:s5+s4], $0x40, v0, vm0, $0xb8;
	[tilespmem:$0x1A900] =	vst v63  }
0x5d: {  	v0 =	vld [tilespmem:$0x180];
	_ =	sdelay $0x6  }
0x5e: {  	s21 =	simm.s32 $0x7900  }
0x5f: {  	[tilespmem:s21], [sflag:$0x1] =	stream.indirect_vreg.gather [hbm4b:s5+s4], $0x40, v0, vm0, $0xb8;
	[tilespmem:$0x1A900] =	vst v63  }
0x60: {  	v0 =	vld [tilespmem:$0x190];
	_ =	sdelay $0x7  }
0x61: {  	[tilespmem:s7], [sflag:$0x1] =	stream.indirect_vreg.gather [hbm4b:s5+s4], $0x40, v0, vm0, $0xb8;
	[tilespmem:$0x1A900] =	vst v63  }
0x62: {  	v0 =	vld [tilespmem:$0x1A0];
	_ =	sdelay $0x6  }
0x63: {  	s22 =	simm.s32 $0x8100  }
0x64: {  	[tilespmem:s22], [sflag:$0x1] =	stream.indirect_vreg.gather [hbm4b:s5+s4], $0x40, v0, vm0, $0xb8;
	[tilespmem:$0x1A900] =	vst v63  }
0x65: {  	v0 =	vld [tilespmem:$0x1B0];
	_ =	sdelay $0x6  }
0x66: {  	s23 =	simm.s32 $0x8500  }
0x67: {  	[tilespmem:s23], [sflag:$0x1] =	stream.indirect_vreg.gather [hbm4b:s5+s4], $0x40, v0, vm0, $0xb8;
	[tilespmem:$0x1A900] =	vst v63  }
0x68: {  	v0 =	vld [tilespmem:$0x1C0];
	_ =	sdelay $0x6  }
0x69: {  	s24 =	simm.s32 $0x8900  }
0x6a: {  	[tilespmem:s24], [sflag:$0x1] =	stream.indirect_vreg.gather [hbm4b:s5+s4], $0x40, v0, vm0, $0xb8;
	[tilespmem:$0x1A900] =	vst v63  }
0x6b: {  	v0 =	vld [tilespmem:$0x1D0];
	_ =	sdelay $0x6  }
0x6c: {  	s25 =	simm.s32 $0x8D00  }
0x6d: {  	[tilespmem:s25], [sflag:$0x1] =	stream.indirect_vreg.gather [hbm4b:s5+s4], $0x40, v0, vm0, $0xb8;
	[tilespmem:$0x1A900] =	vst v63  }
0x6e: {  	v0 =	vld [tilespmem:$0x1E0];
	_ =	sdelay $0x6  }
0x6f: {  	s21 =	simm.s32 $0x9100  }
0x70: {  	[tilespmem:s21], [sflag:$0x1] =	stream.indirect_vreg.gather [hbm4b:s5+s4], $0x40, v0, vm0, $0xb8;
	[tilespmem:$0x1A900] =	vst v63  }
0x71: {  	v0 =	vld [tilespmem:$0x1F0];
	_ =	sdelay $0x6  }
0x72: {  	s22 =	simm.s32 $0x9500  }
0x73: {  	[tilespmem:s22], [sflag:$0x1] =	stream.indirect_vreg.gather [hbm4b:s5+s4], $0x40, v0, vm0, $0xb8;
	[tilespmem:$0x1A900] =	vst v63  }
0x74: {  	v0 =	vld [tilespmem:$0x200];
	_ =	sdelay $0x6  }
0x75: {  	s23 =	simm.s32 $0x9900  }
0x76: {  	[tilespmem:s23], [sflag:$0x1] =	stream.indirect_vreg.gather [hbm4b:s5+s4], $0x40, v0, vm0, $0xb8;
	[tilespmem:$0x1A900] =	vst v63  }
0x77: {  	v0 =	vld [tilespmem:$0x210];
	_ =	sdelay $0x6  }
0x78: {  	s24 =	simm.s32 $0x9D00  }
0x79: {  	[tilespmem:s24], [sflag:$0x1] =	stream.indirect_vreg.gather [hbm4b:s5+s4], $0x40, v0, vm0, $0xb8;
	[tilespmem:$0x1A900] =	vst v63  }
0x7a: {  	v0 =	vld [tilespmem:$0x220];
	_ =	sdelay $0x6  }
0x7b: {  	s25 =	simm.s32 $0xA100  }
0x7c: {  	[tilespmem:s25], [sflag:$0x1] =	stream.indirect_vreg.gather [hbm4b:s5+s4], $0x40, v0, vm0, $0xb8;
	[tilespmem:$0x1A900] =	vst v63  }
0x7d: {  	v0 =	vld [tilespmem:$0x230];
	_ =	sdelay $0x6  }
0x7e: {  	s21 =	simm.s32 $0xA500  }
0x7f: {  	[tilespmem:s21], [sflag:$0x1] =	stream.indirect_vreg.gather [hbm4b:s5+s4], $0x40, v0, vm0, $0xb8;
	[tilespmem:$0x1A900] =	vst v63  }
0x80: {  	v0 =	vld [tilespmem:$0x240];
	_ =	sdelay $0x6  }
0x81: {  	s22 =	simm.s32 $0xA900  }
0x82: {  	[tilespmem:s22], [sflag:$0x1] =	stream.indirect_vreg.gather [hbm4b:s5+s4], $0x40, v0, vm0, $0xb8;
	[tilespmem:$0x1A900] =	vst v63  }
0x83: {  	v0 =	vld [tilespmem:$0x250];
	_ =	sdelay $0x6  }
0x84: {  	s23 =	simm.s32 $0xAD00  }
0x85: {  	[tilespmem:s23], [sflag:$0x1] =	stream.indirect_vreg.gather [hbm4b:s5+s4], $0x40, v0, vm0, $0xb8;
	[tilespmem:$0x1A900] =	vst v63  }
0x86: {  	v0 =	vld [tilespmem:$0x260];
	_ =	sdelay $0x6  }
0x87: {  	s24 =	simm.s32 $0xB100  }
0x88: {  	[tilespmem:s24], [sflag:$0x1] =	stream.indirect_vreg.gather [hbm4b:s5+s4], $0x40, v0, vm0, $0xb8;
	[tilespmem:$0x1A900] =	vst v63  }
0x89: {  	v0 =	vld [tilespmem:$0x270];
	_ =	sdelay $0x6  }
0x8a: {  	s25 =	simm.s32 $0xB500  }
0x8b: {  	[tilespmem:s25], [sflag:$0x1] =	stream.indirect_vreg.gather [hbm4b:s5+s4], $0x40, v0, vm0, $0xb8;
	[tilespmem:$0x1A900] =	vst v63  }
0x8c: {  	v0 =	vld [tilespmem:$0x280];
	_ =	sdelay $0x6  }
0x8d: {  	s21 =	simm.s32 $0xB900  }
0x8e: {  	[tilespmem:s21], [sflag:$0x1] =	stream.indirect_vreg.gather [hbm4b:s5+s4], $0x40, v0, vm0, $0xb8;
	[tilespmem:$0x1A900] =	vst v63  }
0x8f: {  	v0 =	vld [tilespmem:$0x290];
	_ =	sdelay $0x6  }
0x90: {  	s22 =	simm.s32 $0xBD00  }
0x91: {  	[tilespmem:s22], [sflag:$0x1] =	stream.indirect_vreg.gather [hbm4b:s5+s4], $0x40, v0, vm0, $0xb8;
	[tilespmem:$0x1A900] =	vst v63  }
0x92: {  	v0 =	vld [tilespmem:$0x2A0];
	_ =	sdelay $0x6  }
0x93: {  	s23 =	simm.s32 $0xC100  }
0x94: {  	[tilespmem:s23], [sflag:$0x1] =	stream.indirect_vreg.gather [hbm4b:s5+s4], $0x40, v0, vm0, $0xb8;
	[tilespmem:$0x1A900] =	vst v63  }
0x95: {  	v0 =	vld [tilespmem:$0x2B0];
	_ =	sdelay $0x6  }
0x96: {  	s24 =	simm.s32 $0xC500  }
0x97: {  	[tilespmem:s24], [sflag:$0x1] =	stream.indirect_vreg.gather [hbm4b:s5+s4], $0x40, v0, vm0, $0xb8;
	[tilespmem:$0x1A900] =	vst v63  }
0x98: {  	v0 =	vld [tilespmem:$0x2C0];
	_ =	sdelay $0x6  }
0x99: {  	s25 =	simm.s32 $0xC900  }
0x9a: {  	[tilespmem:s25], [sflag:$0x1] =	stream.indirect_vreg.gather [hbm4b:s5+s4], $0x40, v0, vm0, $0xb8;
	[tilespmem:$0x1A900] =	vst v63  }
0x9b: {  	v0 =	vld [tilespmem:$0x2D0];
	_ =	sdelay $0x6  }
0x9c: {  	s21 =	simm.s32 $0xCD00  }
0x9d: {  	[tilespmem:s21], [sflag:$0x1] =	stream.indirect_vreg.gather [hbm4b:s5+s4], $0x40, v0, vm0, $0xb8;
	[tilespmem:$0x1A900] =	vst v63  }
0x9e: {  	v0 =	vld [tilespmem:$0x2E0];
	_ =	sdelay $0x6  }
0x9f: {  	s22 =	simm.s32 $0xD100  }
0xa0: {  	[tilespmem:s22], [sflag:$0x1] =	stream.indirect_vreg.gather [hbm4b:s5+s4], $0x40, v0, vm0, $0xb8;
	[tilespmem:$0x1A900] =	vst v63  }
0xa1: {  	v0 =	vld [tilespmem:$0x2F0];
	_ =	sdelay $0x6  }
0xa2: {  	s23 =	simm.s32 $0xD500  }
0xa3: {  	[tilespmem:s23], [sflag:$0x1] =	stream.indirect_vreg.gather [hbm4b:s5+s4], $0x40, v0, vm0, $0xb8;
	[tilespmem:$0x1A900] =	vst v63  }
0xa4: {  	v0 =	vld [tilespmem:$0x300];
	_ =	sdelay $0x6  }
0xa5: {  	s24 =	simm.s32 $0xD900  }
0xa6: {  	[tilespmem:s24], [sflag:$0x1] =	stream.indirect_vreg.gather [hbm4b:s5+s4], $0x40, v0, vm0, $0xb8;
	[tilespmem:$0x1A900] =	vst v63  }
0xa7: {  	v0 =	vld [tilespmem:$0x310];
	_ =	sdelay $0x6  }
0xa8: {  	s20 =	simm.s32 $0x0;
	s25 =	simm.s32 $0xDD00  }
0xa9: {  	[tilespmem:s25], [sflag:$0x1] =	stream.indirect_vreg.gather [hbm4b:s5+s4], $0x40, v0, vm0, $0xb8;
	[tilespmem:$0x1A900] =	vst v63  }
.LBB2_2:
0xaa: {  	p0 =	seq.s32 s20, $0x0  }
0xab: {  	s21 =	simm.s32 @!p0 $0x4  }
0xac: {  	_ =	swait.ge @!p0 [sflag:s21], $0xC800  }
0xad: {  	s22 =	smul.u32 $0x640, s20;
	[sflag:s21] =	ssyncset.done @!p0 $0x0  }
0xae: {  	[sflag:s21] =	ssyncadd.s32 @!p0 $0xFFFF3800  }
0xaf: {  	v0 =	vld [tilespmem:s22+$0x320];
	_ =	sdelay $0x7  }
0xb0: {  	[tilespmem:s6], [sflag:$0x2] =	stream.indirect_vreg.gather [hbm4b:s5+s4], $0x40, v0, vm0, $0xb8;
	[tilespmem:$0x1A900] =	vst v63  }
0xb1: {  	v0 =	vld [tilespmem:s22+$0x330];
	_ =	sdelay $0x6  }
0xb2: {  	s23 =	simm.s32 $0xE500  }
0xb3: {  	[tilespmem:s23], [sflag:$0x2] =	stream.indirect_vreg.gather [hbm4b:s5+s4], $0x40, v0, vm0, $0xb8;
	[tilespmem:$0x1A900] =	vst v63  }
0xb4: {  	v0 =	vld [tilespmem:s22+$0x340];
	_ =	sdelay $0x6  }
0xb5: {  	s24 =	simm.s32 $0xE900  }
0xb6: {  	[tilespmem:s24], [sflag:$0x2] =	stream.indirect_vreg.gather [hbm4b:s5+s4], $0x40, v0, vm0, $0xb8;
	[tilespmem:$0x1A900] =	vst v63  }
0xb7: {  	v0 =	vld [tilespmem:s22+$0x350];
	_ =	sdelay $0x6  }
0xb8: {  	s25 =	simm.s32 $0xED00  }
0xb9: {  	[tilespmem:s25], [sflag:$0x2] =	stream.indirect_vreg.gather [hbm4b:s5+s4], $0x40, v0, vm0, $0xb8;
	[tilespmem:$0x1A900] =	vst v63  }
0xba: {  	v0 =	vld [tilespmem:s22+$0x360];
	_ =	sdelay $0x6  }
0xbb: {  	s23 =	simm.s32 $0xF100  }
0xbc: {  	[tilespmem:s23], [sflag:$0x2] =	stream.indirect_vreg.gather [hbm4b:s5+s4], $0x40, v0, vm0, $0xb8;
	[tilespmem:$0x1A900] =	vst v63  }
0xbd: {  	v0 =	vld [tilespmem:s22+$0x370];
	_ =	sdelay $0x6  }
0xbe: {  	s24 =	simm.s32 $0xF500  }
0xbf: {  	[tilespmem:s24], [sflag:$0x2] =	stream.indirect_vreg.gather [hbm4b:s5+s4], $0x40, v0, vm0, $0xb8;
	[tilespmem:$0x1A900] =	vst v63  }
0xc0: {  	v0 =	vld [tilespmem:s22+$0x380];
	_ =	sdelay $0x6  }
0xc1: {  	s25 =	simm.s32 $0xF900  }
0xc2: {  	[tilespmem:s25], [sflag:$0x2] =	stream.indirect_vreg.gather [hbm4b:s5+s4], $0x40, v0, vm0, $0xb8;
	[tilespmem:$0x1A900] =	vst v63  }
0xc3: {  	v0 =	vld [tilespmem:s22+$0x390];
	_ =	sdelay $0x6  }
0xc4: {  	s23 =	simm.s32 $0xFD00  }
0xc5: {  	[tilespmem:s23], [sflag:$0x2] =	stream.indirect_vreg.gather [hbm4b:s5+s4], $0x40, v0, vm0, $0xb8;
	[tilespmem:$0x1A900] =	vst v63  }
0xc6: {  	v0 =	vld [tilespmem:s22+$0x3A0];
	_ =	sdelay $0x6  }
0xc7: {  	s24 =	simm.s32 $0x10100  }
0xc8: {  	[tilespmem:s24], [sflag:$0x2] =	stream.indirect_vreg.gather [hbm4b:s5+s4], $0x40, v0, vm0, $0xb8;
	[tilespmem:$0x1A900] =	vst v63  }
0xc9: {  	v0 =	vld [tilespmem:s22+$0x3B0];
	_ =	sdelay $0x6  }
0xca: {  	s25 =	simm.s32 $0x10500  }
0xcb: {  	[tilespmem:s25], [sflag:$0x2] =	stream.indirect_vreg.gather [hbm4b:s5+s4], $0x40, v0, vm0, $0xb8;
	[tilespmem:$0x1A900] =	vst v63  }
0xcc: {  	v0 =	vld [tilespmem:s22+$0x3C0];
	_ =	sdelay $0x6  }
0xcd: {  	s23 =	simm.s32 $0x10900  }
0xce: {  	[tilespmem:s23], [sflag:$0x2] =	stream.indirect_vreg.gather [hbm4b:s5+s4], $0x40, v0, vm0, $0xb8;
	[tilespmem:$0x1A900] =	vst v63  }
0xcf: {  	v0 =	vld [tilespmem:s22+$0x3D0];
	_ =	sdelay $0x6  }
0xd0: {  	s24 =	simm.s32 $0x10D00  }
0xd1: {  	[tilespmem:s24], [sflag:$0x2] =	stream.indirect_vreg.gather [hbm4b:s5+s4], $0x40, v0, vm0, $0xb8;
	[tilespmem:$0x1A900] =	vst v63  }
0xd2: {  	v0 =	vld [tilespmem:s22+$0x3E0];
	_ =	sdelay $0x6  }
0xd3: {  	s25 =	simm.s32 $0x11100  }
0xd4: {  	[tilespmem:s25], [sflag:$0x2] =	stream.indirect_vreg.gather [hbm4b:s5+s4], $0x40, v0, vm0, $0xb8;
	[tilespmem:$0x1A900] =	vst v63  }
0xd5: {  	v0 =	vld [tilespmem:s22+$0x3F0];
	_ =	sdelay $0x6  }
0xd6: {  	s23 =	simm.s32 $0x11500  }
0xd7: {  	[tilespmem:s23], [sflag:$0x2] =	stream.indirect_vreg.gather [hbm4b:s5+s4], $0x40, v0, vm0, $0xb8;
	[tilespmem:$0x1A900] =	vst v63  }
0xd8: {  	v0 =	vld [tilespmem:s22+$0x400];
	_ =	sdelay $0x6  }
0xd9: {  	s24 =	simm.s32 $0x11900  }
0xda: {  	[tilespmem:s24], [sflag:$0x2] =	stream.indirect_vreg.gather [hbm4b:s5+s4], $0x40, v0, vm0, $0xb8;
	[tilespmem:$0x1A900] =	vst v63  }
0xdb: {  	v0 =	vld [tilespmem:s22+$0x410];
	_ =	sdelay $0x6  }
0xdc: {  	s25 =	simm.s32 $0x11D00  }
0xdd: {  	[tilespmem:s25], [sflag:$0x2] =	stream.indirect_vreg.gather [hbm4b:s5+s4], $0x40, v0, vm0, $0xb8;
	[tilespmem:$0x1A900] =	vst v63  }
0xde: {  	v0 =	vld [tilespmem:s22+$0x420];
	_ =	sdelay $0x6  }
0xdf: {  	s23 =	simm.s32 $0x12100  }
0xe0: {  	[tilespmem:s23], [sflag:$0x2] =	stream.indirect_vreg.gather [hbm4b:s5+s4], $0x40, v0, vm0, $0xb8;
	[tilespmem:$0x1A900] =	vst v63  }
0xe1: {  	v0 =	vld [tilespmem:s22+$0x430];
	_ =	sdelay $0x6  }
0xe2: {  	s24 =	simm.s32 $0x12500  }
0xe3: {  	[tilespmem:s24], [sflag:$0x2] =	stream.indirect_vreg.gather [hbm4b:s5+s4], $0x40, v0, vm0, $0xb8;
	[tilespmem:$0x1A900] =	vst v63  }
0xe4: {  	v0 =	vld [tilespmem:s22+$0x440];
	_ =	sdelay $0x6  }
0xe5: {  	s25 =	simm.s32 $0x12900  }
0xe6: {  	[tilespmem:s25], [sflag:$0x2] =	stream.indirect_vreg.gather [hbm4b:s5+s4], $0x40, v0, vm0, $0xb8;
	[tilespmem:$0x1A900] =	vst v63  }
0xe7: {  	v0 =	vld [tilespmem:s22+$0x450];
	_ =	sdelay $0x6  }
0xe8: {  	s23 =	simm.s32 $0x12D00  }
0xe9: {  	[tilespmem:s23], [sflag:$0x2] =	stream.indirect_vreg.gather [hbm4b:s5+s4], $0x40, v0, vm0, $0xb8;
	[tilespmem:$0x1A900] =	vst v63  }
0xea: {  	v0 =	vld [tilespmem:s22+$0x460];
	_ =	sdelay $0x6  }
0xeb: {  	s24 =	simm.s32 $0x13100  }
0xec: {  	[tilespmem:s24], [sflag:$0x2] =	stream.indirect_vreg.gather [hbm4b:s5+s4], $0x40, v0, vm0, $0xb8;
	[tilespmem:$0x1A900] =	vst v63  }
0xed: {  	v0 =	vld [tilespmem:s22+$0x470];
	_ =	sdelay $0x6  }
0xee: {  	s25 =	simm.s32 $0x13500  }
0xef: {  	[tilespmem:s25], [sflag:$0x2] =	stream.indirect_vreg.gather [hbm4b:s5+s4], $0x40, v0, vm0, $0xb8;
	[tilespmem:$0x1A900] =	vst v63  }
0xf0: {  	v0 =	vld [tilespmem:s22+$0x480];
	_ =	sdelay $0x6  }
0xf1: {  	s23 =	simm.s32 $0x13900  }
0xf2: {  	[tilespmem:s23], [sflag:$0x2] =	stream.indirect_vreg.gather [hbm4b:s5+s4], $0x40, v0, vm0, $0xb8;
	[tilespmem:$0x1A900] =	vst v63  }
0xf3: {  	v0 =	vld [tilespmem:s22+$0x490];
	_ =	sdelay $0x6  }
0xf4: {  	s24 =	simm.s32 $0x13D00  }
0xf5: {  	[tilespmem:s24], [sflag:$0x2] =	stream.indirect_vreg.gather [hbm4b:s5+s4], $0x40, v0, vm0, $0xb8;
	[tilespmem:$0x1A900] =	vst v63  }
0xf6: {  	v0 =	vld [tilespmem:s22+$0x4A0];
	_ =	sdelay $0x6  }
0xf7: {  	s25 =	simm.s32 $0x14100  }
0xf8: {  	[tilespmem:s25], [sflag:$0x2] =	stream.indirect_vreg.gather [hbm4b:s5+s4], $0x40, v0, vm0, $0xb8;
	[tilespmem:$0x1A900] =	vst v63  }
0xf9: {  	v0 =	vld [tilespmem:s22+$0x4B0];
	_ =	sdelay $0x7  }
0xfa: {  	[tilespmem:s8], [sflag:$0x2] =	stream.indirect_vreg.gather [hbm4b:s5+s4], $0x40, v0, vm0, $0xb8;
	[tilespmem:$0x1A900] =	vst v63  }
0xfb: {  	v0 =	vld [tilespmem:s22+$0x4C0];
	_ =	sdelay $0x6  }
0xfc: {  	s23 =	simm.s32 $0x14900  }
0xfd: {  	[tilespmem:s23], [sflag:$0x2] =	stream.indirect_vreg.gather [hbm4b:s5+s4], $0x40, v0, vm0, $0xb8;
	[tilespmem:$0x1A900] =	vst v63  }
0xfe: {  	v0 =	vld [tilespmem:s22+$0x4D0];
	_ =	sdelay $0x6  }
0xff: {  	s24 =	simm.s32 $0x14D00  }
0x100: {  	[tilespmem:s24], [sflag:$0x2] =	stream.indirect_vreg.gather [hbm4b:s5+s4], $0x40, v0, vm0, $0xb8;
	[tilespmem:$0x1A900] =	vst v63  }
0x101: {  	v0 =	vld [tilespmem:s22+$0x4E0];
	_ =	sdelay $0x6  }
0x102: {  	s25 =	simm.s32 $0x15100  }
0x103: {  	[tilespmem:s25], [sflag:$0x2] =	stream.indirect_vreg.gather [hbm4b:s5+s4], $0x40, v0, vm0, $0xb8;
	[tilespmem:$0x1A900] =	vst v63  }
0x104: {  	v0 =	vld [tilespmem:s22+$0x4F0];
	_ =	sdelay $0x6  }
0x105: {  	s23 =	simm.s32 $0x15500  }
0x106: {  	[tilespmem:s23], [sflag:$0x2] =	stream.indirect_vreg.gather [hbm4b:s5+s4], $0x40, v0, vm0, $0xb8;
	[tilespmem:$0x1A900] =	vst v63  }
0x107: {  	v0 =	vld [tilespmem:s22+$0x500];
	_ =	sdelay $0x6  }
0x108: {  	s24 =	simm.s32 $0x15900  }
0x109: {  	[tilespmem:s24], [sflag:$0x2] =	stream.indirect_vreg.gather [hbm4b:s5+s4], $0x40, v0, vm0, $0xb8;
	[tilespmem:$0x1A900] =	vst v63  }
0x10a: {  	v0 =	vld [tilespmem:s22+$0x510];
	_ =	sdelay $0x6  }
0x10b: {  	s25 =	simm.s32 $0x15D00  }
0x10c: {  	[tilespmem:s25], [sflag:$0x2] =	stream.indirect_vreg.gather [hbm4b:s5+s4], $0x40, v0, vm0, $0xb8;
	[tilespmem:$0x1A900] =	vst v63  }
0x10d: {  	v0 =	vld [tilespmem:s22+$0x520];
	_ =	sdelay $0x6  }
0x10e: {  	s23 =	simm.s32 $0x16100  }
0x10f: {  	[tilespmem:s23], [sflag:$0x2] =	stream.indirect_vreg.gather [hbm4b:s5+s4], $0x40, v0, vm0, $0xb8;
	[tilespmem:$0x1A900] =	vst v63  }
0x110: {  	v0 =	vld [tilespmem:s22+$0x530];
	_ =	sdelay $0x6  }
0x111: {  	s24 =	simm.s32 $0x16500  }
0x112: {  	[tilespmem:s24], [sflag:$0x2] =	stream.indirect_vreg.gather [hbm4b:s5+s4], $0x40, v0, vm0, $0xb8;
	[tilespmem:$0x1A900] =	vst v63  }
0x113: {  	v0 =	vld [tilespmem:s22+$0x540];
	_ =	sdelay $0x6  }
0x114: {  	s25 =	simm.s32 $0x16900  }
0x115: {  	[tilespmem:s25], [sflag:$0x2] =	stream.indirect_vreg.gather [hbm4b:s5+s4], $0x40, v0, vm0, $0xb8;
	[tilespmem:$0x1A900] =	vst v63  }
0x116: {  	v0 =	vld [tilespmem:s22+$0x550];
	_ =	sdelay $0x6  }
0x117: {  	s23 =	simm.s32 $0x16D00  }
0x118: {  	[tilespmem:s23], [sflag:$0x2] =	stream.indirect_vreg.gather [hbm4b:s5+s4], $0x40, v0, vm0, $0xb8;
	[tilespmem:$0x1A900] =	vst v63  }
0x119: {  	v0 =	vld [tilespmem:s22+$0x560];
	_ =	sdelay $0x6  }
0x11a: {  	s24 =	simm.s32 $0x17100  }
0x11b: {  	[tilespmem:s24], [sflag:$0x2] =	stream.indirect_vreg.gather [hbm4b:s5+s4], $0x40, v0, vm0, $0xb8;
	[tilespmem:$0x1A900] =	vst v63  }
0x11c: {  	v0 =	vld [tilespmem:s22+$0x570];
	_ =	sdelay $0x6  }
0x11d: {  	s25 =	simm.s32 $0x17500  }
0x11e: {  	[tilespmem:s25], [sflag:$0x2] =	stream.indirect_vreg.gather [hbm4b:s5+s4], $0x40, v0, vm0, $0xb8;
	[tilespmem:$0x1A900] =	vst v63  }
0x11f: {  	v0 =	vld [tilespmem:s22+$0x580];
	_ =	sdelay $0x6  }
0x120: {  	s23 =	simm.s32 $0x17900  }
0x121: {  	[tilespmem:s23], [sflag:$0x2] =	stream.indirect_vreg.gather [hbm4b:s5+s4], $0x40, v0, vm0, $0xb8;
	[tilespmem:$0x1A900] =	vst v63  }
0x122: {  	v0 =	vld [tilespmem:s22+$0x590];
	_ =	sdelay $0x6  }
0x123: {  	s24 =	simm.s32 $0x17D00  }
0x124: {  	[tilespmem:s24], [sflag:$0x2] =	stream.indirect_vreg.gather [hbm4b:s5+s4], $0x40, v0, vm0, $0xb8;
	[tilespmem:$0x1A900] =	vst v63  }
0x125: {  	v0 =	vld [tilespmem:s22+$0x5A0];
	_ =	sdelay $0x6  }
0x126: {  	s25 =	simm.s32 $0x18100  }
0x127: {  	[tilespmem:s25], [sflag:$0x2] =	stream.indirect_vreg.gather [hbm4b:s5+s4], $0x40, v0, vm0, $0xb8;
	[tilespmem:$0x1A900] =	vst v63  }
0x128: {  	v0 =	vld [tilespmem:s22+$0x5B0];
	_ =	sdelay $0x6  }
0x129: {  	s23 =	simm.s32 $0x18500  }
0x12a: {  	[tilespmem:s23], [sflag:$0x2] =	stream.indirect_vreg.gather [hbm4b:s5+s4], $0x40, v0, vm0, $0xb8;
	[tilespmem:$0x1A900] =	vst v63  }
0x12b: {  	v0 =	vld [tilespmem:s22+$0x5C0];
	_ =	sdelay $0x6  }
0x12c: {  	s24 =	simm.s32 $0x18900  }
0x12d: {  	[tilespmem:s24], [sflag:$0x2] =	stream.indirect_vreg.gather [hbm4b:s5+s4], $0x40, v0, vm0, $0xb8;
	[tilespmem:$0x1A900] =	vst v63  }
0x12e: {  	v0 =	vld [tilespmem:s22+$0x5D0];
	_ =	sdelay $0x6  }
0x12f: {  	s25 =	simm.s32 $0x18D00  }
0x130: {  	[tilespmem:s25], [sflag:$0x2] =	stream.indirect_vreg.gather [hbm4b:s5+s4], $0x40, v0, vm0, $0xb8;
	[tilespmem:$0x1A900] =	vst v63  }
0x131: {  	v0 =	vld [tilespmem:s22+$0x5E0];
	_ =	sdelay $0x6  }
0x132: {  	s23 =	simm.s32 $0x19100  }
0x133: {  	[tilespmem:s23], [sflag:$0x2] =	stream.indirect_vreg.gather [hbm4b:s5+s4], $0x40, v0, vm0, $0xb8;
	[tilespmem:$0x1A900] =	vst v63  }
0x134: {  	v0 =	vld [tilespmem:s22+$0x5F0];
	_ =	sdelay $0x6  }
0x135: {  	s24 =	simm.s32 $0x19500  }
0x136: {  	[tilespmem:s24], [sflag:$0x2] =	stream.indirect_vreg.gather [hbm4b:s5+s4], $0x40, v0, vm0, $0xb8;
	[tilespmem:$0x1A900] =	vst v63  }
0x137: {  	v0 =	vld [tilespmem:s22+$0x600];
	_ =	sdelay $0x6  }
0x138: {  	s25 =	simm.s32 $0x19900  }
0x139: {  	[tilespmem:s25], [sflag:$0x2] =	stream.indirect_vreg.gather [hbm4b:s5+s4], $0x40, v0, vm0, $0xb8;
	[tilespmem:$0x1A900] =	vst v63  }
0x13a: {  	v0 =	vld [tilespmem:s22+$0x610];
	_ =	sdelay $0x6  }
0x13b: {  	s23 =	simm.s32 $0x19D00  }
0x13c: {  	[tilespmem:s23], [sflag:$0x2] =	stream.indirect_vreg.gather [hbm4b:s5+s4], $0x40, v0, vm0, $0xb8;
	[tilespmem:$0x1A900] =	vst v63  }
0x13d: {  	v0 =	vld [tilespmem:s22+$0x620];
	_ =	sdelay $0x6  }
0x13e: {  	s24 =	simm.s32 $0x1A100  }
0x13f: {  	[tilespmem:s24], [sflag:$0x2] =	stream.indirect_vreg.gather [hbm4b:s5+s4], $0x40, v0, vm0, $0xb8;
	[tilespmem:$0x1A900] =	vst v63  }
0x140: {  	v0 =	vld [tilespmem:s22+$0x630];
	_ =	sdelay $0x6  }
0x141: {  	s25 =	simm.s32 $0x1A500  }
0x142: {  	[tilespmem:s25], [sflag:$0x2] =	stream.indirect_vreg.gather [hbm4b:s5+s4], $0x40, v0, vm0, $0xb8;
	[tilespmem:$0x1A900] =	vst v63  }
0x143: {  	_ =	swait.ge [sflag:s11], $0xC800  }
0x144: {  	[sflag:s11] =	ssyncset.done $0x0  }
0x145: {  	s23 =	simm.s32 $0x1A00;
	[sflag:s11] =	ssyncadd.s32 $0xFFFF3800  }
0x146: {  	v0 =	vld [tilespmem:s23+$0xF0]  }
0x147: {  	v1 =	vld [tilespmem:s23+$0xFFFFFF10]  }
0x148: {  	v2 =	vld [tilespmem:s23+$0xFFFFFF20]  }
0x149: {  	v3 =	vld [tilespmem:s23+$0xFFFFFF30]  }
0x14a: {  	v4 =	vld [tilespmem:s23+$0xFFFFFF40]  }
0x14b: {  	v5 =	vld [tilespmem:s23+$0xFFFFFF50];
	v0 =	vmul.f32 $8.000000000e+00, v0  }
0x14c: {  	v6 =	vld [tilespmem:s23+$0xFFFFFF60];
	v1 =	vmul.f32 $8.000000000e+00, v1  }
0x14d: {  	v7 =	vld [tilespmem:s23+$0xFFFFFF70];
	v2 =	vmul.f32 $8.000000000e+00, v2;
	[tilespmem:s23+$0xF0] =	vst v0  }
0x14e: {  	[tilespmem:s23+$0xFFFFFF10] =	vst v1;
	v0 =	vmul.f32 $8.000000000e+00, v3;
	v1 =	vld [tilespmem:s23+$0xFFFFFF80]  }
0x14f: {  	[tilespmem:s23+$0xFFFFFF20] =	vst v2;
	v2 =	vmul.f32 $8.000000000e+00, v4;
	v3 =	vld [tilespmem:s23+$0xFFFFFF90]  }
0x150: {  	v4 =	vld [tilespmem:s23+$0xFFFFFFA0];
	[tilespmem:s23+$0xFFFFFF30] =	vst v0;
	v0 =	vmul.f32 $8.000000000e+00, v5  }
0x151: {  	[tilespmem:s23+$0xFFFFFF40] =	vst v2;
	v2 =	vmul.f32 $8.000000000e+00, v6;
	v5 =	vld [tilespmem:s23+$0xFFFFFFB0]  }
0x152: {  	v6 =	vld [tilespmem:s23+$0xFFFFFFC0];
	[tilespmem:s23+$0xFFFFFF50] =	vst v0;
	v0 =	vmul.f32 $8.000000000e+00, v7  }
0x153: {  	[tilespmem:s23+$0xFFFFFF60] =	vst v2;
	v2 =	vld [tilespmem:s23+$0xFFFFFFD0];
	v1 =	vmul.f32 $8.000000000e+00, v1  }
0x154: {  	[tilespmem:s23+$0xFFFFFF70] =	vst v0;
	v0 =	vmul.f32 $8.000000000e+00, v3;
	v3 =	vld [tilespmem:s23+$0xFFFFFFE0]  }
0x155: {  	[tilespmem:s23+$0xFFFFFF80] =	vst v1;
	v1 =	vmul.f32 $8.000000000e+00, v4;
	v4 =	vld [tilespmem:s23+$0xFFFFFFF0]  }
0x156: {  	[tilespmem:s23+$0xFFFFFF90] =	vst v0;
	v0 =	vmul.f32 $8.000000000e+00, v5;
	v5 =	vld [tilespmem:s23+$0x0]  }
0x157: {  	[tilespmem:s23+$0xFFFFFFA0] =	vst v1;
	v1 =	vmul.f32 $8.000000000e+00, v6;
	v6 =	vld [tilespmem:s23+$0x10]  }
0x158: {  	[tilespmem:s23+$0xFFFFFFB0] =	vst v0;
	v0 =	vmul.f32 $8.000000000e+00, v2;
	v2 =	vld [tilespmem:s23+$0x20]  }
0x159: {  	[tilespmem:s23+$0xFFFFFFC0] =	vst v1;
	v1 =	vmul.f32 $8.000000000e+00, v3;
	v3 =	vld [tilespmem:s23+$0x30]  }
0x15a: {  	[tilespmem:s23+$0xFFFFFFD0] =	vst v0;
	v0 =	vmul.f32 $8.000000000e+00, v4;
	v4 =	vld [tilespmem:s23+$0x40]  }
0x15b: {  	[tilespmem:s23+$0xFFFFFFE0] =	vst v1;
	v1 =	vmul.f32 $8.000000000e+00, v5;
	v5 =	vld [tilespmem:s23+$0x50]  }
0x15c: {  	[tilespmem:s23+$0xFFFFFFF0] =	vst v0;
	v0 =	vmul.f32 $8.000000000e+00, v6;
	v6 =	vld [tilespmem:s23+$0x60]  }
0x15d: {  	[tilespmem:s23+$0x0] =	vst v1;
	v1 =	vmul.f32 $8.000000000e+00, v2;
	v2 =	vld [tilespmem:s23+$0x70]  }
0x15e: {  	v7 =	vld [tilespmem:s23+$0x80];
	[tilespmem:s23+$0x10] =	vst v0;
	v0 =	vmul.f32 $8.000000000e+00, v3  }
0x15f: {  	[tilespmem:s23+$0x20] =	vst v1;
	v1 =	vmul.f32 $8.000000000e+00, v4;
	v4 =	vld [tilespmem:s23+$0x90]  }
0x160: {  	v8 =	vld [tilespmem:s23+$0xA0];
	[tilespmem:s23+$0x30] =	vst v0;
	v0 =	vmul.f32 $8.000000000e+00, v5  }
0x161: {  	v3 =	vld [tilespmem:s23+$0xB0];
	[tilespmem:s23+$0x40] =	vst v1;
	v1 =	vmul.f32 $8.000000000e+00, v6  }
0x162: {  	[tilespmem:s23+$0x50] =	vst v0;
	v2 =	vmul.f32 $8.000000000e+00, v2;
	v0 =	vld [tilespmem:s23+$0xC0]  }
0x163: {  	v6 =	vmul.f32 $8.000000000e+00, v7;
	[tilespmem:s23+$0x60] =	vst v1;
	v1 =	vld [tilespmem:s23+$0xD0]  }
0x164: {  	[tilespmem:s23+$0x70] =	vst v2;
	v2 =	vld [tilespmem:s23+$0xE0];
	v5 =	vmul.f32 $8.000000000e+00, v4  }
0x165: {  	s21 =	sadd.s32 $0x320, s22;
	s24 =	simm.s32 $0x0;
	s25 =	simm.s32 $0x1C00;
	[tilespmem:s23+$0x80] =	vst v6;
	v6 =	vmul.f32 $8.000000000e+00, v8;
	v4 =	vld [tilespmem:s23+$0xFFFFFF00]  }
.LBB2_3:
0x166: {  	v7 =	vld [tilespmem:s25+$0xF0];
	s24 =	sadd.s32 $0x8, s24;
	[tilespmem:s23+$0x90] =	vst v5;
	v3 =	vmul.f32 $8.000000000e+00, v3  }
0x167: {  	v5 =	vld [tilespmem:s25+$0xFFFFFF10];
	p0 =	slt.u32 s24, $0x318;
	[tilespmem:s23+$0xA0] =	vst v6;
	v0 =	vmul.f32 $8.000000000e+00, v0  }
0x168: {  	v6 =	vld [tilespmem:s25+$0xFFFFFF20];
	[tilespmem:s23+$0xB0] =	vst v3;
	v1 =	vmul.f32 $8.000000000e+00, v1  }
0x169: {  	v3 =	vld [tilespmem:s25+$0xFFFFFF30];
	[tilespmem:s23+$0xC0] =	vst v0;
	v0 =	vmul.f32 $8.000000000e+00, v2  }
0x16a: {  	v2 =	vld [tilespmem:s25+$0xFFFFFF40];
	v4 =	vmul.f32 $8.000000000e+00, v4;
	[tilespmem:s23+$0xD0] =	vst v1  }
0x16b: {  	v1 =	vld [tilespmem:s25+$0xFFFFFF50];
	v7 =	vmul.f32 $8.000000000e+00, v7;
	[tilespmem:s23+$0xE0] =	vst v0  }
0x16c: {  	v0 =	vmul.f32 $8.000000000e+00, v5;
	v5 =	vld [tilespmem:s25+$0xFFFFFF60];
	[tilespmem:s23+$0xFFFFFF00] =	vst v4;
	s23 =	smov.u32 s25  }
0x16d: {  	v4 =	vmul.f32 $8.000000000e+00, v6;
	v6 =	vld [tilespmem:s25+$0xFFFFFF70];
	[tilespmem:s25+$0xF0] =	vst v7  }
0x16e: {  	[tilespmem:s25+$0xFFFFFF10] =	vst v0;
	v0 =	vmul.f32 $8.000000000e+00, v3;
	v3 =	vld [tilespmem:s25+$0xFFFFFF80]  }
0x16f: {  	[tilespmem:s25+$0xFFFFFF20] =	vst v4;
	v2 =	vmul.f32 $8.000000000e+00, v2;
	v4 =	vld [tilespmem:s25+$0xFFFFFF90]  }
0x170: {  	[tilespmem:s25+$0xFFFFFF30] =	vst v0;
	v0 =	vmul.f32 $8.000000000e+00, v1;
	v1 =	vld [tilespmem:s25+$0xFFFFFFA0]  }
0x171: {  	[tilespmem:s25+$0xFFFFFF40] =	vst v2;
	v2 =	vmul.f32 $8.000000000e+00, v5;
	v5 =	vld [tilespmem:s25+$0xFFFFFFB0]  }
0x172: {  	[tilespmem:s25+$0xFFFFFF50] =	vst v0;
	v0 =	vmul.f32 $8.000000000e+00, v6;
	v6 =	vld [tilespmem:s25+$0xFFFFFFC0]  }
0x173: {  	[tilespmem:s25+$0xFFFFFF60] =	vst v2;
	v2 =	vmul.f32 $8.000000000e+00, v3;
	v3 =	vld [tilespmem:s25+$0xFFFFFFD0]  }
0x174: {  	[tilespmem:s25+$0xFFFFFF70] =	vst v0;
	v0 =	vmul.f32 $8.000000000e+00, v4;
	v4 =	vld [tilespmem:s25+$0xFFFFFFE0]  }
0x175: {  	[tilespmem:s25+$0xFFFFFF80] =	vst v2;
	v1 =	vmul.f32 $8.000000000e+00, v1;
	v2 =	vld [tilespmem:s25+$0xFFFFFFF0]  }
0x176: {  	[tilespmem:s25+$0xFFFFFF90] =	vst v0;
	v0 =	vmul.f32 $8.000000000e+00, v5;
	v5 =	vld [tilespmem:s25+$0x0]  }
0x177: {  	[tilespmem:s25+$0xFFFFFFA0] =	vst v1;
	v1 =	vmul.f32 $8.000000000e+00, v6;
	v6 =	vld [tilespmem:s25+$0x10]  }
0x178: {  	[tilespmem:s25+$0xFFFFFFB0] =	vst v0;
	v0 =	vmul.f32 $8.000000000e+00, v3;
	v3 =	vld [tilespmem:s25+$0x20]  }
0x179: {  	[tilespmem:s25+$0xFFFFFFC0] =	vst v1;
	v1 =	vmul.f32 $8.000000000e+00, v4;
	v4 =	vld [tilespmem:s25+$0x30]  }
0x17a: {  	[tilespmem:s25+$0xFFFFFFD0] =	vst v0;
	v0 =	vmul.f32 $8.000000000e+00, v2;
	v2 =	vld [tilespmem:s25+$0x40]  }
0x17b: {  	[tilespmem:s25+$0xFFFFFFE0] =	vst v1;
	v1 =	vmul.f32 $8.000000000e+00, v5;
	v5 =	vld [tilespmem:s25+$0x50]  }
0x17c: {  	[tilespmem:s25+$0xFFFFFFF0] =	vst v0;
	v0 =	vmul.f32 $8.000000000e+00, v6;
	v6 =	vld [tilespmem:s25+$0x60]  }
0x17d: {  	[tilespmem:s25+$0x0] =	vst v1;
	v1 =	vmul.f32 $8.000000000e+00, v3;
	v7 =	vld [tilespmem:s25+$0x70]  }
0x17e: {  	[tilespmem:s25+$0x10] =	vst v0;
	v0 =	vmul.f32 $8.000000000e+00, v4;
	v4 =	vld [tilespmem:s25+$0x80]  }
0x17f: {  	[tilespmem:s25+$0x20] =	vst v1;
	v1 =	vmul.f32 $8.000000000e+00, v2;
	v2 =	vld [tilespmem:s25+$0x90]  }
0x180: {  	[tilespmem:s25+$0x30] =	vst v0;
	v0 =	vmul.f32 $8.000000000e+00, v5;
	v8 =	vld [tilespmem:s25+$0xA0]  }
.Ltmp0:
0x181: {  	[tilespmem:s25+$0x40] =	vst v1;
	v1 =	vmul.f32 $8.000000000e+00, v6;
	v3 =	vld [tilespmem:s25+$0xB0];
	(pc) =	sbr.rel @p0 .LBB2_3-.Ltmp0, $4  }
0x182: {  	[tilespmem:s25+$0x50] =	vst v0;
	v5 =	vmul.f32 $8.000000000e+00, v7;
	v0 =	vld [tilespmem:s25+$0xC0]  }
0x183: {  	[tilespmem:s25+$0x60] =	vst v1;
	v6 =	vmul.f32 $8.000000000e+00, v4;
	v1 =	vld [tilespmem:s25+$0xD0]  }
0x184: {  	[tilespmem:s25+$0x70] =	vst v5;
	v5 =	vmul.f32 $8.000000000e+00, v2;
	v2 =	vld [tilespmem:s25+$0xE0]  }
0x185: {  	s25 =	sadd.s32 $0x200, s25;
	v4 =	vld [tilespmem:s23+$0xFFFFFF00];
	[tilespmem:s23+$0x80] =	vst v6;
	v6 =	vmul.f32 $8.000000000e+00, v8  }
0x186: {  	s24 =	sadd.s32 s3, s22  }
0x187: {  	[tilespmem:s23+$0x90] =	vst v5;
	v3 =	vmul.f32 $8.000000000e+00, v3;
	s24 =	smulhi.u32 $0x51EB851F, s24  }
0x188: {  	[tilespmem:s23+$0xA0] =	vst v6;
	v0 =	vmul.f32 $8.000000000e+00, v0  }
0x189: {  	[tilespmem:s23+$0xB0] =	vst v3;
	v1 =	vmul.f32 $8.000000000e+00, v1;
	s24 =	sshrl.u32 s24, $0x4  }
0x18a: {  	[tilespmem:s23+$0xC0] =	vst v0;
	v62 =	vmul.f32 $8.000000000e+00, v2;
	s25 =	smul.u32 $0x190, s24  }
0x18b: {  	v63 =	vmul.f32 $8.000000000e+00, v4;
	[tilespmem:s23+$0xD0] =	vst v1;
	s24 =	smul.u32 $0xC80, s24  }
0x18c: {  	[tilespmem:s23+$0xE0] =	vst v62  }
0x18d: {  	[tilespmem:s23+$0xFFFFFF00] =	vst v63;
	s25 =	sadd.s32 s2, s25;
	s24 =	sshrl.u32 s24, $0x3  }
0x18e: {  	[hbm4b:s25+s4] =	stream.linear.scatter [tilespmem:s9], [sflag:$0x3], $0xC80, $0x38;
	[tilespmem:$0x1A900] =	vst v63  }
0x18f: {  	s23 =	sadd.s32 s2, s24  }
0x190: {  	s25 =	simm.s32 $0x2580;
	s24 =	sadd.s32 $0x190, s23  }
0x191: {  	[hbm4b:s24+s4] =	stream.linear.scatter [tilespmem:s25], [sflag:$0x3], $0xC80, $0x38;
	[tilespmem:$0x1A900] =	vst v63  }
0x192: {  	s24 =	sadd.s32 $0x320, s23;
	s25 =	simm.s32 $0x3200  }
0x193: {  	[hbm4b:s24+s4] =	stream.linear.scatter [tilespmem:s25], [sflag:$0x3], $0xC80, $0x38;
	[tilespmem:$0x1A900] =	vst v63  }
0x194: {  	s24 =	sadd.s32 $0x4B0, s23;
	s25 =	simm.s32 $0x3E80  }
0x195: {  	[hbm4b:s24+s4] =	stream.linear.scatter [tilespmem:s25], [sflag:$0x3], $0xC80, $0x38;
	[tilespmem:$0x1A900] =	vst v63  }
0x196: {  	s24 =	sadd.s32 $0x640, s23;
	s25 =	simm.s32 $0x4B00  }
0x197: {  	[hbm4b:s24+s4] =	stream.linear.scatter [tilespmem:s25], [sflag:$0x3], $0xC80, $0x38;
	[tilespmem:$0x1A900] =	vst v63  }
0x198: {  	s24 =	sadd.s32 $0x7D0, s23;
	s25 =	simm.s32 $0x5780  }
0x199: {  	[hbm4b:s24+s4] =	stream.linear.scatter [tilespmem:s25], [sflag:$0x3], $0xC80, $0x38;
	[tilespmem:$0x1A900] =	vst v63  }
0x19a: {  	s24 =	sadd.s32 $0x960, s23;
	s25 =	simm.s32 $0x6400  }
0x19b: {  	[hbm4b:s24+s4] =	stream.linear.scatter [tilespmem:s25], [sflag:$0x3], $0xC80, $0x38;
	[tilespmem:$0x1A900] =	vst v63  }
0x19c: {  	s24 =	sadd.s32 $0xAF0, s23;
	s25 =	simm.s32 $0x7080  }
0x19d: {  	[hbm4b:s24+s4] =	stream.linear.scatter [tilespmem:s25], [sflag:$0x3], $0xC80, $0x38;
	[tilespmem:$0x1A900] =	vst v63  }
0x19e: {  	s25 =	sadd.s32 $0xC80, s23  }
0x19f: {  	[hbm4b:s25+s4] =	stream.linear.scatter [tilespmem:s7], [sflag:$0x3], $0xC80, $0x38;
	[tilespmem:$0x1A900] =	vst v63  }
0x1a0: {  	s24 =	sadd.s32 $0xE10, s23;
	s25 =	simm.s32 $0x8980  }
0x1a1: {  	[hbm4b:s24+s4] =	stream.linear.scatter [tilespmem:s25], [sflag:$0x3], $0xC80, $0x38;
	[tilespmem:$0x1A900] =	vst v63  }
0x1a2: {  	s24 =	sadd.s32 $0xFA0, s23;
	s25 =	simm.s32 $0x9600  }
0x1a3: {  	[hbm4b:s24+s4] =	stream.linear.scatter [tilespmem:s25], [sflag:$0x3], $0xC80, $0x38;
	[tilespmem:$0x1A900] =	vst v63  }
0x1a4: {  	s24 =	sadd.s32 $0x1130, s23;
	s25 =	simm.s32 $0xA280  }
0x1a5: {  	[hbm4b:s24+s4] =	stream.linear.scatter [tilespmem:s25], [sflag:$0x3], $0xC80, $0x38;
	[tilespmem:$0x1A900] =	vst v63  }
0x1a6: {  	s24 =	sadd.s32 $0x12C0, s23;
	s25 =	simm.s32 $0xAF00  }
0x1a7: {  	[hbm4b:s24+s4] =	stream.linear.scatter [tilespmem:s25], [sflag:$0x3], $0xC80, $0x38;
	[tilespmem:$0x1A900] =	vst v63  }
0x1a8: {  	s24 =	sadd.s32 $0x1450, s23;
	s25 =	simm.s32 $0xBB80  }
0x1a9: {  	[hbm4b:s24+s4] =	stream.linear.scatter [tilespmem:s25], [sflag:$0x3], $0xC80, $0x38;
	[tilespmem:$0x1A900] =	vst v63  }
0x1aa: {  	p0 =	seq.s32 s20, $0x3;
	s24 =	sadd.s32 $0x15E0, s23;
	s25 =	simm.s32 $0xC800  }
0x1ab: {  	[hbm4b:s24+s4] =	stream.linear.scatter [tilespmem:s25], [sflag:$0x3], $0xC80, $0x38;
	[tilespmem:$0x1A900] =	vst v63  }
.Ltmp1:
0x1ac: {  	s23 =	sadd.s32 $0x1770, s23;
	s25 =	simm.s32 $0xD480;
	(pc) =	sbr.rel @p0 .LBB2_6-.Ltmp1, $4  }
0x1ad: {  	[hbm4b:s23+s4] =	stream.linear.scatter [tilespmem:s25], [sflag:$0x3], $0xC80, $0x38;
	[tilespmem:$0x1A900] =	vst v63  }
0x1ae: {  	_ =	swait.ge [sflag:s26], $0xC800  }
0x1af: {  	[sflag:s26] =	ssyncset.done $0x0  }
0x1b0: {  	[sflag:s26] =	ssyncadd.s32 $0xFFFF3800  }
0x1b1: {  	v0 =	vld [tilespmem:s22+$0x640];
	_ =	sdelay $0x7  }
0x1b2: {  	[tilespmem:s9], [sflag:$0x1] =	stream.indirect_vreg.gather [hbm4b:s5+s4], $0x40, v0, vm0, $0xb8;
	[tilespmem:$0x1A900] =	vst v63  }
0x1b3: {  	v0 =	vld [tilespmem:s22+$0x650];
	_ =	sdelay $0x6  }
0x1b4: {  	s23 =	simm.s32 $0x1D00  }
0x1b5: {  	[tilespmem:s23], [sflag:$0x1] =	stream.indirect_vreg.gather [hbm4b:s5+s4], $0x40, v0, vm0, $0xb8;
	[tilespmem:$0x1A900] =	vst v63  }
0x1b6: {  	v0 =	vld [tilespmem:s22+$0x660];
	_ =	sdelay $0x6  }
0x1b7: {  	s25 =	simm.s32 $0x2100  }
0x1b8: {  	[tilespmem:s25], [sflag:$0x1] =	stream.indirect_vreg.gather [hbm4b:s5+s4], $0x40, v0, vm0, $0xb8;
	[tilespmem:$0x1A900] =	vst v63  }
0x1b9: {  	v0 =	vld [tilespmem:s22+$0x670];
	_ =	sdelay $0x6  }
0x1ba: {  	s24 =	simm.s32 $0x2500  }
0x1bb: {  	[tilespmem:s24], [sflag:$0x1] =	stream.indirect_vreg.gather [hbm4b:s5+s4], $0x40, v0, vm0, $0xb8;
	[tilespmem:$0x1A900] =	vst v63  }
0x1bc: {  	v0 =	vld [tilespmem:s22+$0x680];
	_ =	sdelay $0x6  }
0x1bd: {  	s25 =	simm.s32 $0x2900  }
0x1be: {  	[tilespmem:s25], [sflag:$0x1] =	stream.indirect_vreg.gather [hbm4b:s5+s4], $0x40, v0, vm0, $0xb8;
	[tilespmem:$0x1A900] =	vst v63  }
0x1bf: {  	v0 =	vld [tilespmem:s22+$0x690];
	_ =	sdelay $0x6  }
0x1c0: {  	s24 =	simm.s32 $0x2D00  }
0x1c1: {  	[tilespmem:s24], [sflag:$0x1] =	stream.indirect_vreg.gather [hbm4b:s5+s4], $0x40, v0, vm0, $0xb8;
	[tilespmem:$0x1A900] =	vst v63  }
0x1c2: {  	v0 =	vld [tilespmem:s22+$0x6A0];
	_ =	sdelay $0x6  }
0x1c3: {  	s25 =	simm.s32 $0x3100  }
0x1c4: {  	[tilespmem:s25], [sflag:$0x1] =	stream.indirect_vreg.gather [hbm4b:s5+s4], $0x40, v0, vm0, $0xb8;
	[tilespmem:$0x1A900] =	vst v63  }
0x1c5: {  	v0 =	vld [tilespmem:s22+$0x6B0];
	_ =	sdelay $0x6  }
0x1c6: {  	s24 =	simm.s32 $0x3500  }
0x1c7: {  	[tilespmem:s24], [sflag:$0x1] =	stream.indirect_vreg.gather [hbm4b:s5+s4], $0x40, v0, vm0, $0xb8;
	[tilespmem:$0x1A900] =	vst v63  }
0x1c8: {  	v0 =	vld [tilespmem:s22+$0x6C0];
	_ =	sdelay $0x6  }
0x1c9: {  	s25 =	simm.s32 $0x3900  }
0x1ca: {  	[tilespmem:s25], [sflag:$0x1] =	stream.indirect_vreg.gather [hbm4b:s5+s4], $0x40, v0, vm0, $0xb8;
	[tilespmem:$0x1A900] =	vst v63  }
0x1cb: {  	v0 =	vld [tilespmem:s22+$0x6D0];
	_ =	sdelay $0x6  }
0x1cc: {  	s24 =	simm.s32 $0x3D00  }
0x1cd: {  	[tilespmem:s24], [sflag:$0x1] =	stream.indirect_vreg.gather [hbm4b:s5+s4], $0x40, v0, vm0, $0xb8;
	[tilespmem:$0x1A900] =	vst v63  }
0x1ce: {  	v0 =	vld [tilespmem:s22+$0x6E0];
	_ =	sdelay $0x6  }
0x1cf: {  	s25 =	simm.s32 $0x4100  }
0x1d0: {  	[tilespmem:s25], [sflag:$0x1] =	stream.indirect_vreg.gather [hbm4b:s5+s4], $0x40, v0, vm0, $0xb8;
	[tilespmem:$0x1A900] =	vst v63  }
0x1d1: {  	v0 =	vld [tilespmem:s22+$0x6F0];
	_ =	sdelay $0x6  }
0x1d2: {  	s24 =	simm.s32 $0x4500  }
0x1d3: {  	[tilespmem:s24], [sflag:$0x1] =	stream.indirect_vreg.gather [hbm4b:s5+s4], $0x40, v0, vm0, $0xb8;
	[tilespmem:$0x1A900] =	vst v63  }
0x1d4: {  	v0 =	vld [tilespmem:s22+$0x700];
	_ =	sdelay $0x6  }
0x1d5: {  	s25 =	simm.s32 $0x4900  }
0x1d6: {  	[tilespmem:s25], [sflag:$0x1] =	stream.indirect_vreg.gather [hbm4b:s5+s4], $0x40, v0, vm0, $0xb8;
	[tilespmem:$0x1A900] =	vst v63  }
0x1d7: {  	v0 =	vld [tilespmem:s22+$0x710];
	_ =	sdelay $0x6  }
0x1d8: {  	s24 =	simm.s32 $0x4D00  }
0x1d9: {  	[tilespmem:s24], [sflag:$0x1] =	stream.indirect_vreg.gather [hbm4b:s5+s4], $0x40, v0, vm0, $0xb8;
	[tilespmem:$0x1A900] =	vst v63  }
0x1da: {  	v0 =	vld [tilespmem:s22+$0x720];
	_ =	sdelay $0x6  }
0x1db: {  	s25 =	simm.s32 $0x5100  }
0x1dc: {  	[tilespmem:s25], [sflag:$0x1] =	stream.indirect_vreg.gather [hbm4b:s5+s4], $0x40, v0, vm0, $0xb8;
	[tilespmem:$0x1A900] =	vst v63  }
0x1dd: {  	v0 =	vld [tilespmem:s22+$0x730];
	_ =	sdelay $0x6  }
0x1de: {  	s24 =	simm.s32 $0x5500  }
0x1df: {  	[tilespmem:s24], [sflag:$0x1] =	stream.indirect_vreg.gather [hbm4b:s5+s4], $0x40, v0, vm0, $0xb8;
	[tilespmem:$0x1A900] =	vst v63  }
0x1e0: {  	v0 =	vld [tilespmem:s22+$0x740];
	_ =	sdelay $0x6  }
0x1e1: {  	s25 =	simm.s32 $0x5900  }
0x1e2: {  	[tilespmem:s25], [sflag:$0x1] =	stream.indirect_vreg.gather [hbm4b:s5+s4], $0x40, v0, vm0, $0xb8;
	[tilespmem:$0x1A900] =	vst v63  }
0x1e3: {  	v0 =	vld [tilespmem:s22+$0x750];
	_ =	sdelay $0x6  }
0x1e4: {  	s24 =	simm.s32 $0x5D00  }
0x1e5: {  	[tilespmem:s24], [sflag:$0x1] =	stream.indirect_vreg.gather [hbm4b:s5+s4], $0x40, v0, vm0, $0xb8;
	[tilespmem:$0x1A900] =	vst v63  }
0x1e6: {  	v0 =	vld [tilespmem:s22+$0x760];
	_ =	sdelay $0x6  }
0x1e7: {  	s25 =	simm.s32 $0x6100  }
0x1e8: {  	[tilespmem:s25], [sflag:$0x1] =	stream.indirect_vreg.gather [hbm4b:s5+s4], $0x40, v0, vm0, $0xb8;
	[tilespmem:$0x1A900] =	vst v63  }
0x1e9: {  	v0 =	vld [tilespmem:s22+$0x770];
	_ =	sdelay $0x6  }
0x1ea: {  	s24 =	simm.s32 $0x6500  }
0x1eb: {  	[tilespmem:s24], [sflag:$0x1] =	stream.indirect_vreg.gather [hbm4b:s5+s4], $0x40, v0, vm0, $0xb8;
	[tilespmem:$0x1A900] =	vst v63  }
0x1ec: {  	v0 =	vld [tilespmem:s22+$0x780];
	_ =	sdelay $0x6  }
0x1ed: {  	s25 =	simm.s32 $0x6900  }
0x1ee: {  	[tilespmem:s25], [sflag:$0x1] =	stream.indirect_vreg.gather [hbm4b:s5+s4], $0x40, v0, vm0, $0xb8;
	[tilespmem:$0x1A900] =	vst v63  }
0x1ef: {  	v0 =	vld [tilespmem:s22+$0x790];
	_ =	sdelay $0x6  }
0x1f0: {  	s24 =	simm.s32 $0x6D00  }
0x1f1: {  	[tilespmem:s24], [sflag:$0x1] =	stream.indirect_vreg.gather [hbm4b:s5+s4], $0x40, v0, vm0, $0xb8;
	[tilespmem:$0x1A900] =	vst v63  }
0x1f2: {  	v0 =	vld [tilespmem:s22+$0x7A0];
	_ =	sdelay $0x6  }
0x1f3: {  	s25 =	simm.s32 $0x7100  }
0x1f4: {  	[tilespmem:s25], [sflag:$0x1] =	stream.indirect_vreg.gather [hbm4b:s5+s4], $0x40, v0, vm0, $0xb8;
	[tilespmem:$0x1A900] =	vst v63  }
0x1f5: {  	v0 =	vld [tilespmem:s22+$0x7B0];
	_ =	sdelay $0x6  }
0x1f6: {  	s24 =	simm.s32 $0x7500  }
0x1f7: {  	[tilespmem:s24], [sflag:$0x1] =	stream.indirect_vreg.gather [hbm4b:s5+s4], $0x40, v0, vm0, $0xb8;
	[tilespmem:$0x1A900] =	vst v63  }
0x1f8: {  	v0 =	vld [tilespmem:s22+$0x7C0];
	_ =	sdelay $0x6  }
0x1f9: {  	s25 =	simm.s32 $0x7900  }
0x1fa: {  	[tilespmem:s25], [sflag:$0x1] =	stream.indirect_vreg.gather [hbm4b:s5+s4], $0x40, v0, vm0, $0xb8;
	[tilespmem:$0x1A900] =	vst v63  }
0x1fb: {  	v0 =	vld [tilespmem:s22+$0x7D0];
	_ =	sdelay $0x7  }
0x1fc: {  	[tilespmem:s7], [sflag:$0x1] =	stream.indirect_vreg.gather [hbm4b:s5+s4], $0x40, v0, vm0, $0xb8;
	[tilespmem:$0x1A900] =	vst v63  }
0x1fd: {  	v0 =	vld [tilespmem:s22+$0x7E0];
	_ =	sdelay $0x6  }
0x1fe: {  	s24 =	simm.s32 $0x8100  }
0x1ff: {  	[tilespmem:s24], [sflag:$0x1] =	stream.indirect_vreg.gather [hbm4b:s5+s4], $0x40, v0, vm0, $0xb8;
	[tilespmem:$0x1A900] =	vst v63  }
0x200: {  	v0 =	vld [tilespmem:s22+$0x7F0];
	_ =	sdelay $0x6  }
0x201: {  	s25 =	simm.s32 $0x8500  }
0x202: {  	[tilespmem:s25], [sflag:$0x1] =	stream.indirect_vreg.gather [hbm4b:s5+s4], $0x40, v0, vm0, $0xb8;
	[tilespmem:$0x1A900] =	vst v63  }
0x203: {  	v0 =	vld [tilespmem:s22+$0x800];
	_ =	sdelay $0x6  }
0x204: {  	s24 =	simm.s32 $0x8900  }
0x205: {  	[tilespmem:s24], [sflag:$0x1] =	stream.indirect_vreg.gather [hbm4b:s5+s4], $0x40, v0, vm0, $0xb8;
	[tilespmem:$0x1A900] =	vst v63  }
0x206: {  	v0 =	vld [tilespmem:s22+$0x810];
	_ =	sdelay $0x6  }
0x207: {  	s25 =	simm.s32 $0x8D00  }
0x208: {  	[tilespmem:s25], [sflag:$0x1] =	stream.indirect_vreg.gather [hbm4b:s5+s4], $0x40, v0, vm0, $0xb8;
	[tilespmem:$0x1A900] =	vst v63  }
0x209: {  	v0 =	vld [tilespmem:s22+$0x820];
	_ =	sdelay $0x6  }
0x20a: {  	s24 =	simm.s32 $0x9100  }
0x20b: {  	[tilespmem:s24], [sflag:$0x1] =	stream.indirect_vreg.gather [hbm4b:s5+s4], $0x40, v0, vm0, $0xb8;
	[tilespmem:$0x1A900] =	vst v63  }
0x20c: {  	v0 =	vld [tilespmem:s22+$0x830];
	_ =	sdelay $0x6  }
0x20d: {  	s25 =	simm.s32 $0x9500  }
0x20e: {  	[tilespmem:s25], [sflag:$0x1] =	stream.indirect_vreg.gather [hbm4b:s5+s4], $0x40, v0, vm0, $0xb8;
	[tilespmem:$0x1A900] =	vst v63  }
0x20f: {  	v0 =	vld [tilespmem:s22+$0x840];
	_ =	sdelay $0x6  }
0x210: {  	s24 =	simm.s32 $0x9900  }
0x211: {  	[tilespmem:s24], [sflag:$0x1] =	stream.indirect_vreg.gather [hbm4b:s5+s4], $0x40, v0, vm0, $0xb8;
	[tilespmem:$0x1A900] =	vst v63  }
0x212: {  	v0 =	vld [tilespmem:s22+$0x850];
	_ =	sdelay $0x6  }
0x213: {  	s25 =	simm.s32 $0x9D00  }
0x214: {  	[tilespmem:s25], [sflag:$0x1] =	stream.indirect_vreg.gather [hbm4b:s5+s4], $0x40, v0, vm0, $0xb8;
	[tilespmem:$0x1A900] =	vst v63  }
0x215: {  	v0 =	vld [tilespmem:s22+$0x860];
	_ =	sdelay $0x6  }
0x216: {  	s24 =	simm.s32 $0xA100  }
0x217: {  	[tilespmem:s24], [sflag:$0x1] =	stream.indirect_vreg.gather [hbm4b:s5+s4], $0x40, v0, vm0, $0xb8;
	[tilespmem:$0x1A900] =	vst v63  }
0x218: {  	v0 =	vld [tilespmem:s22+$0x870];
	_ =	sdelay $0x6  }
0x219: {  	s25 =	simm.s32 $0xA500  }
0x21a: {  	[tilespmem:s25], [sflag:$0x1] =	stream.indirect_vreg.gather [hbm4b:s5+s4], $0x40, v0, vm0, $0xb8;
	[tilespmem:$0x1A900] =	vst v63  }
0x21b: {  	v0 =	vld [tilespmem:s22+$0x880];
	_ =	sdelay $0x6  }
0x21c: {  	s24 =	simm.s32 $0xA900  }
0x21d: {  	[tilespmem:s24], [sflag:$0x1] =	stream.indirect_vreg.gather [hbm4b:s5+s4], $0x40, v0, vm0, $0xb8;
	[tilespmem:$0x1A900] =	vst v63  }
0x21e: {  	v0 =	vld [tilespmem:s22+$0x890];
	_ =	sdelay $0x6  }
0x21f: {  	s25 =	simm.s32 $0xAD00  }
0x220: {  	[tilespmem:s25], [sflag:$0x1] =	stream.indirect_vreg.gather [hbm4b:s5+s4], $0x40, v0, vm0, $0xb8;
	[tilespmem:$0x1A900] =	vst v63  }
0x221: {  	v0 =	vld [tilespmem:s22+$0x8A0];
	_ =	sdelay $0x6  }
0x222: {  	s24 =	simm.s32 $0xB100  }
0x223: {  	[tilespmem:s24], [sflag:$0x1] =	stream.indirect_vreg.gather [hbm4b:s5+s4], $0x40, v0, vm0, $0xb8;
	[tilespmem:$0x1A900] =	vst v63  }
0x224: {  	v0 =	vld [tilespmem:s22+$0x8B0];
	_ =	sdelay $0x6  }
0x225: {  	s25 =	simm.s32 $0xB500  }
0x226: {  	[tilespmem:s25], [sflag:$0x1] =	stream.indirect_vreg.gather [hbm4b:s5+s4], $0x40, v0, vm0, $0xb8;
	[tilespmem:$0x1A900] =	vst v63  }
0x227: {  	v0 =	vld [tilespmem:s22+$0x8C0];
	_ =	sdelay $0x6  }
0x228: {  	s24 =	simm.s32 $0xB900  }
0x229: {  	[tilespmem:s24], [sflag:$0x1] =	stream.indirect_vreg.gather [hbm4b:s5+s4], $0x40, v0, vm0, $0xb8;
	[tilespmem:$0x1A900] =	vst v63  }
0x22a: {  	v0 =	vld [tilespmem:s22+$0x8D0];
	_ =	sdelay $0x6  }
0x22b: {  	s25 =	simm.s32 $0xBD00  }
0x22c: {  	[tilespmem:s25], [sflag:$0x1] =	stream.indirect_vreg.gather [hbm4b:s5+s4], $0x40, v0, vm0, $0xb8;
	[tilespmem:$0x1A900] =	vst v63  }
0x22d: {  	v0 =	vld [tilespmem:s22+$0x8E0];
	_ =	sdelay $0x6  }
0x22e: {  	s24 =	simm.s32 $0xC100  }
0x22f: {  	[tilespmem:s24], [sflag:$0x1] =	stream.indirect_vreg.gather [hbm4b:s5+s4], $0x40, v0, vm0, $0xb8;
	[tilespmem:$0x1A900] =	vst v63  }
0x230: {  	v0 =	vld [tilespmem:s22+$0x8F0];
	_ =	sdelay $0x6  }
0x231: {  	s25 =	simm.s32 $0xC500  }
0x232: {  	[tilespmem:s25], [sflag:$0x1] =	stream.indirect_vreg.gather [hbm4b:s5+s4], $0x40, v0, vm0, $0xb8;
	[tilespmem:$0x1A900] =	vst v63  }
0x233: {  	v0 =	vld [tilespmem:s22+$0x900];
	_ =	sdelay $0x6  }
0x234: {  	s24 =	simm.s32 $0xC900  }
0x235: {  	[tilespmem:s24], [sflag:$0x1] =	stream.indirect_vreg.gather [hbm4b:s5+s4], $0x40, v0, vm0, $0xb8;
	[tilespmem:$0x1A900] =	vst v63  }
0x236: {  	v0 =	vld [tilespmem:s22+$0x910];
	_ =	sdelay $0x6  }
0x237: {  	s25 =	simm.s32 $0xCD00  }
0x238: {  	[tilespmem:s25], [sflag:$0x1] =	stream.indirect_vreg.gather [hbm4b:s5+s4], $0x40, v0, vm0, $0xb8;
	[tilespmem:$0x1A900] =	vst v63  }
0x239: {  	v0 =	vld [tilespmem:s22+$0x920];
	_ =	sdelay $0x6  }
0x23a: {  	s24 =	simm.s32 $0xD100  }
0x23b: {  	[tilespmem:s24], [sflag:$0x1] =	stream.indirect_vreg.gather [hbm4b:s5+s4], $0x40, v0, vm0, $0xb8;
	[tilespmem:$0x1A900] =	vst v63  }
0x23c: {  	v0 =	vld [tilespmem:s22+$0x930];
	_ =	sdelay $0x6  }
0x23d: {  	s25 =	simm.s32 $0xD500  }
0x23e: {  	[tilespmem:s25], [sflag:$0x1] =	stream.indirect_vreg.gather [hbm4b:s5+s4], $0x40, v0, vm0, $0xb8;
	[tilespmem:$0x1A900] =	vst v63  }
0x23f: {  	v0 =	vld [tilespmem:s22+$0x940];
	_ =	sdelay $0x6  }
0x240: {  	s24 =	simm.s32 $0xD900  }
0x241: {  	[tilespmem:s24], [sflag:$0x1] =	stream.indirect_vreg.gather [hbm4b:s5+s4], $0x40, v0, vm0, $0xb8;
	[tilespmem:$0x1A900] =	vst v63  }
0x242: {  	v0 =	vld [tilespmem:s22+$0x950];
	_ =	sdelay $0x6  }
0x243: {  	s25 =	simm.s32 $0xDD00  }
0x244: {  	[tilespmem:s25], [sflag:$0x1] =	stream.indirect_vreg.gather [hbm4b:s5+s4], $0x40, v0, vm0, $0xb8;
	[tilespmem:$0x1A900] =	vst v63  }
.LBB2_6:
0x245: {  	_ =	swait.ge [sflag:s28], $0xC800  }
0x246: {  	[sflag:s28] =	ssyncset.done $0x0  }
0x247: {  	s22 =	simm.s32 $0xE100;
	[sflag:s28] =	ssyncadd.s32 $0xFFFF3800  }
0x248: {  	v0 =	vld [tilespmem:s22+$0x1F0]  }
0x249: {  	v1 =	vld [tilespmem:s22+$0x10]  }
0x24a: {  	v2 =	vld [tilespmem:s22+$0x20]  }
0x24b: {  	v3 =	vld [tilespmem:s22+$0x30]  }
0x24c: {  	v4 =	vld [tilespmem:s22+$0x40]  }
0x24d: {  	v5 =	vld [tilespmem:s22+$0x50];
	v0 =	vmul.f32 $8.000000000e+00, v0  }
0x24e: {  	v6 =	vld [tilespmem:s22+$0x60];
	v1 =	vmul.f32 $8.000000000e+00, v1  }
0x24f: {  	v7 =	vld [tilespmem:s22+$0x70];
	v2 =	vmul.f32 $8.000000000e+00, v2;
	[tilespmem:s22+$0x1F0] =	vst v0  }
0x250: {  	[tilespmem:s22+$0x10] =	vst v1;
	v0 =	vmul.f32 $8.000000000e+00, v3;
	v1 =	vld [tilespmem:s22+$0x80]  }
0x251: {  	[tilespmem:s22+$0x20] =	vst v2;
	v2 =	vmul.f32 $8.000000000e+00, v4;
	v3 =	vld [tilespmem:s22+$0x90]  }
0x252: {  	v4 =	vld [tilespmem:s22+$0xA0];
	[tilespmem:s22+$0x30] =	vst v0;
	v0 =	vmul.f32 $8.000000000e+00, v5  }
0x253: {  	[tilespmem:s22+$0x40] =	vst v2;
	v2 =	vmul.f32 $8.000000000e+00, v6;
	v5 =	vld [tilespmem:s22+$0xB0]  }
0x254: {  	v6 =	vld [tilespmem:s22+$0xC0];
	[tilespmem:s22+$0x50] =	vst v0;
	v0 =	vmul.f32 $8.000000000e+00, v7  }
0x255: {  	[tilespmem:s22+$0x60] =	vst v2;
	v2 =	vld [tilespmem:s22+$0xD0];
	v1 =	vmul.f32 $8.000000000e+00, v1  }
0x256: {  	[tilespmem:s22+$0x70] =	vst v0;
	v0 =	vmul.f32 $8.000000000e+00, v3;
	v3 =	vld [tilespmem:s22+$0xE0]  }
0x257: {  	[tilespmem:s22+$0x80] =	vst v1;
	v1 =	vmul.f32 $8.000000000e+00, v4;
	v4 =	vld [tilespmem:s22+$0xF0]  }
0x258: {  	[tilespmem:s22+$0x90] =	vst v0;
	v0 =	vmul.f32 $8.000000000e+00, v5;
	v5 =	vld [tilespmem:s22+$0x100]  }
0x259: {  	[tilespmem:s22+$0xA0] =	vst v1;
	v1 =	vmul.f32 $8.000000000e+00, v6;
	v6 =	vld [tilespmem:s22+$0x110]  }
0x25a: {  	[tilespmem:s22+$0xB0] =	vst v0;
	v0 =	vmul.f32 $8.000000000e+00, v2;
	v2 =	vld [tilespmem:s22+$0x120]  }
0x25b: {  	[tilespmem:s22+$0xC0] =	vst v1;
	v1 =	vmul.f32 $8.000000000e+00, v3;
	v3 =	vld [tilespmem:s22+$0x130]  }
0x25c: {  	[tilespmem:s22+$0xD0] =	vst v0;
	v0 =	vmul.f32 $8.000000000e+00, v4;
	v4 =	vld [tilespmem:s22+$0x140]  }
0x25d: {  	[tilespmem:s22+$0xE0] =	vst v1;
	v1 =	vmul.f32 $8.000000000e+00, v5;
	v5 =	vld [tilespmem:s22+$0x150]  }
0x25e: {  	[tilespmem:s22+$0xF0] =	vst v0;
	v0 =	vmul.f32 $8.000000000e+00, v6;
	v6 =	vld [tilespmem:s22+$0x160]  }
0x25f: {  	[tilespmem:s22+$0x100] =	vst v1;
	v1 =	vmul.f32 $8.000000000e+00, v2;
	v2 =	vld [tilespmem:s22+$0x170]  }
0x260: {  	[tilespmem:s22+$0x110] =	vst v0;
	v0 =	vmul.f32 $8.000000000e+00, v3;
	v3 =	vld [tilespmem:s22+$0x180]  }
0x261: {  	v7 =	vld [tilespmem:s22+$0x190];
	[tilespmem:s22+$0x120] =	vst v1;
	v1 =	vmul.f32 $8.000000000e+00, v4  }
0x262: {  	v8 =	vld [tilespmem:s22+$0x1A0];
	[tilespmem:s22+$0x130] =	vst v0;
	v0 =	vmul.f32 $8.000000000e+00, v5  }
0x263: {  	v4 =	vld [tilespmem:s22+$0x1B0];
	[tilespmem:s22+$0x140] =	vst v1;
	v1 =	vmul.f32 $8.000000000e+00, v6  }
0x264: {  	[tilespmem:s22+$0x150] =	vst v0;
	v2 =	vmul.f32 $8.000000000e+00, v2;
	v0 =	vld [tilespmem:s22+$0x1C0]  }
0x265: {  	[tilespmem:s22+$0x160] =	vst v1;
	v6 =	vmul.f32 $8.000000000e+00, v3;
	v1 =	vld [tilespmem:s22+$0x1D0]  }
0x266: {  	v5 =	vmul.f32 $8.000000000e+00, v7;
	[tilespmem:s22+$0x170] =	vst v2;
	v2 =	vld [tilespmem:s22+$0x1E0]  }
0x267: {  	s23 =	simm.s32 $0x0;
	s24 =	simm.s32 $0xE300;
	v3 =	vld [tilespmem:s22+$0x0];
	[tilespmem:s22+$0x180] =	vst v6;
	v6 =	vmul.f32 $8.000000000e+00, v8  }
.LBB2_7:
0x268: {  	v7 =	vld [tilespmem:s24+$0x1F0];
	s23 =	sadd.s32 $0x8, s23;
	[tilespmem:s22+$0x190] =	vst v5;
	v4 =	vmul.f32 $8.000000000e+00, v4  }
0x269: {  	v5 =	vld [tilespmem:s24+$0x10];
	p0 =	slt.u32 s23, $0x318;
	[tilespmem:s22+$0x1A0] =	vst v6;
	v0 =	vmul.f32 $8.000000000e+00, v0  }
0x26a: {  	v6 =	vld [tilespmem:s24+$0x20];
	[tilespmem:s22+$0x1B0] =	vst v4;
	v1 =	vmul.f32 $8.000000000e+00, v1  }
0x26b: {  	v4 =	vld [tilespmem:s24+$0x30];
	[tilespmem:s22+$0x1C0] =	vst v0;
	v0 =	vmul.f32 $8.000000000e+00, v2  }
0x26c: {  	v2 =	vld [tilespmem:s24+$0x40];
	v3 =	vmul.f32 $8.000000000e+00, v3;
	[tilespmem:s22+$0x1D0] =	vst v1  }
0x26d: {  	v1 =	vld [tilespmem:s24+$0x50];
	v7 =	vmul.f32 $8.000000000e+00, v7;
	[tilespmem:s22+$0x1E0] =	vst v0  }
0x26e: {  	v0 =	vmul.f32 $8.000000000e+00, v5;
	v5 =	vld [tilespmem:s24+$0x60];
	[tilespmem:s22+$0x0] =	vst v3;
	s22 =	smov.u32 s24  }
0x26f: {  	v3 =	vmul.f32 $8.000000000e+00, v6;
	v6 =	vld [tilespmem:s24+$0x70];
	[tilespmem:s24+$0x1F0] =	vst v7  }
0x270: {  	[tilespmem:s24+$0x10] =	vst v0;
	v0 =	vmul.f32 $8.000000000e+00, v4;
	v4 =	vld [tilespmem:s24+$0x80]  }
0x271: {  	[tilespmem:s24+$0x20] =	vst v3;
	v2 =	vmul.f32 $8.000000000e+00, v2;
	v3 =	vld [tilespmem:s24+$0x90]  }
0x272: {  	[tilespmem:s24+$0x30] =	vst v0;
	v0 =	vmul.f32 $8.000000000e+00, v1;
	v1 =	vld [tilespmem:s24+$0xA0]  }
0x273: {  	[tilespmem:s24+$0x40] =	vst v2;
	v2 =	vmul.f32 $8.000000000e+00, v5;
	v5 =	vld [tilespmem:s24+$0xB0]  }
0x274: {  	[tilespmem:s24+$0x50] =	vst v0;
	v0 =	vmul.f32 $8.000000000e+00, v6;
	v6 =	vld [tilespmem:s24+$0xC0]  }
0x275: {  	[tilespmem:s24+$0x60] =	vst v2;
	v2 =	vmul.f32 $8.000000000e+00, v4;
	v4 =	vld [tilespmem:s24+$0xD0]  }
0x276: {  	[tilespmem:s24+$0x70] =	vst v0;
	v0 =	vmul.f32 $8.000000000e+00, v3;
	v3 =	vld [tilespmem:s24+$0xE0]  }
0x277: {  	[tilespmem:s24+$0x80] =	vst v2;
	v1 =	vmul.f32 $8.000000000e+00, v1;
	v2 =	vld [tilespmem:s24+$0xF0]  }
0x278: {  	[tilespmem:s24+$0x90] =	vst v0;
	v0 =	vmul.f32 $8.000000000e+00, v5;
	v5 =	vld [tilespmem:s24+$0x100]  }
0x279: {  	[tilespmem:s24+$0xA0] =	vst v1;
	v1 =	vmul.f32 $8.000000000e+00, v6;
	v6 =	vld [tilespmem:s24+$0x110]  }
0x27a: {  	[tilespmem:s24+$0xB0] =	vst v0;
	v0 =	vmul.f32 $8.000000000e+00, v4;
	v4 =	vld [tilespmem:s24+$0x120]  }
0x27b: {  	[tilespmem:s24+$0xC0] =	vst v1;
	v1 =	vmul.f32 $8.000000000e+00, v3;
	v3 =	vld [tilespmem:s24+$0x130]  }
0x27c: {  	[tilespmem:s24+$0xD0] =	vst v0;
	v0 =	vmul.f32 $8.000000000e+00, v2;
	v2 =	vld [tilespmem:s24+$0x140]  }
0x27d: {  	[tilespmem:s24+$0xE0] =	vst v1;
	v1 =	vmul.f32 $8.000000000e+00, v5;
	v5 =	vld [tilespmem:s24+$0x150]  }
0x27e: {  	[tilespmem:s24+$0xF0] =	vst v0;
	v0 =	vmul.f32 $8.000000000e+00, v6;
	v6 =	vld [tilespmem:s24+$0x160]  }
0x27f: {  	[tilespmem:s24+$0x100] =	vst v1;
	v1 =	vmul.f32 $8.000000000e+00, v4;
	v7 =	vld [tilespmem:s24+$0x170]  }
0x280: {  	[tilespmem:s24+$0x110] =	vst v0;
	v0 =	vmul.f32 $8.000000000e+00, v3;
	v3 =	vld [tilespmem:s24+$0x180]  }
0x281: {  	[tilespmem:s24+$0x120] =	vst v1;
	v1 =	vmul.f32 $8.000000000e+00, v2;
	v2 =	vld [tilespmem:s24+$0x190]  }
0x282: {  	[tilespmem:s24+$0x130] =	vst v0;
	v0 =	vmul.f32 $8.000000000e+00, v5;
	v8 =	vld [tilespmem:s24+$0x1A0]  }
.Ltmp2:
0x283: {  	[tilespmem:s24+$0x140] =	vst v1;
	v1 =	vmul.f32 $8.000000000e+00, v6;
	v4 =	vld [tilespmem:s24+$0x1B0];
	(pc) =	sbr.rel @p0 .LBB2_7-.Ltmp2, $4  }
0x284: {  	[tilespmem:s24+$0x150] =	vst v0;
	v5 =	vmul.f32 $8.000000000e+00, v7;
	v0 =	vld [tilespmem:s24+$0x1C0]  }
0x285: {  	[tilespmem:s24+$0x160] =	vst v1;
	v6 =	vmul.f32 $8.000000000e+00, v3;
	v1 =	vld [tilespmem:s24+$0x1D0]  }
0x286: {  	[tilespmem:s24+$0x170] =	vst v5;
	v5 =	vmul.f32 $8.000000000e+00, v2;
	v2 =	vld [tilespmem:s24+$0x1E0]  }
0x287: {  	s24 =	sadd.s32 $0x200, s24;
	v3 =	vld [tilespmem:s22+$0x0];
	[tilespmem:s22+$0x180] =	vst v6;
	v6 =	vmul.f32 $8.000000000e+00, v8  }
0x288: {  	s21 =	sadd.s32 s3, s21  }
0x289: {  	[tilespmem:s22+$0x190] =	vst v5;
	v4 =	vmul.f32 $8.000000000e+00, v4;
	s21 =	smulhi.u32 $0x51EB851F, s21  }
0x28a: {  	[tilespmem:s22+$0x1A0] =	vst v6;
	v0 =	vmul.f32 $8.000000000e+00, v0  }
0x28b: {  	[tilespmem:s22+$0x1B0] =	vst v4;
	v1 =	vmul.f32 $8.000000000e+00, v1;
	s21 =	sshrl.u32 s21, $0x4  }
0x28c: {  	[tilespmem:s22+$0x1C0] =	vst v0;
	v62 =	vmul.f32 $8.000000000e+00, v2;
	s23 =	smul.u32 $0x190, s21  }
0x28d: {  	v63 =	vmul.f32 $8.000000000e+00, v3;
	[tilespmem:s22+$0x1D0] =	vst v1;
	s21 =	smul.u32 $0xC80, s21  }
0x28e: {  	[tilespmem:s22+$0x1E0] =	vst v62  }
0x28f: {  	[tilespmem:s22+$0x0] =	vst v63;
	s23 =	sadd.s32 s2, s23;
	s21 =	sshrl.u32 s21, $0x3  }
0x290: {  	[hbm4b:s23+s4] =	stream.linear.scatter [tilespmem:s6], [sflag:$0x4], $0xC80, $0x38;
	[tilespmem:$0x1A900] =	vst v63  }
0x291: {  	s21 =	sadd.s32 s2, s21  }
0x292: {  	s24 =	sadd.s32 $0x190, s21  }
0x293: {  	[hbm4b:s24+s4] =	stream.linear.scatter [tilespmem:s29], [sflag:$0x4], $0xC80, $0x38;
	[tilespmem:$0x1A900] =	vst v63  }
0x294: {  	s25 =	sadd.s32 $0x320, s21  }
0x295: {  	[hbm4b:s25+s4] =	stream.linear.scatter [tilespmem:s30], [sflag:$0x4], $0xC80, $0x38;
	[tilespmem:$0x1A900] =	vst v63  }
0x296: {  	s23 =	sadd.s32 $0x4B0, s21  }
0x297: {  	[hbm4b:s23+s4] =	stream.linear.scatter [tilespmem:s31], [sflag:$0x4], $0xC80, $0x38;
	[tilespmem:$0x1A900] =	vst v63  }
0x298: {  	s24 =	sadd.s32 $0x640, s21  }
0x299: {  	[hbm4b:s24+s4] =	stream.linear.scatter [tilespmem:s1], [sflag:$0x4], $0xC80, $0x38;
	[tilespmem:$0x1A900] =	vst v63  }
0x29a: {  	s25 =	sadd.s32 $0x7D0, s21  }
0x29b: {  	[hbm4b:s25+s4] =	stream.linear.scatter [tilespmem:s0], [sflag:$0x4], $0xC80, $0x38;
	[tilespmem:$0x1A900] =	vst v63  }
0x29c: {  	s23 =	sadd.s32 $0x960, s21  }
0x29d: {  	[hbm4b:s23+s4] =	stream.linear.scatter [tilespmem:s10], [sflag:$0x4], $0xC80, $0x38;
	[tilespmem:$0x1A900] =	vst v63  }
0x29e: {  	s24 =	sadd.s32 $0xAF0, s21  }
0x29f: {  	[hbm4b:s24+s4] =	stream.linear.scatter [tilespmem:s12], [sflag:$0x4], $0xC80, $0x38;
	[tilespmem:$0x1A900] =	vst v63  }
0x2a0: {  	s25 =	sadd.s32 $0xC80, s21  }
0x2a1: {  	[hbm4b:s25+s4] =	stream.linear.scatter [tilespmem:s8], [sflag:$0x4], $0xC80, $0x38;
	[tilespmem:$0x1A900] =	vst v63  }
0x2a2: {  	s23 =	sadd.s32 $0xE10, s21  }
0x2a3: {  	[hbm4b:s23+s4] =	stream.linear.scatter [tilespmem:s13], [sflag:$0x4], $0xC80, $0x38;
	[tilespmem:$0x1A900] =	vst v63  }
0x2a4: {  	s24 =	sadd.s32 $0xFA0, s21  }
0x2a5: {  	[hbm4b:s24+s4] =	stream.linear.scatter [tilespmem:s14], [sflag:$0x4], $0xC80, $0x38;
	[tilespmem:$0x1A900] =	vst v63  }
0x2a6: {  	s25 =	sadd.s32 $0x1130, s21  }
0x2a7: {  	[hbm4b:s25+s4] =	stream.linear.scatter [tilespmem:s15], [sflag:$0x4], $0xC80, $0x38;
	[tilespmem:$0x1A900] =	vst v63  }
0x2a8: {  	s20 =	sadd.s32 $0x1, s20;
	s23 =	sadd.s32 $0x12C0, s21  }
0x2a9: {  	[hbm4b:s23+s4] =	stream.linear.scatter [tilespmem:s16], [sflag:$0x4], $0xC80, $0x38;
	[tilespmem:$0x1A900] =	vst v63  }
0x2aa: {  	p0 =	sne.s32 s20, $0x4;
	s24 =	sadd.s32 $0x1450, s21  }
0x2ab: {  	[hbm4b:s24+s4] =	stream.linear.scatter [tilespmem:s17], [sflag:$0x4], $0xC80, $0x38;
	[tilespmem:$0x1A900] =	vst v63  }
.Ltmp3:
0x2ac: {  	_ = 	snop;
	(pc) =	sbr.rel @p0 .LBB2_2-.Ltmp3, $4  }
0x2ad: {  	s25 =	sadd.s32 $0x15E0, s21  }
0x2ae: {  	[hbm4b:s25+s4] =	stream.linear.scatter [tilespmem:s18], [sflag:$0x4], $0xC80, $0x38;
	[tilespmem:$0x1A900] =	vst v63  }
0x2af: {  	s21 =	sadd.s32 $0x1770, s21  }
0x2b0: {  	[hbm4b:s21+s4] =	stream.linear.scatter [tilespmem:s19], [sflag:$0x4], $0xC80, $0x38;
	[tilespmem:$0x1A900] =	vst v63  }
0x2b1: {  	s21 =	simm.s32 $0x4  }
0x2b2: {  	_ =	swait.ge [sflag:s21], $0xC800  }
0x2b3: {  	s22 =	rddreg [dreg:$0x5]  }
0x2b4: {  	s20 =	rddreg [dreg:$0x4];
	s22 =	sadd.s32 $0x1, s22  }
0x2b5: {  	p0 =	sne.s32 s22, s20  }
.Ltmp4:
0x2b6: {  	_ = 	snop;
	(pc) =	sbr.rel @p0 .LBB2_1-.Ltmp4, $3  }
0x2b7: {  	_ =	sdelay $0x1  }
0x2b8: {  	[sflag:s21] =	ssyncset.done $0x0  }
0x2b9: {  	[sflag:s21] =	ssyncadd.s32 $0xFFFF3800  }
0x2ba: {  	_ =	sfence.sel $0x180000  }
0x2bb: {  	[bflag:$0x0] =	sbarrier.arrive $0xFFFF  }
0x2bc: {  	_ =	strace $0x90000047  }
0x2bd: {  	s0 =	stileid.u32;
	[bflag:$0x2] =	sbarrier.arrive $0xFFFF  }
0x2be: {  	p0 =	sne.s32 s0, $0x0;
	s0 =	rddreg [dreg:$0x2]  }
0x2bf: {  	s0 =	sadd.s32 @!p0 $0x100000, s0  }
0x2c0: {  	[sflag:s0] =	ssyncadd.tile.s32 @!p0 $0x1;
	_ =	shalt  }
.Lfunc_end2:
_tile_overlayer_lowered:
.L_overlay_start_2:
0x2c1: {  	(tag) =	ssettag $0x2  }
0x2c2: {  	s0 =	rddreg [dreg:$0x0];
	s2 =	stileid.u32  }
0x2c3: {  	s1 =	rddreg [dreg:$0x1];
	p0 =	sne.s32 s2, $0x0  }
0x2c4: {  	s3 =	rddreg [dreg:$0x2];
	[bflag:$0x3] =	sbarrier.arrive $0xFFFF;
	s2 =	simm.s32 @!p0 $0x1C05  }
0x2c5: {  	[timem:s3], [sflag:s2] =	dma.local @!p0 [hbm:s0], s1  }
0x2c6: {  	s0 =	simm.s32 @!p0 $0x5  }
0x2c7: {  	_ =	swait.ge @!p0 [sflag:s0], s1  }
0x2c8: {  	s1 =	ssub.s32 @!p0 $0x0, s1;
	[sflag:s0] =	ssyncset.done @!p0 $0x0  }
0x2c9: {  	[sflag:s0] =	ssyncadd.s32 @!p0 s1  }
0x2ca: {  	[bflag:$0x3] =	sbarrier.arrive $0xFFFF  }
0x2cb: {  	_ =	shalt  }

// kernel: sparse-core-data-format-call.cloned.1.call-start
scs
called_computation_lowered:
.L_overlay_start_0:
0x0: {  	s2 =	sld [smem:$0x3FD9]  }
0x1: {  	s3 =	sld [smem:$0x3FFE];
	_ =	sdelay $0x1  }
0x2: {  	s1 =	srdreg.scid  }
0x3: {  	s0 =	sand.u32 $0x1, s1  }
0x4: {  	s18 =	sshll.u32 s0, $0xA;
	s2 =	sadd.s32 s3, s2  }
0x5: {  	s2 =	sadd.s32 s2, s18  }
0x6: {  	[smem:$0x3FC6] =	sst s2  }
0x7: {  	_ = 	snop  }
0x8: {  	s2 =	sld [smem:$0x3FD0];
	(tm) =	ssettm $0x1  }
0x9: {  	s19 =	sld [smem:$0x3FFB];
	_ =	sdelay $0x3  }
0xa: {  	_ =	strace s19  }
0xb: {  	s3 =	sld [smem:$0x3FFC];
	_ =	sdelay $0x3  }
0xc: {  	_ =	strace s3  }
0xd: {  	s3 =	sld [smem:$0x3FFD];
	_ =	sdelay $0x3  }
0xe: {  	_ =	strace s3  }
0xf: {  	_ =	strace $0x8FFFFFFF  }
0x10: {  	s20 =	sld [smem:$0x3FDB];
	_ =	sdelay $0x1  }
0x11: {  	s4 =	simm.s32 $_scs_section_size  }
0x12: {  	s5 =	simm.s32 $_size__tile_overlayer_lowered;
	s6 =	simm.s32 $_tile_overlayer_lowered  }
0x13: {  	s23 =	simm.s32 $0x1BFF;
	s22 =	sshll.u32 s6, $0x1;
	s3 =	sadd.s32 s4, s20  }
0x14: {  	s7 =	simm.s32 $0x0;
	s21 =	sshll.u32 s5, $0x1;
	s5 =	sadd.s32 s22, s3  }
0x15: {  	[timem:s7], [sflag:s23] =	dma.local [hbm:s5], s21  }
0x16: {  	_ =	swait.ge [sflag:s23], s21  }
0x17: {  	s4 =	ssub.s32 $0x0, s21;
	[sflag:s23] =	ssyncset.done $0x0  }
0x18: {  	[sflag:s23] =	ssyncadd.s32 s4;
	_ =	sdelay $0x1  }
0x19: {  	s24 =	simm.s32 $0x1B8B  }
0x1a: {  	_ =	swait.ge [sflag:s24], $0x1  }
0x1b: {  	[sflag:s24] =	ssyncset.done $0x0  }
0x1c: {  	s26 =	simm.s32 $0x1B8E;
	s25 =	sld [smem:$0x3FFE];
	[sflag:s24] =	ssyncadd.s32 $0xFFFFFFFF  }
0x1d: {  	s27 =	simm.s32 $execute0_lowered;
	[smem:$0x3FD2] =	sst s26  }
0x1e: {  	s5 =	sshll.u32 s27, $0x1;
	_ =	strace $0x80000049;
	[dreg:$0x1] =	wrdreg $0xFFFFFFFF  }
0x1f: {  	s28 =	simm.s32 $_size_execute0_lowered;
	s3 =	sadd.s32 s3, s5;
	[dreg:$0x0] =	wrdreg $0x0  }
0x20: {  	s5 =	sshll.u32 s28, $0x1;
	[dreg:$0x2] =	wrdreg s3  }
0x21: {  	[dreg:$0x3] =	wrdreg s5  }
0x22: {  	[dreg:$0x4] =	wrdreg $0xC0  }
0x23: {  	_ =	task [dreg:s7], $0x5FFFF  }
0x24: {  	[dreg:$0x1] =	wrdreg $0xFFFFFFFF  }
0x25: {  	[dreg:$0x0] =	wrdreg $0x60  }
0x26: {  	[dreg:$0x2] =	wrdreg s25  }
0x27: {  	[dreg:$0x3] =	wrdreg s2  }
0x28: {  	[dreg:$0x4] =	wrdreg $0x9  }
0x29: {  	_ =	task.clear_ibuf [dreg:s7], $0x5FFFF;
	_ =	strace $0x90000049  }
0x2a: {  	s29 =	simm.s32 $0x9;
	_ =	strace $0x8000004B  }
0x2b: {  	_ =	swait.ge [sflag:s29], $0x1  }
0x2c: {  	[sflag:s29] =	ssyncadd.s32 $0xFFFFFFFF  }
0x2d: {  	_ =	strace $0x9000004B  }
0x2e: {  	_ =	sfence  }
0x2f: {  	s30 =	sld [smem:$0x0];
	_ =	sdelay $0x2  }
0x30: {  	s31 =	sshll.u32 s1, $0xD;
	s1 =	sshrl.u32 s1, $0x2  }
0x31: {  	s3 =	sand.u32 $0x4000, s31;
	s1 =	sadd.s32 s1, s30  }
0x32: {  	s0 =	sor.u32 s3, s0;
	s1 =	sshll.u32 s1, $0x11  }
0x33: {  	s0 =	sor.u32 s1, s0  }
0x34: {  	s0 =	sadd.s32 $0x8F2B, s0  }
0x35: {  	[sflag:s0] =	ssyncadd.remote.s32 $0x1  }
0x36: {  	_ =	sfence.sel $0xFFFF  }
0x37: {  	[dreg:$0x0] =	wrdreg $0xFFFFFFFF;
	(pc) =	sbr.abs _section_cstart, $3  }
0x38: {  	[dreg:$0x1] =	wrdreg $0xFFFFFFFF  }
0x39: {  	_ =	task.clear_ibuf [dreg:s7], $0x2FFFF;
	_ =	strace $0x9FFFFFFF  }
0x3a: {  	(tm) =	ssettm $0x7FFFFFFF  }
0x3b: {  	_ =	shalt  }
tec
execute0_lowered:
.L_overlay_start_1:
0x0: {  	(tag) =	ssettag $0x1  }
0x1: {  	s0 =	srdreg.scid  }
0x2: {  	s1 =	sshll.u32 s0, $0x4  }
0x3: {  	s0 =	stileid.u32;
	s1 =	sand.u32 $0x10, s1  }
0x4: {  	s1 =	sor.u32 s0, s1  }
0x5: {  	s6 =	rddreg [dreg:$0x0];
	s4 =	simm.s32 $0x1;
	s2 =	sshll.u32 s1, $0x7  }
0x6: {  	s7 =	simm.s32 $0x2;
	s12 =	simm.s32 $0x0;
	s1 =	ssub.s32 $0x1000, s2  }
0x7: {  	s8 =	simm.s32 $0x8000;
	s13 =	simm.s32 $0x0;
	s3 =	sand.u32 $0xF80, s1  }
0x8: {  	s9 =	simm.s32 $0x0;
	s5 =	sshrl.u32 s1, $0xC;
	p0 =	sne.s32 s3, $0x0  }
.Ltmp0:
0x9: {  	s1 =	rddreg [dreg:$0x2];
	s4 =	simm.s32 @!p0 $0x0;
	(pc) =	sbr.rel .LBB1_1-.Ltmp0, $4  }
0xa: {  	s11 =	simm.s32 $0x0;
	s3 =	rddreg [dreg:$0x1];
	s5 =	sadd.s32 s4, s5  }
0xb: {  	_ =	strace $0x8000004A;
	s4 =	simm.s32 $0x1;
	s5 =	smul.u32 $0x32, s5  }
0xc: {  	s6 =	sadd.s32 $0xA00, s6;
	s10 =	smov.u32 s2;
	[sflag:s4] =	ssyncpa.u1 $0x0  }
0xd: {  	p0 =	por $0x0, $0x0;
	[sflag:s7] =	ssyncpa.u1 $0x0;
	s7 =	sor.u32 $0x1, s5  }
.LBB1_4:
0xe: {  	s16 =	sshll.u32 s13, $0x3;
	s17 =	sand.u32 $0x78, s13  }
0xf: {  	s30 =	sand.u32 $0x7E00, s13;
	s12 =	sshll.u32 s12, $0xF;
	s16 =	sand.u32 $0xC00, s16  }
0x10: {  	[tilespmem:s15+$0x810 ss:$0x81] =	vst.msk $0xffff, v2;
	s31 =	sand.u32 $0x7, s13;
	s16 =	sor.u32 s17, s16;
	s17 =	sadd.s32 s3, s30  }
0x11: {  	[tilespmem:s15+$0x1020 ss:$0x81] =	vst.msk $0xffff, v0;
	s13 =	sshll.u32 s31, $0x12;
	s12 =	sadd.s32 s12, s17;
	s16 =	sshrl.u32 s16, $0x3  }
0x12: {  	[tilespmem:s15+$0x0 ss:$0x81] =	vst.msk $0xffff, v1;
	s13 =	sor.u32 $0x400, s13;
	s12 =	sadd.s32 s16, s12  }
0x13: {  	[hbm4b:s12+s13] =	stream.strided.scatter [tilespmem:s14], [sflag:$0x2], $0x2000, s8, s13, $0x20;
	[tilespmem:$0x8080] =	vst v63  }
.LBB1_5:
0x14: {  	s14 =	sadd.s32 $0x1, s9  }
0x15: {  	s12 =	sadd.s32 $0x1000, s10;
	s16 =	smov.u32 s10;
	p2 =	sgt.s32 s14, $0x31  }
0x16: {  	s16 =	smov.u32 @p2 s12  }
0x17: {  	s14 =	simm.s32 @p2 $0x0;
	p2 =	sgt.s32 s16, $0xFFF  }
0x18: {  	s16 =	smov.u32 @p2 s2;
	p2 =	sne.s32 s11, s7  }
.Ltmp1:
0x19: {  	p1 =	slt.u32 s11, $0x2;
	(pc) =	sbr.rel @!p2 .LBB1_6-.Ltmp1, $4  }
0x1a: {  	s15 =	simm.s32 @!p1 $0x2  }
0x1b: {  	s13 =	smov.u32 s10;
	p0 =	por !p0, !p0;
	_ =	swait.ge @!p1 [sflag:s15], $0x2000  }
0x1c: {  	s12 =	smov.u32 s9;
	[sflag:s15] =	ssyncset.done @!p1 $0x0;
	s9 =	smov.u32 s14  }
0x1d: {  	s11 =	sadd.s32 $0x1, s11;
	[sflag:s15] =	ssyncadd.s32 @!p1 $0xFFFFE000;
	s10 =	smov.u32 s16  }
.LBB1_1:
0x1e: {  	p1 =	sge.u32 s11, s5  }
0x1f: {  	s14 =	sand.u32 @!p1 $0x1FFFFFF, s9  }
0x20: {  	s15 =	smulhi.u32 @!p1 $0x4924925, s14;
	_ =	sdelay $0x1  }
0x21: {  	s15 =	smul.u32 @!p1 $0x38, s15  }
0x22: {  	s16 =	sxor.u32 @!p1 $0xFFFFFFFF, s11;
	s17 =	smul.u32 @!p1 $0x380, s10  }
0x23: {  	s31 =	sadd.s32 $0xFFFFFFFF, s11;
	s16 =	sshll.u32 @!p1 s16, $0xD;
	s14 =	ssub.s32 @!p1 s14, s15  }
0x24: {  	s15 =	sand.u32 @!p1 $0x2000, s16;
	s16 =	sadd.s32 @!p1 s6, s17;
	s14 =	sshll.u32 @!p1 s14, $0x4  }
0x25: {  	s17 =	simm.s32 @!p1 $0x1C00;
	s14 =	sadd.s32 @!p1 s14, s16;
	s16 =	simm.s32 @!p1 $0x40  }
0x26: {  	[tilespmem:s15], [sflag:$0x1] =	stream.strided.gather @!p1 [hbm4b:s14+s16], $0x2000, s17, s16, $0x38;
	[tilespmem:$0x8080] =	vst v63  }
0x27: {  	p1 =	sge.u32 s31, s5  }
.Ltmp2:
0x28: {  	_ = 	snop;
	(pc) =	sbr.rel @p1 .LBB1_5-.Ltmp2, $1  }
0x29: {  	_ =	sdelay $0x3  }
0x2a: {  	s14 =	simm.s32 $0x1  }
0x2b: {  	_ =	swait.ge [sflag:s4], $0x2000;
	s14 =	simm.s32 @!p0 $0x0  }
0x2c: {  	[sflag:s4] =	ssyncset.done $0x0;
	s15 =	sshll.u32 s14, $0xD  }
0x2d: {  	[sflag:s4] =	ssyncadd.s32 $0xFFFFE000;
	s18 =	sor.u32 $0x20, s15  }
0x2e: {  	s14 =	smul.u32 $0x8100, s14;
	v3 =	vld [tilespmem:s18+$0x10]  }
0x2f: {  	s30 =	sand.u32 $0x1, s11;
	v2 =	vld [tilespmem:s18+$0xFFFFFFF0]  }
0x30: {  	s15 =	smul.u32 $0x8100, s30;
	s14 =	sshrl.u32 s14, $0x2;
	v0 =	vld [tilespmem:s18+$0x0]  }
0x31: {  	v1 =	vld [tilespmem:s18+$0xFFFFFFE0];
	s16 =	sor.u32 $0x4000, s14  }
0x32: {  	s31 =	sshrl.u32 s15, $0x2;
	s15 =	sadd.s32 $0x0, s16  }
0x33: {  	s17 =	simm.s32 $0x4;
	s18 =	sadd.s32 $0x40, s18;
	s14 =	sor.u32 $0x4000, s31;
	[tilespmem:s15+$0x1830 ss:$0x81] =	vst.msk $0xffff, v3  }
.LBB1_3:
0x34: {  	v3 =	vld [tilespmem:s18+$0x10];
	p1 =	sne.s32 s17, $0x1FC;
	[tilespmem:s15+$0x810 ss:$0x81] =	vst.msk $0xffff, v2;
	s19 =	smov.u32 s17;
	s17 =	sadd.s32 $0x4, s17  }
.Ltmp3:
0x35: {  	v2 =	vld [tilespmem:s18+$0xFFFFFFF0];
	[tilespmem:s15+$0x1020 ss:$0x81] =	vst.msk $0xffff, v0;
	(pc) =	sbr.rel @p1 .LBB1_3-.Ltmp3, $4  }
0x36: {  	v0 =	vld [tilespmem:s18+$0x0];
	[tilespmem:s15+$0x0 ss:$0x81] =	vst.msk $0xffff, v1  }
0x37: {  	s15 =	sshra.s32 s19, $0x2;
	v1 =	vld [tilespmem:s18+$0xFFFFFFE0]  }
0x38: {  	s15 =	sadd.s32 s15, s16  }
0x39: {  	s18 =	sadd.s32 $0x40, s18;
	[tilespmem:s15+$0x1830 ss:$0x81] =	vst.msk $0xffff, v3  }
.Ltmp4:
0x3a: {  	_ = 	snop;
	(pc) =	sbr.rel .LBB1_4-.Ltmp4, $1  }
0x3b: {  	_ =	sdelay $0x3  }
.LBB1_6:
0x3c: {  	_ =	sfence.sel $0x180000  }
0x3d: {  	s2 =	simm.s32 $0x1;
	[bflag:$0x0] =	sbarrier.arrive $0xFFFF  }
0x3e: {  	s31 =	simm.s32 $0x2;
	[sflag:s2] =	ssyncpa.u1 $0x1  }
0x3f: {  	[sflag:s31] =	ssyncpa.u1 $0x1  }
0x40: {  	p0 =	sne.s32 s0, $0x0;
	_ =	strace $0x9000004A  }
0x41: {  	s0 =	sadd.s32 @!p0 $0x100000, s1;
	[bflag:$0x2] =	sbarrier.arrive $0xFFFF  }
0x42: {  	[sflag:s0] =	ssyncadd.tile.s32 @!p0 $0x1;
	_ =	shalt  }
.Lfunc_end1:
_tile_overlayer_lowered:
.L_overlay_start_2:
0x43: {  	(tag) =	ssettag $0x2  }
0x44: {  	s0 =	rddreg [dreg:$0x0];
	s2 =	stileid.u32  }
0x45: {  	s1 =	rddreg [dreg:$0x1];
	p0 =	sne.s32 s2, $0x0  }
0x46: {  	s3 =	rddreg [dreg:$0x2];
	[bflag:$0x3] =	sbarrier.arrive $0xFFFF;
	s2 =	simm.s32 @!p0 $0x1C01  }
0x47: {  	[timem:s3], [sflag:s2] =	dma.local @!p0 [hbm:s0], s1  }
0x48: {  	s0 =	simm.s32 @!p0 $0x1  }
0x49: {  	_ =	swait.ge @!p0 [sflag:s0], s1  }
0x4a: {  	s1 =	ssub.s32 @!p0 $0x0, s1;
	[sflag:s0] =	ssyncset.done @!p0 $0x0  }
0x4b: {  	[sflag:s0] =	ssyncadd.s32 @!p0 s1  }
0x4c: {  	[bflag:$0x3] =	sbarrier.arrive $0xFFFF  }
0x4d: {  	_ =	shalt  }

</sc_bundles>
